<compile_context>
chip_gen: v7x
topology: tpu7x:2x2x1
jax: 0.10.2.dev20260603
libtpu: 0.0.44.dev20260713+nightly
codegen_flags: <defaults>
</compile_context>

<pallas_src>
import jax
import jax.numpy as jnp
import numpy as np
from jax import lax
from jax.experimental import pallas as pl
from jax.experimental.pallas import tpu as pltpu
from jax.experimental.pallas import tpu_sc as plsc

N = 10000
E = 320000
D_IN = 128
HID = 32
HEADS = 8
D_OUT = 128

N_PAD = 10240
NE = E + N
NT = 32
EPT = 82 * 128
E_PAD = NT * EPT
NA = 10016
ROWS_A = NA // 16
BR = 512

C1 = 32
C2 = 128

f32 = jnp.float32
i32 = jnp.int32

_cols128 = np.arange(128)[None, :] // HID
_rows16 = np.arange(16)[:, None]
E1A = (_cols128 == _rows16).astype(np.float32)
E1B = (_cols128 + 4 == _rows16).astype(np.float32)
E2 = (np.arange(32)[None, :] * 0 == _rows16).astype(np.float32)

_pb32 = np.concatenate([np.arange(0, 32, 2), np.arange(1, 32, 2)])
PERM128 = np.concatenate([b * 32 + _pb32 for b in range(4)])


def _embed_attn(a):
    h_, c_ = a.shape
    rows = jnp.arange(h_ * c_)
    return jnp.zeros((h_ * c_, 16), f32).at[rows, rows // c_].set(
        a.reshape(-1).astype(f32))



def _pre1_body(x_ref, w1_ref, as_w, ad_w, h12_ref, as_ref, ad_ref):
    h = jnp.dot(x_ref[...], w1_ref[...], preferred_element_type=f32)
    h12_ref[0] = h[:, :128].astype(jnp.bfloat16)
    h12_ref[1] = h[:, 128:].astype(jnp.bfloat16)
    as_ref[...] = jnp.dot(h, as_w[...], preferred_element_type=f32)
    ad_ref[...] = jnp.dot(h, ad_w[...], preferred_element_type=f32)


def _pre1(x_p, W1, As, Ad):
    full = lambda i: (0, 0)
    row = lambda i: (i, 0)
    return pl.pallas_call(
        _pre1_body,
        grid=(N_PAD // BR,),
        in_specs=[pl.BlockSpec((BR, D_IN), row),
                  pl.BlockSpec((D_IN, 2 * 128), full),
                  pl.BlockSpec((2 * 128, 16), full),
                  pl.BlockSpec((2 * 128, 16), full)],
        out_specs=[pl.BlockSpec((2, BR, 128), lambda i: (0, i, 0)),
                   pl.BlockSpec((BR, 16), row),
                   pl.BlockSpec((BR, 16), row)],
        out_shape=[jax.ShapeDtypeStruct((2, N_PAD, 128), jnp.bfloat16),
                   jax.ShapeDtypeStruct((N_PAD, 16), f32),
                   jax.ShapeDtypeStruct((N_PAD, 16), f32)],
    )(x_p, W1, As, Ad)


def _elu(u):
    return jnp.where(u > 0, u, jnp.exp(jnp.minimum(u, 0.0)) - 1.0)


def _mid_body(pa_ref, pb_ref, den_ref, w2a_ref, w2b_ref, b1a_ref, b1b_ref,
              e1a_ref, e1b_ref, as_w, ad_w, h2_ref, as_ref, ad_ref):
    den = den_ref[0] + den_ref[1]
    da = jnp.maximum(jnp.dot(den, e1a_ref[...], preferred_element_type=f32),
                     1e-30)
    db = jnp.maximum(jnp.dot(den, e1b_ref[...], preferred_element_type=f32),
                     1e-30)
    ua = (pa_ref[0] + pa_ref[1]) / da + b1a_ref[...]
    ub = (pb_ref[0] + pb_ref[1]) / db + b1b_ref[...]
    ha = _elu(ua)
    hb = _elu(ub)
    h2 = (jnp.dot(ha, w2a_ref[...], preferred_element_type=f32)
          + jnp.dot(hb, w2b_ref[...], preferred_element_type=f32))
    h2_ref[...] = h2.astype(jnp.bfloat16)
    as_ref[...] = jnp.dot(h2, as_w[...], preferred_element_type=f32)
    ad_ref[...] = jnp.dot(h2, ad_w[...], preferred_element_type=f32)


def _mid(pa, pb, den, W2a, W2b, b1a, b1b, As2, Ad2):
    full = lambda i: (0, 0)
    row3 = lambda i: (0, i, 0)
    row = lambda i: (i, 0)
    return pl.pallas_call(
        _mid_body,
        grid=(N_PAD // BR,),
        in_specs=[pl.BlockSpec((2, BR, 128), row3),
                  pl.BlockSpec((2, BR, 128), row3),
                  pl.BlockSpec((2, BR, 16), row3),
                  pl.BlockSpec((128, HID), full),
                  pl.BlockSpec((128, HID), full),
                  pl.BlockSpec((1, 128), full),
                  pl.BlockSpec((1, 128), full),
                  pl.BlockSpec((16, 128), full),
                  pl.BlockSpec((16, 128), full),
                  pl.BlockSpec((HID, 16), full),
                  pl.BlockSpec((HID, 16), full)],
        out_specs=[pl.BlockSpec((BR, HID), row),
                   pl.BlockSpec((BR, 16), row),
                   pl.BlockSpec((BR, 16), row)],
        out_shape=[jax.ShapeDtypeStruct((N_PAD, HID), jnp.bfloat16),
                   jax.ShapeDtypeStruct((N_PAD, 16), f32),
                   jax.ShapeDtypeStruct((N_PAD, 16), f32)],
    )(pa, pb, den, W2a, W2b, b1a, b1b, E1A, E1B, As2, Ad2)


def _post_body(p_ref, den_ref, e2_ref, b2_ref, wout_ref, bout_ref, y_ref):
    den = den_ref[0] + den_ref[1]
    d = jnp.maximum(jnp.dot(den, e2_ref[...], preferred_element_type=f32),
                    1e-30)
    u = (p_ref[0] + p_ref[1]) / d + b2_ref[...]
    h = _elu(u)
    y_ref[...] = (jnp.dot(h, wout_ref[...], preferred_element_type=f32)
                  + bout_ref[...])


def _post(p2, den2, b2r, Wout, boutr):
    full = lambda i: (0, 0)
    row3 = lambda i: (0, i, 0)
    row = lambda i: (i, 0)
    return pl.pallas_call(
        _post_body,
        grid=(N_PAD // BR,),
        in_specs=[pl.BlockSpec((2, BR, HID), row3),
                  pl.BlockSpec((2, BR, 16), row3),
                  pl.BlockSpec((16, HID), full),
                  pl.BlockSpec((1, HID), full),
                  pl.BlockSpec((HID, D_OUT), full),
                  pl.BlockSpec((1, D_OUT), full)],
        out_specs=[pl.BlockSpec((BR, D_OUT), row)],
        out_shape=[jax.ShapeDtypeStruct((N_PAD, D_OUT), f32)],
    )(p2, den2, E2, b2r, Wout, boutr)



def _make_edge(d_feat, head_base, compute_den, with_msg, ck, phases=1,
               h_bf16=False):
    nvec = d_feat // 16
    ncht = EPT // ck
    nchp = ncht // phases
    mesh = plsc.VectorSubcoreMesh(core_axis_name="c", subcore_axis_name="s")

    out_type = []
    if with_msg:
        out_type.append(jax.ShapeDtypeStruct((2, N_PAD, d_feat), f32))
    if compute_den:
        out_type.append(jax.ShapeDtypeStruct((2, N_PAD, 16), f32))

    bufw = 2 + (1 if compute_den else 0) + (2 if with_msg else 0) + 2
    scratch = [
        pltpu.VMEM((nchp, ck), i32),
        pltpu.VMEM((nchp, ck), i32),
    ]
    for _b in range(2):
        scratch += [pltpu.VMEM((ck, 16), f32),
                    pltpu.VMEM((ck, 16), f32)]
        if compute_den:
            scratch.append(pltpu.VMEM((ck, 16), f32))
        if with_msg:
            hdt = jnp.bfloat16 if h_bf16 else f32
            scratch += [pltpu.VMEM((ck, d_feat), hdt),
                        pltpu.VMEM((ck, d_feat), f32)]
        scratch += [pltpu.SemaphoreType.DMA, pltpu.SemaphoreType.DMA]
    if with_msg:
        scratch.append(pltpu.VMEM_SHARED((NA, d_feat), f32))
    if compute_den:
        scratch.append(pltpu.VMEM_SHARED((NA, 16), f32))

    def body(*args):
        a = list(args)
        h_hbm = a.pop(0) if with_msg else None
        sa_hbm, da_hbm, src_hbm, dst_hbm = a[:4]
        a = a[4:]
        out_hbm = a.pop(0) if with_msg else None
        den_hbm = a.pop(0) if compute_den else None
        idxs, idxd = a[0], a[1]
        bufs = [a[2 + bufw * b:2 + bufw * (b + 1)] for b in range(2)]
        a = a[2 + 2 * bufw:]
        acc = a.pop(0) if with_msg else None
        denacc = a.pop(0) if compute_den else None

        cid = lax.axis_index("c")
        sid = lax.axis_index("s")
        wid = sid * 2 + cid

        def parts(buf):
            sa_v, da_v = buf[0], buf[1]
            k = 2
            w_v = buf[k] if compute_den else None
            k += 1 if compute_den else 0
            h_v = buf[k] if with_msg else None
            msg_v = buf[k + 1] if with_msg else None
            return sa_v, da_v, w_v, h_v, msg_v, buf[-2], buf[-1]

        _, _, w0, _, msg0, _, _ = parts(bufs[0])

        @pl.loop(0, ck)
        def _(r):
            if with_msg:
                for j in range(nvec):
                    msg0[r, pl.ds(j * 16, 16)] = jnp.zeros((16,), f32)
            if compute_den:
                w0[r, :] = jnp.zeros((16,), f32)

        rb = sid * ROWS_A
        nfull, nrem = ROWS_A // ck, ROWS_A % ck
        for k in range(nfull):
            if with_msg:
                pltpu.sync_copy(msg0, acc.at[pl.ds(rb + k * ck, ck)])
            if compute_den:
                pltpu.sync_copy(w0, denacc.at[pl.ds(rb + k * ck, ck)])
        if nrem:
            if with_msg:
                pltpu.sync_copy(msg0.at[pl.ds(0, nrem)],
                                acc.at[pl.ds(rb + nfull * ck, nrem)])
            if compute_den:
                pltpu.sync_copy(w0.at[pl.ds(0, nrem)],
                                denacc.at[pl.ds(rb + nfull * ck, nrem)])
        plsc.subcore_barrier()

        def start_gathers(c, buf):
            sa_v, da_v, _, h_v, _, gsem, _ = parts(buf)
            pltpu.async_copy(sa_hbm.at[idxs.at[c]], sa_v, gsem)
            pltpu.async_copy(da_hbm.at[idxd.at[c]], da_v, gsem)
            if with_msg:
                pltpu.async_copy(h_hbm.at[idxs.at[c]], h_v, gsem)

        def wait_gathers(c, buf):
            sa_v, da_v, _, h_v, _, gsem, _ = parts(buf)
            pltpu.make_async_copy(sa_hbm.at[idxs.at[c]], sa_v, gsem).wait()
            pltpu.make_async_copy(da_hbm.at[idxd.at[c]], da_v, gsem).wait()
            if with_msg:
                pltpu.make_async_copy(h_hbm.at[idxs.at[c]], h_v,
                                      gsem).wait()

        def compute(c, buf):
            sa_v, da_v, w_v, h_v, msg_v, _, _ = parts(buf)

            @pl.loop(0, ck)
            def _(r):
                e = sa_v[r, :] + da_v[r, :]
                e = jnp.maximum(e, 0.2 * e)
                w = jnp.exp(e)
                if compute_den:
                    w_v[r, :] = w
                if with_msg and h_bf16:
                    for j in range(nvec // 2):
                        lane = head_base + j
                        wj = w.at[jnp.full((16,), lane, i32)].get(
                            mode="promise_in_bounds")
                        pair = plsc.bitcast(h_v[r, pl.ds(j * 32, 32)], i32)
                        lo = plsc.bitcast(pair << 16, f32)
                        hi = plsc.bitcast(
                            pair & jnp.int32(-65536), f32)
                        msg_v[r, pl.ds(j * 32, 16)] = lo * wj
                        msg_v[r, pl.ds(j * 32 + 16, 16)] = hi * wj
                elif with_msg:
                    for j in range(nvec):
                        lane = head_base + j // 2
                        wj = w.at[jnp.full((16,), lane, i32)].get(
                            mode="promise_in_bounds")
                        msg_v[r, pl.ds(j * 16, 16)] = (
                            h_v[r, pl.ds(j * 16, 16)] * wj)

        def start_scatters(c, buf):
            _, _, w_v, _, msg_v, _, ssem = parts(buf)
            if with_msg:
                pltpu.async_copy(msg_v, acc.at[idxd.at[c]], ssem, add=True)
            if compute_den:
                pltpu.async_copy(w_v, denacc.at[idxd.at[c]], ssem,
                                 add=True)

        def wait_scatters(c, buf):
            _, _, w_v, _, msg_v, _, ssem = parts(buf)
            if with_msg:
                pltpu.make_async_copy(msg_v, acc.at[idxd.at[c]],
                                      ssem).wait()
            if compute_den:
                pltpu.make_async_copy(w_v, denacc.at[idxd.at[c]],
                                      ssem).wait()

        for p in range(phases):
            pltpu.sync_copy(src_hbm.at[wid, pl.ds(p * nchp, nchp)], idxs)
            pltpu.sync_copy(dst_hbm.at[wid, pl.ds(p * nchp, nchp)], idxd)
            start_gathers(0, bufs[0])

            @pl.loop(0, nchp, step=2)
            def _(c):
                start_gathers(c + 1, bufs[1])

                @pl.when(c >= 2)
                def _():
                    wait_scatters(c - 2, bufs[0])
                wait_gathers(c, bufs[0])
                compute(c, bufs[0])
                start_scatters(c, bufs[0])

                @pl.when(c + 2 < nchp)
                def _():
                    start_gathers(c + 2, bufs[0])

                @pl.when(c >= 2)
                def _():
                    wait_scatters(c - 1, bufs[1])
                wait_gathers(c + 1, bufs[1])
                compute(c + 1, bufs[1])
                start_scatters(c + 1, bufs[1])

            wait_scatters(nchp - 2, bufs[0])
            wait_scatters(nchp - 1, bufs[1])

        plsc.subcore_barrier()
        if with_msg:
            pltpu.sync_copy(acc.at[pl.ds(rb, ROWS_A)],
                            out_hbm.at[cid, pl.ds(rb, ROWS_A)])
        if compute_den:
            pltpu.sync_copy(denacc.at[pl.ds(rb, ROWS_A)],
                            den_hbm.at[cid, pl.ds(rb, ROWS_A)])

    import dataclasses
    cp = pltpu.CompilerParams(use_tc_tiling_on_sc=False)
    if h_bf16 and "needs_layout_passes" in pltpu.CompilerParams.__dataclass_fields__:
        cp = dataclasses.replace(cp, needs_layout_passes=False)
    return pl.kernel(body, out_type=tuple(out_type), mesh=mesh,
                     scratch_types=tuple(scratch),
                     compiler_params=cp)


_edge1a = _make_edge(128, 0, True, True, C1,
                     h_bf16=True)
_edge1b = _make_edge(128, 4, False, True, C1,
                     h_bf16=True)
_edge2 = _make_edge(HID, 0, True, True, C2,
                    h_bf16=True)



def kernel(x, edge_index, W1, a_src1, a_dst1, b1, W2, a_src2, a_dst2, b2,
           Wout, bout):
    loop = jnp.arange(N, dtype=i32)
    src = jnp.concatenate([edge_index[0].astype(i32), loop])
    dst = jnp.concatenate([edge_index[1].astype(i32), loop])
    npad = E_PAD - NE
    src_f = jnp.concatenate([src, jnp.zeros((npad,), i32)])
    dst_f = jnp.concatenate([dst, jnp.full((npad,), N, i32)])

    def idx_pair(ck):
        return (src_f.reshape(NT, EPT // ck, ck),
                dst_f.reshape(NT, EPT // ck, ck))

    src_1, dst_1 = idx_pair(C1)
    src_2, dst_2 = idx_pair(C2)

    x_p = jnp.pad(x.astype(f32), ((0, N_PAD - N), (0, 0)))
    As1 = _embed_attn(a_src1)
    Ad1 = _embed_attn(a_dst1)
    As2 = _embed_attn(a_src2)
    Ad2 = _embed_attn(a_dst2)

    h12, asrc1, adst1 = _pre1(x_p, W1.astype(f32), As1, Ad1)

    pa, den1 = _edge1a(h12[0], asrc1, adst1, src_1, dst_1)
    (pb,) = _edge1b(h12[1], asrc1, adst1, src_1, dst_1)

    h2, asrc2, adst2 = _mid(pa, pb, den1,
                            W2[:128][PERM128].astype(f32),
                            W2[128:][PERM128].astype(f32),
                            b1[:128][PERM128].reshape(1, 128).astype(f32),
                            b1[128:][PERM128].reshape(1, 128).astype(f32),
                            As2, Ad2)

    p2, den2 = _edge2(h2, asrc2, adst2, src_2, dst_2)

    (y,) = _post(p2, den2, b2[_pb32].reshape(1, HID).astype(f32),
                 Wout[_pb32].astype(f32),
                 bout.reshape(1, D_OUT).astype(f32))
    return y[:N]

# --- scband reference (transcript-rebuilt; emitter-appended) ---
"""Pipeline reference for scband-attention-gnn-64647847739971 (READ-ONLY COPY).

The authoritative reference and input builder live on the scoring server;
editing this copy changes nothing except your own understanding.
"""

import jax, jax.numpy as jnp
import numpy as np

N = 10000
E = 320000
D_IN = 128
HID = 32
HEADS = 8
D_OUT = 128


def setup_inputs(seed: int = 0) -> dict:
    key = jax.random.key(seed)
    ks = jax.random.split(key, 12)
    x = jax.random.normal(ks[0], (N, D_IN), dtype=jnp.float32)
    edge_index = jax.random.randint(ks[1], (2, E), 0, N, dtype=jnp.int32)
    W1 = jax.random.normal(ks[2], (D_IN, HEADS * HID), dtype=jnp.float32) / np.sqrt(D_IN)
    a_src1 = jax.random.normal(ks[3], (HEADS, HID), dtype=jnp.float32) * 0.1
    a_dst1 = jax.random.normal(ks[4], (HEADS, HID), dtype=jnp.float32) * 0.1
    b1 = jnp.zeros((HEADS * HID,), dtype=jnp.float32)
    W2 = jax.random.normal(ks[5], (HEADS * HID, HID), dtype=jnp.float32) / np.sqrt(HEADS * HID)
    a_src2 = jax.random.normal(ks[6], (1, HID), dtype=jnp.float32) * 0.1
    a_dst2 = jax.random.normal(ks[7], (1, HID), dtype=jnp.float32) * 0.1
    b2 = jnp.zeros((HID,), dtype=jnp.float32)
    Wout = jax.random.normal(ks[8], (HID, D_OUT), dtype=jnp.float32) / np.sqrt(HID)
    bout = jnp.zeros((D_OUT,), dtype=jnp.float32)
    return {"x": x, "edge_index": edge_index, "W1": W1, "a_src1": a_src1, "a_dst1": a_dst1, "b1": b1,
            "W2": W2, "a_src2": a_src2, "a_dst2": a_dst2, "b2": b2, "Wout": Wout, "bout": bout}


def _gat(x, edge_index, W, a_src, a_dst, b, heads, out_ch):
    # PyG GATConv semantics: linear -> per-head additive attention,
    # leaky_relu(0.2), softmax over incoming edges per dst node,
    # add_self_loops=True (default), concat heads, plus bias.
    n = x.shape[0]
    loop = jnp.arange(n, dtype=edge_index.dtype)
    src = jnp.concatenate([edge_index[0], loop])
    dst = jnp.concatenate([edge_index[1], loop])
    h = (x @ W).reshape(n, heads, out_ch)
    alpha_src = jnp.sum(h * a_src[None, :, :], axis=-1)  # [n, heads]
    alpha_dst = jnp.sum(h * a_dst[None, :, :], axis=-1)  # [n, heads]
    e = alpha_src[src] + alpha_dst[dst]                  # [e, heads]
    e = jax.nn.leaky_relu(e, negative_slope=0.2)
    emax = jax.ops.segment_max(e, dst, num_segments=n)
    emax = jax.lax.stop_gradient(emax)
    w = jnp.exp(e - emax[dst])
    denom = jax.ops.segment_sum(w, dst, num_segments=n)
    alpha = w / denom[dst]
    msg = h[src] * alpha[:, :, None]
    out = jax.ops.segment_sum(msg, dst, num_segments=n)  # [n, heads, out_ch]
    return out.reshape(n, heads * out_ch) + b


def reference(x, edge_index, W1, a_src1, a_dst1, b1, W2, a_src2, a_dst2, b2, Wout, bout):
    h = _gat(x, edge_index, W1, a_src1, a_dst1, b1, HEADS, HID)
    h = jax.nn.elu(h)
    h = _gat(h, edge_index, W2, a_src2, a_dst2, b2, 1, HID)
    h = jax.nn.elu(h)
    return h @ Wout + bout

if __name__ == "__main__":
    import jax
    _d = setup_inputs()
    print(jax.jit(kernel)(*tuple(_d.values())))

</pallas_src>

<mosaic_0001>
#map = affine_map<(d0, d1) -> (0, 0)>
#map1 = affine_map<(d0, d1) -> (0, 0, 0)>
module attributes {stable_mosaic.version = 14 : i64} {
  func.func @body(%arg0: i32, %arg1: i32, %arg2: memref<10240x128xbf16, #tpu.memory_space<hbm>>, %arg3: memref<10240x16xf32, #tpu.memory_space<hbm>>, %arg4: memref<10240x16xf32, #tpu.memory_space<hbm>>, %arg5: memref<32x328x32xi32, #tpu.memory_space<hbm>>, %arg6: memref<32x328x32xi32, #tpu.memory_space<hbm>>, %arg7: memref<2x10240x128xf32, #tpu.memory_space<hbm>>, %arg8: memref<2x10240x16xf32, #tpu.memory_space<hbm>>, %arg9: memref<328x32xi32, #tpu.memory_space<vmem>>, %arg10: memref<328x32xi32, #tpu.memory_space<vmem>>, %arg11: memref<32x16xf32, #tpu.memory_space<vmem>>, %arg12: memref<32x16xf32, #tpu.memory_space<vmem>>, %arg13: memref<32x16xf32, #tpu.memory_space<vmem>>, %arg14: memref<32x128xbf16, #tpu.memory_space<vmem>>, %arg15: memref<32x128xf32, #tpu.memory_space<vmem>>, %arg16: memref<!tpu.dma_semaphore, #tpu.memory_space<semaphore_mem>>, %arg17: memref<!tpu.dma_semaphore, #tpu.memory_space<semaphore_mem>>, %arg18: memref<32x16xf32, #tpu.memory_space<vmem>>, %arg19: memref<32x16xf32, #tpu.memory_space<vmem>>, %arg20: memref<32x16xf32, #tpu.memory_space<vmem>>, %arg21: memref<32x128xbf16, #tpu.memory_space<vmem>>, %arg22: memref<32x128xf32, #tpu.memory_space<vmem>>, %arg23: memref<!tpu.dma_semaphore, #tpu.memory_space<semaphore_mem>>, %arg24: memref<!tpu.dma_semaphore, #tpu.memory_space<semaphore_mem>>, %arg25: memref<10016x128xf32, #tpu.memory_space<vmem_shared>>, %arg26: memref<10016x16xf32, #tpu.memory_space<vmem_shared>>) attributes {dimension_semantics = [#tpu.dimension_semantics<core_parallel>, #tpu.dimension_semantics<subcore_parallel>], iteration_bounds = array<i64: 2, 16>, scalar_prefetch = 0 : i64, scratch_operands = 18 : i64, tpu.core_type = #tpu.core_type<sc_vector_subcore>, window_params = [{transform_indices = #map}, {transform_indices = #map}, {transform_indices = #map}, {transform_indices = #map1}, {transform_indices = #map1}, {transform_indices = #map1}, {transform_indices = #map1}]} {
    %mul3A = arith.constant 2 : i32
    %mul3A_0 = arith.muli %arg1, %mul3A : i32
    %add3A = arith.addi %mul3A_0, %arg0 : i32
    %scan3A = arith.constant 0 : i32
    %scan3A_1 = arith.constant 32 : i32
    %scan3A_2 = arith.addi %scan3A, %scan3A_1 : i32
    %scan3A_3 = arith.constant 1 : i32
    scf.for %scan3A_140 = %scan3A to %scan3A_2 step %scan3A_3  : i32 {
      %mul3A_141 = arith.constant 1 : i32
      %mul3A_142 = arith.muli %scan3A_140, %mul3A_141 : i32
      %add3A_143 = arith.constant 0 : i32
      %add3A_144 = arith.addi %add3A_143, %mul3A_142 : i32
      %broadcast_in_dim3A = arith.constant 0.000000e+00 : f32
      %broadcast_in_dim3A_145 = vector.broadcast %broadcast_in_dim3A : f32 to vector<16xf32>
      %swap3A = arith.index_cast %add3A_144 : i32 to index
      %swap3A_146 = arith.constant 0 : index
      %swap3A_147 = tpu.vector_load %arg15[%swap3A, %swap3A_146] {strides = array<i32>} : memref<32x128xf32, #tpu.memory_space<vmem>>, vector<16xf32>,
      tpu.vector_store %arg15[%swap3A, %swap3A_146], %broadcast_in_dim3A_145 {strides = array<i32>} : memref<32x128xf32, #tpu.memory_space<vmem>>, vector<16xf32>,
      %broadcast_in_dim3A_148 = arith.constant 0.000000e+00 : f32
      %broadcast_in_dim3A_149 = vector.broadcast %broadcast_in_dim3A_148 : f32 to vector<16xf32>
      %swap3A_150 = arith.index_cast %add3A_144 : i32 to index
      %swap3A_151 = arith.constant 16 : index
      %swap3A_152 = tpu.vector_load %arg15[%swap3A_150, %swap3A_151] {strides = array<i32>} : memref<32x128xf32, #tpu.memory_space<vmem>>, vector<16xf32>,
      tpu.vector_store %arg15[%swap3A_150, %swap3A_151], %broadcast_in_dim3A_149 {strides = array<i32>} : memref<32x128xf32, #tpu.memory_space<vmem>>, vector<16xf32>,
      %broadcast_in_dim3A_153 = arith.constant 0.000000e+00 : f32
      %broadcast_in_dim3A_154 = vector.broadcast %broadcast_in_dim3A_153 : f32 to vector<16xf32>
      %swap3A_155 = arith.index_cast %add3A_144 : i32 to index
      %swap3A_156 = arith.constant 32 : index
      %swap3A_157 = tpu.vector_load %arg15[%swap3A_155, %swap3A_156] {strides = array<i32>} : memref<32x128xf32, #tpu.memory_space<vmem>>, vector<16xf32>,
      tpu.vector_store %arg15[%swap3A_155, %swap3A_156], %broadcast_in_dim3A_154 {strides = array<i32>} : memref<32x128xf32, #tpu.memory_space<vmem>>, vector<16xf32>,
      %broadcast_in_dim3A_158 = arith.constant 0.000000e+00 : f32
      %broadcast_in_dim3A_159 = vector.broadcast %broadcast_in_dim3A_158 : f32 to vector<16xf32>
      %swap3A_160 = arith.index_cast %add3A_144 : i32 to index
      %swap3A_161 = arith.constant 48 : index
      %swap3A_162 = tpu.vector_load %arg15[%swap3A_160, %swap3A_161] {strides = array<i32>} : memref<32x128xf32, #tpu.memory_space<vmem>>, vector<16xf32>,
      tpu.vector_store %arg15[%swap3A_160, %swap3A_161], %broadcast_in_dim3A_159 {strides = array<i32>} : memref<32x128xf32, #tpu.memory_space<vmem>>, vector<16xf32>,
      %broadcast_in_dim3A_163 = arith.constant 0.000000e+00 : f32
      %broadcast_in_dim3A_164 = vector.broadcast %broadcast_in_dim3A_163 : f32 to vector<16xf32>
      %swap3A_165 = arith.index_cast %add3A_144 : i32 to index
      %swap3A_166 = arith.constant 64 : index
      %swap3A_167 = tpu.vector_load %arg15[%swap3A_165, %swap3A_166] {strides = array<i32>} : memref<32x128xf32, #tpu.memory_space<vmem>>, vector<16xf32>,
      tpu.vector_store %arg15[%swap3A_165, %swap3A_166], %broadcast_in_dim3A_164 {strides = array<i32>} : memref<32x128xf32, #tpu.memory_space<vmem>>, vector<16xf32>,
      %broadcast_in_dim3A_168 = arith.constant 0.000000e+00 : f32
      %broadcast_in_dim3A_169 = vector.broadcast %broadcast_in_dim3A_168 : f32 to vector<16xf32>
      %swap3A_170 = arith.index_cast %add3A_144 : i32 to index
      %swap3A_171 = arith.constant 80 : index
      %swap3A_172 = tpu.vector_load %arg15[%swap3A_170, %swap3A_171] {strides = array<i32>} : memref<32x128xf32, #tpu.memory_space<vmem>>, vector<16xf32>,
      tpu.vector_store %arg15[%swap3A_170, %swap3A_171], %broadcast_in_dim3A_169 {strides = array<i32>} : memref<32x128xf32, #tpu.memory_space<vmem>>, vector<16xf32>,
      %broadcast_in_dim3A_173 = arith.constant 0.000000e+00 : f32
      %broadcast_in_dim3A_174 = vector.broadcast %broadcast_in_dim3A_173 : f32 to vector<16xf32>
      %swap3A_175 = arith.index_cast %add3A_144 : i32 to index
      %swap3A_176 = arith.constant 96 : index
      %swap3A_177 = tpu.vector_load %arg15[%swap3A_175, %swap3A_176] {strides = array<i32>} : memref<32x128xf32, #tpu.memory_space<vmem>>, vector<16xf32>,
      tpu.vector_store %arg15[%swap3A_175, %swap3A_176], %broadcast_in_dim3A_174 {strides = array<i32>} : memref<32x128xf32, #tpu.memory_space<vmem>>, vector<16xf32>,
      %broadcast_in_dim3A_178 = arith.constant 0.000000e+00 : f32
      %broadcast_in_dim3A_179 = vector.broadcast %broadcast_in_dim3A_178 : f32 to vector<16xf32>
      %swap3A_180 = arith.index_cast %add3A_144 : i32 to index
      %swap3A_181 = arith.constant 112 : index
      %swap3A_182 = tpu.vector_load %arg15[%swap3A_180, %swap3A_181] {strides = array<i32>} : memref<32x128xf32, #tpu.memory_space<vmem>>, vector<16xf32>,
      tpu.vector_store %arg15[%swap3A_180, %swap3A_181], %broadcast_in_dim3A_179 {strides = array<i32>} : memref<32x128xf32, #tpu.memory_space<vmem>>, vector<16xf32>,
      %broadcast_in_dim3A_183 = arith.constant 0.000000e+00 : f32
      %broadcast_in_dim3A_184 = vector.broadcast %broadcast_in_dim3A_183 : f32 to vector<16xf32>
      %swap3A_185 = arith.index_cast %add3A_144 : i32 to index
      %swap3A_186 = arith.constant 0 : index
      %swap3A_187 = tpu.vector_load %arg13[%swap3A_185, %swap3A_186] {strides = array<i32>} : memref<32x16xf32, #tpu.memory_space<vmem>>, vector<16xf32>,
      tpu.vector_store %arg13[%swap3A_185, %swap3A_186], %broadcast_in_dim3A_184 {strides = array<i32>} : memref<32x16xf32, #tpu.memory_space<vmem>>, vector<16xf32>,
    }
    %scan3A_4 = arith.constant 32 : i32
    %mul3A_5 = arith.constant 626 : i32
    %mul3A_6 = arith.muli %arg1, %mul3A_5 : i32
    %add3A_7 = arith.constant 0 : i32
    %add3A_8 = arith.addi %mul3A_6, %add3A_7 : i32
    "tpu.region"() ({
      %run_scoped3A = tpu.sem_alloc : memref<!tpu.dma_semaphore, #tpu.memory_space<semaphore_mem>>
      %dma_start3A_140 = arith.constant 0 : i32
      %dma_start3A_141 = tpu.memref_slice %arg25[%add3A_8, %dma_start3A_140] : memref<10016x128xf32, #tpu.memory_space<vmem_shared>> -> memref<32x128xf32, #tpu.memory_space<vmem_shared>>
      %dma_start3A_142 = arith.constant 0 : i32
      %dma_start3A_143 = tpu.memref_slice %arg25[%add3A_8, %dma_start3A_142] : memref<10016x128xf32, #tpu.memory_space<vmem_shared>> -> memref<32x128xf32, #tpu.memory_space<vmem_shared>>
      tpu.enqueue_dma source(%arg15 : memref<32x128xf32, #tpu.memory_space<vmem>>) target(%dma_start3A_143 : memref<32x128xf32, #tpu.memory_space<vmem_shared>>) target_semaphore(%run_scoped3A : memref<!tpu.dma_semaphore, #tpu.memory_space<semaphore_mem>>)
      %dma_wait3A_144 = arith.constant 0 : i32
      %dma_wait3A_145 = tpu.memref_slice %arg25[%add3A_8, %dma_wait3A_144] : memref<10016x128xf32, #tpu.memory_space<vmem_shared>> -> memref<32x128xf32, #tpu.memory_space<vmem_shared>>
      %dma_wait3A_146 = arith.constant 0 : i32
      %dma_wait3A_147 = tpu.memref_slice %arg25[%add3A_8, %dma_wait3A_146] : memref<10016x128xf32, #tpu.memory_space<vmem_shared>> -> memref<32x128xf32, #tpu.memory_space<vmem_shared>>
      tpu.wait_dma2 semaphore(%run_scoped3A : memref<!tpu.dma_semaphore, #tpu.memory_space<semaphore_mem>>) src(%arg15 : memref<32x128xf32, #tpu.memory_space<vmem>>) dst(%dma_wait3A_147 : memref<32x128xf32, #tpu.memory_space<vmem_shared>>)
      tpu.yield
    }) : () -> ()
    %add3A_9 = arith.constant 0 : i32
    %add3A_10 = arith.addi %mul3A_6, %add3A_9 : i32
    "tpu.region"() ({
      %run_scoped3A = tpu.sem_alloc : memref<!tpu.dma_semaphore, #tpu.memory_space<semaphore_mem>>
      %dma_start3A_140 = arith.constant 0 : i32
      %dma_start3A_141 = tpu.memref_slice %arg26[%add3A_10, %dma_start3A_140] : memref<10016x16xf32, #tpu.memory_space<vmem_shared>> -> memref<32x16xf32, #tpu.memory_space<vmem_shared>>
      %dma_start3A_142 = arith.constant 0 : i32
      %dma_start3A_143 = tpu.memref_slice %arg26[%add3A_10, %dma_start3A_142] : memref<10016x16xf32, #tpu.memory_space<vmem_shared>> -> memref<32x16xf32, #tpu.memory_space<vmem_shared>>
      tpu.enqueue_dma source(%arg13 : memref<32x16xf32, #tpu.memory_space<vmem>>) target(%dma_start3A_143 : memref<32x16xf32, #tpu.memory_space<vmem_shared>>) target_semaphore(%run_scoped3A : memref<!tpu.dma_semaphore, #tpu.memory_space<semaphore_mem>>)
      %dma_wait3A_144 = arith.constant 0 : i32
      %dma_wait3A_145 = tpu.memref_slice %arg26[%add3A_10, %dma_wait3A_144] : memref<10016x16xf32, #tpu.memory_space<vmem_shared>> -> memref<32x16xf32, #tpu.memory_space<vmem_shared>>
      %dma_wait3A_146 = arith.constant 0 : i32
      %dma_wait3A_147 = tpu.memref_slice %arg26[%add3A_10, %dma_wait3A_146] : memref<10016x16xf32, #tpu.memory_space<vmem_shared>> -> memref<32x16xf32, #tpu.memory_space<vmem_shared>>
      tpu.wait_dma2 semaphore(%run_scoped3A : memref<!tpu.dma_semaphore, #tpu.memory_space<semaphore_mem>>) src(%arg13 : memref<32x16xf32, #tpu.memory_space<vmem>>) dst(%dma_wait3A_147 : memref<32x16xf32, #tpu.memory_space<vmem_shared>>)
      tpu.yield
    }) : () -> ()
    %add3A_11 = arith.constant 32 : i32
    %add3A_12 = arith.addi %mul3A_6, %add3A_11 : i32
    "tpu.region"() ({
      %run_scoped3A = tpu.sem_alloc : memref<!tpu.dma_semaphore, #tpu.memory_space<semaphore_mem>>
      %dma_start3A_140 = arith.constant 0 : i32
      %dma_start3A_141 = tpu.memref_slice %arg25[%add3A_12, %dma_start3A_140] : memref<10016x128xf32, #tpu.memory_space<vmem_shared>> -> memref<32x128xf32, #tpu.memory_space<vmem_shared>>
      %dma_start3A_142 = arith.constant 0 : i32
      %dma_start3A_143 = tpu.memref_slice %arg25[%add3A_12, %dma_start3A_142] : memref<10016x128xf32, #tpu.memory_space<vmem_shared>> -> memref<32x128xf32, #tpu.memory_space<vmem_shared>>
      tpu.enqueue_dma source(%arg15 : memref<32x128xf32, #tpu.memory_space<vmem>>) target(%dma_start3A_143 : memref<32x128xf32, #tpu.memory_space<vmem_shared>>) target_semaphore(%run_scoped3A : memref<!tpu.dma_semaphore, #tpu.memory_space<semaphore_mem>>)
      %dma_wait3A_144 = arith.constant 0 : i32
      %dma_wait3A_145 = tpu.memref_slice %arg25[%add3A_12, %dma_wait3A_144] : memref<10016x128xf32, #tpu.memory_space<vmem_shared>> -> memref<32x128xf32, #tpu.memory_space<vmem_shared>>
      %dma_wait3A_146 = arith.constant 0 : i32
      %dma_wait3A_147 = tpu.memref_slice %arg25[%add3A_12, %dma_wait3A_146] : memref<10016x128xf32, #tpu.memory_space<vmem_shared>> -> memref<32x128xf32, #tpu.memory_space<vmem_shared>>
      tpu.wait_dma2 semaphore(%run_scoped3A : memref<!tpu.dma_semaphore, #tpu.memory_space<semaphore_mem>>) src(%arg15 : memref<32x128xf32, #tpu.memory_space<vmem>>) dst(%dma_wait3A_147 : memref<32x128xf32, #tpu.memory_space<vmem_shared>>)
      tpu.yield
    }) : () -> ()
    %add3A_13 = arith.constant 32 : i32
    %add3A_14 = arith.addi %mul3A_6, %add3A_13 : i32
    "tpu.region"() ({
      %run_scoped3A = tpu.sem_alloc : memref<!tpu.dma_semaphore, #tpu.memory_space<semaphore_mem>>
      %dma_start3A_140 = arith.constant 0 : i32
      %dma_start3A_141 = tpu.memref_slice %arg26[%add3A_14, %dma_start3A_140] : memref<10016x16xf32, #tpu.memory_space<vmem_shared>> -> memref<32x16xf32, #tpu.memory_space<vmem_shared>>
      %dma_start3A_142 = arith.constant 0 : i32
      %dma_start3A_143 = tpu.memref_slice %arg26[%add3A_14, %dma_start3A_142] : memref<10016x16xf32, #tpu.memory_space<vmem_shared>> -> memref<32x16xf32, #tpu.memory_space<vmem_shared>>
      tpu.enqueue_dma source(%arg13 : memref<32x16xf32, #tpu.memory_space<vmem>>) target(%dma_start3A_143 : memref<32x16xf32, #tpu.memory_space<vmem_shared>>) target_semaphore(%run_scoped3A : memref<!tpu.dma_semaphore, #tpu.memory_space<semaphore_mem>>)
      %dma_wait3A_144 = arith.constant 0 : i32
      %dma_wait3A_145 = tpu.memref_slice %arg26[%add3A_14, %dma_wait3A_144] : memref<10016x16xf32, #tpu.memory_space<vmem_shared>> -> memref<32x16xf32, #tpu.memory_space<vmem_shared>>
      %dma_wait3A_146 = arith.constant 0 : i32
      %dma_wait3A_147 = tpu.memref_slice %arg26[%add3A_14, %dma_wait3A_146] : memref<10016x16xf32, #tpu.memory_space<vmem_shared>> -> memref<32x16xf32, #tpu.memory_space<vmem_shared>>
      tpu.wait_dma2 semaphore(%run_scoped3A : memref<!tpu.dma_semaphore, #tpu.memory_space<semaphore_mem>>) src(%arg13 : memref<32x16xf32, #tpu.memory_space<vmem>>) dst(%dma_wait3A_147 : memref<32x16xf32, #tpu.memory_space<vmem_shared>>)
      tpu.yield
    }) : () -> ()
    %add3A_15 = arith.constant 64 : i32
    %add3A_16 = arith.addi %mul3A_6, %add3A_15 : i32
    "tpu.region"() ({
      %run_scoped3A = tpu.sem_alloc : memref<!tpu.dma_semaphore, #tpu.memory_space<semaphore_mem>>
      %dma_start3A_140 = arith.constant 0 : i32
      %dma_start3A_141 = tpu.memref_slice %arg25[%add3A_16, %dma_start3A_140] : memref<10016x128xf32, #tpu.memory_space<vmem_shared>> -> memref<32x128xf32, #tpu.memory_space<vmem_shared>>
      %dma_start3A_142 = arith.constant 0 : i32
      %dma_start3A_143 = tpu.memref_slice %arg25[%add3A_16, %dma_start3A_142] : memref<10016x128xf32, #tpu.memory_space<vmem_shared>> -> memref<32x128xf32, #tpu.memory_space<vmem_shared>>
      tpu.enqueue_dma source(%arg15 : memref<32x128xf32, #tpu.memory_space<vmem>>) target(%dma_start3A_143 : memref<32x128xf32, #tpu.memory_space<vmem_shared>>) target_semaphore(%run_scoped3A : memref<!tpu.dma_semaphore, #tpu.memory_space<semaphore_mem>>)
      %dma_wait3A_144 = arith.constant 0 : i32
      %dma_wait3A_145 = tpu.memref_slice %arg25[%add3A_16, %dma_wait3A_144] : memref<10016x128xf32, #tpu.memory_space<vmem_shared>> -> memref<32x128xf32, #tpu.memory_space<vmem_shared>>
      %dma_wait3A_146 = arith.constant 0 : i32
      %dma_wait3A_147 = tpu.memref_slice %arg25[%add3A_16, %dma_wait3A_146] : memref<10016x128xf32, #tpu.memory_space<vmem_shared>> -> memref<32x128xf32, #tpu.memory_space<vmem_shared>>
      tpu.wait_dma2 semaphore(%run_scoped3A : memref<!tpu.dma_semaphore, #tpu.memory_space<semaphore_mem>>) src(%arg15 : memref<32x128xf32, #tpu.memory_space<vmem>>) dst(%dma_wait3A_147 : memref<32x128xf32, #tpu.memory_space<vmem_shared>>)
      tpu.yield
    }) : () -> ()
    %add3A_17 = arith.constant 64 : i32
    %add3A_18 = arith.addi %mul3A_6, %add3A_17 : i32
    "tpu.region"() ({
      %run_scoped3A = tpu.sem_alloc : memref<!tpu.dma_semaphore, #tpu.memory_space<semaphore_mem>>
      %dma_start3A_140 = arith.constant 0 : i32
      %dma_start3A_141 = tpu.memref_slice %arg26[%add3A_18, %dma_start3A_140] : memref<10016x16xf32, #tpu.memory_space<vmem_shared>> -> memref<32x16xf32, #tpu.memory_space<vmem_shared>>
      %dma_start3A_142 = arith.constant 0 : i32
      %dma_start3A_143 = tpu.memref_slice %arg26[%add3A_18, %dma_start3A_142] : memref<10016x16xf32, #tpu.memory_space<vmem_shared>> -> memref<32x16xf32, #tpu.memory_space<vmem_shared>>
      tpu.enqueue_dma source(%arg13 : memref<32x16xf32, #tpu.memory_space<vmem>>) target(%dma_start3A_143 : memref<32x16xf32, #tpu.memory_space<vmem_shared>>) target_semaphore(%run_scoped3A : memref<!tpu.dma_semaphore, #tpu.memory_space<semaphore_mem>>)
      %dma_wait3A_144 = arith.constant 0 : i32
      %dma_wait3A_145 = tpu.memref_slice %arg26[%add3A_18, %dma_wait3A_144] : memref<10016x16xf32, #tpu.memory_space<vmem_shared>> -> memref<32x16xf32, #tpu.memory_space<vmem_shared>>
      %dma_wait3A_146 = arith.constant 0 : i32
      %dma_wait3A_147 = tpu.memref_slice %arg26[%add3A_18, %dma_wait3A_146] : memref<10016x16xf32, #tpu.memory_space<vmem_shared>> -> memref<32x16xf32, #tpu.memory_space<vmem_shared>>
      tpu.wait_dma2 semaphore(%run_scoped3A : memref<!tpu.dma_semaphore, #tpu.memory_space<semaphore_mem>>) src(%arg13 : memref<32x16xf32, #tpu.memory_space<vmem>>) dst(%dma_wait3A_147 : memref<32x16xf32, #tpu.memory_space<vmem_shared>>)
      tpu.yield
    }) : () -> ()
    %add3A_19 = arith.constant 96 : i32
    %add3A_20 = arith.addi %mul3A_6, %add3A_19 : i32
    "tpu.region"() ({
      %run_scoped3A = tpu.sem_alloc : memref<!tpu.dma_semaphore, #tpu.memory_space<semaphore_mem>>
      %dma_start3A_140 = arith.constant 0 : i32
      %dma_start3A_141 = tpu.memref_slice %arg25[%add3A_20, %dma_start3A_140] : memref<10016x128xf32, #tpu.memory_space<vmem_shared>> -> memref<32x128xf32, #tpu.memory_space<vmem_shared>>
      %dma_start3A_142 = arith.constant 0 : i32
      %dma_start3A_143 = tpu.memref_slice %arg25[%add3A_20, %dma_start3A_142] : memref<10016x128xf32, #tpu.memory_space<vmem_shared>> -> memref<32x128xf32, #tpu.memory_space<vmem_shared>>
      tpu.enqueue_dma source(%arg15 : memref<32x128xf32, #tpu.memory_space<vmem>>) target(%dma_start3A_143 : memref<32x128xf32, #tpu.memory_space<vmem_shared>>) target_semaphore(%run_scoped3A : memref<!tpu.dma_semaphore, #tpu.memory_space<semaphore_mem>>)
      %dma_wait3A_144 = arith.constant 0 : i32
      %dma_wait3A_145 = tpu.memref_slice %arg25[%add3A_20, %dma_wait3A_144] : memref<10016x128xf32, #tpu.memory_space<vmem_shared>> -> memref<32x128xf32, #tpu.memory_space<vmem_shared>>
      %dma_wait3A_146 = arith.constant 0 : i32
      %dma_wait3A_147 = tpu.memref_slice %arg25[%add3A_20, %dma_wait3A_146] : memref<10016x128xf32, #tpu.memory_space<vmem_shared>> -> memref<32x128xf32, #tpu.memory_space<vmem_shared>>
      tpu.wait_dma2 semaphore(%run_scoped3A : memref<!tpu.dma_semaphore, #tpu.memory_space<semaphore_mem>>) src(%arg15 : memref<32x128xf32, #tpu.memory_space<vmem>>) dst(%dma_wait3A_147 : memref<32x128xf32, #tpu.memory_space<vmem_shared>>)
      tpu.yield
    }) : () -> ()
    %add3A_21 = arith.constant 96 : i32
    %add3A_22 = arith.addi %mul3A_6, %add3A_21 : i32
    "tpu.region"() ({
      %run_scoped3A = tpu.sem_alloc : memref<!tpu.dma_semaphore, #tpu.memory_space<semaphore_mem>>
      %dma_start3A_140 = arith.constant 0 : i32
      %dma_start3A_141 = tpu.memref_slice %arg26[%add3A_22, %dma_start3A_140] : memref<10016x16xf32, #tpu.memory_space<vmem_shared>> -> memref<32x16xf32, #tpu.memory_space<vmem_shared>>
      %dma_start3A_142 = arith.constant 0 : i32
      %dma_start3A_143 = tpu.memref_slice %arg26[%add3A_22, %dma_start3A_142] : memref<10016x16xf32, #tpu.memory_space<vmem_shared>> -> memref<32x16xf32, #tpu.memory_space<vmem_shared>>
      tpu.enqueue_dma source(%arg13 : memref<32x16xf32, #tpu.memory_space<vmem>>) target(%dma_start3A_143 : memref<32x16xf32, #tpu.memory_space<vmem_shared>>) target_semaphore(%run_scoped3A : memref<!tpu.dma_semaphore, #tpu.memory_space<semaphore_mem>>)
      %dma_wait3A_144 = arith.constant 0 : i32
      %dma_wait3A_145 = tpu.memref_slice %arg26[%add3A_22, %dma_wait3A_144] : memref<10016x16xf32, #tpu.memory_space<vmem_shared>> -> memref<32x16xf32, #tpu.memory_space<vmem_shared>>
      %dma_wait3A_146 = arith.constant 0 : i32
      %dma_wait3A_147 = tpu.memref_slice %arg26[%add3A_22, %dma_wait3A_146] : memref<10016x16xf32, #tpu.memory_space<vmem_shared>> -> memref<32x16xf32, #tpu.memory_space<vmem_shared>>
      tpu.wait_dma2 semaphore(%run_scoped3A : memref<!tpu.dma_semaphore, #tpu.memory_space<semaphore_mem>>) src(%arg13 : memref<32x16xf32, #tpu.memory_space<vmem>>) dst(%dma_wait3A_147 : memref<32x16xf32, #tpu.memory_space<vmem_shared>>)
      tpu.yield
    }) : () -> ()
    %add3A_23 = arith.constant 128 : i32
    %add3A_24 = arith.addi %mul3A_6, %add3A_23 : i32
    "tpu.region"() ({
      %run_scoped3A = tpu.sem_alloc : memref<!tpu.dma_semaphore, #tpu.memory_space<semaphore_mem>>
      %dma_start3A_140 = arith.constant 0 : i32
      %dma_start3A_141 = tpu.memref_slice %arg25[%add3A_24, %dma_start3A_140] : memref<10016x128xf32, #tpu.memory_space<vmem_shared>> -> memref<32x128xf32, #tpu.memory_space<vmem_shared>>
      %dma_start3A_142 = arith.constant 0 : i32
      %dma_start3A_143 = tpu.memref_slice %arg25[%add3A_24, %dma_start3A_142] : memref<10016x128xf32, #tpu.memory_space<vmem_shared>> -> memref<32x128xf32, #tpu.memory_space<vmem_shared>>
      tpu.enqueue_dma source(%arg15 : memref<32x128xf32, #tpu.memory_space<vmem>>) target(%dma_start3A_143 : memref<32x128xf32, #tpu.memory_space<vmem_shared>>) target_semaphore(%run_scoped3A : memref<!tpu.dma_semaphore, #tpu.memory_space<semaphore_mem>>)
      %dma_wait3A_144 = arith.constant 0 : i32
      %dma_wait3A_145 = tpu.memref_slice %arg25[%add3A_24, %dma_wait3A_144] : memref<10016x128xf32, #tpu.memory_space<vmem_shared>> -> memref<32x128xf32, #tpu.memory_space<vmem_shared>>
      %dma_wait3A_146 = arith.constant 0 : i32
      %dma_wait3A_147 = tpu.memref_slice %arg25[%add3A_24, %dma_wait3A_146] : memref<10016x128xf32, #tpu.memory_space<vmem_shared>> -> memref<32x128xf32, #tpu.memory_space<vmem_shared>>
      tpu.wait_dma2 semaphore(%run_scoped3A : memref<!tpu.dma_semaphore, #tpu.memory_space<semaphore_mem>>) src(%arg15 : memref<32x128xf32, #tpu.memory_space<vmem>>) dst(%dma_wait3A_147 : memref<32x128xf32, #tpu.memory_space<vmem_shared>>)
      tpu.yield
    }) : () -> ()
    %add3A_25 = arith.constant 128 : i32
    %add3A_26 = arith.addi %mul3A_6, %add3A_25 : i32
    "tpu.region"() ({
      %run_scoped3A = tpu.sem_alloc : memref<!tpu.dma_semaphore, #tpu.memory_space<semaphore_mem>>
      %dma_start3A_140 = arith.constant 0 : i32
      %dma_start3A_141 = tpu.memref_slice %arg26[%add3A_26, %dma_start3A_140] : memref<10016x16xf32, #tpu.memory_space<vmem_shared>> -> memref<32x16xf32, #tpu.memory_space<vmem_shared>>
      %dma_start3A_142 = arith.constant 0 : i32
      %dma_start3A_143 = tpu.memref_slice %arg26[%add3A_26, %dma_start3A_142] : memref<10016x16xf32, #tpu.memory_space<vmem_shared>> -> memref<32x16xf32, #tpu.memory_space<vmem_shared>>
      tpu.enqueue_dma source(%arg13 : memref<32x16xf32, #tpu.memory_space<vmem>>) target(%dma_start3A_143 : memref<32x16xf32, #tpu.memory_space<vmem_shared>>) target_semaphore(%run_scoped3A : memref<!tpu.dma_semaphore, #tpu.memory_space<semaphore_mem>>)
      %dma_wait3A_144 = arith.constant 0 : i32
      %dma_wait3A_145 = tpu.memref_slice %arg26[%add3A_26, %dma_wait3A_144] : memref<10016x16xf32, #tpu.memory_space<vmem_shared>> -> memref<32x16xf32, #tpu.memory_space<vmem_shared>>
      %dma_wait3A_146 = arith.constant 0 : i32
      %dma_wait3A_147 = tpu.memref_slice %arg26[%add3A_26, %dma_wait3A_146] : memref<10016x16xf32, #tpu.memory_space<vmem_shared>> -> memref<32x16xf32, #tpu.memory_space<vmem_shared>>
      tpu.wait_dma2 semaphore(%run_scoped3A : memref<!tpu.dma_semaphore, #tpu.memory_space<semaphore_mem>>) src(%arg13 : memref<32x16xf32, #tpu.memory_space<vmem>>) dst(%dma_wait3A_147 : memref<32x16xf32, #tpu.memory_space<vmem_shared>>)
      tpu.yield
    }) : () -> ()
    %add3A_27 = arith.constant 160 : i32
    %add3A_28 = arith.addi %mul3A_6, %add3A_27 : i32
    "tpu.region"() ({
      %run_scoped3A = tpu.sem_alloc : memref<!tpu.dma_semaphore, #tpu.memory_space<semaphore_mem>>
      %dma_start3A_140 = arith.constant 0 : i32
      %dma_start3A_141 = tpu.memref_slice %arg25[%add3A_28, %dma_start3A_140] : memref<10016x128xf32, #tpu.memory_space<vmem_shared>> -> memref<32x128xf32, #tpu.memory_space<vmem_shared>>
      %dma_start3A_142 = arith.constant 0 : i32
      %dma_start3A_143 = tpu.memref_slice %arg25[%add3A_28, %dma_start3A_142] : memref<10016x128xf32, #tpu.memory_space<vmem_shared>> -> memref<32x128xf32, #tpu.memory_space<vmem_shared>>
      tpu.enqueue_dma source(%arg15 : memref<32x128xf32, #tpu.memory_space<vmem>>) target(%dma_start3A_143 : memref<32x128xf32, #tpu.memory_space<vmem_shared>>) target_semaphore(%run_scoped3A : memref<!tpu.dma_semaphore, #tpu.memory_space<semaphore_mem>>)
      %dma_wait3A_144 = arith.constant 0 : i32
      %dma_wait3A_145 = tpu.memref_slice %arg25[%add3A_28, %dma_wait3A_144] : memref<10016x128xf32, #tpu.memory_space<vmem_shared>> -> memref<32x128xf32, #tpu.memory_space<vmem_shared>>
      %dma_wait3A_146 = arith.constant 0 : i32
      %dma_wait3A_147 = tpu.memref_slice %arg25[%add3A_28, %dma_wait3A_146] : memref<10016x128xf32, #tpu.memory_space<vmem_shared>> -> memref<32x128xf32, #tpu.memory_space<vmem_shared>>
      tpu.wait_dma2 semaphore(%run_scoped3A : memref<!tpu.dma_semaphore, #tpu.memory_space<semaphore_mem>>) src(%arg15 : memref<32x128xf32, #tpu.memory_space<vmem>>) dst(%dma_wait3A_147 : memref<32x128xf32, #tpu.memory_space<vmem_shared>>)
      tpu.yield
    }) : () -> ()
    %add3A_29 = arith.constant 160 : i32
    %add3A_30 = arith.addi %mul3A_6, %add3A_29 : i32
    "tpu.region"() ({
      %run_scoped3A = tpu.sem_alloc : memref<!tpu.dma_semaphore, #tpu.memory_space<semaphore_mem>>
      %dma_start3A_140 = arith.constant 0 : i32
      %dma_start3A_141 = tpu.memref_slice %arg26[%add3A_30, %dma_start3A_140] : memref<10016x16xf32, #tpu.memory_space<vmem_shared>> -> memref<32x16xf32, #tpu.memory_space<vmem_shared>>
      %dma_start3A_142 = arith.constant 0 : i32
      %dma_start3A_143 = tpu.memref_slice %arg26[%add3A_30, %dma_start3A_142] : memref<10016x16xf32, #tpu.memory_space<vmem_shared>> -> memref<32x16xf32, #tpu.memory_space<vmem_shared>>
      tpu.enqueue_dma source(%arg13 : memref<32x16xf32, #tpu.memory_space<vmem>>) target(%dma_start3A_143 : memref<32x16xf32, #tpu.memory_space<vmem_shared>>) target_semaphore(%run_scoped3A : memref<!tpu.dma_semaphore, #tpu.memory_space<semaphore_mem>>)
      %dma_wait3A_144 = arith.constant 0 : i32
      %dma_wait3A_145 = tpu.memref_slice %arg26[%add3A_30, %dma_wait3A_144] : memref<10016x16xf32, #tpu.memory_space<vmem_shared>> -> memref<32x16xf32, #tpu.memory_space<vmem_shared>>
      %dma_wait3A_146 = arith.constant 0 : i32
      %dma_wait3A_147 = tpu.memref_slice %arg26[%add3A_30, %dma_wait3A_146] : memref<10016x16xf32, #tpu.memory_space<vmem_shared>> -> memref<32x16xf32, #tpu.memory_space<vmem_shared>>
      tpu.wait_dma2 semaphore(%run_scoped3A : memref<!tpu.dma_semaphore, #tpu.memory_space<semaphore_mem>>) src(%arg13 : memref<32x16xf32, #tpu.memory_space<vmem>>) dst(%dma_wait3A_147 : memref<32x16xf32, #tpu.memory_space<vmem_shared>>)
      tpu.yield
    }) : () -> ()
    %add3A_31 = arith.constant 192 : i32
    %add3A_32 = arith.addi %mul3A_6, %add3A_31 : i32
    "tpu.region"() ({
      %run_scoped3A = tpu.sem_alloc : memref<!tpu.dma_semaphore, #tpu.memory_space<semaphore_mem>>
      %dma_start3A_140 = arith.constant 0 : i32
      %dma_start3A_141 = tpu.memref_slice %arg25[%add3A_32, %dma_start3A_140] : memref<10016x128xf32, #tpu.memory_space<vmem_shared>> -> memref<32x128xf32, #tpu.memory_space<vmem_shared>>
      %dma_start3A_142 = arith.constant 0 : i32
      %dma_start3A_143 = tpu.memref_slice %arg25[%add3A_32, %dma_start3A_142] : memref<10016x128xf32, #tpu.memory_space<vmem_shared>> -> memref<32x128xf32, #tpu.memory_space<vmem_shared>>
      tpu.enqueue_dma source(%arg15 : memref<32x128xf32, #tpu.memory_space<vmem>>) target(%dma_start3A_143 : memref<32x128xf32, #tpu.memory_space<vmem_shared>>) target_semaphore(%run_scoped3A : memref<!tpu.dma_semaphore, #tpu.memory_space<semaphore_mem>>)
      %dma_wait3A_144 = arith.constant 0 : i32
      %dma_wait3A_145 = tpu.memref_slice %arg25[%add3A_32, %dma_wait3A_144] : memref<10016x128xf32, #tpu.memory_space<vmem_shared>> -> memref<32x128xf32, #tpu.memory_space<vmem_shared>>
      %dma_wait3A_146 = arith.constant 0 : i32
      %dma_wait3A_147 = tpu.memref_slice %arg25[%add3A_32, %dma_wait3A_146] : memref<10016x128xf32, #tpu.memory_space<vmem_shared>> -> memref<32x128xf32, #tpu.memory_space<vmem_shared>>
      tpu.wait_dma2 semaphore(%run_scoped3A : memref<!tpu.dma_semaphore, #tpu.memory_space<semaphore_mem>>) src(%arg15 : memref<32x128xf32, #tpu.memory_space<vmem>>) dst(%dma_wait3A_147 : memref<32x128xf32, #tpu.memory_space<vmem_shared>>)
      tpu.yield
    }) : () -> ()
    %add3A_33 = arith.constant 192 : i32
    %add3A_34 = arith.addi %mul3A_6, %add3A_33 : i32
    "tpu.region"() ({
      %run_scoped3A = tpu.sem_alloc : memref<!tpu.dma_semaphore, #tpu.memory_space<semaphore_mem>>
      %dma_start3A_140 = arith.constant 0 : i32
      %dma_start3A_141 = tpu.memref_slice %arg26[%add3A_34, %dma_start3A_140] : memref<10016x16xf32, #tpu.memory_space<vmem_shared>> -> memref<32x16xf32, #tpu.memory_space<vmem_shared>>
      %dma_start3A_142 = arith.constant 0 : i32
      %dma_start3A_143 = tpu.memref_slice %arg26[%add3A_34, %dma_start3A_142] : memref<10016x16xf32, #tpu.memory_space<vmem_shared>> -> memref<32x16xf32, #tpu.memory_space<vmem_shared>>
      tpu.enqueue_dma source(%arg13 : memref<32x16xf32, #tpu.memory_space<vmem>>) target(%dma_start3A_143 : memref<32x16xf32, #tpu.memory_space<vmem_shared>>) target_semaphore(%run_scoped3A : memref<!tpu.dma_semaphore, #tpu.memory_space<semaphore_mem>>)
      %dma_wait3A_144 = arith.constant 0 : i32
      %dma_wait3A_145 = tpu.memref_slice %arg26[%add3A_34, %dma_wait3A_144] : memref<10016x16xf32, #tpu.memory_space<vmem_shared>> -> memref<32x16xf32, #tpu.memory_space<vmem_shared>>
      %dma_wait3A_146 = arith.constant 0 : i32
      %dma_wait3A_147 = tpu.memref_slice %arg26[%add3A_34, %dma_wait3A_146] : memref<10016x16xf32, #tpu.memory_space<vmem_shared>> -> memref<32x16xf32, #tpu.memory_space<vmem_shared>>
      tpu.wait_dma2 semaphore(%run_scoped3A : memref<!tpu.dma_semaphore, #tpu.memory_space<semaphore_mem>>) src(%arg13 : memref<32x16xf32, #tpu.memory_space<vmem>>) dst(%dma_wait3A_147 : memref<32x16xf32, #tpu.memory_space<vmem_shared>>)
      tpu.yield
    }) : () -> ()
    %add3A_35 = arith.constant 224 : i32
    %add3A_36 = arith.addi %mul3A_6, %add3A_35 : i32
    "tpu.region"() ({
      %run_scoped3A = tpu.sem_alloc : memref<!tpu.dma_semaphore, #tpu.memory_space<semaphore_mem>>
      %dma_start3A_140 = arith.constant 0 : i32
      %dma_start3A_141 = tpu.memref_slice %arg25[%add3A_36, %dma_start3A_140] : memref<10016x128xf32, #tpu.memory_space<vmem_shared>> -> memref<32x128xf32, #tpu.memory_space<vmem_shared>>
      %dma_start3A_142 = arith.constant 0 : i32
      %dma_start3A_143 = tpu.memref_slice %arg25[%add3A_36, %dma_start3A_142] : memref<10016x128xf32, #tpu.memory_space<vmem_shared>> -> memref<32x128xf32, #tpu.memory_space<vmem_shared>>
      tpu.enqueue_dma source(%arg15 : memref<32x128xf32, #tpu.memory_space<vmem>>) target(%dma_start3A_143 : memref<32x128xf32, #tpu.memory_space<vmem_shared>>) target_semaphore(%run_scoped3A : memref<!tpu.dma_semaphore, #tpu.memory_space<semaphore_mem>>)
      %dma_wait3A_144 = arith.constant 0 : i32
      %dma_wait3A_145 = tpu.memref_slice %arg25[%add3A_36, %dma_wait3A_144] : memref<10016x128xf32, #tpu.memory_space<vmem_shared>> -> memref<32x128xf32, #tpu.memory_space<vmem_shared>>
      %dma_wait3A_146 = arith.constant 0 : i32
      %dma_wait3A_147 = tpu.memref_slice %arg25[%add3A_36, %dma_wait3A_146] : memref<10016x128xf32, #tpu.memory_space<vmem_shared>> -> memref<32x128xf32, #tpu.memory_space<vmem_shared>>
      tpu.wait_dma2 semaphore(%run_scoped3A : memref<!tpu.dma_semaphore, #tpu.memory_space<semaphore_mem>>) src(%arg15 : memref<32x128xf32, #tpu.memory_space<vmem>>) dst(%dma_wait3A_147 : memref<32x128xf32, #tpu.memory_space<vmem_shared>>)
      tpu.yield
    }) : () -> ()
    %add3A_37 = arith.constant 224 : i32
    %add3A_38 = arith.addi %mul3A_6, %add3A_37 : i32
    "tpu.region"() ({
      %run_scoped3A = tpu.sem_alloc : memref<!tpu.dma_semaphore, #tpu.memory_space<semaphore_mem>>
      %dma_start3A_140 = arith.constant 0 : i32
      %dma_start3A_141 = tpu.memref_slice %arg26[%add3A_38, %dma_start3A_140] : memref<10016x16xf32, #tpu.memory_space<vmem_shared>> -> memref<32x16xf32, #tpu.memory_space<vmem_shared>>
      %dma_start3A_142 = arith.constant 0 : i32
      %dma_start3A_143 = tpu.memref_slice %arg26[%add3A_38, %dma_start3A_142] : memref<10016x16xf32, #tpu.memory_space<vmem_shared>> -> memref<32x16xf32, #tpu.memory_space<vmem_shared>>
      tpu.enqueue_dma source(%arg13 : memref<32x16xf32, #tpu.memory_space<vmem>>) target(%dma_start3A_143 : memref<32x16xf32, #tpu.memory_space<vmem_shared>>) target_semaphore(%run_scoped3A : memref<!tpu.dma_semaphore, #tpu.memory_space<semaphore_mem>>)
      %dma_wait3A_144 = arith.constant 0 : i32
      %dma_wait3A_145 = tpu.memref_slice %arg26[%add3A_38, %dma_wait3A_144] : memref<10016x16xf32, #tpu.memory_space<vmem_shared>> -> memref<32x16xf32, #tpu.memory_space<vmem_shared>>
      %dma_wait3A_146 = arith.constant 0 : i32
      %dma_wait3A_147 = tpu.memref_slice %arg26[%add3A_38, %dma_wait3A_146] : memref<10016x16xf32, #tpu.memory_space<vmem_shared>> -> memref<32x16xf32, #tpu.memory_space<vmem_shared>>
      tpu.wait_dma2 semaphore(%run_scoped3A : memref<!tpu.dma_semaphore, #tpu.memory_space<semaphore_mem>>) src(%arg13 : memref<32x16xf32, #tpu.memory_space<vmem>>) dst(%dma_wait3A_147 : memref<32x16xf32, #tpu.memory_space<vmem_shared>>)
      tpu.yield
    }) : () -> ()
    %add3A_39 = arith.constant 256 : i32
    %add3A_40 = arith.addi %mul3A_6, %add3A_39 : i32
    "tpu.region"() ({
      %run_scoped3A = tpu.sem_alloc : memref<!tpu.dma_semaphore, #tpu.memory_space<semaphore_mem>>
      %dma_start3A_140 = arith.constant 0 : i32
      %dma_start3A_141 = tpu.memref_slice %arg25[%add3A_40, %dma_start3A_140] : memref<10016x128xf32, #tpu.memory_space<vmem_shared>> -> memref<32x128xf32, #tpu.memory_space<vmem_shared>>
      %dma_start3A_142 = arith.constant 0 : i32
      %dma_start3A_143 = tpu.memref_slice %arg25[%add3A_40, %dma_start3A_142] : memref<10016x128xf32, #tpu.memory_space<vmem_shared>> -> memref<32x128xf32, #tpu.memory_space<vmem_shared>>
      tpu.enqueue_dma source(%arg15 : memref<32x128xf32, #tpu.memory_space<vmem>>) target(%dma_start3A_143 : memref<32x128xf32, #tpu.memory_space<vmem_shared>>) target_semaphore(%run_scoped3A : memref<!tpu.dma_semaphore, #tpu.memory_space<semaphore_mem>>)
      %dma_wait3A_144 = arith.constant 0 : i32
      %dma_wait3A_145 = tpu.memref_slice %arg25[%add3A_40, %dma_wait3A_144] : memref<10016x128xf32, #tpu.memory_space<vmem_shared>> -> memref<32x128xf32, #tpu.memory_space<vmem_shared>>
      %dma_wait3A_146 = arith.constant 0 : i32
      %dma_wait3A_147 = tpu.memref_slice %arg25[%add3A_40, %dma_wait3A_146] : memref<10016x128xf32, #tpu.memory_space<vmem_shared>> -> memref<32x128xf32, #tpu.memory_space<vmem_shared>>
      tpu.wait_dma2 semaphore(%run_scoped3A : memref<!tpu.dma_semaphore, #tpu.memory_space<semaphore_mem>>) src(%arg15 : memref<32x128xf32, #tpu.memory_space<vmem>>) dst(%dma_wait3A_147 : memref<32x128xf32, #tpu.memory_space<vmem_shared>>)
      tpu.yield
    }) : () -> ()
    %add3A_41 = arith.constant 256 : i32
    %add3A_42 = arith.addi %mul3A_6, %add3A_41 : i32
    "tpu.region"() ({
      %run_scoped3A = tpu.sem_alloc : memref<!tpu.dma_semaphore, #tpu.memory_space<semaphore_mem>>
      %dma_start3A_140 = arith.constant 0 : i32
      %dma_start3A_141 = tpu.memref_slice %arg26[%add3A_42, %dma_start3A_140] : memref<10016x16xf32, #tpu.memory_space<vmem_shared>> -> memref<32x16xf32, #tpu.memory_space<vmem_shared>>
      %dma_start3A_142 = arith.constant 0 : i32
      %dma_start3A_143 = tpu.memref_slice %arg26[%add3A_42, %dma_start3A_142] : memref<10016x16xf32, #tpu.memory_space<vmem_shared>> -> memref<32x16xf32, #tpu.memory_space<vmem_shared>>
      tpu.enqueue_dma source(%arg13 : memref<32x16xf32, #tpu.memory_space<vmem>>) target(%dma_start3A_143 : memref<32x16xf32, #tpu.memory_space<vmem_shared>>) target_semaphore(%run_scoped3A : memref<!tpu.dma_semaphore, #tpu.memory_space<semaphore_mem>>)
      %dma_wait3A_144 = arith.constant 0 : i32
      %dma_wait3A_145 = tpu.memref_slice %arg26[%add3A_42, %dma_wait3A_144] : memref<10016x16xf32, #tpu.memory_space<vmem_shared>> -> memref<32x16xf32, #tpu.memory_space<vmem_shared>>
      %dma_wait3A_146 = arith.constant 0 : i32
      %dma_wait3A_147 = tpu.memref_slice %arg26[%add3A_42, %dma_wait3A_146] : memref<10016x16xf32, #tpu.memory_space<vmem_shared>> -> memref<32x16xf32, #tpu.memory_space<vmem_shared>>
      tpu.wait_dma2 semaphore(%run_scoped3A : memref<!tpu.dma_semaphore, #tpu.memory_space<semaphore_mem>>) src(%arg13 : memref<32x16xf32, #tpu.memory_space<vmem>>) dst(%dma_wait3A_147 : memref<32x16xf32, #tpu.memory_space<vmem_shared>>)
      tpu.yield
    }) : () -> ()
    %add3A_43 = arith.constant 288 : i32
    %add3A_44 = arith.addi %mul3A_6, %add3A_43 : i32
    "tpu.region"() ({
      %run_scoped3A = tpu.sem_alloc : memref<!tpu.dma_semaphore, #tpu.memory_space<semaphore_mem>>
      %dma_start3A_140 = arith.constant 0 : i32
      %dma_start3A_141 = tpu.memref_slice %arg25[%add3A_44, %dma_start3A_140] : memref<10016x128xf32, #tpu.memory_space<vmem_shared>> -> memref<32x128xf32, #tpu.memory_space<vmem_shared>>
      %dma_start3A_142 = arith.constant 0 : i32
      %dma_start3A_143 = tpu.memref_slice %arg25[%add3A_44, %dma_start3A_142] : memref<10016x128xf32, #tpu.memory_space<vmem_shared>> -> memref<32x128xf32, #tpu.memory_space<vmem_shared>>
      tpu.enqueue_dma source(%arg15 : memref<32x128xf32, #tpu.memory_space<vmem>>) target(%dma_start3A_143 : memref<32x128xf32, #tpu.memory_space<vmem_shared>>) target_semaphore(%run_scoped3A : memref<!tpu.dma_semaphore, #tpu.memory_space<semaphore_mem>>)
      %dma_wait3A_144 = arith.constant 0 : i32
      %dma_wait3A_145 = tpu.memref_slice %arg25[%add3A_44, %dma_wait3A_144] : memref<10016x128xf32, #tpu.memory_space<vmem_shared>> -> memref<32x128xf32, #tpu.memory_space<vmem_shared>>
      %dma_wait3A_146 = arith.constant 0 : i32
      %dma_wait3A_147 = tpu.memref_slice %arg25[%add3A_44, %dma_wait3A_146] : memref<10016x128xf32, #tpu.memory_space<vmem_shared>> -> memref<32x128xf32, #tpu.memory_space<vmem_shared>>
      tpu.wait_dma2 semaphore(%run_scoped3A : memref<!tpu.dma_semaphore, #tpu.memory_space<semaphore_mem>>) src(%arg15 : memref<32x128xf32, #tpu.memory_space<vmem>>) dst(%dma_wait3A_147 : memref<32x128xf32, #tpu.memory_space<vmem_shared>>)
      tpu.yield
    }) : () -> ()
    %add3A_45 = arith.constant 288 : i32
    %add3A_46 = arith.addi %mul3A_6, %add3A_45 : i32
    "tpu.region"() ({
      %run_scoped3A = tpu.sem_alloc : memref<!tpu.dma_semaphore, #tpu.memory_space<semaphore_mem>>
      %dma_start3A_140 = arith.constant 0 : i32
      %dma_start3A_141 = tpu.memref_slice %arg26[%add3A_46, %dma_start3A_140] : memref<10016x16xf32, #tpu.memory_space<vmem_shared>> -> memref<32x16xf32, #tpu.memory_space<vmem_shared>>
      %dma_start3A_142 = arith.constant 0 : i32
      %dma_start3A_143 = tpu.memref_slice %arg26[%add3A_46, %dma_start3A_142] : memref<10016x16xf32, #tpu.memory_space<vmem_shared>> -> memref<32x16xf32, #tpu.memory_space<vmem_shared>>
      tpu.enqueue_dma source(%arg13 : memref<32x16xf32, #tpu.memory_space<vmem>>) target(%dma_start3A_143 : memref<32x16xf32, #tpu.memory_space<vmem_shared>>) target_semaphore(%run_scoped3A : memref<!tpu.dma_semaphore, #tpu.memory_space<semaphore_mem>>)
      %dma_wait3A_144 = arith.constant 0 : i32
      %dma_wait3A_145 = tpu.memref_slice %arg26[%add3A_46, %dma_wait3A_144] : memref<10016x16xf32, #tpu.memory_space<vmem_shared>> -> memref<32x16xf32, #tpu.memory_space<vmem_shared>>
      %dma_wait3A_146 = arith.constant 0 : i32
      %dma_wait3A_147 = tpu.memref_slice %arg26[%add3A_46, %dma_wait3A_146] : memref<10016x16xf32, #tpu.memory_space<vmem_shared>> -> memref<32x16xf32, #tpu.memory_space<vmem_shared>>
      tpu.wait_dma2 semaphore(%run_scoped3A : memref<!tpu.dma_semaphore, #tpu.memory_space<semaphore_mem>>) src(%arg13 : memref<32x16xf32, #tpu.memory_space<vmem>>) dst(%dma_wait3A_147 : memref<32x16xf32, #tpu.memory_space<vmem_shared>>)
      tpu.yield
    }) : () -> ()
    %add3A_47 = arith.constant 320 : i32
    %add3A_48 = arith.addi %mul3A_6, %add3A_47 : i32
    "tpu.region"() ({
      %run_scoped3A = tpu.sem_alloc : memref<!tpu.dma_semaphore, #tpu.memory_space<semaphore_mem>>
      %dma_start3A_140 = arith.constant 0 : i32
      %dma_start3A_141 = tpu.memref_slice %arg25[%add3A_48, %dma_start3A_140] : memref<10016x128xf32, #tpu.memory_space<vmem_shared>> -> memref<32x128xf32, #tpu.memory_space<vmem_shared>>
      %dma_start3A_142 = arith.constant 0 : i32
      %dma_start3A_143 = tpu.memref_slice %arg25[%add3A_48, %dma_start3A_142] : memref<10016x128xf32, #tpu.memory_space<vmem_shared>> -> memref<32x128xf32, #tpu.memory_space<vmem_shared>>
      tpu.enqueue_dma source(%arg15 : memref<32x128xf32, #tpu.memory_space<vmem>>) target(%dma_start3A_143 : memref<32x128xf32, #tpu.memory_space<vmem_shared>>) target_semaphore(%run_scoped3A : memref<!tpu.dma_semaphore, #tpu.memory_space<semaphore_mem>>)
      %dma_wait3A_144 = arith.constant 0 : i32
      %dma_wait3A_145 = tpu.memref_slice %arg25[%add3A_48, %dma_wait3A_144] : memref<10016x128xf32, #tpu.memory_space<vmem_shared>> -> memref<32x128xf32, #tpu.memory_space<vmem_shared>>
      %dma_wait3A_146 = arith.constant 0 : i32
      %dma_wait3A_147 = tpu.memref_slice %arg25[%add3A_48, %dma_wait3A_146] : memref<10016x128xf32, #tpu.memory_space<vmem_shared>> -> memref<32x128xf32, #tpu.memory_space<vmem_shared>>
      tpu.wait_dma2 semaphore(%run_scoped3A : memref<!tpu.dma_semaphore, #tpu.memory_space<semaphore_mem>>) src(%arg15 : memref<32x128xf32, #tpu.memory_space<vmem>>) dst(%dma_wait3A_147 : memref<32x128xf32, #tpu.memory_space<vmem_shared>>)
      tpu.yield
    }) : () -> ()
    %add3A_49 = arith.constant 320 : i32
    %add3A_50 = arith.addi %mul3A_6, %add3A_49 : i32
    "tpu.region"() ({
      %run_scoped3A = tpu.sem_alloc : memref<!tpu.dma_semaphore, #tpu.memory_space<semaphore_mem>>
      %dma_start3A_140 = arith.constant 0 : i32
      %dma_start3A_141 = tpu.memref_slice %arg26[%add3A_50, %dma_start3A_140] : memref<10016x16xf32, #tpu.memory_space<vmem_shared>> -> memref<32x16xf32, #tpu.memory_space<vmem_shared>>
      %dma_start3A_142 = arith.constant 0 : i32
      %dma_start3A_143 = tpu.memref_slice %arg26[%add3A_50, %dma_start3A_142] : memref<10016x16xf32, #tpu.memory_space<vmem_shared>> -> memref<32x16xf32, #tpu.memory_space<vmem_shared>>
      tpu.enqueue_dma source(%arg13 : memref<32x16xf32, #tpu.memory_space<vmem>>) target(%dma_start3A_143 : memref<32x16xf32, #tpu.memory_space<vmem_shared>>) target_semaphore(%run_scoped3A : memref<!tpu.dma_semaphore, #tpu.memory_space<semaphore_mem>>)
      %dma_wait3A_144 = arith.constant 0 : i32
      %dma_wait3A_145 = tpu.memref_slice %arg26[%add3A_50, %dma_wait3A_144] : memref<10016x16xf32, #tpu.memory_space<vmem_shared>> -> memref<32x16xf32, #tpu.memory_space<vmem_shared>>
      %dma_wait3A_146 = arith.constant 0 : i32
      %dma_wait3A_147 = tpu.memref_slice %arg26[%add3A_50, %dma_wait3A_146] : memref<10016x16xf32, #tpu.memory_space<vmem_shared>> -> memref<32x16xf32, #tpu.memory_space<vmem_shared>>
      tpu.wait_dma2 semaphore(%run_scoped3A : memref<!tpu.dma_semaphore, #tpu.memory_space<semaphore_mem>>) src(%arg13 : memref<32x16xf32, #tpu.memory_space<vmem>>) dst(%dma_wait3A_147 : memref<32x16xf32, #tpu.memory_space<vmem_shared>>)
      tpu.yield
    }) : () -> ()
    %add3A_51 = arith.constant 352 : i32
    %add3A_52 = arith.addi %mul3A_6, %add3A_51 : i32
    "tpu.region"() ({
      %run_scoped3A = tpu.sem_alloc : memref<!tpu.dma_semaphore, #tpu.memory_space<semaphore_mem>>
      %dma_start3A_140 = arith.constant 0 : i32
      %dma_start3A_141 = tpu.memref_slice %arg25[%add3A_52, %dma_start3A_140] : memref<10016x128xf32, #tpu.memory_space<vmem_shared>> -> memref<32x128xf32, #tpu.memory_space<vmem_shared>>
      %dma_start3A_142 = arith.constant 0 : i32
      %dma_start3A_143 = tpu.memref_slice %arg25[%add3A_52, %dma_start3A_142] : memref<10016x128xf32, #tpu.memory_space<vmem_shared>> -> memref<32x128xf32, #tpu.memory_space<vmem_shared>>
      tpu.enqueue_dma source(%arg15 : memref<32x128xf32, #tpu.memory_space<vmem>>) target(%dma_start3A_143 : memref<32x128xf32, #tpu.memory_space<vmem_shared>>) target_semaphore(%run_scoped3A : memref<!tpu.dma_semaphore, #tpu.memory_space<semaphore_mem>>)
      %dma_wait3A_144 = arith.constant 0 : i32
      %dma_wait3A_145 = tpu.memref_slice %arg25[%add3A_52, %dma_wait3A_144] : memref<10016x128xf32, #tpu.memory_space<vmem_shared>> -> memref<32x128xf32, #tpu.memory_space<vmem_shared>>
      %dma_wait3A_146 = arith.constant 0 : i32
      %dma_wait3A_147 = tpu.memref_slice %arg25[%add3A_52, %dma_wait3A_146] : memref<10016x128xf32, #tpu.memory_space<vmem_shared>> -> memref<32x128xf32, #tpu.memory_space<vmem_shared>>
      tpu.wait_dma2 semaphore(%run_scoped3A : memref<!tpu.dma_semaphore, #tpu.memory_space<semaphore_mem>>) src(%arg15 : memref<32x128xf32, #tpu.memory_space<vmem>>) dst(%dma_wait3A_147 : memref<32x128xf32, #tpu.memory_space<vmem_shared>>)
      tpu.yield
    }) : () -> ()
    %add3A_53 = arith.constant 352 : i32
    %add3A_54 = arith.addi %mul3A_6, %add3A_53 : i32
    "tpu.region"() ({
      %run_scoped3A = tpu.sem_alloc : memref<!tpu.dma_semaphore, #tpu.memory_space<semaphore_mem>>
      %dma_start3A_140 = arith.constant 0 : i32
      %dma_start3A_141 = tpu.memref_slice %arg26[%add3A_54, %dma_start3A_140] : memref<10016x16xf32, #tpu.memory_space<vmem_shared>> -> memref<32x16xf32, #tpu.memory_space<vmem_shared>>
      %dma_start3A_142 = arith.constant 0 : i32
      %dma_start3A_143 = tpu.memref_slice %arg26[%add3A_54, %dma_start3A_142] : memref<10016x16xf32, #tpu.memory_space<vmem_shared>> -> memref<32x16xf32, #tpu.memory_space<vmem_shared>>
      tpu.enqueue_dma source(%arg13 : memref<32x16xf32, #tpu.memory_space<vmem>>) target(%dma_start3A_143 : memref<32x16xf32, #tpu.memory_space<vmem_shared>>) target_semaphore(%run_scoped3A : memref<!tpu.dma_semaphore, #tpu.memory_space<semaphore_mem>>)
      %dma_wait3A_144 = arith.constant 0 : i32
      %dma_wait3A_145 = tpu.memref_slice %arg26[%add3A_54, %dma_wait3A_144] : memref<10016x16xf32, #tpu.memory_space<vmem_shared>> -> memref<32x16xf32, #tpu.memory_space<vmem_shared>>
      %dma_wait3A_146 = arith.constant 0 : i32
      %dma_wait3A_147 = tpu.memref_slice %arg26[%add3A_54, %dma_wait3A_146] : memref<10016x16xf32, #tpu.memory_space<vmem_shared>> -> memref<32x16xf32, #tpu.memory_space<vmem_shared>>
      tpu.wait_dma2 semaphore(%run_scoped3A : memref<!tpu.dma_semaphore, #tpu.memory_space<semaphore_mem>>) src(%arg13 : memref<32x16xf32, #tpu.memory_space<vmem>>) dst(%dma_wait3A_147 : memref<32x16xf32, #tpu.memory_space<vmem_shared>>)
      tpu.yield
    }) : () -> ()
    %add3A_55 = arith.constant 384 : i32
    %add3A_56 = arith.addi %mul3A_6, %add3A_55 : i32
    "tpu.region"() ({
      %run_scoped3A = tpu.sem_alloc : memref<!tpu.dma_semaphore, #tpu.memory_space<semaphore_mem>>
      %dma_start3A_140 = arith.constant 0 : i32
      %dma_start3A_141 = tpu.memref_slice %arg25[%add3A_56, %dma_start3A_140] : memref<10016x128xf32, #tpu.memory_space<vmem_shared>> -> memref<32x128xf32, #tpu.memory_space<vmem_shared>>
      %dma_start3A_142 = arith.constant 0 : i32
      %dma_start3A_143 = tpu.memref_slice %arg25[%add3A_56, %dma_start3A_142] : memref<10016x128xf32, #tpu.memory_space<vmem_shared>> -> memref<32x128xf32, #tpu.memory_space<vmem_shared>>
      tpu.enqueue_dma source(%arg15 : memref<32x128xf32, #tpu.memory_space<vmem>>) target(%dma_start3A_143 : memref<32x128xf32, #tpu.memory_space<vmem_shared>>) target_semaphore(%run_scoped3A : memref<!tpu.dma_semaphore, #tpu.memory_space<semaphore_mem>>)
      %dma_wait3A_144 = arith.constant 0 : i32
      %dma_wait3A_145 = tpu.memref_slice %arg25[%add3A_56, %dma_wait3A_144] : memref<10016x128xf32, #tpu.memory_space<vmem_shared>> -> memref<32x128xf32, #tpu.memory_space<vmem_shared>>
      %dma_wait3A_146 = arith.constant 0 : i32
      %dma_wait3A_147 = tpu.memref_slice %arg25[%add3A_56, %dma_wait3A_146] : memref<10016x128xf32, #tpu.memory_space<vmem_shared>> -> memref<32x128xf32, #tpu.memory_space<vmem_shared>>
      tpu.wait_dma2 semaphore(%run_scoped3A : memref<!tpu.dma_semaphore, #tpu.memory_space<semaphore_mem>>) src(%arg15 : memref<32x128xf32, #tpu.memory_space<vmem>>) dst(%dma_wait3A_147 : memref<32x128xf32, #tpu.memory_space<vmem_shared>>)
      tpu.yield
    }) : () -> ()
    %add3A_57 = arith.constant 384 : i32
    %add3A_58 = arith.addi %mul3A_6, %add3A_57 : i32
    "tpu.region"() ({
      %run_scoped3A = tpu.sem_alloc : memref<!tpu.dma_semaphore, #tpu.memory_space<semaphore_mem>>
      %dma_start3A_140 = arith.constant 0 : i32
      %dma_start3A_141 = tpu.memref_slice %arg26[%add3A_58, %dma_start3A_140] : memref<10016x16xf32, #tpu.memory_space<vmem_shared>> -> memref<32x16xf32, #tpu.memory_space<vmem_shared>>
      %dma_start3A_142 = arith.constant 0 : i32
      %dma_start3A_143 = tpu.memref_slice %arg26[%add3A_58, %dma_start3A_142] : memref<10016x16xf32, #tpu.memory_space<vmem_shared>> -> memref<32x16xf32, #tpu.memory_space<vmem_shared>>
      tpu.enqueue_dma source(%arg13 : memref<32x16xf32, #tpu.memory_space<vmem>>) target(%dma_start3A_143 : memref<32x16xf32, #tpu.memory_space<vmem_shared>>) target_semaphore(%run_scoped3A : memref<!tpu.dma_semaphore, #tpu.memory_space<semaphore_mem>>)
      %dma_wait3A_144 = arith.constant 0 : i32
      %dma_wait3A_145 = tpu.memref_slice %arg26[%add3A_58, %dma_wait3A_144] : memref<10016x16xf32, #tpu.memory_space<vmem_shared>> -> memref<32x16xf32, #tpu.memory_space<vmem_shared>>
      %dma_wait3A_146 = arith.constant 0 : i32
      %dma_wait3A_147 = tpu.memref_slice %arg26[%add3A_58, %dma_wait3A_146] : memref<10016x16xf32, #tpu.memory_space<vmem_shared>> -> memref<32x16xf32, #tpu.memory_space<vmem_shared>>
      tpu.wait_dma2 semaphore(%run_scoped3A : memref<!tpu.dma_semaphore, #tpu.memory_space<semaphore_mem>>) src(%arg13 : memref<32x16xf32, #tpu.memory_space<vmem>>) dst(%dma_wait3A_147 : memref<32x16xf32, #tpu.memory_space<vmem_shared>>)
      tpu.yield
    }) : () -> ()
    %add3A_59 = arith.constant 416 : i32
    %add3A_60 = arith.addi %mul3A_6, %add3A_59 : i32
    "tpu.region"() ({
      %run_scoped3A = tpu.sem_alloc : memref<!tpu.dma_semaphore, #tpu.memory_space<semaphore_mem>>
      %dma_start3A_140 = arith.constant 0 : i32
      %dma_start3A_141 = tpu.memref_slice %arg25[%add3A_60, %dma_start3A_140] : memref<10016x128xf32, #tpu.memory_space<vmem_shared>> -> memref<32x128xf32, #tpu.memory_space<vmem_shared>>
      %dma_start3A_142 = arith.constant 0 : i32
      %dma_start3A_143 = tpu.memref_slice %arg25[%add3A_60, %dma_start3A_142] : memref<10016x128xf32, #tpu.memory_space<vmem_shared>> -> memref<32x128xf32, #tpu.memory_space<vmem_shared>>
      tpu.enqueue_dma source(%arg15 : memref<32x128xf32, #tpu.memory_space<vmem>>) target(%dma_start3A_143 : memref<32x128xf32, #tpu.memory_space<vmem_shared>>) target_semaphore(%run_scoped3A : memref<!tpu.dma_semaphore, #tpu.memory_space<semaphore_mem>>)
      %dma_wait3A_144 = arith.constant 0 : i32
      %dma_wait3A_145 = tpu.memref_slice %arg25[%add3A_60, %dma_wait3A_144] : memref<10016x128xf32, #tpu.memory_space<vmem_shared>> -> memref<32x128xf32, #tpu.memory_space<vmem_shared>>
      %dma_wait3A_146 = arith.constant 0 : i32
      %dma_wait3A_147 = tpu.memref_slice %arg25[%add3A_60, %dma_wait3A_146] : memref<10016x128xf32, #tpu.memory_space<vmem_shared>> -> memref<32x128xf32, #tpu.memory_space<vmem_shared>>
      tpu.wait_dma2 semaphore(%run_scoped3A : memref<!tpu.dma_semaphore, #tpu.memory_space<semaphore_mem>>) src(%arg15 : memref<32x128xf32, #tpu.memory_space<vmem>>) dst(%dma_wait3A_147 : memref<32x128xf32, #tpu.memory_space<vmem_shared>>)
      tpu.yield
    }) : () -> ()
    %add3A_61 = arith.constant 416 : i32
    %add3A_62 = arith.addi %mul3A_6, %add3A_61 : i32
    "tpu.region"() ({
      %run_scoped3A = tpu.sem_alloc : memref<!tpu.dma_semaphore, #tpu.memory_space<semaphore_mem>>
      %dma_start3A_140 = arith.constant 0 : i32
      %dma_start3A_141 = tpu.memref_slice %arg26[%add3A_62, %dma_start3A_140] : memref<10016x16xf32, #tpu.memory_space<vmem_shared>> -> memref<32x16xf32, #tpu.memory_space<vmem_shared>>
      %dma_start3A_142 = arith.constant 0 : i32
      %dma_start3A_143 = tpu.memref_slice %arg26[%add3A_62, %dma_start3A_142] : memref<10016x16xf32, #tpu.memory_space<vmem_shared>> -> memref<32x16xf32, #tpu.memory_space<vmem_shared>>
      tpu.enqueue_dma source(%arg13 : memref<32x16xf32, #tpu.memory_space<vmem>>) target(%dma_start3A_143 : memref<32x16xf32, #tpu.memory_space<vmem_shared>>) target_semaphore(%run_scoped3A : memref<!tpu.dma_semaphore, #tpu.memory_space<semaphore_mem>>)
      %dma_wait3A_144 = arith.constant 0 : i32
      %dma_wait3A_145 = tpu.memref_slice %arg26[%add3A_62, %dma_wait3A_144] : memref<10016x16xf32, #tpu.memory_space<vmem_shared>> -> memref<32x16xf32, #tpu.memory_space<vmem_shared>>
      %dma_wait3A_146 = arith.constant 0 : i32
      %dma_wait3A_147 = tpu.memref_slice %arg26[%add3A_62, %dma_wait3A_146] : memref<10016x16xf32, #tpu.memory_space<vmem_shared>> -> memref<32x16xf32, #tpu.memory_space<vmem_shared>>
      tpu.wait_dma2 semaphore(%run_scoped3A : memref<!tpu.dma_semaphore, #tpu.memory_space<semaphore_mem>>) src(%arg13 : memref<32x16xf32, #tpu.memory_space<vmem>>) dst(%dma_wait3A_147 : memref<32x16xf32, #tpu.memory_space<vmem_shared>>)
      tpu.yield
    }) : () -> ()
    %add3A_63 = arith.constant 448 : i32
    %add3A_64 = arith.addi %mul3A_6, %add3A_63 : i32
    "tpu.region"() ({
      %run_scoped3A = tpu.sem_alloc : memref<!tpu.dma_semaphore, #tpu.memory_space<semaphore_mem>>
      %dma_start3A_140 = arith.constant 0 : i32
      %dma_start3A_141 = tpu.memref_slice %arg25[%add3A_64, %dma_start3A_140] : memref<10016x128xf32, #tpu.memory_space<vmem_shared>> -> memref<32x128xf32, #tpu.memory_space<vmem_shared>>
      %dma_start3A_142 = arith.constant 0 : i32
      %dma_start3A_143 = tpu.memref_slice %arg25[%add3A_64, %dma_start3A_142] : memref<10016x128xf32, #tpu.memory_space<vmem_shared>> -> memref<32x128xf32, #tpu.memory_space<vmem_shared>>
      tpu.enqueue_dma source(%arg15 : memref<32x128xf32, #tpu.memory_space<vmem>>) target(%dma_start3A_143 : memref<32x128xf32, #tpu.memory_space<vmem_shared>>) target_semaphore(%run_scoped3A : memref<!tpu.dma_semaphore, #tpu.memory_space<semaphore_mem>>)
      %dma_wait3A_144 = arith.constant 0 : i32
      %dma_wait3A_145 = tpu.memref_slice %arg25[%add3A_64, %dma_wait3A_144] : memref<10016x128xf32, #tpu.memory_space<vmem_shared>> -> memref<32x128xf32, #tpu.memory_space<vmem_shared>>
      %dma_wait3A_146 = arith.constant 0 : i32
      %dma_wait3A_147 = tpu.memref_slice %arg25[%add3A_64, %dma_wait3A_146] : memref<10016x128xf32, #tpu.memory_space<vmem_shared>> -> memref<32x128xf32, #tpu.memory_space<vmem_shared>>
      tpu.wait_dma2 semaphore(%run_scoped3A : memref<!tpu.dma_semaphore, #tpu.memory_space<semaphore_mem>>) src(%arg15 : memref<32x128xf32, #tpu.memory_space<vmem>>) dst(%dma_wait3A_147 : memref<32x128xf32, #tpu.memory_space<vmem_shared>>)
      tpu.yield
    }) : () -> ()
    %add3A_65 = arith.constant 448 : i32
    %add3A_66 = arith.addi %mul3A_6, %add3A_65 : i32
    "tpu.region"() ({
      %run_scoped3A = tpu.sem_alloc : memref<!tpu.dma_semaphore, #tpu.memory_space<semaphore_mem>>
      %dma_start3A_140 = arith.constant 0 : i32
      %dma_start3A_141 = tpu.memref_slice %arg26[%add3A_66, %dma_start3A_140] : memref<10016x16xf32, #tpu.memory_space<vmem_shared>> -> memref<32x16xf32, #tpu.memory_space<vmem_shared>>
      %dma_start3A_142 = arith.constant 0 : i32
      %dma_start3A_143 = tpu.memref_slice %arg26[%add3A_66, %dma_start3A_142] : memref<10016x16xf32, #tpu.memory_space<vmem_shared>> -> memref<32x16xf32, #tpu.memory_space<vmem_shared>>
      tpu.enqueue_dma source(%arg13 : memref<32x16xf32, #tpu.memory_space<vmem>>) target(%dma_start3A_143 : memref<32x16xf32, #tpu.memory_space<vmem_shared>>) target_semaphore(%run_scoped3A : memref<!tpu.dma_semaphore, #tpu.memory_space<semaphore_mem>>)
      %dma_wait3A_144 = arith.constant 0 : i32
      %dma_wait3A_145 = tpu.memref_slice %arg26[%add3A_66, %dma_wait3A_144] : memref<10016x16xf32, #tpu.memory_space<vmem_shared>> -> memref<32x16xf32, #tpu.memory_space<vmem_shared>>
      %dma_wait3A_146 = arith.constant 0 : i32
      %dma_wait3A_147 = tpu.memref_slice %arg26[%add3A_66, %dma_wait3A_146] : memref<10016x16xf32, #tpu.memory_space<vmem_shared>> -> memref<32x16xf32, #tpu.memory_space<vmem_shared>>
      tpu.wait_dma2 semaphore(%run_scoped3A : memref<!tpu.dma_semaphore, #tpu.memory_space<semaphore_mem>>) src(%arg13 : memref<32x16xf32, #tpu.memory_space<vmem>>) dst(%dma_wait3A_147 : memref<32x16xf32, #tpu.memory_space<vmem_shared>>)
      tpu.yield
    }) : () -> ()
    %add3A_67 = arith.constant 480 : i32
    %add3A_68 = arith.addi %mul3A_6, %add3A_67 : i32
    "tpu.region"() ({
      %run_scoped3A = tpu.sem_alloc : memref<!tpu.dma_semaphore, #tpu.memory_space<semaphore_mem>>
      %dma_start3A_140 = arith.constant 0 : i32
      %dma_start3A_141 = tpu.memref_slice %arg25[%add3A_68, %dma_start3A_140] : memref<10016x128xf32, #tpu.memory_space<vmem_shared>> -> memref<32x128xf32, #tpu.memory_space<vmem_shared>>
      %dma_start3A_142 = arith.constant 0 : i32
      %dma_start3A_143 = tpu.memref_slice %arg25[%add3A_68, %dma_start3A_142] : memref<10016x128xf32, #tpu.memory_space<vmem_shared>> -> memref<32x128xf32, #tpu.memory_space<vmem_shared>>
      tpu.enqueue_dma source(%arg15 : memref<32x128xf32, #tpu.memory_space<vmem>>) target(%dma_start3A_143 : memref<32x128xf32, #tpu.memory_space<vmem_shared>>) target_semaphore(%run_scoped3A : memref<!tpu.dma_semaphore, #tpu.memory_space<semaphore_mem>>)
      %dma_wait3A_144 = arith.constant 0 : i32
      %dma_wait3A_145 = tpu.memref_slice %arg25[%add3A_68, %dma_wait3A_144] : memref<10016x128xf32, #tpu.memory_space<vmem_shared>> -> memref<32x128xf32, #tpu.memory_space<vmem_shared>>
      %dma_wait3A_146 = arith.constant 0 : i32
      %dma_wait3A_147 = tpu.memref_slice %arg25[%add3A_68, %dma_wait3A_146] : memref<10016x128xf32, #tpu.memory_space<vmem_shared>> -> memref<32x128xf32, #tpu.memory_space<vmem_shared>>
      tpu.wait_dma2 semaphore(%run_scoped3A : memref<!tpu.dma_semaphore, #tpu.memory_space<semaphore_mem>>) src(%arg15 : memref<32x128xf32, #tpu.memory_space<vmem>>) dst(%dma_wait3A_147 : memref<32x128xf32, #tpu.memory_space<vmem_shared>>)
      tpu.yield
    }) : () -> ()
    %add3A_69 = arith.constant 480 : i32
    %add3A_70 = arith.addi %mul3A_6, %add3A_69 : i32
    "tpu.region"() ({
      %run_scoped3A = tpu.sem_alloc : memref<!tpu.dma_semaphore, #tpu.memory_space<semaphore_mem>>
      %dma_start3A_140 = arith.constant 0 : i32
      %dma_start3A_141 = tpu.memref_slice %arg26[%add3A_70, %dma_start3A_140] : memref<10016x16xf32, #tpu.memory_space<vmem_shared>> -> memref<32x16xf32, #tpu.memory_space<vmem_shared>>
      %dma_start3A_142 = arith.constant 0 : i32
      %dma_start3A_143 = tpu.memref_slice %arg26[%add3A_70, %dma_start3A_142] : memref<10016x16xf32, #tpu.memory_space<vmem_shared>> -> memref<32x16xf32, #tpu.memory_space<vmem_shared>>
      tpu.enqueue_dma source(%arg13 : memref<32x16xf32, #tpu.memory_space<vmem>>) target(%dma_start3A_143 : memref<32x16xf32, #tpu.memory_space<vmem_shared>>) target_semaphore(%run_scoped3A : memref<!tpu.dma_semaphore, #tpu.memory_space<semaphore_mem>>)
      %dma_wait3A_144 = arith.constant 0 : i32
      %dma_wait3A_145 = tpu.memref_slice %arg26[%add3A_70, %dma_wait3A_144] : memref<10016x16xf32, #tpu.memory_space<vmem_shared>> -> memref<32x16xf32, #tpu.memory_space<vmem_shared>>
      %dma_wait3A_146 = arith.constant 0 : i32
      %dma_wait3A_147 = tpu.memref_slice %arg26[%add3A_70, %dma_wait3A_146] : memref<10016x16xf32, #tpu.memory_space<vmem_shared>> -> memref<32x16xf32, #tpu.memory_space<vmem_shared>>
      tpu.wait_dma2 semaphore(%run_scoped3A : memref<!tpu.dma_semaphore, #tpu.memory_space<semaphore_mem>>) src(%arg13 : memref<32x16xf32, #tpu.memory_space<vmem>>) dst(%dma_wait3A_147 : memref<32x16xf32, #tpu.memory_space<vmem_shared>>)
      tpu.yield
    }) : () -> ()
    %add3A_71 = arith.constant 512 : i32
    %add3A_72 = arith.addi %mul3A_6, %add3A_71 : i32
    "tpu.region"() ({
      %run_scoped3A = tpu.sem_alloc : memref<!tpu.dma_semaphore, #tpu.memory_space<semaphore_mem>>
      %dma_start3A_140 = arith.constant 0 : i32
      %dma_start3A_141 = tpu.memref_slice %arg25[%add3A_72, %dma_start3A_140] : memref<10016x128xf32, #tpu.memory_space<vmem_shared>> -> memref<32x128xf32, #tpu.memory_space<vmem_shared>>
      %dma_start3A_142 = arith.constant 0 : i32
      %dma_start3A_143 = tpu.memref_slice %arg25[%add3A_72, %dma_start3A_142] : memref<10016x128xf32, #tpu.memory_space<vmem_shared>> -> memref<32x128xf32, #tpu.memory_space<vmem_shared>>
      tpu.enqueue_dma source(%arg15 : memref<32x128xf32, #tpu.memory_space<vmem>>) target(%dma_start3A_143 : memref<32x128xf32, #tpu.memory_space<vmem_shared>>) target_semaphore(%run_scoped3A : memref<!tpu.dma_semaphore, #tpu.memory_space<semaphore_mem>>)
      %dma_wait3A_144 = arith.constant 0 : i32
      %dma_wait3A_145 = tpu.memref_slice %arg25[%add3A_72, %dma_wait3A_144] : memref<10016x128xf32, #tpu.memory_space<vmem_shared>> -> memref<32x128xf32, #tpu.memory_space<vmem_shared>>
      %dma_wait3A_146 = arith.constant 0 : i32
      %dma_wait3A_147 = tpu.memref_slice %arg25[%add3A_72, %dma_wait3A_146] : memref<10016x128xf32, #tpu.memory_space<vmem_shared>> -> memref<32x128xf32, #tpu.memory_space<vmem_shared>>
      tpu.wait_dma2 semaphore(%run_scoped3A : memref<!tpu.dma_semaphore, #tpu.memory_space<semaphore_mem>>) src(%arg15 : memref<32x128xf32, #tpu.memory_space<vmem>>) dst(%dma_wait3A_147 : memref<32x128xf32, #tpu.memory_space<vmem_shared>>)
      tpu.yield
    }) : () -> ()
    %add3A_73 = arith.constant 512 : i32
    %add3A_74 = arith.addi %mul3A_6, %add3A_73 : i32
    "tpu.region"() ({
      %run_scoped3A = tpu.sem_alloc : memref<!tpu.dma_semaphore, #tpu.memory_space<semaphore_mem>>
      %dma_start3A_140 = arith.constant 0 : i32
      %dma_start3A_141 = tpu.memref_slice %arg26[%add3A_74, %dma_start3A_140] : memref<10016x16xf32, #tpu.memory_space<vmem_shared>> -> memref<32x16xf32, #tpu.memory_space<vmem_shared>>
      %dma_start3A_142 = arith.constant 0 : i32
      %dma_start3A_143 = tpu.memref_slice %arg26[%add3A_74, %dma_start3A_142] : memref<10016x16xf32, #tpu.memory_space<vmem_shared>> -> memref<32x16xf32, #tpu.memory_space<vmem_shared>>
      tpu.enqueue_dma source(%arg13 : memref<32x16xf32, #tpu.memory_space<vmem>>) target(%dma_start3A_143 : memref<32x16xf32, #tpu.memory_space<vmem_shared>>) target_semaphore(%run_scoped3A : memref<!tpu.dma_semaphore, #tpu.memory_space<semaphore_mem>>)
      %dma_wait3A_144 = arith.constant 0 : i32
      %dma_wait3A_145 = tpu.memref_slice %arg26[%add3A_74, %dma_wait3A_144] : memref<10016x16xf32, #tpu.memory_space<vmem_shared>> -> memref<32x16xf32, #tpu.memory_space<vmem_shared>>
      %dma_wait3A_146 = arith.constant 0 : i32
      %dma_wait3A_147 = tpu.memref_slice %arg26[%add3A_74, %dma_wait3A_146] : memref<10016x16xf32, #tpu.memory_space<vmem_shared>> -> memref<32x16xf32, #tpu.memory_space<vmem_shared>>
      tpu.wait_dma2 semaphore(%run_scoped3A : memref<!tpu.dma_semaphore, #tpu.memory_space<semaphore_mem>>) src(%arg13 : memref<32x16xf32, #tpu.memory_space<vmem>>) dst(%dma_wait3A_147 : memref<32x16xf32, #tpu.memory_space<vmem_shared>>)
      tpu.yield
    }) : () -> ()
    %add3A_75 = arith.constant 544 : i32
    %add3A_76 = arith.addi %mul3A_6, %add3A_75 : i32
    "tpu.region"() ({
      %run_scoped3A = tpu.sem_alloc : memref<!tpu.dma_semaphore, #tpu.memory_space<semaphore_mem>>
      %dma_start3A_140 = arith.constant 0 : i32
      %dma_start3A_141 = tpu.memref_slice %arg25[%add3A_76, %dma_start3A_140] : memref<10016x128xf32, #tpu.memory_space<vmem_shared>> -> memref<32x128xf32, #tpu.memory_space<vmem_shared>>
      %dma_start3A_142 = arith.constant 0 : i32
      %dma_start3A_143 = tpu.memref_slice %arg25[%add3A_76, %dma_start3A_142] : memref<10016x128xf32, #tpu.memory_space<vmem_shared>> -> memref<32x128xf32, #tpu.memory_space<vmem_shared>>
      tpu.enqueue_dma source(%arg15 : memref<32x128xf32, #tpu.memory_space<vmem>>) target(%dma_start3A_143 : memref<32x128xf32, #tpu.memory_space<vmem_shared>>) target_semaphore(%run_scoped3A : memref<!tpu.dma_semaphore, #tpu.memory_space<semaphore_mem>>)
      %dma_wait3A_144 = arith.constant 0 : i32
      %dma_wait3A_145 = tpu.memref_slice %arg25[%add3A_76, %dma_wait3A_144] : memref<10016x128xf32, #tpu.memory_space<vmem_shared>> -> memref<32x128xf32, #tpu.memory_space<vmem_shared>>
      %dma_wait3A_146 = arith.constant 0 : i32
      %dma_wait3A_147 = tpu.memref_slice %arg25[%add3A_76, %dma_wait3A_146] : memref<10016x128xf32, #tpu.memory_space<vmem_shared>> -> memref<32x128xf32, #tpu.memory_space<vmem_shared>>
      tpu.wait_dma2 semaphore(%run_scoped3A : memref<!tpu.dma_semaphore, #tpu.memory_space<semaphore_mem>>) src(%arg15 : memref<32x128xf32, #tpu.memory_space<vmem>>) dst(%dma_wait3A_147 : memref<32x128xf32, #tpu.memory_space<vmem_shared>>)
      tpu.yield
    }) : () -> ()
    %add3A_77 = arith.constant 544 : i32
    %add3A_78 = arith.addi %mul3A_6, %add3A_77 : i32
    "tpu.region"() ({
      %run_scoped3A = tpu.sem_alloc : memref<!tpu.dma_semaphore, #tpu.memory_space<semaphore_mem>>
      %dma_start3A_140 = arith.constant 0 : i32
      %dma_start3A_141 = tpu.memref_slice %arg26[%add3A_78, %dma_start3A_140] : memref<10016x16xf32, #tpu.memory_space<vmem_shared>> -> memref<32x16xf32, #tpu.memory_space<vmem_shared>>
      %dma_start3A_142 = arith.constant 0 : i32
      %dma_start3A_143 = tpu.memref_slice %arg26[%add3A_78, %dma_start3A_142] : memref<10016x16xf32, #tpu.memory_space<vmem_shared>> -> memref<32x16xf32, #tpu.memory_space<vmem_shared>>
      tpu.enqueue_dma source(%arg13 : memref<32x16xf32, #tpu.memory_space<vmem>>) target(%dma_start3A_143 : memref<32x16xf32, #tpu.memory_space<vmem_shared>>) target_semaphore(%run_scoped3A : memref<!tpu.dma_semaphore, #tpu.memory_space<semaphore_mem>>)
      %dma_wait3A_144 = arith.constant 0 : i32
      %dma_wait3A_145 = tpu.memref_slice %arg26[%add3A_78, %dma_wait3A_144] : memref<10016x16xf32, #tpu.memory_space<vmem_shared>> -> memref<32x16xf32, #tpu.memory_space<vmem_shared>>
      %dma_wait3A_146 = arith.constant 0 : i32
      %dma_wait3A_147 = tpu.memref_slice %arg26[%add3A_78, %dma_wait3A_146] : memref<10016x16xf32, #tpu.memory_space<vmem_shared>> -> memref<32x16xf32, #tpu.memory_space<vmem_shared>>
      tpu.wait_dma2 semaphore(%run_scoped3A : memref<!tpu.dma_semaphore, #tpu.memory_space<semaphore_mem>>) src(%arg13 : memref<32x16xf32, #tpu.memory_space<vmem>>) dst(%dma_wait3A_147 : memref<32x16xf32, #tpu.memory_space<vmem_shared>>)
      tpu.yield
    }) : () -> ()
    %add3A_79 = arith.constant 576 : i32
    %add3A_80 = arith.addi %mul3A_6, %add3A_79 : i32
    "tpu.region"() ({
      %run_scoped3A = tpu.sem_alloc : memref<!tpu.dma_semaphore, #tpu.memory_space<semaphore_mem>>
      %dma_start3A_140 = arith.constant 0 : i32
      %dma_start3A_141 = tpu.memref_slice %arg25[%add3A_80, %dma_start3A_140] : memref<10016x128xf32, #tpu.memory_space<vmem_shared>> -> memref<32x128xf32, #tpu.memory_space<vmem_shared>>
      %dma_start3A_142 = arith.constant 0 : i32
      %dma_start3A_143 = tpu.memref_slice %arg25[%add3A_80, %dma_start3A_142] : memref<10016x128xf32, #tpu.memory_space<vmem_shared>> -> memref<32x128xf32, #tpu.memory_space<vmem_shared>>
      tpu.enqueue_dma source(%arg15 : memref<32x128xf32, #tpu.memory_space<vmem>>) target(%dma_start3A_143 : memref<32x128xf32, #tpu.memory_space<vmem_shared>>) target_semaphore(%run_scoped3A : memref<!tpu.dma_semaphore, #tpu.memory_space<semaphore_mem>>)
      %dma_wait3A_144 = arith.constant 0 : i32
      %dma_wait3A_145 = tpu.memref_slice %arg25[%add3A_80, %dma_wait3A_144] : memref<10016x128xf32, #tpu.memory_space<vmem_shared>> -> memref<32x128xf32, #tpu.memory_space<vmem_shared>>
      %dma_wait3A_146 = arith.constant 0 : i32
      %dma_wait3A_147 = tpu.memref_slice %arg25[%add3A_80, %dma_wait3A_146] : memref<10016x128xf32, #tpu.memory_space<vmem_shared>> -> memref<32x128xf32, #tpu.memory_space<vmem_shared>>
      tpu.wait_dma2 semaphore(%run_scoped3A : memref<!tpu.dma_semaphore, #tpu.memory_space<semaphore_mem>>) src(%arg15 : memref<32x128xf32, #tpu.memory_space<vmem>>) dst(%dma_wait3A_147 : memref<32x128xf32, #tpu.memory_space<vmem_shared>>)
      tpu.yield
    }) : () -> ()
    %add3A_81 = arith.constant 576 : i32
    %add3A_82 = arith.addi %mul3A_6, %add3A_81 : i32
    "tpu.region"() ({
      %run_scoped3A = tpu.sem_alloc : memref<!tpu.dma_semaphore, #tpu.memory_space<semaphore_mem>>
      %dma_start3A_140 = arith.constant 0 : i32
      %dma_start3A_141 = tpu.memref_slice %arg26[%add3A_82, %dma_start3A_140] : memref<10016x16xf32, #tpu.memory_space<vmem_shared>> -> memref<32x16xf32, #tpu.memory_space<vmem_shared>>
      %dma_start3A_142 = arith.constant 0 : i32
      %dma_start3A_143 = tpu.memref_slice %arg26[%add3A_82, %dma_start3A_142] : memref<10016x16xf32, #tpu.memory_space<vmem_shared>> -> memref<32x16xf32, #tpu.memory_space<vmem_shared>>
      tpu.enqueue_dma source(%arg13 : memref<32x16xf32, #tpu.memory_space<vmem>>) target(%dma_start3A_143 : memref<32x16xf32, #tpu.memory_space<vmem_shared>>) target_semaphore(%run_scoped3A : memref<!tpu.dma_semaphore, #tpu.memory_space<semaphore_mem>>)
      %dma_wait3A_144 = arith.constant 0 : i32
      %dma_wait3A_145 = tpu.memref_slice %arg26[%add3A_82, %dma_wait3A_144] : memref<10016x16xf32, #tpu.memory_space<vmem_shared>> -> memref<32x16xf32, #tpu.memory_space<vmem_shared>>
      %dma_wait3A_146 = arith.constant 0 : i32
      %dma_wait3A_147 = tpu.memref_slice %arg26[%add3A_82, %dma_wait3A_146] : memref<10016x16xf32, #tpu.memory_space<vmem_shared>> -> memref<32x16xf32, #tpu.memory_space<vmem_shared>>
      tpu.wait_dma2 semaphore(%run_scoped3A : memref<!tpu.dma_semaphore, #tpu.memory_space<semaphore_mem>>) src(%arg13 : memref<32x16xf32, #tpu.memory_space<vmem>>) dst(%dma_wait3A_147 : memref<32x16xf32, #tpu.memory_space<vmem_shared>>)
      tpu.yield
    }) : () -> ()
    %add3A_83 = arith.constant 608 : i32
    %add3A_84 = arith.addi %mul3A_6, %add3A_83 : i32
    "tpu.region"() ({
      %run_scoped3A = tpu.sem_alloc : memref<!tpu.dma_semaphore, #tpu.memory_space<semaphore_mem>>
      %dma_start3A_140 = arith.constant 0 : i32
      %dma_start3A_141 = arith.constant 0 : i32
      %dma_start3A_142 = tpu.memref_slice %arg15[%dma_start3A_140, %dma_start3A_141] : memref<32x128xf32, #tpu.memory_space<vmem>> -> memref<18x128xf32, #tpu.memory_space<vmem>>
      %dma_start3A_143 = arith.constant 0 : i32
      %dma_start3A_144 = tpu.memref_slice %arg25[%add3A_84, %dma_start3A_143] : memref<10016x128xf32, #tpu.memory_space<vmem_shared>> -> memref<18x128xf32, #tpu.memory_space<vmem_shared>>
      %dma_start3A_145 = arith.constant 0 : i32
      %dma_start3A_146 = tpu.memref_slice %arg25[%add3A_84, %dma_start3A_145] : memref<10016x128xf32, #tpu.memory_space<vmem_shared>> -> memref<18x128xf32, #tpu.memory_space<vmem_shared>>
      %dma_start3A_147 = arith.constant 0 : i32
      %dma_start3A_148 = arith.constant 0 : i32
      %dma_start3A_149 = tpu.memref_slice %arg15[%dma_start3A_147, %dma_start3A_148] : memref<32x128xf32, #tpu.memory_space<vmem>> -> memref<18x128xf32, #tpu.memory_space<vmem>>
      tpu.enqueue_dma source(%dma_start3A_149 : memref<18x128xf32, #tpu.memory_space<vmem>>) target(%dma_start3A_146 : memref<18x128xf32, #tpu.memory_space<vmem_shared>>) target_semaphore(%run_scoped3A : memref<!tpu.dma_semaphore, #tpu.memory_space<semaphore_mem>>)
      %dma_wait3A_150 = arith.constant 0 : i32
      %dma_wait3A_151 = arith.constant 0 : i32
      %dma_wait3A_152 = tpu.memref_slice %arg15[%dma_wait3A_150, %dma_wait3A_151] : memref<32x128xf32, #tpu.memory_space<vmem>> -> memref<18x128xf32, #tpu.memory_space<vmem>>
      %dma_wait3A_153 = arith.constant 0 : i32
      %dma_wait3A_154 = tpu.memref_slice %arg25[%add3A_84, %dma_wait3A_153] : memref<10016x128xf32, #tpu.memory_space<vmem_shared>> -> memref<18x128xf32, #tpu.memory_space<vmem_shared>>
      %dma_wait3A_155 = arith.constant 0 : i32
      %dma_wait3A_156 = tpu.memref_slice %arg25[%add3A_84, %dma_wait3A_155] : memref<10016x128xf32, #tpu.memory_space<vmem_shared>> -> memref<18x128xf32, #tpu.memory_space<vmem_shared>>
      %dma_wait3A_157 = arith.constant 0 : i32
      %dma_wait3A_158 = arith.constant 0 : i32
      %dma_wait3A_159 = tpu.memref_slice %arg15[%dma_wait3A_157, %dma_wait3A_158] : memref<32x128xf32, #tpu.memory_space<vmem>> -> memref<18x128xf32, #tpu.memory_space<vmem>>
      tpu.wait_dma2 semaphore(%run_scoped3A : memref<!tpu.dma_semaphore, #tpu.memory_space<semaphore_mem>>) src(%dma_wait3A_159 : memref<18x128xf32, #tpu.memory_space<vmem>>) dst(%dma_wait3A_156 : memref<18x128xf32, #tpu.memory_space<vmem_shared>>)
      tpu.yield
    }) : () -> ()
    %add3A_85 = arith.constant 608 : i32
    %add3A_86 = arith.addi %mul3A_6, %add3A_85 : i32
    "tpu.region"() ({
      %run_scoped3A = tpu.sem_alloc : memref<!tpu.dma_semaphore, #tpu.memory_space<semaphore_mem>>
      %dma_start3A_140 = arith.constant 0 : i32
      %dma_start3A_141 = arith.constant 0 : i32
      %dma_start3A_142 = tpu.memref_slice %arg13[%dma_start3A_140, %dma_start3A_141] : memref<32x16xf32, #tpu.memory_space<vmem>> -> memref<18x16xf32, #tpu.memory_space<vmem>>
      %dma_start3A_143 = arith.constant 0 : i32
      %dma_start3A_144 = tpu.memref_slice %arg26[%add3A_86, %dma_start3A_143] : memref<10016x16xf32, #tpu.memory_space<vmem_shared>> -> memref<18x16xf32, #tpu.memory_space<vmem_shared>>
      %dma_start3A_145 = arith.constant 0 : i32
      %dma_start3A_146 = tpu.memref_slice %arg26[%add3A_86, %dma_start3A_145] : memref<10016x16xf32, #tpu.memory_space<vmem_shared>> -> memref<18x16xf32, #tpu.memory_space<vmem_shared>>
      %dma_start3A_147 = arith.constant 0 : i32
      %dma_start3A_148 = arith.constant 0 : i32
      %dma_start3A_149 = tpu.memref_slice %arg13[%dma_start3A_147, %dma_start3A_148] : memref<32x16xf32, #tpu.memory_space<vmem>> -> memref<18x16xf32, #tpu.memory_space<vmem>>
      tpu.enqueue_dma source(%dma_start3A_149 : memref<18x16xf32, #tpu.memory_space<vmem>>) target(%dma_start3A_146 : memref<18x16xf32, #tpu.memory_space<vmem_shared>>) target_semaphore(%run_scoped3A : memref<!tpu.dma_semaphore, #tpu.memory_space<semaphore_mem>>)
      %dma_wait3A_150 = arith.constant 0 : i32
      %dma_wait3A_151 = arith.constant 0 : i32
      %dma_wait3A_152 = tpu.memref_slice %arg13[%dma_wait3A_150, %dma_wait3A_151] : memref<32x16xf32, #tpu.memory_space<vmem>> -> memref<18x16xf32, #tpu.memory_space<vmem>>
      %dma_wait3A_153 = arith.constant 0 : i32
      %dma_wait3A_154 = tpu.memref_slice %arg26[%add3A_86, %dma_wait3A_153] : memref<10016x16xf32, #tpu.memory_space<vmem_shared>> -> memref<18x16xf32, #tpu.memory_space<vmem_shared>>
      %dma_wait3A_155 = arith.constant 0 : i32
      %dma_wait3A_156 = tpu.memref_slice %arg26[%add3A_86, %dma_wait3A_155] : memref<10016x16xf32, #tpu.memory_space<vmem_shared>> -> memref<18x16xf32, #tpu.memory_space<vmem_shared>>
      %dma_wait3A_157 = arith.constant 0 : i32
      %dma_wait3A_158 = arith.constant 0 : i32
      %dma_wait3A_159 = tpu.memref_slice %arg13[%dma_wait3A_157, %dma_wait3A_158] : memref<32x16xf32, #tpu.memory_space<vmem>> -> memref<18x16xf32, #tpu.memory_space<vmem>>
      tpu.wait_dma2 semaphore(%run_scoped3A : memref<!tpu.dma_semaphore, #tpu.memory_space<semaphore_mem>>) src(%dma_wait3A_159 : memref<18x16xf32, #tpu.memory_space<vmem>>) dst(%dma_wait3A_156 : memref<18x16xf32, #tpu.memory_space<vmem_shared>>)
      tpu.yield
    }) : () -> ()
    %barrier3A = arith.constant 0 : index
    tpu.barrier barrier_id(%barrier3A)
    "tpu.region"() ({
      %run_scoped3A = tpu.sem_alloc : memref<!tpu.dma_semaphore, #tpu.memory_space<semaphore_mem>>
      %dma_start3A_140 = arith.constant 0 : i32
      %dma_start3A_141 = arith.constant 0 : i32
      %dma_start3A_142 = tpu.memref_slice %arg5[%add3A, %dma_start3A_140, %dma_start3A_141] : memref<32x328x32xi32, #tpu.memory_space<hbm>> -> memref<1x328x32xi32, #tpu.memory_space<hbm>>
      %dma_start3A_143 = tpu.memref_squeeze %dma_start3A_142 : memref<1x328x32xi32, #tpu.memory_space<hbm>> -> memref<328x32xi32, #tpu.memory_space<hbm>>
      %dma_start3A_144 = arith.constant 0 : i32
      %dma_start3A_145 = arith.constant 0 : i32
      %dma_start3A_146 = tpu.memref_slice %arg5[%add3A, %dma_start3A_144, %dma_start3A_145] : memref<32x328x32xi32, #tpu.memory_space<hbm>> -> memref<1x328x32xi32, #tpu.memory_space<hbm>>
      %dma_start3A_147 = tpu.memref_squeeze %dma_start3A_146 : memref<1x328x32xi32, #tpu.memory_space<hbm>> -> memref<328x32xi32, #tpu.memory_space<hbm>>
      tpu.enqueue_dma source(%dma_start3A_147 : memref<328x32xi32, #tpu.memory_space<hbm>>) target(%arg9 : memref<328x32xi32, #tpu.memory_space<vmem>>) target_semaphore(%run_scoped3A : memref<!tpu.dma_semaphore, #tpu.memory_space<semaphore_mem>>)
      %dma_wait3A_148 = arith.constant 0 : i32
      %dma_wait3A_149 = arith.constant 0 : i32
      %dma_wait3A_150 = tpu.memref_slice %arg5[%add3A, %dma_wait3A_148, %dma_wait3A_149] : memref<32x328x32xi32, #tpu.memory_space<hbm>> -> memref<1x328x32xi32, #tpu.memory_space<hbm>>
      %dma_wait3A_151 = tpu.memref_squeeze %dma_wait3A_150 : memref<1x328x32xi32, #tpu.memory_space<hbm>> -> memref<328x32xi32, #tpu.memory_space<hbm>>
      %dma_wait3A_152 = arith.constant 0 : i32
      %dma_wait3A_153 = arith.constant 0 : i32
      %dma_wait3A_154 = tpu.memref_slice %arg5[%add3A, %dma_wait3A_152, %dma_wait3A_153] : memref<32x328x32xi32, #tpu.memory_space<hbm>> -> memref<1x328x32xi32, #tpu.memory_space<hbm>>
      %dma_wait3A_155 = tpu.memref_squeeze %dma_wait3A_154 : memref<1x328x32xi32, #tpu.memory_space<hbm>> -> memref<328x32xi32, #tpu.memory_space<hbm>>
      tpu.wait_dma2 semaphore(%run_scoped3A : memref<!tpu.dma_semaphore, #tpu.memory_space<semaphore_mem>>) src(%dma_wait3A_155 : memref<328x32xi32, #tpu.memory_space<hbm>>) dst(%arg9 : memref<328x32xi32, #tpu.memory_space<vmem>>)
      tpu.yield
    }) : () -> ()
    "tpu.region"() ({
      %run_scoped3A = tpu.sem_alloc : memref<!tpu.dma_semaphore, #tpu.memory_space<semaphore_mem>>
      %dma_start3A_140 = arith.constant 0 : i32
      %dma_start3A_141 = arith.constant 0 : i32
      %dma_start3A_142 = tpu.memref_slice %arg6[%add3A, %dma_start3A_140, %dma_start3A_141] : memref<32x328x32xi32, #tpu.memory_space<hbm>> -> memref<1x328x32xi32, #tpu.memory_space<hbm>>
      %dma_start3A_143 = tpu.memref_squeeze %dma_start3A_142 : memref<1x328x32xi32, #tpu.memory_space<hbm>> -> memref<328x32xi32, #tpu.memory_space<hbm>>
      %dma_start3A_144 = arith.constant 0 : i32
      %dma_start3A_145 = arith.constant 0 : i32
      %dma_start3A_146 = tpu.memref_slice %arg6[%add3A, %dma_start3A_144, %dma_start3A_145] : memref<32x328x32xi32, #tpu.memory_space<hbm>> -> memref<1x328x32xi32, #tpu.memory_space<hbm>>
      %dma_start3A_147 = tpu.memref_squeeze %dma_start3A_146 : memref<1x328x32xi32, #tpu.memory_space<hbm>> -> memref<328x32xi32, #tpu.memory_space<hbm>>
      tpu.enqueue_dma source(%dma_start3A_147 : memref<328x32xi32, #tpu.memory_space<hbm>>) target(%arg10 : memref<328x32xi32, #tpu.memory_space<vmem>>) target_semaphore(%run_scoped3A : memref<!tpu.dma_semaphore, #tpu.memory_space<semaphore_mem>>)
      %dma_wait3A_148 = arith.constant 0 : i32
      %dma_wait3A_149 = arith.constant 0 : i32
      %dma_wait3A_150 = tpu.memref_slice %arg6[%add3A, %dma_wait3A_148, %dma_wait3A_149] : memref<32x328x32xi32, #tpu.memory_space<hbm>> -> memref<1x328x32xi32, #tpu.memory_space<hbm>>
      %dma_wait3A_151 = tpu.memref_squeeze %dma_wait3A_150 : memref<1x328x32xi32, #tpu.memory_space<hbm>> -> memref<328x32xi32, #tpu.memory_space<hbm>>
      %dma_wait3A_152 = arith.constant 0 : i32
      %dma_wait3A_153 = arith.constant 0 : i32
      %dma_wait3A_154 = tpu.memref_slice %arg6[%add3A, %dma_wait3A_152, %dma_wait3A_153] : memref<32x328x32xi32, #tpu.memory_space<hbm>> -> memref<1x328x32xi32, #tpu.memory_space<hbm>>
      %dma_wait3A_155 = tpu.memref_squeeze %dma_wait3A_154 : memref<1x328x32xi32, #tpu.memory_space<hbm>> -> memref<328x32xi32, #tpu.memory_space<hbm>>
      tpu.wait_dma2 semaphore(%run_scoped3A : memref<!tpu.dma_semaphore, #tpu.memory_space<semaphore_mem>>) src(%dma_wait3A_155 : memref<328x32xi32, #tpu.memory_space<hbm>>) dst(%arg10 : memref<328x32xi32, #tpu.memory_space<vmem>>)
      tpu.yield
    }) : () -> ()
    %dma_start3A = arith.constant 0 : i32
    %dma_start3A_87 = arith.constant 0 : i32
    %dma_start3A_88 = tpu.memref_slice %arg9[%dma_start3A, %dma_start3A_87] : memref<328x32xi32, #tpu.memory_space<vmem>> -> memref<1x32xi32, #tpu.memory_space<vmem>>
    %dma_start3A_89 = tpu.memref_squeeze %dma_start3A_88 : memref<1x32xi32, #tpu.memory_space<vmem>> -> memref<32xi32, #tpu.memory_space<vmem>>
    %dma_start3A_90 = arith.constant 0 : i32
    %dma_start3A_91 = arith.constant 0 : i32
    %dma_start3A_92 = tpu.memref_slice %arg3[%dma_start3A_90, %dma_start3A_91] : memref<10240x16xf32, #tpu.memory_space<hbm>> -> memref<10240x16xf32, #tpu.memory_space<hbm>>
    tpu.enqueue_indirect_dma source(%dma_start3A_92 : memref<10240x16xf32, #tpu.memory_space<hbm>>) target(%arg11 : memref<32x16xf32, #tpu.memory_space<vmem>>) offsets(%dma_start3A_89 : memref<32xi32, #tpu.memory_space<vmem>>) semaphore(%arg16 : memref<!tpu.dma_semaphore, #tpu.memory_space<semaphore_mem>>)
    %dma_start3A_93 = arith.constant 0 : i32
    %dma_start3A_94 = arith.constant 0 : i32
    %dma_start3A_95 = tpu.memref_slice %arg10[%dma_start3A_93, %dma_start3A_94] : memref<328x32xi32, #tpu.memory_space<vmem>> -> memref<1x32xi32, #tpu.memory_space<vmem>>
    %dma_start3A_96 = tpu.memref_squeeze %dma_start3A_95 : memref<1x32xi32, #tpu.memory_space<vmem>> -> memref<32xi32, #tpu.memory_space<vmem>>
    %dma_start3A_97 = arith.constant 0 : i32
    %dma_start3A_98 = arith.constant 0 : i32
    %dma_start3A_99 = tpu.memref_slice %arg4[%dma_start3A_97, %dma_start3A_98] : memref<10240x16xf32, #tpu.memory_space<hbm>> -> memref<10240x16xf32, #tpu.memory_space<hbm>>
    tpu.enqueue_indirect_dma source(%dma_start3A_99 : memref<10240x16xf32, #tpu.memory_space<hbm>>) target(%arg12 : memref<32x16xf32, #tpu.memory_space<vmem>>) offsets(%dma_start3A_96 : memref<32xi32, #tpu.memory_space<vmem>>) semaphore(%arg16 : memref<!tpu.dma_semaphore, #tpu.memory_space<semaphore_mem>>)
    %dma_start3A_100 = arith.constant 0 : i32
    %dma_start3A_101 = arith.constant 0 : i32
    %dma_start3A_102 = tpu.memref_slice %arg9[%dma_start3A_100, %dma_start3A_101] : memref<328x32xi32, #tpu.memory_space<vmem>> -> memref<1x32xi32, #tpu.memory_space<vmem>>
    %dma_start3A_103 = tpu.memref_squeeze %dma_start3A_102 : memref<1x32xi32, #tpu.memory_space<vmem>> -> memref<32xi32, #tpu.memory_space<vmem>>
    %dma_start3A_104 = arith.constant 0 : i32
    %dma_start3A_105 = arith.constant 0 : i32
    %dma_start3A_106 = tpu.memref_slice %arg2[%dma_start3A_104, %dma_start3A_105] : memref<10240x128xbf16, #tpu.memory_space<hbm>> -> memref<10240x128xbf16, #tpu.memory_space<hbm>>
    tpu.enqueue_indirect_dma source(%dma_start3A_106 : memref<10240x128xbf16, #tpu.memory_space<hbm>>) target(%arg14 : memref<32x128xbf16, #tpu.memory_space<vmem>>) offsets(%dma_start3A_103 : memref<32xi32, #tpu.memory_space<vmem>>) semaphore(%arg16 : memref<!tpu.dma_semaphore, #tpu.memory_space<semaphore_mem>>)
    %scan3A_107 = arith.constant 0 : i32
    %scan3A_108 = arith.constant 164 : i32
    %scan3A_109 = arith.addi %scan3A_107, %scan3A_108 : i32
    %scan3A_110 = arith.constant 1 : i32
    scf.for %scan3A_140 = %scan3A_107 to %scan3A_109 step %scan3A_110  : i32 {
      %mul3A_141 = arith.constant 2 : i32
      %mul3A_142 = arith.muli %scan3A_140, %mul3A_141 : i32
      %add3A_143 = arith.constant 0 : i32
      %add3A_144 = arith.addi %add3A_143, %mul3A_142 : i32
      %add3A_145 = arith.constant 1 : i32
      %add3A_146 = arith.addi %add3A_144, %add3A_145 : i32
      %dma_start3A_147 = arith.constant 0 : i32
      %dma_start3A_148 = tpu.memref_slice %arg9[%add3A_146, %dma_start3A_147] : memref<328x32xi32, #tpu.memory_space<vmem>> -> memref<1x32xi32, #tpu.memory_space<vmem>>
      %dma_start3A_149 = tpu.memref_squeeze %dma_start3A_148 : memref<1x32xi32, #tpu.memory_space<vmem>> -> memref<32xi32, #tpu.memory_space<vmem>>
      %dma_start3A_150 = arith.constant 0 : i32
      %dma_start3A_151 = arith.constant 0 : i32
      %dma_start3A_152 = tpu.memref_slice %arg3[%dma_start3A_150, %dma_start3A_151] : memref<10240x16xf32, #tpu.memory_space<hbm>> -> memref<10240x16xf32, #tpu.memory_space<hbm>>
      tpu.enqueue_indirect_dma source(%dma_start3A_152 : memref<10240x16xf32, #tpu.memory_space<hbm>>) target(%arg18 : memref<32x16xf32, #tpu.memory_space<vmem>>) offsets(%dma_start3A_149 : memref<32xi32, #tpu.memory_space<vmem>>) semaphore(%arg23 : memref<!tpu.dma_semaphore, #tpu.memory_space<semaphore_mem>>)
      %dma_start3A_153 = arith.constant 0 : i32
      %dma_start3A_154 = tpu.memref_slice %arg10[%add3A_146, %dma_start3A_153] : memref<328x32xi32, #tpu.memory_space<vmem>> -> memref<1x32xi32, #tpu.memory_space<vmem>>
      %dma_start3A_155 = tpu.memref_squeeze %dma_start3A_154 : memref<1x32xi32, #tpu.memory_space<vmem>> -> memref<32xi32, #tpu.memory_space<vmem>>
      %dma_start3A_156 = arith.constant 0 : i32
      %dma_start3A_157 = arith.constant 0 : i32
      %dma_start3A_158 = tpu.memref_slice %arg4[%dma_start3A_156, %dma_start3A_157] : memref<10240x16xf32, #tpu.memory_space<hbm>> -> memref<10240x16xf32, #tpu.memory_space<hbm>>
      tpu.enqueue_indirect_dma source(%dma_start3A_158 : memref<10240x16xf32, #tpu.memory_space<hbm>>) target(%arg19 : memref<32x16xf32, #tpu.memory_space<vmem>>) offsets(%dma_start3A_155 : memref<32xi32, #tpu.memory_space<vmem>>) semaphore(%arg23 : memref<!tpu.dma_semaphore, #tpu.memory_space<semaphore_mem>>)
      %dma_start3A_159 = arith.constant 0 : i32
      %dma_start3A_160 = tpu.memref_slice %arg9[%add3A_146, %dma_start3A_159] : memref<328x32xi32, #tpu.memory_space<vmem>> -> memref<1x32xi32, #tpu.memory_space<vmem>>
      %dma_start3A_161 = tpu.memref_squeeze %dma_start3A_160 : memref<1x32xi32, #tpu.memory_space<vmem>> -> memref<32xi32, #tpu.memory_space<vmem>>
      %dma_start3A_162 = arith.constant 0 : i32
      %dma_start3A_163 = arith.constant 0 : i32
      %dma_start3A_164 = tpu.memref_slice %arg2[%dma_start3A_162, %dma_start3A_163] : memref<10240x128xbf16, #tpu.memory_space<hbm>> -> memref<10240x128xbf16, #tpu.memory_space<hbm>>
      tpu.enqueue_indirect_dma source(%dma_start3A_164 : memref<10240x128xbf16, #tpu.memory_space<hbm>>) target(%arg21 : memref<32x128xbf16, #tpu.memory_space<vmem>>) offsets(%dma_start3A_161 : memref<32xi32, #tpu.memory_space<vmem>>) semaphore(%arg23 : memref<!tpu.dma_semaphore, #tpu.memory_space<semaphore_mem>>)
      %ge3A = arith.constant 2 : i32
      %ge3A_165 = arith.cmpi sge, %add3A_144, %ge3A : i32
      %convert_element_type3A = arith.extui %ge3A_165 : i1 to i32
      %cond3A = arith.constant 0 : i32
      %cond3A_166 = arith.cmpi ne, %convert_element_type3A, %cond3A : i32
      scf.if %cond3A_166 {
        %sub3A = arith.constant 2 : i32
        %sub3A_254 = arith.subi %add3A_144, %sub3A : i32
        %dma_wait3A_255 = arith.constant 0 : i32
        %dma_wait3A_256 = tpu.memref_slice %arg10[%sub3A_254, %dma_wait3A_255] : memref<328x32xi32, #tpu.memory_space<vmem>> -> memref<1x32xi32, #tpu.memory_space<vmem>>
        %dma_wait3A_257 = tpu.memref_squeeze %dma_wait3A_256 : memref<1x32xi32, #tpu.memory_space<vmem>> -> memref<32xi32, #tpu.memory_space<vmem>>
        %dma_wait3A_258 = arith.constant 0 : i32
        %dma_wait3A_259 = arith.constant 0 : i32
        %dma_wait3A_260 = tpu.memref_slice %arg25[%dma_wait3A_258, %dma_wait3A_259] : memref<10016x128xf32, #tpu.memory_space<vmem_shared>> -> memref<10016x128xf32, #tpu.memory_space<vmem_shared>>
        tpu.wait_indirect_dma semaphore(%arg17 : memref<!tpu.dma_semaphore, #tpu.memory_space<semaphore_mem>>) src(%arg15 : memref<32x128xf32, #tpu.memory_space<vmem>>) dst(%dma_wait3A_260 : memref<10016x128xf32, #tpu.memory_space<vmem_shared>>)
        %dma_wait3A_261 = arith.constant 0 : i32
        %dma_wait3A_262 = tpu.memref_slice %arg10[%sub3A_254, %dma_wait3A_261] : memref<328x32xi32, #tpu.memory_space<vmem>> -> memref<1x32xi32, #tpu.memory_space<vmem>>
        %dma_wait3A_263 = tpu.memref_squeeze %dma_wait3A_262 : memref<1x32xi32, #tpu.memory_space<vmem>> -> memref<32xi32, #tpu.memory_space<vmem>>
        %dma_wait3A_264 = arith.constant 0 : i32
        %dma_wait3A_265 = arith.constant 0 : i32
        %dma_wait3A_266 = tpu.memref_slice %arg26[%dma_wait3A_264, %dma_wait3A_265] : memref<10016x16xf32, #tpu.memory_space<vmem_shared>> -> memref<10016x16xf32, #tpu.memory_space<vmem_shared>>
        tpu.wait_indirect_dma semaphore(%arg17 : memref<!tpu.dma_semaphore, #tpu.memory_space<semaphore_mem>>) src(%arg13 : memref<32x16xf32, #tpu.memory_space<vmem>>) dst(%dma_wait3A_266 : memref<10016x16xf32, #tpu.memory_space<vmem_shared>>)
      } else {
      }
      %dma_wait3A_167 = arith.constant 0 : i32
      %dma_wait3A_168 = tpu.memref_slice %arg9[%add3A_144, %dma_wait3A_167] : memref<328x32xi32, #tpu.memory_space<vmem>> -> memref<1x32xi32, #tpu.memory_space<vmem>>
      %dma_wait3A_169 = tpu.memref_squeeze %dma_wait3A_168 : memref<1x32xi32, #tpu.memory_space<vmem>> -> memref<32xi32, #tpu.memory_space<vmem>>
      %dma_wait3A_170 = arith.constant 0 : i32
      %dma_wait3A_171 = arith.constant 0 : i32
      %dma_wait3A_172 = tpu.memref_slice %arg3[%dma_wait3A_170, %dma_wait3A_171] : memref<10240x16xf32, #tpu.memory_space<hbm>> -> memref<10240x16xf32, #tpu.memory_space<hbm>>
      tpu.wait_indirect_dma semaphore(%arg16 : memref<!tpu.dma_semaphore, #tpu.memory_space<semaphore_mem>>) src(%dma_wait3A_172 : memref<10240x16xf32, #tpu.memory_space<hbm>>) dst(%arg11 : memref<32x16xf32, #tpu.memory_space<vmem>>)
      %dma_wait3A_173 = arith.constant 0 : i32
      %dma_wait3A_174 = tpu.memref_slice %arg10[%add3A_144, %dma_wait3A_173] : memref<328x32xi32, #tpu.memory_space<vmem>> -> memref<1x32xi32, #tpu.memory_space<vmem>>
      %dma_wait3A_175 = tpu.memref_squeeze %dma_wait3A_174 : memref<1x32xi32, #tpu.memory_space<vmem>> -> memref<32xi32, #tpu.memory_space<vmem>>
      %dma_wait3A_176 = arith.constant 0 : i32
      %dma_wait3A_177 = arith.constant 0 : i32
      %dma_wait3A_178 = tpu.memref_slice %arg4[%dma_wait3A_176, %dma_wait3A_177] : memref<10240x16xf32, #tpu.memory_space<hbm>> -> memref<10240x16xf32, #tpu.memory_space<hbm>>
      tpu.wait_indirect_dma semaphore(%arg16 : memref<!tpu.dma_semaphore, #tpu.memory_space<semaphore_mem>>) src(%dma_wait3A_178 : memref<10240x16xf32, #tpu.memory_space<hbm>>) dst(%arg12 : memref<32x16xf32, #tpu.memory_space<vmem>>)
      %dma_wait3A_179 = arith.constant 0 : i32
      %dma_wait3A_180 = tpu.memref_slice %arg9[%add3A_144, %dma_wait3A_179] : memref<328x32xi32, #tpu.memory_space<vmem>> -> memref<1x32xi32, #tpu.memory_space<vmem>>
      %dma_wait3A_181 = tpu.memref_squeeze %dma_wait3A_180 : memref<1x32xi32, #tpu.memory_space<vmem>> -> memref<32xi32, #tpu.memory_space<vmem>>
      %dma_wait3A_182 = arith.constant 0 : i32
      %dma_wait3A_183 = arith.constant 0 : i32
      %dma_wait3A_184 = tpu.memref_slice %arg2[%dma_wait3A_182, %dma_wait3A_183] : memref<10240x128xbf16, #tpu.memory_space<hbm>> -> memref<10240x128xbf16, #tpu.memory_space<hbm>>
      tpu.wait_indirect_dma semaphore(%arg16 : memref<!tpu.dma_semaphore, #tpu.memory_space<semaphore_mem>>) src(%dma_wait3A_184 : memref<10240x128xbf16, #tpu.memory_space<hbm>>) dst(%arg14 : memref<32x128xbf16, #tpu.memory_space<vmem>>)
      %scan3A_185 = arith.constant 0 : i32
      %scan3A_186 = arith.constant 32 : i32
      %scan3A_187 = arith.addi %scan3A_185, %scan3A_186 : i32
      %scan3A_188 = arith.constant 1 : i32
      scf.for %scan3A_254 = %scan3A_185 to %scan3A_187 step %scan3A_188  : i32 {
        %mul3A_255 = arith.constant 1 : i32
        %mul3A_256 = arith.muli %scan3A_254, %mul3A_255 : i32
        %add3A_257 = arith.constant 0 : i32
        %add3A_258 = arith.addi %add3A_257, %mul3A_256 : i32
        %get3A = arith.index_cast %add3A_258 : i32 to index
        %get3A_259 = arith.constant 0 : index
        %get3A_260 = tpu.vector_load %arg11[%get3A, %get3A_259] {strides = array<i32>} : memref<32x16xf32, #tpu.memory_space<vmem>>, vector<16xf32>,
        %get3A_261 = arith.index_cast %add3A_258 : i32 to index
        %get3A_262 = arith.constant 0 : index
        %get3A_263 = tpu.vector_load %arg12[%get3A_261, %get3A_262] {strides = array<i32>} : memref<32x16xf32, #tpu.memory_space<vmem>>, vector<16xf32>,
        %add3A_264 = arith.addf %get3A_260, %get3A_263 : vector<16xf32>
        %mul3A_265 = arith.constant 2.000000e-01 : f32
        %mul3A_266 = vector.broadcast %mul3A_265 : f32 to vector<16xf32>
        %mul3A_267 = arith.mulf %mul3A_266, %add3A_264 : vector<16xf32>
        %max3A = arith.maximumf %add3A_264, %mul3A_267 : vector<16xf32>
        %exp3A = math.exp %max3A : vector<16xf32>
        %swap3A = arith.index_cast %add3A_258 : i32 to index
        %swap3A_268 = arith.constant 0 : index
        %swap3A_269 = tpu.vector_load %arg13[%swap3A, %swap3A_268] {strides = array<i32>} : memref<32x16xf32, #tpu.memory_space<vmem>>, vector<16xf32>,
        tpu.vector_store %arg13[%swap3A, %swap3A_268], %exp3A {strides = array<i32>} : memref<32x16xf32, #tpu.memory_space<vmem>>, vector<16xf32>,
        %broadcast_in_dim3A = arith.constant 0 : i32
        %broadcast_in_dim3A_270 = vector.broadcast %broadcast_in_dim3A : i32 to vector<16xi32>
        %lt3A_271 = arith.constant 0 : i32
        %lt3A_272 = vector.broadcast %lt3A_271 : i32 to vector<16xi32>
        %lt3A_273 = arith.cmpi slt, %broadcast_in_dim3A_270, %lt3A_272 : vector<16xi32>
        %add3A_274 = arith.constant 16 : i32
        %add3A_275 = vector.broadcast %add3A_274 : i32 to vector<16xi32>
        %add3A_276 = arith.addi %broadcast_in_dim3A_270, %add3A_275 : vector<16xi32>
        %select_n3A = arith.select %lt3A_273, %add3A_276, %broadcast_in_dim3A_270 : vector<16xi1>, vector<16xi32>
        %broadcast_in_dim3A_277 = vector.shape_cast %select_n3A : vector<16xi32> to vector<16x1xi32>
        %gather3A = vector.shape_cast %broadcast_in_dim3A_277 : vector<16x1xi32> to vector<16xi32>
        %gather3A_278 = tpu.dynamic_gather %exp3A[%gather3A] in [0] : vector<16xf32>, vector<16xi32> -> vector<16xf32>
        %get3A_279 = arith.index_cast %add3A_258 : i32 to index
        %get3A_280 = arith.constant 0 : index
        %get3A_281 = tpu.vector_load %arg14[%get3A_279, %get3A_280] {strides = array<i32>} : memref<32x128xbf16, #tpu.memory_space<vmem>>, vector<32xbf16>,
        %bitcast3A = vector.bitcast %get3A_281 : vector<32xbf16> to vector<16xi32>
        %shift_left3A = arith.constant 16 : i32
        %shift_left3A_282 = vector.broadcast %shift_left3A : i32 to vector<16xi32>
        %shift_left3A_283 = arith.shli %bitcast3A, %shift_left3A_282 : vector<16xi32>
        %bitcast3A_284 = vector.bitcast %shift_left3A_283 : vector<16xi32> to vector<16xf32>
        %and3A = arith.constant -65536 : i32
        %and3A_285 = vector.broadcast %and3A : i32 to vector<16xi32>
        %and3A_286 = arith.andi %bitcast3A, %and3A_285 : vector<16xi32>
        %bitcast3A_287 = vector.bitcast %and3A_286 : vector<16xi32> to vector<16xf32>
        %mul3A_288 = arith.mulf %bitcast3A_284, %gather3A_278 : vector<16xf32>
        %swap3A_289 = arith.index_cast %add3A_258 : i32 to index
        %swap3A_290 = arith.constant 0 : index
        %swap3A_291 = tpu.vector_load %arg15[%swap3A_289, %swap3A_290] {strides = array<i32>} : memref<32x128xf32, #tpu.memory_space<vmem>>, vector<16xf32>,
        tpu.vector_store %arg15[%swap3A_289, %swap3A_290], %mul3A_288 {strides = array<i32>} : memref<32x128xf32, #tpu.memory_space<vmem>>, vector<16xf32>,
        %mul3A_292 = arith.mulf %bitcast3A_287, %gather3A_278 : vector<16xf32>
        %swap3A_293 = arith.index_cast %add3A_258 : i32 to index
        %swap3A_294 = arith.constant 16 : index
        %swap3A_295 = tpu.vector_load %arg15[%swap3A_293, %swap3A_294] {strides = array<i32>} : memref<32x128xf32, #tpu.memory_space<vmem>>, vector<16xf32>,
        tpu.vector_store %arg15[%swap3A_293, %swap3A_294], %mul3A_292 {strides = array<i32>} : memref<32x128xf32, #tpu.memory_space<vmem>>, vector<16xf32>,
        %broadcast_in_dim3A_296 = arith.constant 1 : i32
        %broadcast_in_dim3A_297 = vector.broadcast %broadcast_in_dim3A_296 : i32 to vector<16xi32>
        %lt3A_298 = arith.constant 0 : i32
        %lt3A_299 = vector.broadcast %lt3A_298 : i32 to vector<16xi32>
        %lt3A_300 = arith.cmpi slt, %broadcast_in_dim3A_297, %lt3A_299 : vector<16xi32>
        %add3A_301 = arith.constant 16 : i32
        %add3A_302 = vector.broadcast %add3A_301 : i32 to vector<16xi32>
        %add3A_303 = arith.addi %broadcast_in_dim3A_297, %add3A_302 : vector<16xi32>
        %select_n3A_304 = arith.select %lt3A_300, %add3A_303, %broadcast_in_dim3A_297 : vector<16xi1>, vector<16xi32>
        %broadcast_in_dim3A_305 = vector.shape_cast %select_n3A_304 : vector<16xi32> to vector<16x1xi32>
        %gather3A_306 = vector.shape_cast %broadcast_in_dim3A_305 : vector<16x1xi32> to vector<16xi32>
        %gather3A_307 = tpu.dynamic_gather %exp3A[%gather3A_306] in [0] : vector<16xf32>, vector<16xi32> -> vector<16xf32>
        %get3A_308 = arith.index_cast %add3A_258 : i32 to index
        %get3A_309 = arith.constant 32 : index
        %get3A_310 = tpu.vector_load %arg14[%get3A_308, %get3A_309] {strides = array<i32>} : memref<32x128xbf16, #tpu.memory_space<vmem>>, vector<32xbf16>,
        %bitcast3A_311 = vector.bitcast %get3A_310 : vector<32xbf16> to vector<16xi32>
        %shift_left3A_312 = arith.constant 16 : i32
        %shift_left3A_313 = vector.broadcast %shift_left3A_312 : i32 to vector<16xi32>
        %shift_left3A_314 = arith.shli %bitcast3A_311, %shift_left3A_313 : vector<16xi32>
        %bitcast3A_315 = vector.bitcast %shift_left3A_314 : vector<16xi32> to vector<16xf32>
        %and3A_316 = arith.constant -65536 : i32
        %and3A_317 = vector.broadcast %and3A_316 : i32 to vector<16xi32>
        %and3A_318 = arith.andi %bitcast3A_311, %and3A_317 : vector<16xi32>
        %bitcast3A_319 = vector.bitcast %and3A_318 : vector<16xi32> to vector<16xf32>
        %mul3A_320 = arith.mulf %bitcast3A_315, %gather3A_307 : vector<16xf32>
        %swap3A_321 = arith.index_cast %add3A_258 : i32 to index
        %swap3A_322 = arith.constant 32 : index
        %swap3A_323 = tpu.vector_load %arg15[%swap3A_321, %swap3A_322] {strides = array<i32>} : memref<32x128xf32, #tpu.memory_space<vmem>>, vector<16xf32>,
        tpu.vector_store %arg15[%swap3A_321, %swap3A_322], %mul3A_320 {strides = array<i32>} : memref<32x128xf32, #tpu.memory_space<vmem>>, vector<16xf32>,
        %mul3A_324 = arith.mulf %bitcast3A_319, %gather3A_307 : vector<16xf32>
        %swap3A_325 = arith.index_cast %add3A_258 : i32 to index
        %swap3A_326 = arith.constant 48 : index
        %swap3A_327 = tpu.vector_load %arg15[%swap3A_325, %swap3A_326] {strides = array<i32>} : memref<32x128xf32, #tpu.memory_space<vmem>>, vector<16xf32>,
        tpu.vector_store %arg15[%swap3A_325, %swap3A_326], %mul3A_324 {strides = array<i32>} : memref<32x128xf32, #tpu.memory_space<vmem>>, vector<16xf32>,
        %broadcast_in_dim3A_328 = arith.constant 2 : i32
        %broadcast_in_dim3A_329 = vector.broadcast %broadcast_in_dim3A_328 : i32 to vector<16xi32>
        %lt3A_330 = arith.constant 0 : i32
        %lt3A_331 = vector.broadcast %lt3A_330 : i32 to vector<16xi32>
        %lt3A_332 = arith.cmpi slt, %broadcast_in_dim3A_329, %lt3A_331 : vector<16xi32>
        %add3A_333 = arith.constant 16 : i32
        %add3A_334 = vector.broadcast %add3A_333 : i32 to vector<16xi32>
        %add3A_335 = arith.addi %broadcast_in_dim3A_329, %add3A_334 : vector<16xi32>
        %select_n3A_336 = arith.select %lt3A_332, %add3A_335, %broadcast_in_dim3A_329 : vector<16xi1>, vector<16xi32>
        %broadcast_in_dim3A_337 = vector.shape_cast %select_n3A_336 : vector<16xi32> to vector<16x1xi32>
        %gather3A_338 = vector.shape_cast %broadcast_in_dim3A_337 : vector<16x1xi32> to vector<16xi32>
        %gather3A_339 = tpu.dynamic_gather %exp3A[%gather3A_338] in [0] : vector<16xf32>, vector<16xi32> -> vector<16xf32>
        %get3A_340 = arith.index_cast %add3A_258 : i32 to index
        %get3A_341 = arith.constant 64 : index
        %get3A_342 = tpu.vector_load %arg14[%get3A_340, %get3A_341] {strides = array<i32>} : memref<32x128xbf16, #tpu.memory_space<vmem>>, vector<32xbf16>,
        %bitcast3A_343 = vector.bitcast %get3A_342 : vector<32xbf16> to vector<16xi32>
        %shift_left3A_344 = arith.constant 16 : i32
        %shift_left3A_345 = vector.broadcast %shift_left3A_344 : i32 to vector<16xi32>
        %shift_left3A_346 = arith.shli %bitcast3A_343, %shift_left3A_345 : vector<16xi32>
        %bitcast3A_347 = vector.bitcast %shift_left3A_346 : vector<16xi32> to vector<16xf32>
        %and3A_348 = arith.constant -65536 : i32
        %and3A_349 = vector.broadcast %and3A_348 : i32 to vector<16xi32>
        %and3A_350 = arith.andi %bitcast3A_343, %and3A_349 : vector<16xi32>
        %bitcast3A_351 = vector.bitcast %and3A_350 : vector<16xi32> to vector<16xf32>
        %mul3A_352 = arith.mulf %bitcast3A_347, %gather3A_339 : vector<16xf32>
        %swap3A_353 = arith.index_cast %add3A_258 : i32 to index
        %swap3A_354 = arith.constant 64 : index
        %swap3A_355 = tpu.vector_load %arg15[%swap3A_353, %swap3A_354] {strides = array<i32>} : memref<32x128xf32, #tpu.memory_space<vmem>>, vector<16xf32>,
        tpu.vector_store %arg15[%swap3A_353, %swap3A_354], %mul3A_352 {strides = array<i32>} : memref<32x128xf32, #tpu.memory_space<vmem>>, vector<16xf32>,
        %mul3A_356 = arith.mulf %bitcast3A_351, %gather3A_339 : vector<16xf32>
        %swap3A_357 = arith.index_cast %add3A_258 : i32 to index
        %swap3A_358 = arith.constant 80 : index
        %swap3A_359 = tpu.vector_load %arg15[%swap3A_357, %swap3A_358] {strides = array<i32>} : memref<32x128xf32, #tpu.memory_space<vmem>>, vector<16xf32>,
        tpu.vector_store %arg15[%swap3A_357, %swap3A_358], %mul3A_356 {strides = array<i32>} : memref<32x128xf32, #tpu.memory_space<vmem>>, vector<16xf32>,
        %broadcast_in_dim3A_360 = arith.constant 3 : i32
        %broadcast_in_dim3A_361 = vector.broadcast %broadcast_in_dim3A_360 : i32 to vector<16xi32>
        %lt3A_362 = arith.constant 0 : i32
        %lt3A_363 = vector.broadcast %lt3A_362 : i32 to vector<16xi32>
        %lt3A_364 = arith.cmpi slt, %broadcast_in_dim3A_361, %lt3A_363 : vector<16xi32>
        %add3A_365 = arith.constant 16 : i32
        %add3A_366 = vector.broadcast %add3A_365 : i32 to vector<16xi32>
        %add3A_367 = arith.addi %broadcast_in_dim3A_361, %add3A_366 : vector<16xi32>
        %select_n3A_368 = arith.select %lt3A_364, %add3A_367, %broadcast_in_dim3A_361 : vector<16xi1>, vector<16xi32>
        %broadcast_in_dim3A_369 = vector.shape_cast %select_n3A_368 : vector<16xi32> to vector<16x1xi32>
        %gather3A_370 = vector.shape_cast %broadcast_in_dim3A_369 : vector<16x1xi32> to vector<16xi32>
        %gather3A_371 = tpu.dynamic_gather %exp3A[%gather3A_370] in [0] : vector<16xf32>, vector<16xi32> -> vector<16xf32>
        %get3A_372 = arith.index_cast %add3A_258 : i32 to index
        %get3A_373 = arith.constant 96 : index
        %get3A_374 = tpu.vector_load %arg14[%get3A_372, %get3A_373] {strides = array<i32>} : memref<32x128xbf16, #tpu.memory_space<vmem>>, vector<32xbf16>,
        %bitcast3A_375 = vector.bitcast %get3A_374 : vector<32xbf16> to vector<16xi32>
        %shift_left3A_376 = arith.constant 16 : i32
        %shift_left3A_377 = vector.broadcast %shift_left3A_376 : i32 to vector<16xi32>
        %shift_left3A_378 = arith.shli %bitcast3A_375, %shift_left3A_377 : vector<16xi32>
        %bitcast3A_379 = vector.bitcast %shift_left3A_378 : vector<16xi32> to vector<16xf32>
        %and3A_380 = arith.constant -65536 : i32
        %and3A_381 = vector.broadcast %and3A_380 : i32 to vector<16xi32>
        %and3A_382 = arith.andi %bitcast3A_375, %and3A_381 : vector<16xi32>
        %bitcast3A_383 = vector.bitcast %and3A_382 : vector<16xi32> to vector<16xf32>
        %mul3A_384 = arith.mulf %bitcast3A_379, %gather3A_371 : vector<16xf32>
        %swap3A_385 = arith.index_cast %add3A_258 : i32 to index
        %swap3A_386 = arith.constant 96 : index
        %swap3A_387 = tpu.vector_load %arg15[%swap3A_385, %swap3A_386] {strides = array<i32>} : memref<32x128xf32, #tpu.memory_space<vmem>>, vector<16xf32>,
        tpu.vector_store %arg15[%swap3A_385, %swap3A_386], %mul3A_384 {strides = array<i32>} : memref<32x128xf32, #tpu.memory_space<vmem>>, vector<16xf32>,
        %mul3A_388 = arith.mulf %bitcast3A_383, %gather3A_371 : vector<16xf32>
        %swap3A_389 = arith.index_cast %add3A_258 : i32 to index
        %swap3A_390 = arith.constant 112 : index
        %swap3A_391 = tpu.vector_load %arg15[%swap3A_389, %swap3A_390] {strides = array<i32>} : memref<32x128xf32, #tpu.memory_space<vmem>>, vector<16xf32>,
        tpu.vector_store %arg15[%swap3A_389, %swap3A_390], %mul3A_388 {strides = array<i32>} : memref<32x128xf32, #tpu.memory_space<vmem>>, vector<16xf32>,
      }
      %scan3A_189 = arith.constant 32 : i32
      %dma_start3A_190 = arith.constant 0 : i32
      %dma_start3A_191 = tpu.memref_slice %arg10[%add3A_144, %dma_start3A_190] : memref<328x32xi32, #tpu.memory_space<vmem>> -> memref<1x32xi32, #tpu.memory_space<vmem>>
      %dma_start3A_192 = tpu.memref_squeeze %dma_start3A_191 : memref<1x32xi32, #tpu.memory_space<vmem>> -> memref<32xi32, #tpu.memory_space<vmem>>
      %dma_start3A_193 = arith.constant 0 : i32
      %dma_start3A_194 = arith.constant 0 : i32
      %dma_start3A_195 = tpu.memref_slice %arg25[%dma_start3A_193, %dma_start3A_194] : memref<10016x128xf32, #tpu.memory_space<vmem_shared>> -> memref<10016x128xf32, #tpu.memory_space<vmem_shared>>
      tpu.enqueue_indirect_dma source(%arg15 : memref<32x128xf32, #tpu.memory_space<vmem>>) target(%dma_start3A_195 : memref<10016x128xf32, #tpu.memory_space<vmem_shared>>) offsets(%dma_start3A_192 : memref<32xi32, #tpu.memory_space<vmem>>) semaphore(%arg17 : memref<!tpu.dma_semaphore, #tpu.memory_space<semaphore_mem>>) {add = true}
      %dma_start3A_196 = arith.constant 0 : i32
      %dma_start3A_197 = tpu.memref_slice %arg10[%add3A_144, %dma_start3A_196] : memref<328x32xi32, #tpu.memory_space<vmem>> -> memref<1x32xi32, #tpu.memory_space<vmem>>
      %dma_start3A_198 = tpu.memref_squeeze %dma_start3A_197 : memref<1x32xi32, #tpu.memory_space<vmem>> -> memref<32xi32, #tpu.memory_space<vmem>>
      %dma_start3A_199 = arith.constant 0 : i32
      %dma_start3A_200 = arith.constant 0 : i32
      %dma_start3A_201 = tpu.memref_slice %arg26[%dma_start3A_199, %dma_start3A_200] : memref<10016x16xf32, #tpu.memory_space<vmem_shared>> -> memref<10016x16xf32, #tpu.memory_space<vmem_shared>>
      tpu.enqueue_indirect_dma source(%arg13 : memref<32x16xf32, #tpu.memory_space<vmem>>) target(%dma_start3A_201 : memref<10016x16xf32, #tpu.memory_space<vmem_shared>>) offsets(%dma_start3A_198 : memref<32xi32, #tpu.memory_space<vmem>>) semaphore(%arg17 : memref<!tpu.dma_semaphore, #tpu.memory_space<semaphore_mem>>) {add = true}
      %add3A_202 = arith.constant 2 : i32
      %add3A_203 = arith.addi %add3A_144, %add3A_202 : i32
      %lt3A = arith.constant 328 : i32
      %lt3A_204 = arith.cmpi slt, %add3A_203, %lt3A : i32
      %convert_element_type3A_205 = arith.extui %lt3A_204 : i1 to i32
      %cond3A_206 = arith.constant 0 : i32
      %cond3A_207 = arith.cmpi ne, %convert_element_type3A_205, %cond3A_206 : i32
      scf.if %cond3A_207 {
        %add3A_254 = arith.constant 2 : i32
        %add3A_255 = arith.addi %add3A_144, %add3A_254 : i32
        %dma_start3A_256 = arith.constant 0 : i32
        %dma_start3A_257 = tpu.memref_slice %arg9[%add3A_255, %dma_start3A_256] : memref<328x32xi32, #tpu.memory_space<vmem>> -> memref<1x32xi32, #tpu.memory_space<vmem>>
        %dma_start3A_258 = tpu.memref_squeeze %dma_start3A_257 : memref<1x32xi32, #tpu.memory_space<vmem>> -> memref<32xi32, #tpu.memory_space<vmem>>
        %dma_start3A_259 = arith.constant 0 : i32
        %dma_start3A_260 = arith.constant 0 : i32
        %dma_start3A_261 = tpu.memref_slice %arg3[%dma_start3A_259, %dma_start3A_260] : memref<10240x16xf32, #tpu.memory_space<hbm>> -> memref<10240x16xf32, #tpu.memory_space<hbm>>
        tpu.enqueue_indirect_dma source(%dma_start3A_261 : memref<10240x16xf32, #tpu.memory_space<hbm>>) target(%arg11 : memref<32x16xf32, #tpu.memory_space<vmem>>) offsets(%dma_start3A_258 : memref<32xi32, #tpu.memory_space<vmem>>) semaphore(%arg16 : memref<!tpu.dma_semaphore, #tpu.memory_space<semaphore_mem>>)
        %dma_start3A_262 = arith.constant 0 : i32
        %dma_start3A_263 = tpu.memref_slice %arg10[%add3A_255, %dma_start3A_262] : memref<328x32xi32, #tpu.memory_space<vmem>> -> memref<1x32xi32, #tpu.memory_space<vmem>>
        %dma_start3A_264 = tpu.memref_squeeze %dma_start3A_263 : memref<1x32xi32, #tpu.memory_space<vmem>> -> memref<32xi32, #tpu.memory_space<vmem>>
        %dma_start3A_265 = arith.constant 0 : i32
        %dma_start3A_266 = arith.constant 0 : i32
        %dma_start3A_267 = tpu.memref_slice %arg4[%dma_start3A_265, %dma_start3A_266] : memref<10240x16xf32, #tpu.memory_space<hbm>> -> memref<10240x16xf32, #tpu.memory_space<hbm>>
        tpu.enqueue_indirect_dma source(%dma_start3A_267 : memref<10240x16xf32, #tpu.memory_space<hbm>>) target(%arg12 : memref<32x16xf32, #tpu.memory_space<vmem>>) offsets(%dma_start3A_264 : memref<32xi32, #tpu.memory_space<vmem>>) semaphore(%arg16 : memref<!tpu.dma_semaphore, #tpu.memory_space<semaphore_mem>>)
        %dma_start3A_268 = arith.constant 0 : i32
        %dma_start3A_269 = tpu.memref_slice %arg9[%add3A_255, %dma_start3A_268] : memref<328x32xi32, #tpu.memory_space<vmem>> -> memref<1x32xi32, #tpu.memory_space<vmem>>
        %dma_start3A_270 = tpu.memref_squeeze %dma_start3A_269 : memref<1x32xi32, #tpu.memory_space<vmem>> -> memref<32xi32, #tpu.memory_space<vmem>>
        %dma_start3A_271 = arith.constant 0 : i32
        %dma_start3A_272 = arith.constant 0 : i32
        %dma_start3A_273 = tpu.memref_slice %arg2[%dma_start3A_271, %dma_start3A_272] : memref<10240x128xbf16, #tpu.memory_space<hbm>> -> memref<10240x128xbf16, #tpu.memory_space<hbm>>
        tpu.enqueue_indirect_dma source(%dma_start3A_273 : memref<10240x128xbf16, #tpu.memory_space<hbm>>) target(%arg14 : memref<32x128xbf16, #tpu.memory_space<vmem>>) offsets(%dma_start3A_270 : memref<32xi32, #tpu.memory_space<vmem>>) semaphore(%arg16 : memref<!tpu.dma_semaphore, #tpu.memory_space<semaphore_mem>>)
      } else {
      }
      %ge3A_208 = arith.constant 2 : i32
      %ge3A_209 = arith.cmpi sge, %add3A_144, %ge3A_208 : i32
      %convert_element_type3A_210 = arith.extui %ge3A_209 : i1 to i32
      %cond3A_211 = arith.constant 0 : i32
      %cond3A_212 = arith.cmpi ne, %convert_element_type3A_210, %cond3A_211 : i32
      scf.if %cond3A_212 {
        %sub3A = arith.constant 1 : i32
        %sub3A_254 = arith.subi %add3A_144, %sub3A : i32
        %dma_wait3A_255 = arith.constant 0 : i32
        %dma_wait3A_256 = tpu.memref_slice %arg10[%sub3A_254, %dma_wait3A_255] : memref<328x32xi32, #tpu.memory_space<vmem>> -> memref<1x32xi32, #tpu.memory_space<vmem>>
        %dma_wait3A_257 = tpu.memref_squeeze %dma_wait3A_256 : memref<1x32xi32, #tpu.memory_space<vmem>> -> memref<32xi32, #tpu.memory_space<vmem>>
        %dma_wait3A_258 = arith.constant 0 : i32
        %dma_wait3A_259 = arith.constant 0 : i32
        %dma_wait3A_260 = tpu.memref_slice %arg25[%dma_wait3A_258, %dma_wait3A_259] : memref<10016x128xf32, #tpu.memory_space<vmem_shared>> -> memref<10016x128xf32, #tpu.memory_space<vmem_shared>>
        tpu.wait_indirect_dma semaphore(%arg24 : memref<!tpu.dma_semaphore, #tpu.memory_space<semaphore_mem>>) src(%arg22 : memref<32x128xf32, #tpu.memory_space<vmem>>) dst(%dma_wait3A_260 : memref<10016x128xf32, #tpu.memory_space<vmem_shared>>)
        %dma_wait3A_261 = arith.constant 0 : i32
        %dma_wait3A_262 = tpu.memref_slice %arg10[%sub3A_254, %dma_wait3A_261] : memref<328x32xi32, #tpu.memory_space<vmem>> -> memref<1x32xi32, #tpu.memory_space<vmem>>
        %dma_wait3A_263 = tpu.memref_squeeze %dma_wait3A_262 : memref<1x32xi32, #tpu.memory_space<vmem>> -> memref<32xi32, #tpu.memory_space<vmem>>
        %dma_wait3A_264 = arith.constant 0 : i32
        %dma_wait3A_265 = arith.constant 0 : i32
        %dma_wait3A_266 = tpu.memref_slice %arg26[%dma_wait3A_264, %dma_wait3A_265] : memref<10016x16xf32, #tpu.memory_space<vmem_shared>> -> memref<10016x16xf32, #tpu.memory_space<vmem_shared>>
        tpu.wait_indirect_dma semaphore(%arg24 : memref<!tpu.dma_semaphore, #tpu.memory_space<semaphore_mem>>) src(%arg20 : memref<32x16xf32, #tpu.memory_space<vmem>>) dst(%dma_wait3A_266 : memref<10016x16xf32, #tpu.memory_space<vmem_shared>>)
      } else {
      }
      %add3A_213 = arith.constant 1 : i32
      %add3A_214 = arith.addi %add3A_144, %add3A_213 : i32
      %dma_wait3A_215 = arith.constant 0 : i32
      %dma_wait3A_216 = tpu.memref_slice %arg9[%add3A_214, %dma_wait3A_215] : memref<328x32xi32, #tpu.memory_space<vmem>> -> memref<1x32xi32, #tpu.memory_space<vmem>>
      %dma_wait3A_217 = tpu.memref_squeeze %dma_wait3A_216 : memref<1x32xi32, #tpu.memory_space<vmem>> -> memref<32xi32, #tpu.memory_space<vmem>>
      %dma_wait3A_218 = arith.constant 0 : i32
      %dma_wait3A_219 = arith.constant 0 : i32
      %dma_wait3A_220 = tpu.memref_slice %arg3[%dma_wait3A_218, %dma_wait3A_219] : memref<10240x16xf32, #tpu.memory_space<hbm>> -> memref<10240x16xf32, #tpu.memory_space<hbm>>
      tpu.wait_indirect_dma semaphore(%arg23 : memref<!tpu.dma_semaphore, #tpu.memory_space<semaphore_mem>>) src(%dma_wait3A_220 : memref<10240x16xf32, #tpu.memory_space<hbm>>) dst(%arg18 : memref<32x16xf32, #tpu.memory_space<vmem>>)
      %dma_wait3A_221 = arith.constant 0 : i32
      %dma_wait3A_222 = tpu.memref_slice %arg10[%add3A_214, %dma_wait3A_221] : memref<328x32xi32, #tpu.memory_space<vmem>> -> memref<1x32xi32, #tpu.memory_space<vmem>>
      %dma_wait3A_223 = tpu.memref_squeeze %dma_wait3A_222 : memref<1x32xi32, #tpu.memory_space<vmem>> -> memref<32xi32, #tpu.memory_space<vmem>>
      %dma_wait3A_224 = arith.constant 0 : i32
      %dma_wait3A_225 = arith.constant 0 : i32
      %dma_wait3A_226 = tpu.memref_slice %arg4[%dma_wait3A_224, %dma_wait3A_225] : memref<10240x16xf32, #tpu.memory_space<hbm>> -> memref<10240x16xf32, #tpu.memory_space<hbm>>
      tpu.wait_indirect_dma semaphore(%arg23 : memref<!tpu.dma_semaphore, #tpu.memory_space<semaphore_mem>>) src(%dma_wait3A_226 : memref<10240x16xf32, #tpu.memory_space<hbm>>) dst(%arg19 : memref<32x16xf32, #tpu.memory_space<vmem>>)
      %dma_wait3A_227 = arith.constant 0 : i32
      %dma_wait3A_228 = tpu.memref_slice %arg9[%add3A_214, %dma_wait3A_227] : memref<328x32xi32, #tpu.memory_space<vmem>> -> memref<1x32xi32, #tpu.memory_space<vmem>>
      %dma_wait3A_229 = tpu.memref_squeeze %dma_wait3A_228 : memref<1x32xi32, #tpu.memory_space<vmem>> -> memref<32xi32, #tpu.memory_space<vmem>>
      %dma_wait3A_230 = arith.constant 0 : i32
      %dma_wait3A_231 = arith.constant 0 : i32
      %dma_wait3A_232 = tpu.memref_slice %arg2[%dma_wait3A_230, %dma_wait3A_231] : memref<10240x128xbf16, #tpu.memory_space<hbm>> -> memref<10240x128xbf16, #tpu.memory_space<hbm>>
      tpu.wait_indirect_dma semaphore(%arg23 : memref<!tpu.dma_semaphore, #tpu.memory_space<semaphore_mem>>) src(%dma_wait3A_232 : memref<10240x128xbf16, #tpu.memory_space<hbm>>) dst(%arg21 : memref<32x128xbf16, #tpu.memory_space<vmem>>)
      %add3A_233 = arith.constant 1 : i32
      %add3A_234 = arith.addi %add3A_144, %add3A_233 : i32
      %scan3A_235 = arith.constant 0 : i32
      %scan3A_236 = arith.constant 32 : i32
      %scan3A_237 = arith.addi %scan3A_235, %scan3A_236 : i32
      %scan3A_238 = arith.constant 1 : i32
      scf.for %scan3A_254 = %scan3A_235 to %scan3A_237 step %scan3A_238  : i32 {
        %mul3A_255 = arith.constant 1 : i32
        %mul3A_256 = arith.muli %scan3A_254, %mul3A_255 : i32
        %add3A_257 = arith.constant 0 : i32
        %add3A_258 = arith.addi %add3A_257, %mul3A_256 : i32
        %get3A = arith.index_cast %add3A_258 : i32 to index
        %get3A_259 = arith.constant 0 : index
        %get3A_260 = tpu.vector_load %arg18[%get3A, %get3A_259] {strides = array<i32>} : memref<32x16xf32, #tpu.memory_space<vmem>>, vector<16xf32>,
        %get3A_261 = arith.index_cast %add3A_258 : i32 to index
        %get3A_262 = arith.constant 0 : index
        %get3A_263 = tpu.vector_load %arg19[%get3A_261, %get3A_262] {strides = array<i32>} : memref<32x16xf32, #tpu.memory_space<vmem>>, vector<16xf32>,
        %add3A_264 = arith.addf %get3A_260, %get3A_263 : vector<16xf32>
        %mul3A_265 = arith.constant 2.000000e-01 : f32
        %mul3A_266 = vector.broadcast %mul3A_265 : f32 to vector<16xf32>
        %mul3A_267 = arith.mulf %mul3A_266, %add3A_264 : vector<16xf32>
        %max3A = arith.maximumf %add3A_264, %mul3A_267 : vector<16xf32>
        %exp3A = math.exp %max3A : vector<16xf32>
        %swap3A = arith.index_cast %add3A_258 : i32 to index
        %swap3A_268 = arith.constant 0 : index
        %swap3A_269 = tpu.vector_load %arg20[%swap3A, %swap3A_268] {strides = array<i32>} : memref<32x16xf32, #tpu.memory_space<vmem>>, vector<16xf32>,
        tpu.vector_store %arg20[%swap3A, %swap3A_268], %exp3A {strides = array<i32>} : memref<32x16xf32, #tpu.memory_space<vmem>>, vector<16xf32>,
        %broadcast_in_dim3A = arith.constant 0 : i32
        %broadcast_in_dim3A_270 = vector.broadcast %broadcast_in_dim3A : i32 to vector<16xi32>
        %lt3A_271 = arith.constant 0 : i32
        %lt3A_272 = vector.broadcast %lt3A_271 : i32 to vector<16xi32>
        %lt3A_273 = arith.cmpi slt, %broadcast_in_dim3A_270, %lt3A_272 : vector<16xi32>
        %add3A_274 = arith.constant 16 : i32
        %add3A_275 = vector.broadcast %add3A_274 : i32 to vector<16xi32>
        %add3A_276 = arith.addi %broadcast_in_dim3A_270, %add3A_275 : vector<16xi32>
        %select_n3A = arith.select %lt3A_273, %add3A_276, %broadcast_in_dim3A_270 : vector<16xi1>, vector<16xi32>
        %broadcast_in_dim3A_277 = vector.shape_cast %select_n3A : vector<16xi32> to vector<16x1xi32>
        %gather3A = vector.shape_cast %broadcast_in_dim3A_277 : vector<16x1xi32> to vector<16xi32>
        %gather3A_278 = tpu.dynamic_gather %exp3A[%gather3A] in [0] : vector<16xf32>, vector<16xi32> -> vector<16xf32>
        %get3A_279 = arith.index_cast %add3A_258 : i32 to index
        %get3A_280 = arith.constant 0 : index
        %get3A_281 = tpu.vector_load %arg21[%get3A_279, %get3A_280] {strides = array<i32>} : memref<32x128xbf16, #tpu.memory_space<vmem>>, vector<32xbf16>,
        %bitcast3A = vector.bitcast %get3A_281 : vector<32xbf16> to vector<16xi32>
        %shift_left3A = arith.constant 16 : i32
        %shift_left3A_282 = vector.broadcast %shift_left3A : i32 to vector<16xi32>
        %shift_left3A_283 = arith.shli %bitcast3A, %shift_left3A_282 : vector<16xi32>
        %bitcast3A_284 = vector.bitcast %shift_left3A_283 : vector<16xi32> to vector<16xf32>
        %and3A = arith.constant -65536 : i32
        %and3A_285 = vector.broadcast %and3A : i32 to vector<16xi32>
        %and3A_286 = arith.andi %bitcast3A, %and3A_285 : vector<16xi32>
        %bitcast3A_287 = vector.bitcast %and3A_286 : vector<16xi32> to vector<16xf32>
        %mul3A_288 = arith.mulf %bitcast3A_284, %gather3A_278 : vector<16xf32>
        %swap3A_289 = arith.index_cast %add3A_258 : i32 to index
        %swap3A_290 = arith.constant 0 : index
        %swap3A_291 = tpu.vector_load %arg22[%swap3A_289, %swap3A_290] {strides = array<i32>} : memref<32x128xf32, #tpu.memory_space<vmem>>, vector<16xf32>,
        tpu.vector_store %arg22[%swap3A_289, %swap3A_290], %mul3A_288 {strides = array<i32>} : memref<32x128xf32, #tpu.memory_space<vmem>>, vector<16xf32>,
        %mul3A_292 = arith.mulf %bitcast3A_287, %gather3A_278 : vector<16xf32>
        %swap3A_293 = arith.index_cast %add3A_258 : i32 to index
        %swap3A_294 = arith.constant 16 : index
        %swap3A_295 = tpu.vector_load %arg22[%swap3A_293, %swap3A_294] {strides = array<i32>} : memref<32x128xf32, #tpu.memory_space<vmem>>, vector<16xf32>,
        tpu.vector_store %arg22[%swap3A_293, %swap3A_294], %mul3A_292 {strides = array<i32>} : memref<32x128xf32, #tpu.memory_space<vmem>>, vector<16xf32>,
        %broadcast_in_dim3A_296 = arith.constant 1 : i32
        %broadcast_in_dim3A_297 = vector.broadcast %broadcast_in_dim3A_296 : i32 to vector<16xi32>
        %lt3A_298 = arith.constant 0 : i32
        %lt3A_299 = vector.broadcast %lt3A_298 : i32 to vector<16xi32>
        %lt3A_300 = arith.cmpi slt, %broadcast_in_dim3A_297, %lt3A_299 : vector<16xi32>
        %add3A_301 = arith.constant 16 : i32
        %add3A_302 = vector.broadcast %add3A_301 : i32 to vector<16xi32>
        %add3A_303 = arith.addi %broadcast_in_dim3A_297, %add3A_302 : vector<16xi32>
        %select_n3A_304 = arith.select %lt3A_300, %add3A_303, %broadcast_in_dim3A_297 : vector<16xi1>, vector<16xi32>
        %broadcast_in_dim3A_305 = vector.shape_cast %select_n3A_304 : vector<16xi32> to vector<16x1xi32>
        %gather3A_306 = vector.shape_cast %broadcast_in_dim3A_305 : vector<16x1xi32> to vector<16xi32>
        %gather3A_307 = tpu.dynamic_gather %exp3A[%gather3A_306] in [0] : vector<16xf32>, vector<16xi32> -> vector<16xf32>
        %get3A_308 = arith.index_cast %add3A_258 : i32 to index
        %get3A_309 = arith.constant 32 : index
        %get3A_310 = tpu.vector_load %arg21[%get3A_308, %get3A_309] {strides = array<i32>} : memref<32x128xbf16, #tpu.memory_space<vmem>>, vector<32xbf16>,
        %bitcast3A_311 = vector.bitcast %get3A_310 : vector<32xbf16> to vector<16xi32>
        %shift_left3A_312 = arith.constant 16 : i32
        %shift_left3A_313 = vector.broadcast %shift_left3A_312 : i32 to vector<16xi32>
        %shift_left3A_314 = arith.shli %bitcast3A_311, %shift_left3A_313 : vector<16xi32>
        %bitcast3A_315 = vector.bitcast %shift_left3A_314 : vector<16xi32> to vector<16xf32>
        %and3A_316 = arith.constant -65536 : i32
        %and3A_317 = vector.broadcast %and3A_316 : i32 to vector<16xi32>
        %and3A_318 = arith.andi %bitcast3A_311, %and3A_317 : vector<16xi32>
        %bitcast3A_319 = vector.bitcast %and3A_318 : vector<16xi32> to vector<16xf32>
        %mul3A_320 = arith.mulf %bitcast3A_315, %gather3A_307 : vector<16xf32>
        %swap3A_321 = arith.index_cast %add3A_258 : i32 to index
        %swap3A_322 = arith.constant 32 : index
        %swap3A_323 = tpu.vector_load %arg22[%swap3A_321, %swap3A_322] {strides = array<i32>} : memref<32x128xf32, #tpu.memory_space<vmem>>, vector<16xf32>,
        tpu.vector_store %arg22[%swap3A_321, %swap3A_322], %mul3A_320 {strides = array<i32>} : memref<32x128xf32, #tpu.memory_space<vmem>>, vector<16xf32>,
        %mul3A_324 = arith.mulf %bitcast3A_319, %gather3A_307 : vector<16xf32>
        %swap3A_325 = arith.index_cast %add3A_258 : i32 to index
        %swap3A_326 = arith.constant 48 : index
        %swap3A_327 = tpu.vector_load %arg22[%swap3A_325, %swap3A_326] {strides = array<i32>} : memref<32x128xf32, #tpu.memory_space<vmem>>, vector<16xf32>,
        tpu.vector_store %arg22[%swap3A_325, %swap3A_326], %mul3A_324 {strides = array<i32>} : memref<32x128xf32, #tpu.memory_space<vmem>>, vector<16xf32>,
        %broadcast_in_dim3A_328 = arith.constant 2 : i32
        %broadcast_in_dim3A_329 = vector.broadcast %broadcast_in_dim3A_328 : i32 to vector<16xi32>
        %lt3A_330 = arith.constant 0 : i32
        %lt3A_331 = vector.broadcast %lt3A_330 : i32 to vector<16xi32>
        %lt3A_332 = arith.cmpi slt, %broadcast_in_dim3A_329, %lt3A_331 : vector<16xi32>
        %add3A_333 = arith.constant 16 : i32
        %add3A_334 = vector.broadcast %add3A_333 : i32 to vector<16xi32>
        %add3A_335 = arith.addi %broadcast_in_dim3A_329, %add3A_334 : vector<16xi32>
        %select_n3A_336 = arith.select %lt3A_332, %add3A_335, %broadcast_in_dim3A_329 : vector<16xi1>, vector<16xi32>
        %broadcast_in_dim3A_337 = vector.shape_cast %select_n3A_336 : vector<16xi32> to vector<16x1xi32>
        %gather3A_338 = vector.shape_cast %broadcast_in_dim3A_337 : vector<16x1xi32> to vector<16xi32>
        %gather3A_339 = tpu.dynamic_gather %exp3A[%gather3A_338] in [0] : vector<16xf32>, vector<16xi32> -> vector<16xf32>
        %get3A_340 = arith.index_cast %add3A_258 : i32 to index
        %get3A_341 = arith.constant 64 : index
        %get3A_342 = tpu.vector_load %arg21[%get3A_340, %get3A_341] {strides = array<i32>} : memref<32x128xbf16, #tpu.memory_space<vmem>>, vector<32xbf16>,
        %bitcast3A_343 = vector.bitcast %get3A_342 : vector<32xbf16> to vector<16xi32>
        %shift_left3A_344 = arith.constant 16 : i32
        %shift_left3A_345 = vector.broadcast %shift_left3A_344 : i32 to vector<16xi32>
        %shift_left3A_346 = arith.shli %bitcast3A_343, %shift_left3A_345 : vector<16xi32>
        %bitcast3A_347 = vector.bitcast %shift_left3A_346 : vector<16xi32> to vector<16xf32>
        %and3A_348 = arith.constant -65536 : i32
        %and3A_349 = vector.broadcast %and3A_348 : i32 to vector<16xi32>
        %and3A_350 = arith.andi %bitcast3A_343, %and3A_349 : vector<16xi32>
        %bitcast3A_351 = vector.bitcast %and3A_350 : vector<16xi32> to vector<16xf32>
        %mul3A_352 = arith.mulf %bitcast3A_347, %gather3A_339 : vector<16xf32>
        %swap3A_353 = arith.index_cast %add3A_258 : i32 to index
        %swap3A_354 = arith.constant 64 : index
        %swap3A_355 = tpu.vector_load %arg22[%swap3A_353, %swap3A_354] {strides = array<i32>} : memref<32x128xf32, #tpu.memory_space<vmem>>, vector<16xf32>,
        tpu.vector_store %arg22[%swap3A_353, %swap3A_354], %mul3A_352 {strides = array<i32>} : memref<32x128xf32, #tpu.memory_space<vmem>>, vector<16xf32>,
        %mul3A_356 = arith.mulf %bitcast3A_351, %gather3A_339 : vector<16xf32>
        %swap3A_357 = arith.index_cast %add3A_258 : i32 to index
        %swap3A_358 = arith.constant 80 : index
        %swap3A_359 = tpu.vector_load %arg22[%swap3A_357, %swap3A_358] {strides = array<i32>} : memref<32x128xf32, #tpu.memory_space<vmem>>, vector<16xf32>,
        tpu.vector_store %arg22[%swap3A_357, %swap3A_358], %mul3A_356 {strides = array<i32>} : memref<32x128xf32, #tpu.memory_space<vmem>>, vector<16xf32>,
        %broadcast_in_dim3A_360 = arith.constant 3 : i32
        %broadcast_in_dim3A_361 = vector.broadcast %broadcast_in_dim3A_360 : i32 to vector<16xi32>
        %lt3A_362 = arith.constant 0 : i32
        %lt3A_363 = vector.broadcast %lt3A_362 : i32 to vector<16xi32>
        %lt3A_364 = arith.cmpi slt, %broadcast_in_dim3A_361, %lt3A_363 : vector<16xi32>
        %add3A_365 = arith.constant 16 : i32
        %add3A_366 = vector.broadcast %add3A_365 : i32 to vector<16xi32>
        %add3A_367 = arith.addi %broadcast_in_dim3A_361, %add3A_366 : vector<16xi32>
        %select_n3A_368 = arith.select %lt3A_364, %add3A_367, %broadcast_in_dim3A_361 : vector<16xi1>, vector<16xi32>
        %broadcast_in_dim3A_369 = vector.shape_cast %select_n3A_368 : vector<16xi32> to vector<16x1xi32>
        %gather3A_370 = vector.shape_cast %broadcast_in_dim3A_369 : vector<16x1xi32> to vector<16xi32>
        %gather3A_371 = tpu.dynamic_gather %exp3A[%gather3A_370] in [0] : vector<16xf32>, vector<16xi32> -> vector<16xf32>
        %get3A_372 = arith.index_cast %add3A_258 : i32 to index
        %get3A_373 = arith.constant 96 : index
        %get3A_374 = tpu.vector_load %arg21[%get3A_372, %get3A_373] {strides = array<i32>} : memref<32x128xbf16, #tpu.memory_space<vmem>>, vector<32xbf16>,
        %bitcast3A_375 = vector.bitcast %get3A_374 : vector<32xbf16> to vector<16xi32>
        %shift_left3A_376 = arith.constant 16 : i32
        %shift_left3A_377 = vector.broadcast %shift_left3A_376 : i32 to vector<16xi32>
        %shift_left3A_378 = arith.shli %bitcast3A_375, %shift_left3A_377 : vector<16xi32>
        %bitcast3A_379 = vector.bitcast %shift_left3A_378 : vector<16xi32> to vector<16xf32>
        %and3A_380 = arith.constant -65536 : i32
        %and3A_381 = vector.broadcast %and3A_380 : i32 to vector<16xi32>
        %and3A_382 = arith.andi %bitcast3A_375, %and3A_381 : vector<16xi32>
        %bitcast3A_383 = vector.bitcast %and3A_382 : vector<16xi32> to vector<16xf32>
        %mul3A_384 = arith.mulf %bitcast3A_379, %gather3A_371 : vector<16xf32>
        %swap3A_385 = arith.index_cast %add3A_258 : i32 to index
        %swap3A_386 = arith.constant 96 : index
        %swap3A_387 = tpu.vector_load %arg22[%swap3A_385, %swap3A_386] {strides = array<i32>} : memref<32x128xf32, #tpu.memory_space<vmem>>, vector<16xf32>,
        tpu.vector_store %arg22[%swap3A_385, %swap3A_386], %mul3A_384 {strides = array<i32>} : memref<32x128xf32, #tpu.memory_space<vmem>>, vector<16xf32>,
        %mul3A_388 = arith.mulf %bitcast3A_383, %gather3A_371 : vector<16xf32>
        %swap3A_389 = arith.index_cast %add3A_258 : i32 to index
        %swap3A_390 = arith.constant 112 : index
        %swap3A_391 = tpu.vector_load %arg22[%swap3A_389, %swap3A_390] {strides = array<i32>} : memref<32x128xf32, #tpu.memory_space<vmem>>, vector<16xf32>,
        tpu.vector_store %arg22[%swap3A_389, %swap3A_390], %mul3A_388 {strides = array<i32>} : memref<32x128xf32, #tpu.memory_space<vmem>>, vector<16xf32>,
      }
      %scan3A_239 = arith.constant 32 : i32
      %add3A_240 = arith.constant 1 : i32
      %add3A_241 = arith.addi %add3A_144, %add3A_240 : i32
      %dma_start3A_242 = arith.constant 0 : i32
      %dma_start3A_243 = tpu.memref_slice %arg10[%add3A_241, %dma_start3A_242] : memref<328x32xi32, #tpu.memory_space<vmem>> -> memref<1x32xi32, #tpu.memory_space<vmem>>
      %dma_start3A_244 = tpu.memref_squeeze %dma_start3A_243 : memref<1x32xi32, #tpu.memory_space<vmem>> -> memref<32xi32, #tpu.memory_space<vmem>>
      %dma_start3A_245 = arith.constant 0 : i32
      %dma_start3A_246 = arith.constant 0 : i32
      %dma_start3A_247 = tpu.memref_slice %arg25[%dma_start3A_245, %dma_start3A_246] : memref<10016x128xf32, #tpu.memory_space<vmem_shared>> -> memref<10016x128xf32, #tpu.memory_space<vmem_shared>>
      tpu.enqueue_indirect_dma source(%arg22 : memref<32x128xf32, #tpu.memory_space<vmem>>) target(%dma_start3A_247 : memref<10016x128xf32, #tpu.memory_space<vmem_shared>>) offsets(%dma_start3A_244 : memref<32xi32, #tpu.memory_space<vmem>>) semaphore(%arg24 : memref<!tpu.dma_semaphore, #tpu.memory_space<semaphore_mem>>) {add = true}
      %dma_start3A_248 = arith.constant 0 : i32
      %dma_start3A_249 = tpu.memref_slice %arg10[%add3A_241, %dma_start3A_248] : memref<328x32xi32, #tpu.memory_space<vmem>> -> memref<1x32xi32, #tpu.memory_space<vmem>>
      %dma_start3A_250 = tpu.memref_squeeze %dma_start3A_249 : memref<1x32xi32, #tpu.memory_space<vmem>> -> memref<32xi32, #tpu.memory_space<vmem>>
      %dma_start3A_251 = arith.constant 0 : i32
      %dma_start3A_252 = arith.constant 0 : i32
      %dma_start3A_253 = tpu.memref_slice %arg26[%dma_start3A_251, %dma_start3A_252] : memref<10016x16xf32, #tpu.memory_space<vmem_shared>> -> memref<10016x16xf32, #tpu.memory_space<vmem_shared>>
      tpu.enqueue_indirect_dma source(%arg20 : memref<32x16xf32, #tpu.memory_space<vmem>>) target(%dma_start3A_253 : memref<10016x16xf32, #tpu.memory_space<vmem_shared>>) offsets(%dma_start3A_250 : memref<32xi32, #tpu.memory_space<vmem>>) semaphore(%arg24 : memref<!tpu.dma_semaphore, #tpu.memory_space<semaphore_mem>>) {add = true}
    }
    %scan3A_111 = arith.constant 164 : i32
    %dma_wait3A = arith.constant 326 : i32
    %dma_wait3A_112 = arith.constant 0 : i32
    %dma_wait3A_113 = tpu.memref_slice %arg10[%dma_wait3A, %dma_wait3A_112] : memref<328x32xi32, #tpu.memory_space<vmem>> -> memref<1x32xi32, #tpu.memory_space<vmem>>
    %dma_wait3A_114 = tpu.memref_squeeze %dma_wait3A_113 : memref<1x32xi32, #tpu.memory_space<vmem>> -> memref<32xi32, #tpu.memory_space<vmem>>
    %dma_wait3A_115 = arith.constant 0 : i32
    %dma_wait3A_116 = arith.constant 0 : i32
    %dma_wait3A_117 = tpu.memref_slice %arg25[%dma_wait3A_115, %dma_wait3A_116] : memref<10016x128xf32, #tpu.memory_space<vmem_shared>> -> memref<10016x128xf32, #tpu.memory_space<vmem_shared>>
    tpu.wait_indirect_dma semaphore(%arg17 : memref<!tpu.dma_semaphore, #tpu.memory_space<semaphore_mem>>) src(%arg15 : memref<32x128xf32, #tpu.memory_space<vmem>>) dst(%dma_wait3A_117 : memref<10016x128xf32, #tpu.memory_space<vmem_shared>>)
    %dma_wait3A_118 = arith.constant 326 : i32
    %dma_wait3A_119 = arith.constant 0 : i32
    %dma_wait3A_120 = tpu.memref_slice %arg10[%dma_wait3A_118, %dma_wait3A_119] : memref<328x32xi32, #tpu.memory_space<vmem>> -> memref<1x32xi32, #tpu.memory_space<vmem>>
    %dma_wait3A_121 = tpu.memref_squeeze %dma_wait3A_120 : memref<1x32xi32, #tpu.memory_space<vmem>> -> memref<32xi32, #tpu.memory_space<vmem>>
    %dma_wait3A_122 = arith.constant 0 : i32
    %dma_wait3A_123 = arith.constant 0 : i32
    %dma_wait3A_124 = tpu.memref_slice %arg26[%dma_wait3A_122, %dma_wait3A_123] : memref<10016x16xf32, #tpu.memory_space<vmem_shared>> -> memref<10016x16xf32, #tpu.memory_space<vmem_shared>>
    tpu.wait_indirect_dma semaphore(%arg17 : memref<!tpu.dma_semaphore, #tpu.memory_space<semaphore_mem>>) src(%arg13 : memref<32x16xf32, #tpu.memory_space<vmem>>) dst(%dma_wait3A_124 : memref<10016x16xf32, #tpu.memory_space<vmem_shared>>)
    %dma_wait3A_125 = arith.constant 327 : i32
    %dma_wait3A_126 = arith.constant 0 : i32
    %dma_wait3A_127 = tpu.memref_slice %arg10[%dma_wait3A_125, %dma_wait3A_126] : memref<328x32xi32, #tpu.memory_space<vmem>> -> memref<1x32xi32, #tpu.memory_space<vmem>>
    %dma_wait3A_128 = tpu.memref_squeeze %dma_wait3A_127 : memref<1x32xi32, #tpu.memory_space<vmem>> -> memref<32xi32, #tpu.memory_space<vmem>>
    %dma_wait3A_129 = arith.constant 0 : i32
    %dma_wait3A_130 = arith.constant 0 : i32
    %dma_wait3A_131 = tpu.memref_slice %arg25[%dma_wait3A_129, %dma_wait3A_130] : memref<10016x128xf32, #tpu.memory_space<vmem_shared>> -> memref<10016x128xf32, #tpu.memory_space<vmem_shared>>
    tpu.wait_indirect_dma semaphore(%arg24 : memref<!tpu.dma_semaphore, #tpu.memory_space<semaphore_mem>>) src(%arg22 : memref<32x128xf32, #tpu.memory_space<vmem>>) dst(%dma_wait3A_131 : memref<10016x128xf32, #tpu.memory_space<vmem_shared>>)
    %dma_wait3A_132 = arith.constant 327 : i32
    %dma_wait3A_133 = arith.constant 0 : i32
    %dma_wait3A_134 = tpu.memref_slice %arg10[%dma_wait3A_132, %dma_wait3A_133] : memref<328x32xi32, #tpu.memory_space<vmem>> -> memref<1x32xi32, #tpu.memory_space<vmem>>
    %dma_wait3A_135 = tpu.memref_squeeze %dma_wait3A_134 : memref<1x32xi32, #tpu.memory_space<vmem>> -> memref<32xi32, #tpu.memory_space<vmem>>
    %dma_wait3A_136 = arith.constant 0 : i32
    %dma_wait3A_137 = arith.constant 0 : i32
    %dma_wait3A_138 = tpu.memref_slice %arg26[%dma_wait3A_136, %dma_wait3A_137] : memref<10016x16xf32, #tpu.memory_space<vmem_shared>> -> memref<10016x16xf32, #tpu.memory_space<vmem_shared>>
    tpu.wait_indirect_dma semaphore(%arg24 : memref<!tpu.dma_semaphore, #tpu.memory_space<semaphore_mem>>) src(%arg20 : memref<32x16xf32, #tpu.memory_space<vmem>>) dst(%dma_wait3A_138 : memref<10016x16xf32, #tpu.memory_space<vmem_shared>>)
    %barrier3A_139 = arith.constant 0 : index
    tpu.barrier barrier_id(%barrier3A_139)
    "tpu.region"() ({
      %run_scoped3A = tpu.sem_alloc : memref<!tpu.dma_semaphore, #tpu.memory_space<semaphore_mem>>
      %dma_start3A_140 = arith.constant 0 : i32
      %dma_start3A_141 = tpu.memref_slice %arg7[%arg0, %mul3A_6, %dma_start3A_140] : memref<2x10240x128xf32, #tpu.memory_space<hbm>> -> memref<1x626x128xf32, #tpu.memory_space<hbm>>
      %dma_start3A_142 = tpu.memref_squeeze %dma_start3A_141 : memref<1x626x128xf32, #tpu.memory_space<hbm>> -> memref<626x128xf32, #tpu.memory_space<hbm>>
      %dma_start3A_143 = arith.constant 0 : i32
      %dma_start3A_144 = tpu.memref_slice %arg25[%mul3A_6, %dma_start3A_143] : memref<10016x128xf32, #tpu.memory_space<vmem_shared>> -> memref<626x128xf32, #tpu.memory_space<vmem_shared>>
      tpu.enqueue_dma source(%dma_start3A_144 : memref<626x128xf32, #tpu.memory_space<vmem_shared>>) target(%dma_start3A_142 : memref<626x128xf32, #tpu.memory_space<hbm>>) target_semaphore(%run_scoped3A : memref<!tpu.dma_semaphore, #tpu.memory_space<semaphore_mem>>)
      %dma_wait3A_145 = arith.constant 0 : i32
      %dma_wait3A_146 = tpu.memref_slice %arg7[%arg0, %mul3A_6, %dma_wait3A_145] : memref<2x10240x128xf32, #tpu.memory_space<hbm>> -> memref<1x626x128xf32, #tpu.memory_space<hbm>>
      %dma_wait3A_147 = tpu.memref_squeeze %dma_wait3A_146 : memref<1x626x128xf32, #tpu.memory_space<hbm>> -> memref<626x128xf32, #tpu.memory_space<hbm>>
      %dma_wait3A_148 = arith.constant 0 : i32
      %dma_wait3A_149 = tpu.memref_slice %arg25[%mul3A_6, %dma_wait3A_148] : memref<10016x128xf32, #tpu.memory_space<vmem_shared>> -> memref<626x128xf32, #tpu.memory_space<vmem_shared>>
      tpu.wait_dma2 semaphore(%run_scoped3A : memref<!tpu.dma_semaphore, #tpu.memory_space<semaphore_mem>>) src(%dma_wait3A_149 : memref<626x128xf32, #tpu.memory_space<vmem_shared>>) dst(%dma_wait3A_147 : memref<626x128xf32, #tpu.memory_space<hbm>>)
      tpu.yield
    }) : () -> ()
    "tpu.region"() ({
      %run_scoped3A = tpu.sem_alloc : memref<!tpu.dma_semaphore, #tpu.memory_space<semaphore_mem>>
      %dma_start3A_140 = arith.constant 0 : i32
      %dma_start3A_141 = tpu.memref_slice %arg8[%arg0, %mul3A_6, %dma_start3A_140] : memref<2x10240x16xf32, #tpu.memory_space<hbm>> -> memref<1x626x16xf32, #tpu.memory_space<hbm>>
      %dma_start3A_142 = tpu.memref_squeeze %dma_start3A_141 : memref<1x626x16xf32, #tpu.memory_space<hbm>> -> memref<626x16xf32, #tpu.memory_space<hbm>>
      %dma_start3A_143 = arith.constant 0 : i32
      %dma_start3A_144 = tpu.memref_slice %arg26[%mul3A_6, %dma_start3A_143] : memref<10016x16xf32, #tpu.memory_space<vmem_shared>> -> memref<626x16xf32, #tpu.memory_space<vmem_shared>>
      tpu.enqueue_dma source(%dma_start3A_144 : memref<626x16xf32, #tpu.memory_space<vmem_shared>>) target(%dma_start3A_142 : memref<626x16xf32, #tpu.memory_space<hbm>>) target_semaphore(%run_scoped3A : memref<!tpu.dma_semaphore, #tpu.memory_space<semaphore_mem>>)
      %dma_wait3A_145 = arith.constant 0 : i32
      %dma_wait3A_146 = tpu.memref_slice %arg8[%arg0, %mul3A_6, %dma_wait3A_145] : memref<2x10240x16xf32, #tpu.memory_space<hbm>> -> memref<1x626x16xf32, #tpu.memory_space<hbm>>
      %dma_wait3A_147 = tpu.memref_squeeze %dma_wait3A_146 : memref<1x626x16xf32, #tpu.memory_space<hbm>> -> memref<626x16xf32, #tpu.memory_space<hbm>>
      %dma_wait3A_148 = arith.constant 0 : i32
      %dma_wait3A_149 = tpu.memref_slice %arg26[%mul3A_6, %dma_wait3A_148] : memref<10016x16xf32, #tpu.memory_space<vmem_shared>> -> memref<626x16xf32, #tpu.memory_space<vmem_shared>>
      tpu.wait_dma2 semaphore(%run_scoped3A : memref<!tpu.dma_semaphore, #tpu.memory_space<semaphore_mem>>) src(%dma_wait3A_149 : memref<626x16xf32, #tpu.memory_space<vmem_shared>>) dst(%dma_wait3A_147 : memref<626x16xf32, #tpu.memory_space<hbm>>)
      tpu.yield
    }) : () -> ()
    return
  }
}

#map = affine_map<(d0, d1) -> (0, 0)>
#map1 = affine_map<(d0, d1) -> (0, 0, 0)>
module attributes {stable_mosaic.version = 14 : i64} {
  func.func @body(%arg0: i32, %arg1: i32, %arg2: memref<10240x128xbf16, #tpu.memory_space<hbm>>, %arg3: memref<10240x16xf32, #tpu.memory_space<hbm>>, %arg4: memref<10240x16xf32, #tpu.memory_space<hbm>>, %arg5: memref<32x328x32xi32, #tpu.memory_space<hbm>>, %arg6: memref<32x328x32xi32, #tpu.memory_space<hbm>>, %arg7: memref<2x10240x128xf32, #tpu.memory_space<hbm>>, %arg8: memref<328x32xi32, #tpu.memory_space<vmem>>, %arg9: memref<328x32xi32, #tpu.memory_space<vmem>>, %arg10: memref<32x16xf32, #tpu.memory_space<vmem>>, %arg11: memref<32x16xf32, #tpu.memory_space<vmem>>, %arg12: memref<32x128xbf16, #tpu.memory_space<vmem>>, %arg13: memref<32x128xf32, #tpu.memory_space<vmem>>, %arg14: memref<!tpu.dma_semaphore, #tpu.memory_space<semaphore_mem>>, %arg15: memref<!tpu.dma_semaphore, #tpu.memory_space<semaphore_mem>>, %arg16: memref<32x16xf32, #tpu.memory_space<vmem>>, %arg17: memref<32x16xf32, #tpu.memory_space<vmem>>, %arg18: memref<32x128xbf16, #tpu.memory_space<vmem>>, %arg19: memref<32x128xf32, #tpu.memory_space<vmem>>, %arg20: memref<!tpu.dma_semaphore, #tpu.memory_space<semaphore_mem>>, %arg21: memref<!tpu.dma_semaphore, #tpu.memory_space<semaphore_mem>>, %arg22: memref<10016x128xf32, #tpu.memory_space<vmem_shared>>) attributes {dimension_semantics = [#tpu.dimension_semantics<core_parallel>, #tpu.dimension_semantics<subcore_parallel>], iteration_bounds = array<i64: 2, 16>, scalar_prefetch = 0 : i64, scratch_operands = 15 : i64, tpu.core_type = #tpu.core_type<sc_vector_subcore>, window_params = [{transform_indices = #map}, {transform_indices = #map}, {transform_indices = #map}, {transform_indices = #map1}, {transform_indices = #map1}, {transform_indices = #map1}]} {
    %mul3A = arith.constant 2 : i32
    %mul3A_0 = arith.muli %arg1, %mul3A : i32
    %add3A = arith.addi %mul3A_0, %arg0 : i32
    %scan3A = arith.constant 0 : i32
    %scan3A_1 = arith.constant 32 : i32
    %scan3A_2 = arith.addi %scan3A, %scan3A_1 : i32
    %scan3A_3 = arith.constant 1 : i32
    scf.for %scan3A_86 = %scan3A to %scan3A_2 step %scan3A_3  : i32 {
      %mul3A_87 = arith.constant 1 : i32
      %mul3A_88 = arith.muli %scan3A_86, %mul3A_87 : i32
      %add3A_89 = arith.constant 0 : i32
      %add3A_90 = arith.addi %add3A_89, %mul3A_88 : i32
      %broadcast_in_dim3A = arith.constant 0.000000e+00 : f32
      %broadcast_in_dim3A_91 = vector.broadcast %broadcast_in_dim3A : f32 to vector<16xf32>
      %swap3A = arith.index_cast %add3A_90 : i32 to index
      %swap3A_92 = arith.constant 0 : index
      %swap3A_93 = tpu.vector_load %arg13[%swap3A, %swap3A_92] {strides = array<i32>} : memref<32x128xf32, #tpu.memory_space<vmem>>, vector<16xf32>,
      tpu.vector_store %arg13[%swap3A, %swap3A_92], %broadcast_in_dim3A_91 {strides = array<i32>} : memref<32x128xf32, #tpu.memory_space<vmem>>, vector<16xf32>,
      %broadcast_in_dim3A_94 = arith.constant 0.000000e+00 : f32
      %broadcast_in_dim3A_95 = vector.broadcast %broadcast_in_dim3A_94 : f32 to vector<16xf32>
      %swap3A_96 = arith.index_cast %add3A_90 : i32 to index
      %swap3A_97 = arith.constant 16 : index
      %swap3A_98 = tpu.vector_load %arg13[%swap3A_96, %swap3A_97] {strides = array<i32>} : memref<32x128xf32, #tpu.memory_space<vmem>>, vector<16xf32>,
      tpu.vector_store %arg13[%swap3A_96, %swap3A_97], %broadcast_in_dim3A_95 {strides = array<i32>} : memref<32x128xf32, #tpu.memory_space<vmem>>, vector<16xf32>,
      %broadcast_in_dim3A_99 = arith.constant 0.000000e+00 : f32
      %broadcast_in_dim3A_100 = vector.broadcast %broadcast_in_dim3A_99 : f32 to vector<16xf32>
      %swap3A_101 = arith.index_cast %add3A_90 : i32 to index
      %swap3A_102 = arith.constant 32 : index
      %swap3A_103 = tpu.vector_load %arg13[%swap3A_101, %swap3A_102] {strides = array<i32>} : memref<32x128xf32, #tpu.memory_space<vmem>>, vector<16xf32>,
      tpu.vector_store %arg13[%swap3A_101, %swap3A_102], %broadcast_in_dim3A_100 {strides = array<i32>} : memref<32x128xf32, #tpu.memory_space<vmem>>, vector<16xf32>,
      %broadcast_in_dim3A_104 = arith.constant 0.000000e+00 : f32
      %broadcast_in_dim3A_105 = vector.broadcast %broadcast_in_dim3A_104 : f32 to vector<16xf32>
      %swap3A_106 = arith.index_cast %add3A_90 : i32 to index
      %swap3A_107 = arith.constant 48 : index
      %swap3A_108 = tpu.vector_load %arg13[%swap3A_106, %swap3A_107] {strides = array<i32>} : memref<32x128xf32, #tpu.memory_space<vmem>>, vector<16xf32>,
      tpu.vector_store %arg13[%swap3A_106, %swap3A_107], %broadcast_in_dim3A_105 {strides = array<i32>} : memref<32x128xf32, #tpu.memory_space<vmem>>, vector<16xf32>,
      %broadcast_in_dim3A_109 = arith.constant 0.000000e+00 : f32
      %broadcast_in_dim3A_110 = vector.broadcast %broadcast_in_dim3A_109 : f32 to vector<16xf32>
      %swap3A_111 = arith.index_cast %add3A_90 : i32 to index
      %swap3A_112 = arith.constant 64 : index
      %swap3A_113 = tpu.vector_load %arg13[%swap3A_111, %swap3A_112] {strides = array<i32>} : memref<32x128xf32, #tpu.memory_space<vmem>>, vector<16xf32>,
      tpu.vector_store %arg13[%swap3A_111, %swap3A_112], %broadcast_in_dim3A_110 {strides = array<i32>} : memref<32x128xf32, #tpu.memory_space<vmem>>, vector<16xf32>,
      %broadcast_in_dim3A_114 = arith.constant 0.000000e+00 : f32
      %broadcast_in_dim3A_115 = vector.broadcast %broadcast_in_dim3A_114 : f32 to vector<16xf32>
      %swap3A_116 = arith.index_cast %add3A_90 : i32 to index
      %swap3A_117 = arith.constant 80 : index
      %swap3A_118 = tpu.vector_load %arg13[%swap3A_116, %swap3A_117] {strides = array<i32>} : memref<32x128xf32, #tpu.memory_space<vmem>>, vector<16xf32>,
      tpu.vector_store %arg13[%swap3A_116, %swap3A_117], %broadcast_in_dim3A_115 {strides = array<i32>} : memref<32x128xf32, #tpu.memory_space<vmem>>, vector<16xf32>,
      %broadcast_in_dim3A_119 = arith.constant 0.000000e+00 : f32
      %broadcast_in_dim3A_120 = vector.broadcast %broadcast_in_dim3A_119 : f32 to vector<16xf32>
      %swap3A_121 = arith.index_cast %add3A_90 : i32 to index
      %swap3A_122 = arith.constant 96 : index
      %swap3A_123 = tpu.vector_load %arg13[%swap3A_121, %swap3A_122] {strides = array<i32>} : memref<32x128xf32, #tpu.memory_space<vmem>>, vector<16xf32>,
      tpu.vector_store %arg13[%swap3A_121, %swap3A_122], %broadcast_in_dim3A_120 {strides = array<i32>} : memref<32x128xf32, #tpu.memory_space<vmem>>, vector<16xf32>,
      %broadcast_in_dim3A_124 = arith.constant 0.000000e+00 : f32
      %broadcast_in_dim3A_125 = vector.broadcast %broadcast_in_dim3A_124 : f32 to vector<16xf32>
      %swap3A_126 = arith.index_cast %add3A_90 : i32 to index
      %swap3A_127 = arith.constant 112 : index
      %swap3A_128 = tpu.vector_load %arg13[%swap3A_126, %swap3A_127] {strides = array<i32>} : memref<32x128xf32, #tpu.memory_space<vmem>>, vector<16xf32>,
      tpu.vector_store %arg13[%swap3A_126, %swap3A_127], %broadcast_in_dim3A_125 {strides = array<i32>} : memref<32x128xf32, #tpu.memory_space<vmem>>, vector<16xf32>,
    }
    %scan3A_4 = arith.constant 32 : i32
    %mul3A_5 = arith.constant 626 : i32
    %mul3A_6 = arith.muli %arg1, %mul3A_5 : i32
    %add3A_7 = arith.constant 0 : i32
    %add3A_8 = arith.addi %mul3A_6, %add3A_7 : i32
    "tpu.region"() ({
      %run_scoped3A = tpu.sem_alloc : memref<!tpu.dma_semaphore, #tpu.memory_space<semaphore_mem>>
      %dma_start3A_86 = arith.constant 0 : i32
      %dma_start3A_87 = tpu.memref_slice %arg22[%add3A_8, %dma_start3A_86] : memref<10016x128xf32, #tpu.memory_space<vmem_shared>> -> memref<32x128xf32, #tpu.memory_space<vmem_shared>>
      %dma_start3A_88 = arith.constant 0 : i32
      %dma_start3A_89 = tpu.memref_slice %arg22[%add3A_8, %dma_start3A_88] : memref<10016x128xf32, #tpu.memory_space<vmem_shared>> -> memref<32x128xf32, #tpu.memory_space<vmem_shared>>
      tpu.enqueue_dma source(%arg13 : memref<32x128xf32, #tpu.memory_space<vmem>>) target(%dma_start3A_89 : memref<32x128xf32, #tpu.memory_space<vmem_shared>>) target_semaphore(%run_scoped3A : memref<!tpu.dma_semaphore, #tpu.memory_space<semaphore_mem>>)
      %dma_wait3A_90 = arith.constant 0 : i32
      %dma_wait3A_91 = tpu.memref_slice %arg22[%add3A_8, %dma_wait3A_90] : memref<10016x128xf32, #tpu.memory_space<vmem_shared>> -> memref<32x128xf32, #tpu.memory_space<vmem_shared>>
      %dma_wait3A_92 = arith.constant 0 : i32
      %dma_wait3A_93 = tpu.memref_slice %arg22[%add3A_8, %dma_wait3A_92] : memref<10016x128xf32, #tpu.memory_space<vmem_shared>> -> memref<32x128xf32, #tpu.memory_space<vmem_shared>>
      tpu.wait_dma2 semaphore(%run_scoped3A : memref<!tpu.dma_semaphore, #tpu.memory_space<semaphore_mem>>) src(%arg13 : memref<32x128xf32, #tpu.memory_space<vmem>>) dst(%dma_wait3A_93 : memref<32x128xf32, #tpu.memory_space<vmem_shared>>)
      tpu.yield
    }) : () -> ()
    %add3A_9 = arith.constant 32 : i32
    %add3A_10 = arith.addi %mul3A_6, %add3A_9 : i32
    "tpu.region"() ({
      %run_scoped3A = tpu.sem_alloc : memref<!tpu.dma_semaphore, #tpu.memory_space<semaphore_mem>>
      %dma_start3A_86 = arith.constant 0 : i32
      %dma_start3A_87 = tpu.memref_slice %arg22[%add3A_10, %dma_start3A_86] : memref<10016x128xf32, #tpu.memory_space<vmem_shared>> -> memref<32x128xf32, #tpu.memory_space<vmem_shared>>
      %dma_start3A_88 = arith.constant 0 : i32
      %dma_start3A_89 = tpu.memref_slice %arg22[%add3A_10, %dma_start3A_88] : memref<10016x128xf32, #tpu.memory_space<vmem_shared>> -> memref<32x128xf32, #tpu.memory_space<vmem_shared>>
      tpu.enqueue_dma source(%arg13 : memref<32x128xf32, #tpu.memory_space<vmem>>) target(%dma_start3A_89 : memref<32x128xf32, #tpu.memory_space<vmem_shared>>) target_semaphore(%run_scoped3A : memref<!tpu.dma_semaphore, #tpu.memory_space<semaphore_mem>>)
      %dma_wait3A_90 = arith.constant 0 : i32
      %dma_wait3A_91 = tpu.memref_slice %arg22[%add3A_10, %dma_wait3A_90] : memref<10016x128xf32, #tpu.memory_space<vmem_shared>> -> memref<32x128xf32, #tpu.memory_space<vmem_shared>>
      %dma_wait3A_92 = arith.constant 0 : i32
      %dma_wait3A_93 = tpu.memref_slice %arg22[%add3A_10, %dma_wait3A_92] : memref<10016x128xf32, #tpu.memory_space<vmem_shared>> -> memref<32x128xf32, #tpu.memory_space<vmem_shared>>
      tpu.wait_dma2 semaphore(%run_scoped3A : memref<!tpu.dma_semaphore, #tpu.memory_space<semaphore_mem>>) src(%arg13 : memref<32x128xf32, #tpu.memory_space<vmem>>) dst(%dma_wait3A_93 : memref<32x128xf32, #tpu.memory_space<vmem_shared>>)
      tpu.yield
    }) : () -> ()
    %add3A_11 = arith.constant 64 : i32
    %add3A_12 = arith.addi %mul3A_6, %add3A_11 : i32
    "tpu.region"() ({
      %run_scoped3A = tpu.sem_alloc : memref<!tpu.dma_semaphore, #tpu.memory_space<semaphore_mem>>
      %dma_start3A_86 = arith.constant 0 : i32
      %dma_start3A_87 = tpu.memref_slice %arg22[%add3A_12, %dma_start3A_86] : memref<10016x128xf32, #tpu.memory_space<vmem_shared>> -> memref<32x128xf32, #tpu.memory_space<vmem_shared>>
      %dma_start3A_88 = arith.constant 0 : i32
      %dma_start3A_89 = tpu.memref_slice %arg22[%add3A_12, %dma_start3A_88] : memref<10016x128xf32, #tpu.memory_space<vmem_shared>> -> memref<32x128xf32, #tpu.memory_space<vmem_shared>>
      tpu.enqueue_dma source(%arg13 : memref<32x128xf32, #tpu.memory_space<vmem>>) target(%dma_start3A_89 : memref<32x128xf32, #tpu.memory_space<vmem_shared>>) target_semaphore(%run_scoped3A : memref<!tpu.dma_semaphore, #tpu.memory_space<semaphore_mem>>)
      %dma_wait3A_90 = arith.constant 0 : i32
      %dma_wait3A_91 = tpu.memref_slice %arg22[%add3A_12, %dma_wait3A_90] : memref<10016x128xf32, #tpu.memory_space<vmem_shared>> -> memref<32x128xf32, #tpu.memory_space<vmem_shared>>
      %dma_wait3A_92 = arith.constant 0 : i32
      %dma_wait3A_93 = tpu.memref_slice %arg22[%add3A_12, %dma_wait3A_92] : memref<10016x128xf32, #tpu.memory_space<vmem_shared>> -> memref<32x128xf32, #tpu.memory_space<vmem_shared>>
      tpu.wait_dma2 semaphore(%run_scoped3A : memref<!tpu.dma_semaphore, #tpu.memory_space<semaphore_mem>>) src(%arg13 : memref<32x128xf32, #tpu.memory_space<vmem>>) dst(%dma_wait3A_93 : memref<32x128xf32, #tpu.memory_space<vmem_shared>>)
      tpu.yield
    }) : () -> ()
    %add3A_13 = arith.constant 96 : i32
    %add3A_14 = arith.addi %mul3A_6, %add3A_13 : i32
    "tpu.region"() ({
      %run_scoped3A = tpu.sem_alloc : memref<!tpu.dma_semaphore, #tpu.memory_space<semaphore_mem>>
      %dma_start3A_86 = arith.constant 0 : i32
      %dma_start3A_87 = tpu.memref_slice %arg22[%add3A_14, %dma_start3A_86] : memref<10016x128xf32, #tpu.memory_space<vmem_shared>> -> memref<32x128xf32, #tpu.memory_space<vmem_shared>>
      %dma_start3A_88 = arith.constant 0 : i32
      %dma_start3A_89 = tpu.memref_slice %arg22[%add3A_14, %dma_start3A_88] : memref<10016x128xf32, #tpu.memory_space<vmem_shared>> -> memref<32x128xf32, #tpu.memory_space<vmem_shared>>
      tpu.enqueue_dma source(%arg13 : memref<32x128xf32, #tpu.memory_space<vmem>>) target(%dma_start3A_89 : memref<32x128xf32, #tpu.memory_space<vmem_shared>>) target_semaphore(%run_scoped3A : memref<!tpu.dma_semaphore, #tpu.memory_space<semaphore_mem>>)
      %dma_wait3A_90 = arith.constant 0 : i32
      %dma_wait3A_91 = tpu.memref_slice %arg22[%add3A_14, %dma_wait3A_90] : memref<10016x128xf32, #tpu.memory_space<vmem_shared>> -> memref<32x128xf32, #tpu.memory_space<vmem_shared>>
      %dma_wait3A_92 = arith.constant 0 : i32
      %dma_wait3A_93 = tpu.memref_slice %arg22[%add3A_14, %dma_wait3A_92] : memref<10016x128xf32, #tpu.memory_space<vmem_shared>> -> memref<32x128xf32, #tpu.memory_space<vmem_shared>>
      tpu.wait_dma2 semaphore(%run_scoped3A : memref<!tpu.dma_semaphore, #tpu.memory_space<semaphore_mem>>) src(%arg13 : memref<32x128xf32, #tpu.memory_space<vmem>>) dst(%dma_wait3A_93 : memref<32x128xf32, #tpu.memory_space<vmem_shared>>)
      tpu.yield
    }) : () -> ()
    %add3A_15 = arith.constant 128 : i32
    %add3A_16 = arith.addi %mul3A_6, %add3A_15 : i32
    "tpu.region"() ({
      %run_scoped3A = tpu.sem_alloc : memref<!tpu.dma_semaphore, #tpu.memory_space<semaphore_mem>>
      %dma_start3A_86 = arith.constant 0 : i32
      %dma_start3A_87 = tpu.memref_slice %arg22[%add3A_16, %dma_start3A_86] : memref<10016x128xf32, #tpu.memory_space<vmem_shared>> -> memref<32x128xf32, #tpu.memory_space<vmem_shared>>
      %dma_start3A_88 = arith.constant 0 : i32
      %dma_start3A_89 = tpu.memref_slice %arg22[%add3A_16, %dma_start3A_88] : memref<10016x128xf32, #tpu.memory_space<vmem_shared>> -> memref<32x128xf32, #tpu.memory_space<vmem_shared>>
      tpu.enqueue_dma source(%arg13 : memref<32x128xf32, #tpu.memory_space<vmem>>) target(%dma_start3A_89 : memref<32x128xf32, #tpu.memory_space<vmem_shared>>) target_semaphore(%run_scoped3A : memref<!tpu.dma_semaphore, #tpu.memory_space<semaphore_mem>>)
      %dma_wait3A_90 = arith.constant 0 : i32
      %dma_wait3A_91 = tpu.memref_slice %arg22[%add3A_16, %dma_wait3A_90] : memref<10016x128xf32, #tpu.memory_space<vmem_shared>> -> memref<32x128xf32, #tpu.memory_space<vmem_shared>>
      %dma_wait3A_92 = arith.constant 0 : i32
      %dma_wait3A_93 = tpu.memref_slice %arg22[%add3A_16, %dma_wait3A_92] : memref<10016x128xf32, #tpu.memory_space<vmem_shared>> -> memref<32x128xf32, #tpu.memory_space<vmem_shared>>
      tpu.wait_dma2 semaphore(%run_scoped3A : memref<!tpu.dma_semaphore, #tpu.memory_space<semaphore_mem>>) src(%arg13 : memref<32x128xf32, #tpu.memory_space<vmem>>) dst(%dma_wait3A_93 : memref<32x128xf32, #tpu.memory_space<vmem_shared>>)
      tpu.yield
    }) : () -> ()
    %add3A_17 = arith.constant 160 : i32
    %add3A_18 = arith.addi %mul3A_6, %add3A_17 : i32
    "tpu.region"() ({
      %run_scoped3A = tpu.sem_alloc : memref<!tpu.dma_semaphore, #tpu.memory_space<semaphore_mem>>
      %dma_start3A_86 = arith.constant 0 : i32
      %dma_start3A_87 = tpu.memref_slice %arg22[%add3A_18, %dma_start3A_86] : memref<10016x128xf32, #tpu.memory_space<vmem_shared>> -> memref<32x128xf32, #tpu.memory_space<vmem_shared>>
      %dma_start3A_88 = arith.constant 0 : i32
      %dma_start3A_89 = tpu.memref_slice %arg22[%add3A_18, %dma_start3A_88] : memref<10016x128xf32, #tpu.memory_space<vmem_shared>> -> memref<32x128xf32, #tpu.memory_space<vmem_shared>>
      tpu.enqueue_dma source(%arg13 : memref<32x128xf32, #tpu.memory_space<vmem>>) target(%dma_start3A_89 : memref<32x128xf32, #tpu.memory_space<vmem_shared>>) target_semaphore(%run_scoped3A : memref<!tpu.dma_semaphore, #tpu.memory_space<semaphore_mem>>)
      %dma_wait3A_90 = arith.constant 0 : i32
      %dma_wait3A_91 = tpu.memref_slice %arg22[%add3A_18, %dma_wait3A_90] : memref<10016x128xf32, #tpu.memory_space<vmem_shared>> -> memref<32x128xf32, #tpu.memory_space<vmem_shared>>
      %dma_wait3A_92 = arith.constant 0 : i32
      %dma_wait3A_93 = tpu.memref_slice %arg22[%add3A_18, %dma_wait3A_92] : memref<10016x128xf32, #tpu.memory_space<vmem_shared>> -> memref<32x128xf32, #tpu.memory_space<vmem_shared>>
      tpu.wait_dma2 semaphore(%run_scoped3A : memref<!tpu.dma_semaphore, #tpu.memory_space<semaphore_mem>>) src(%arg13 : memref<32x128xf32, #tpu.memory_space<vmem>>) dst(%dma_wait3A_93 : memref<32x128xf32, #tpu.memory_space<vmem_shared>>)
      tpu.yield
    }) : () -> ()
    %add3A_19 = arith.constant 192 : i32
    %add3A_20 = arith.addi %mul3A_6, %add3A_19 : i32
    "tpu.region"() ({
      %run_scoped3A = tpu.sem_alloc : memref<!tpu.dma_semaphore, #tpu.memory_space<semaphore_mem>>
      %dma_start3A_86 = arith.constant 0 : i32
      %dma_start3A_87 = tpu.memref_slice %arg22[%add3A_20, %dma_start3A_86] : memref<10016x128xf32, #tpu.memory_space<vmem_shared>> -> memref<32x128xf32, #tpu.memory_space<vmem_shared>>
      %dma_start3A_88 = arith.constant 0 : i32
      %dma_start3A_89 = tpu.memref_slice %arg22[%add3A_20, %dma_start3A_88] : memref<10016x128xf32, #tpu.memory_space<vmem_shared>> -> memref<32x128xf32, #tpu.memory_space<vmem_shared>>
      tpu.enqueue_dma source(%arg13 : memref<32x128xf32, #tpu.memory_space<vmem>>) target(%dma_start3A_89 : memref<32x128xf32, #tpu.memory_space<vmem_shared>>) target_semaphore(%run_scoped3A : memref<!tpu.dma_semaphore, #tpu.memory_space<semaphore_mem>>)
      %dma_wait3A_90 = arith.constant 0 : i32
      %dma_wait3A_91 = tpu.memref_slice %arg22[%add3A_20, %dma_wait3A_90] : memref<10016x128xf32, #tpu.memory_space<vmem_shared>> -> memref<32x128xf32, #tpu.memory_space<vmem_shared>>
      %dma_wait3A_92 = arith.constant 0 : i32
      %dma_wait3A_93 = tpu.memref_slice %arg22[%add3A_20, %dma_wait3A_92] : memref<10016x128xf32, #tpu.memory_space<vmem_shared>> -> memref<32x128xf32, #tpu.memory_space<vmem_shared>>
      tpu.wait_dma2 semaphore(%run_scoped3A : memref<!tpu.dma_semaphore, #tpu.memory_space<semaphore_mem>>) src(%arg13 : memref<32x128xf32, #tpu.memory_space<vmem>>) dst(%dma_wait3A_93 : memref<32x128xf32, #tpu.memory_space<vmem_shared>>)
      tpu.yield
    }) : () -> ()
    %add3A_21 = arith.constant 224 : i32
    %add3A_22 = arith.addi %mul3A_6, %add3A_21 : i32
    "tpu.region"() ({
      %run_scoped3A = tpu.sem_alloc : memref<!tpu.dma_semaphore, #tpu.memory_space<semaphore_mem>>
      %dma_start3A_86 = arith.constant 0 : i32
      %dma_start3A_87 = tpu.memref_slice %arg22[%add3A_22, %dma_start3A_86] : memref<10016x128xf32, #tpu.memory_space<vmem_shared>> -> memref<32x128xf32, #tpu.memory_space<vmem_shared>>
      %dma_start3A_88 = arith.constant 0 : i32
      %dma_start3A_89 = tpu.memref_slice %arg22[%add3A_22, %dma_start3A_88] : memref<10016x128xf32, #tpu.memory_space<vmem_shared>> -> memref<32x128xf32, #tpu.memory_space<vmem_shared>>
      tpu.enqueue_dma source(%arg13 : memref<32x128xf32, #tpu.memory_space<vmem>>) target(%dma_start3A_89 : memref<32x128xf32, #tpu.memory_space<vmem_shared>>) target_semaphore(%run_scoped3A : memref<!tpu.dma_semaphore, #tpu.memory_space<semaphore_mem>>)
      %dma_wait3A_90 = arith.constant 0 : i32
      %dma_wait3A_91 = tpu.memref_slice %arg22[%add3A_22, %dma_wait3A_90] : memref<10016x128xf32, #tpu.memory_space<vmem_shared>> -> memref<32x128xf32, #tpu.memory_space<vmem_shared>>
      %dma_wait3A_92 = arith.constant 0 : i32
      %dma_wait3A_93 = tpu.memref_slice %arg22[%add3A_22, %dma_wait3A_92] : memref<10016x128xf32, #tpu.memory_space<vmem_shared>> -> memref<32x128xf32, #tpu.memory_space<vmem_shared>>
      tpu.wait_dma2 semaphore(%run_scoped3A : memref<!tpu.dma_semaphore, #tpu.memory_space<semaphore_mem>>) src(%arg13 : memref<32x128xf32, #tpu.memory_space<vmem>>) dst(%dma_wait3A_93 : memref<32x128xf32, #tpu.memory_space<vmem_shared>>)
      tpu.yield
    }) : () -> ()
    %add3A_23 = arith.constant 256 : i32
    %add3A_24 = arith.addi %mul3A_6, %add3A_23 : i32
    "tpu.region"() ({
      %run_scoped3A = tpu.sem_alloc : memref<!tpu.dma_semaphore, #tpu.memory_space<semaphore_mem>>
      %dma_start3A_86 = arith.constant 0 : i32
      %dma_start3A_87 = tpu.memref_slice %arg22[%add3A_24, %dma_start3A_86] : memref<10016x128xf32, #tpu.memory_space<vmem_shared>> -> memref<32x128xf32, #tpu.memory_space<vmem_shared>>
      %dma_start3A_88 = arith.constant 0 : i32
      %dma_start3A_89 = tpu.memref_slice %arg22[%add3A_24, %dma_start3A_88] : memref<10016x128xf32, #tpu.memory_space<vmem_shared>> -> memref<32x128xf32, #tpu.memory_space<vmem_shared>>
      tpu.enqueue_dma source(%arg13 : memref<32x128xf32, #tpu.memory_space<vmem>>) target(%dma_start3A_89 : memref<32x128xf32, #tpu.memory_space<vmem_shared>>) target_semaphore(%run_scoped3A : memref<!tpu.dma_semaphore, #tpu.memory_space<semaphore_mem>>)
      %dma_wait3A_90 = arith.constant 0 : i32
      %dma_wait3A_91 = tpu.memref_slice %arg22[%add3A_24, %dma_wait3A_90] : memref<10016x128xf32, #tpu.memory_space<vmem_shared>> -> memref<32x128xf32, #tpu.memory_space<vmem_shared>>
      %dma_wait3A_92 = arith.constant 0 : i32
      %dma_wait3A_93 = tpu.memref_slice %arg22[%add3A_24, %dma_wait3A_92] : memref<10016x128xf32, #tpu.memory_space<vmem_shared>> -> memref<32x128xf32, #tpu.memory_space<vmem_shared>>
      tpu.wait_dma2 semaphore(%run_scoped3A : memref<!tpu.dma_semaphore, #tpu.memory_space<semaphore_mem>>) src(%arg13 : memref<32x128xf32, #tpu.memory_space<vmem>>) dst(%dma_wait3A_93 : memref<32x128xf32, #tpu.memory_space<vmem_shared>>)
      tpu.yield
    }) : () -> ()
    %add3A_25 = arith.constant 288 : i32
    %add3A_26 = arith.addi %mul3A_6, %add3A_25 : i32
    "tpu.region"() ({
      %run_scoped3A = tpu.sem_alloc : memref<!tpu.dma_semaphore, #tpu.memory_space<semaphore_mem>>
      %dma_start3A_86 = arith.constant 0 : i32
      %dma_start3A_87 = tpu.memref_slice %arg22[%add3A_26, %dma_start3A_86] : memref<10016x128xf32, #tpu.memory_space<vmem_shared>> -> memref<32x128xf32, #tpu.memory_space<vmem_shared>>
      %dma_start3A_88 = arith.constant 0 : i32
      %dma_start3A_89 = tpu.memref_slice %arg22[%add3A_26, %dma_start3A_88] : memref<10016x128xf32, #tpu.memory_space<vmem_shared>> -> memref<32x128xf32, #tpu.memory_space<vmem_shared>>
      tpu.enqueue_dma source(%arg13 : memref<32x128xf32, #tpu.memory_space<vmem>>) target(%dma_start3A_89 : memref<32x128xf32, #tpu.memory_space<vmem_shared>>) target_semaphore(%run_scoped3A : memref<!tpu.dma_semaphore, #tpu.memory_space<semaphore_mem>>)
      %dma_wait3A_90 = arith.constant 0 : i32
      %dma_wait3A_91 = tpu.memref_slice %arg22[%add3A_26, %dma_wait3A_90] : memref<10016x128xf32, #tpu.memory_space<vmem_shared>> -> memref<32x128xf32, #tpu.memory_space<vmem_shared>>
      %dma_wait3A_92 = arith.constant 0 : i32
      %dma_wait3A_93 = tpu.memref_slice %arg22[%add3A_26, %dma_wait3A_92] : memref<10016x128xf32, #tpu.memory_space<vmem_shared>> -> memref<32x128xf32, #tpu.memory_space<vmem_shared>>
      tpu.wait_dma2 semaphore(%run_scoped3A : memref<!tpu.dma_semaphore, #tpu.memory_space<semaphore_mem>>) src(%arg13 : memref<32x128xf32, #tpu.memory_space<vmem>>) dst(%dma_wait3A_93 : memref<32x128xf32, #tpu.memory_space<vmem_shared>>)
      tpu.yield
    }) : () -> ()
    %add3A_27 = arith.constant 320 : i32
    %add3A_28 = arith.addi %mul3A_6, %add3A_27 : i32
    "tpu.region"() ({
      %run_scoped3A = tpu.sem_alloc : memref<!tpu.dma_semaphore, #tpu.memory_space<semaphore_mem>>
      %dma_start3A_86 = arith.constant 0 : i32
      %dma_start3A_87 = tpu.memref_slice %arg22[%add3A_28, %dma_start3A_86] : memref<10016x128xf32, #tpu.memory_space<vmem_shared>> -> memref<32x128xf32, #tpu.memory_space<vmem_shared>>
      %dma_start3A_88 = arith.constant 0 : i32
      %dma_start3A_89 = tpu.memref_slice %arg22[%add3A_28, %dma_start3A_88] : memref<10016x128xf32, #tpu.memory_space<vmem_shared>> -> memref<32x128xf32, #tpu.memory_space<vmem_shared>>
      tpu.enqueue_dma source(%arg13 : memref<32x128xf32, #tpu.memory_space<vmem>>) target(%dma_start3A_89 : memref<32x128xf32, #tpu.memory_space<vmem_shared>>) target_semaphore(%run_scoped3A : memref<!tpu.dma_semaphore, #tpu.memory_space<semaphore_mem>>)
      %dma_wait3A_90 = arith.constant 0 : i32
      %dma_wait3A_91 = tpu.memref_slice %arg22[%add3A_28, %dma_wait3A_90] : memref<10016x128xf32, #tpu.memory_space<vmem_shared>> -> memref<32x128xf32, #tpu.memory_space<vmem_shared>>
      %dma_wait3A_92 = arith.constant 0 : i32
      %dma_wait3A_93 = tpu.memref_slice %arg22[%add3A_28, %dma_wait3A_92] : memref<10016x128xf32, #tpu.memory_space<vmem_shared>> -> memref<32x128xf32, #tpu.memory_space<vmem_shared>>
      tpu.wait_dma2 semaphore(%run_scoped3A : memref<!tpu.dma_semaphore, #tpu.memory_space<semaphore_mem>>) src(%arg13 : memref<32x128xf32, #tpu.memory_space<vmem>>) dst(%dma_wait3A_93 : memref<32x128xf32, #tpu.memory_space<vmem_shared>>)
      tpu.yield
    }) : () -> ()
    %add3A_29 = arith.constant 352 : i32
    %add3A_30 = arith.addi %mul3A_6, %add3A_29 : i32
    "tpu.region"() ({
      %run_scoped3A = tpu.sem_alloc : memref<!tpu.dma_semaphore, #tpu.memory_space<semaphore_mem>>
      %dma_start3A_86 = arith.constant 0 : i32
      %dma_start3A_87 = tpu.memref_slice %arg22[%add3A_30, %dma_start3A_86] : memref<10016x128xf32, #tpu.memory_space<vmem_shared>> -> memref<32x128xf32, #tpu.memory_space<vmem_shared>>
      %dma_start3A_88 = arith.constant 0 : i32
      %dma_start3A_89 = tpu.memref_slice %arg22[%add3A_30, %dma_start3A_88] : memref<10016x128xf32, #tpu.memory_space<vmem_shared>> -> memref<32x128xf32, #tpu.memory_space<vmem_shared>>
      tpu.enqueue_dma source(%arg13 : memref<32x128xf32, #tpu.memory_space<vmem>>) target(%dma_start3A_89 : memref<32x128xf32, #tpu.memory_space<vmem_shared>>) target_semaphore(%run_scoped3A : memref<!tpu.dma_semaphore, #tpu.memory_space<semaphore_mem>>)
      %dma_wait3A_90 = arith.constant 0 : i32
      %dma_wait3A_91 = tpu.memref_slice %arg22[%add3A_30, %dma_wait3A_90] : memref<10016x128xf32, #tpu.memory_space<vmem_shared>> -> memref<32x128xf32, #tpu.memory_space<vmem_shared>>
      %dma_wait3A_92 = arith.constant 0 : i32
      %dma_wait3A_93 = tpu.memref_slice %arg22[%add3A_30, %dma_wait3A_92] : memref<10016x128xf32, #tpu.memory_space<vmem_shared>> -> memref<32x128xf32, #tpu.memory_space<vmem_shared>>
      tpu.wait_dma2 semaphore(%run_scoped3A : memref<!tpu.dma_semaphore, #tpu.memory_space<semaphore_mem>>) src(%arg13 : memref<32x128xf32, #tpu.memory_space<vmem>>) dst(%dma_wait3A_93 : memref<32x128xf32, #tpu.memory_space<vmem_shared>>)
      tpu.yield
    }) : () -> ()
    %add3A_31 = arith.constant 384 : i32
    %add3A_32 = arith.addi %mul3A_6, %add3A_31 : i32
    "tpu.region"() ({
      %run_scoped3A = tpu.sem_alloc : memref<!tpu.dma_semaphore, #tpu.memory_space<semaphore_mem>>
      %dma_start3A_86 = arith.constant 0 : i32
      %dma_start3A_87 = tpu.memref_slice %arg22[%add3A_32, %dma_start3A_86] : memref<10016x128xf32, #tpu.memory_space<vmem_shared>> -> memref<32x128xf32, #tpu.memory_space<vmem_shared>>
      %dma_start3A_88 = arith.constant 0 : i32
      %dma_start3A_89 = tpu.memref_slice %arg22[%add3A_32, %dma_start3A_88] : memref<10016x128xf32, #tpu.memory_space<vmem_shared>> -> memref<32x128xf32, #tpu.memory_space<vmem_shared>>
      tpu.enqueue_dma source(%arg13 : memref<32x128xf32, #tpu.memory_space<vmem>>) target(%dma_start3A_89 : memref<32x128xf32, #tpu.memory_space<vmem_shared>>) target_semaphore(%run_scoped3A : memref<!tpu.dma_semaphore, #tpu.memory_space<semaphore_mem>>)
      %dma_wait3A_90 = arith.constant 0 : i32
      %dma_wait3A_91 = tpu.memref_slice %arg22[%add3A_32, %dma_wait3A_90] : memref<10016x128xf32, #tpu.memory_space<vmem_shared>> -> memref<32x128xf32, #tpu.memory_space<vmem_shared>>
      %dma_wait3A_92 = arith.constant 0 : i32
      %dma_wait3A_93 = tpu.memref_slice %arg22[%add3A_32, %dma_wait3A_92] : memref<10016x128xf32, #tpu.memory_space<vmem_shared>> -> memref<32x128xf32, #tpu.memory_space<vmem_shared>>
      tpu.wait_dma2 semaphore(%run_scoped3A : memref<!tpu.dma_semaphore, #tpu.memory_space<semaphore_mem>>) src(%arg13 : memref<32x128xf32, #tpu.memory_space<vmem>>) dst(%dma_wait3A_93 : memref<32x128xf32, #tpu.memory_space<vmem_shared>>)
      tpu.yield
    }) : () -> ()
    %add3A_33 = arith.constant 416 : i32
    %add3A_34 = arith.addi %mul3A_6, %add3A_33 : i32
    "tpu.region"() ({
      %run_scoped3A = tpu.sem_alloc : memref<!tpu.dma_semaphore, #tpu.memory_space<semaphore_mem>>
      %dma_start3A_86 = arith.constant 0 : i32
      %dma_start3A_87 = tpu.memref_slice %arg22[%add3A_34, %dma_start3A_86] : memref<10016x128xf32, #tpu.memory_space<vmem_shared>> -> memref<32x128xf32, #tpu.memory_space<vmem_shared>>
      %dma_start3A_88 = arith.constant 0 : i32
      %dma_start3A_89 = tpu.memref_slice %arg22[%add3A_34, %dma_start3A_88] : memref<10016x128xf32, #tpu.memory_space<vmem_shared>> -> memref<32x128xf32, #tpu.memory_space<vmem_shared>>
      tpu.enqueue_dma source(%arg13 : memref<32x128xf32, #tpu.memory_space<vmem>>) target(%dma_start3A_89 : memref<32x128xf32, #tpu.memory_space<vmem_shared>>) target_semaphore(%run_scoped3A : memref<!tpu.dma_semaphore, #tpu.memory_space<semaphore_mem>>)
      %dma_wait3A_90 = arith.constant 0 : i32
      %dma_wait3A_91 = tpu.memref_slice %arg22[%add3A_34, %dma_wait3A_90] : memref<10016x128xf32, #tpu.memory_space<vmem_shared>> -> memref<32x128xf32, #tpu.memory_space<vmem_shared>>
      %dma_wait3A_92 = arith.constant 0 : i32
      %dma_wait3A_93 = tpu.memref_slice %arg22[%add3A_34, %dma_wait3A_92] : memref<10016x128xf32, #tpu.memory_space<vmem_shared>> -> memref<32x128xf32, #tpu.memory_space<vmem_shared>>
      tpu.wait_dma2 semaphore(%run_scoped3A : memref<!tpu.dma_semaphore, #tpu.memory_space<semaphore_mem>>) src(%arg13 : memref<32x128xf32, #tpu.memory_space<vmem>>) dst(%dma_wait3A_93 : memref<32x128xf32, #tpu.memory_space<vmem_shared>>)
      tpu.yield
    }) : () -> ()
    %add3A_35 = arith.constant 448 : i32
    %add3A_36 = arith.addi %mul3A_6, %add3A_35 : i32
    "tpu.region"() ({
      %run_scoped3A = tpu.sem_alloc : memref<!tpu.dma_semaphore, #tpu.memory_space<semaphore_mem>>
      %dma_start3A_86 = arith.constant 0 : i32
      %dma_start3A_87 = tpu.memref_slice %arg22[%add3A_36, %dma_start3A_86] : memref<10016x128xf32, #tpu.memory_space<vmem_shared>> -> memref<32x128xf32, #tpu.memory_space<vmem_shared>>
      %dma_start3A_88 = arith.constant 0 : i32
      %dma_start3A_89 = tpu.memref_slice %arg22[%add3A_36, %dma_start3A_88] : memref<10016x128xf32, #tpu.memory_space<vmem_shared>> -> memref<32x128xf32, #tpu.memory_space<vmem_shared>>
      tpu.enqueue_dma source(%arg13 : memref<32x128xf32, #tpu.memory_space<vmem>>) target(%dma_start3A_89 : memref<32x128xf32, #tpu.memory_space<vmem_shared>>) target_semaphore(%run_scoped3A : memref<!tpu.dma_semaphore, #tpu.memory_space<semaphore_mem>>)
      %dma_wait3A_90 = arith.constant 0 : i32
      %dma_wait3A_91 = tpu.memref_slice %arg22[%add3A_36, %dma_wait3A_90] : memref<10016x128xf32, #tpu.memory_space<vmem_shared>> -> memref<32x128xf32, #tpu.memory_space<vmem_shared>>
      %dma_wait3A_92 = arith.constant 0 : i32
      %dma_wait3A_93 = tpu.memref_slice %arg22[%add3A_36, %dma_wait3A_92] : memref<10016x128xf32, #tpu.memory_space<vmem_shared>> -> memref<32x128xf32, #tpu.memory_space<vmem_shared>>
      tpu.wait_dma2 semaphore(%run_scoped3A : memref<!tpu.dma_semaphore, #tpu.memory_space<semaphore_mem>>) src(%arg13 : memref<32x128xf32, #tpu.memory_space<vmem>>) dst(%dma_wait3A_93 : memref<32x128xf32, #tpu.memory_space<vmem_shared>>)
      tpu.yield
    }) : () -> ()
    %add3A_37 = arith.constant 480 : i32
    %add3A_38 = arith.addi %mul3A_6, %add3A_37 : i32
    "tpu.region"() ({
      %run_scoped3A = tpu.sem_alloc : memref<!tpu.dma_semaphore, #tpu.memory_space<semaphore_mem>>
      %dma_start3A_86 = arith.constant 0 : i32
      %dma_start3A_87 = tpu.memref_slice %arg22[%add3A_38, %dma_start3A_86] : memref<10016x128xf32, #tpu.memory_space<vmem_shared>> -> memref<32x128xf32, #tpu.memory_space<vmem_shared>>
      %dma_start3A_88 = arith.constant 0 : i32
      %dma_start3A_89 = tpu.memref_slice %arg22[%add3A_38, %dma_start3A_88] : memref<10016x128xf32, #tpu.memory_space<vmem_shared>> -> memref<32x128xf32, #tpu.memory_space<vmem_shared>>
      tpu.enqueue_dma source(%arg13 : memref<32x128xf32, #tpu.memory_space<vmem>>) target(%dma_start3A_89 : memref<32x128xf32, #tpu.memory_space<vmem_shared>>) target_semaphore(%run_scoped3A : memref<!tpu.dma_semaphore, #tpu.memory_space<semaphore_mem>>)
      %dma_wait3A_90 = arith.constant 0 : i32
      %dma_wait3A_91 = tpu.memref_slice %arg22[%add3A_38, %dma_wait3A_90] : memref<10016x128xf32, #tpu.memory_space<vmem_shared>> -> memref<32x128xf32, #tpu.memory_space<vmem_shared>>
      %dma_wait3A_92 = arith.constant 0 : i32
      %dma_wait3A_93 = tpu.memref_slice %arg22[%add3A_38, %dma_wait3A_92] : memref<10016x128xf32, #tpu.memory_space<vmem_shared>> -> memref<32x128xf32, #tpu.memory_space<vmem_shared>>
      tpu.wait_dma2 semaphore(%run_scoped3A : memref<!tpu.dma_semaphore, #tpu.memory_space<semaphore_mem>>) src(%arg13 : memref<32x128xf32, #tpu.memory_space<vmem>>) dst(%dma_wait3A_93 : memref<32x128xf32, #tpu.memory_space<vmem_shared>>)
      tpu.yield
    }) : () -> ()
    %add3A_39 = arith.constant 512 : i32
    %add3A_40 = arith.addi %mul3A_6, %add3A_39 : i32
    "tpu.region"() ({
      %run_scoped3A = tpu.sem_alloc : memref<!tpu.dma_semaphore, #tpu.memory_space<semaphore_mem>>
      %dma_start3A_86 = arith.constant 0 : i32
      %dma_start3A_87 = tpu.memref_slice %arg22[%add3A_40, %dma_start3A_86] : memref<10016x128xf32, #tpu.memory_space<vmem_shared>> -> memref<32x128xf32, #tpu.memory_space<vmem_shared>>
      %dma_start3A_88 = arith.constant 0 : i32
      %dma_start3A_89 = tpu.memref_slice %arg22[%add3A_40, %dma_start3A_88] : memref<10016x128xf32, #tpu.memory_space<vmem_shared>> -> memref<32x128xf32, #tpu.memory_space<vmem_shared>>
      tpu.enqueue_dma source(%arg13 : memref<32x128xf32, #tpu.memory_space<vmem>>) target(%dma_start3A_89 : memref<32x128xf32, #tpu.memory_space<vmem_shared>>) target_semaphore(%run_scoped3A : memref<!tpu.dma_semaphore, #tpu.memory_space<semaphore_mem>>)
      %dma_wait3A_90 = arith.constant 0 : i32
      %dma_wait3A_91 = tpu.memref_slice %arg22[%add3A_40, %dma_wait3A_90] : memref<10016x128xf32, #tpu.memory_space<vmem_shared>> -> memref<32x128xf32, #tpu.memory_space<vmem_shared>>
      %dma_wait3A_92 = arith.constant 0 : i32
      %dma_wait3A_93 = tpu.memref_slice %arg22[%add3A_40, %dma_wait3A_92] : memref<10016x128xf32, #tpu.memory_space<vmem_shared>> -> memref<32x128xf32, #tpu.memory_space<vmem_shared>>
      tpu.wait_dma2 semaphore(%run_scoped3A : memref<!tpu.dma_semaphore, #tpu.memory_space<semaphore_mem>>) src(%arg13 : memref<32x128xf32, #tpu.memory_space<vmem>>) dst(%dma_wait3A_93 : memref<32x128xf32, #tpu.memory_space<vmem_shared>>)
      tpu.yield
    }) : () -> ()
    %add3A_41 = arith.constant 544 : i32
    %add3A_42 = arith.addi %mul3A_6, %add3A_41 : i32
    "tpu.region"() ({
      %run_scoped3A = tpu.sem_alloc : memref<!tpu.dma_semaphore, #tpu.memory_space<semaphore_mem>>
      %dma_start3A_86 = arith.constant 0 : i32
      %dma_start3A_87 = tpu.memref_slice %arg22[%add3A_42, %dma_start3A_86] : memref<10016x128xf32, #tpu.memory_space<vmem_shared>> -> memref<32x128xf32, #tpu.memory_space<vmem_shared>>
      %dma_start3A_88 = arith.constant 0 : i32
      %dma_start3A_89 = tpu.memref_slice %arg22[%add3A_42, %dma_start3A_88] : memref<10016x128xf32, #tpu.memory_space<vmem_shared>> -> memref<32x128xf32, #tpu.memory_space<vmem_shared>>
      tpu.enqueue_dma source(%arg13 : memref<32x128xf32, #tpu.memory_space<vmem>>) target(%dma_start3A_89 : memref<32x128xf32, #tpu.memory_space<vmem_shared>>) target_semaphore(%run_scoped3A : memref<!tpu.dma_semaphore, #tpu.memory_space<semaphore_mem>>)
      %dma_wait3A_90 = arith.constant 0 : i32
      %dma_wait3A_91 = tpu.memref_slice %arg22[%add3A_42, %dma_wait3A_90] : memref<10016x128xf32, #tpu.memory_space<vmem_shared>> -> memref<32x128xf32, #tpu.memory_space<vmem_shared>>
      %dma_wait3A_92 = arith.constant 0 : i32
      %dma_wait3A_93 = tpu.memref_slice %arg22[%add3A_42, %dma_wait3A_92] : memref<10016x128xf32, #tpu.memory_space<vmem_shared>> -> memref<32x128xf32, #tpu.memory_space<vmem_shared>>
      tpu.wait_dma2 semaphore(%run_scoped3A : memref<!tpu.dma_semaphore, #tpu.memory_space<semaphore_mem>>) src(%arg13 : memref<32x128xf32, #tpu.memory_space<vmem>>) dst(%dma_wait3A_93 : memref<32x128xf32, #tpu.memory_space<vmem_shared>>)
      tpu.yield
    }) : () -> ()
    %add3A_43 = arith.constant 576 : i32
    %add3A_44 = arith.addi %mul3A_6, %add3A_43 : i32
    "tpu.region"() ({
      %run_scoped3A = tpu.sem_alloc : memref<!tpu.dma_semaphore, #tpu.memory_space<semaphore_mem>>
      %dma_start3A_86 = arith.constant 0 : i32
      %dma_start3A_87 = tpu.memref_slice %arg22[%add3A_44, %dma_start3A_86] : memref<10016x128xf32, #tpu.memory_space<vmem_shared>> -> memref<32x128xf32, #tpu.memory_space<vmem_shared>>
      %dma_start3A_88 = arith.constant 0 : i32
      %dma_start3A_89 = tpu.memref_slice %arg22[%add3A_44, %dma_start3A_88] : memref<10016x128xf32, #tpu.memory_space<vmem_shared>> -> memref<32x128xf32, #tpu.memory_space<vmem_shared>>
      tpu.enqueue_dma source(%arg13 : memref<32x128xf32, #tpu.memory_space<vmem>>) target(%dma_start3A_89 : memref<32x128xf32, #tpu.memory_space<vmem_shared>>) target_semaphore(%run_scoped3A : memref<!tpu.dma_semaphore, #tpu.memory_space<semaphore_mem>>)
      %dma_wait3A_90 = arith.constant 0 : i32
      %dma_wait3A_91 = tpu.memref_slice %arg22[%add3A_44, %dma_wait3A_90] : memref<10016x128xf32, #tpu.memory_space<vmem_shared>> -> memref<32x128xf32, #tpu.memory_space<vmem_shared>>
      %dma_wait3A_92 = arith.constant 0 : i32
      %dma_wait3A_93 = tpu.memref_slice %arg22[%add3A_44, %dma_wait3A_92] : memref<10016x128xf32, #tpu.memory_space<vmem_shared>> -> memref<32x128xf32, #tpu.memory_space<vmem_shared>>
      tpu.wait_dma2 semaphore(%run_scoped3A : memref<!tpu.dma_semaphore, #tpu.memory_space<semaphore_mem>>) src(%arg13 : memref<32x128xf32, #tpu.memory_space<vmem>>) dst(%dma_wait3A_93 : memref<32x128xf32, #tpu.memory_space<vmem_shared>>)
      tpu.yield
    }) : () -> ()
    %add3A_45 = arith.constant 608 : i32
    %add3A_46 = arith.addi %mul3A_6, %add3A_45 : i32
    "tpu.region"() ({
      %run_scoped3A = tpu.sem_alloc : memref<!tpu.dma_semaphore, #tpu.memory_space<semaphore_mem>>
      %dma_start3A_86 = arith.constant 0 : i32
      %dma_start3A_87 = arith.constant 0 : i32
      %dma_start3A_88 = tpu.memref_slice %arg13[%dma_start3A_86, %dma_start3A_87] : memref<32x128xf32, #tpu.memory_space<vmem>> -> memref<18x128xf32, #tpu.memory_space<vmem>>
      %dma_start3A_89 = arith.constant 0 : i32
      %dma_start3A_90 = tpu.memref_slice %arg22[%add3A_46, %dma_start3A_89] : memref<10016x128xf32, #tpu.memory_space<vmem_shared>> -> memref<18x128xf32, #tpu.memory_space<vmem_shared>>
      %dma_start3A_91 = arith.constant 0 : i32
      %dma_start3A_92 = tpu.memref_slice %arg22[%add3A_46, %dma_start3A_91] : memref<10016x128xf32, #tpu.memory_space<vmem_shared>> -> memref<18x128xf32, #tpu.memory_space<vmem_shared>>
      %dma_start3A_93 = arith.constant 0 : i32
      %dma_start3A_94 = arith.constant 0 : i32
      %dma_start3A_95 = tpu.memref_slice %arg13[%dma_start3A_93, %dma_start3A_94] : memref<32x128xf32, #tpu.memory_space<vmem>> -> memref<18x128xf32, #tpu.memory_space<vmem>>
      tpu.enqueue_dma source(%dma_start3A_95 : memref<18x128xf32, #tpu.memory_space<vmem>>) target(%dma_start3A_92 : memref<18x128xf32, #tpu.memory_space<vmem_shared>>) target_semaphore(%run_scoped3A : memref<!tpu.dma_semaphore, #tpu.memory_space<semaphore_mem>>)
      %dma_wait3A_96 = arith.constant 0 : i32
      %dma_wait3A_97 = arith.constant 0 : i32
      %dma_wait3A_98 = tpu.memref_slice %arg13[%dma_wait3A_96, %dma_wait3A_97] : memref<32x128xf32, #tpu.memory_space<vmem>> -> memref<18x128xf32, #tpu.memory_space<vmem>>
      %dma_wait3A_99 = arith.constant 0 : i32
      %dma_wait3A_100 = tpu.memref_slice %arg22[%add3A_46, %dma_wait3A_99] : memref<10016x128xf32, #tpu.memory_space<vmem_shared>> -> memref<18x128xf32, #tpu.memory_space<vmem_shared>>
      %dma_wait3A_101 = arith.constant 0 : i32
      %dma_wait3A_102 = tpu.memref_slice %arg22[%add3A_46, %dma_wait3A_101] : memref<10016x128xf32, #tpu.memory_space<vmem_shared>> -> memref<18x128xf32, #tpu.memory_space<vmem_shared>>
      %dma_wait3A_103 = arith.constant 0 : i32
      %dma_wait3A_104 = arith.constant 0 : i32
      %dma_wait3A_105 = tpu.memref_slice %arg13[%dma_wait3A_103, %dma_wait3A_104] : memref<32x128xf32, #tpu.memory_space<vmem>> -> memref<18x128xf32, #tpu.memory_space<vmem>>
      tpu.wait_dma2 semaphore(%run_scoped3A : memref<!tpu.dma_semaphore, #tpu.memory_space<semaphore_mem>>) src(%dma_wait3A_105 : memref<18x128xf32, #tpu.memory_space<vmem>>) dst(%dma_wait3A_102 : memref<18x128xf32, #tpu.memory_space<vmem_shared>>)
      tpu.yield
    }) : () -> ()
    %barrier3A = arith.constant 0 : index
    tpu.barrier barrier_id(%barrier3A)
    "tpu.region"() ({
      %run_scoped3A = tpu.sem_alloc : memref<!tpu.dma_semaphore, #tpu.memory_space<semaphore_mem>>
      %dma_start3A_86 = arith.constant 0 : i32
      %dma_start3A_87 = arith.constant 0 : i32
      %dma_start3A_88 = tpu.memref_slice %arg5[%add3A, %dma_start3A_86, %dma_start3A_87] : memref<32x328x32xi32, #tpu.memory_space<hbm>> -> memref<1x328x32xi32, #tpu.memory_space<hbm>>
      %dma_start3A_89 = tpu.memref_squeeze %dma_start3A_88 : memref<1x328x32xi32, #tpu.memory_space<hbm>> -> memref<328x32xi32, #tpu.memory_space<hbm>>
      %dma_start3A_90 = arith.constant 0 : i32
      %dma_start3A_91 = arith.constant 0 : i32
      %dma_start3A_92 = tpu.memref_slice %arg5[%add3A, %dma_start3A_90, %dma_start3A_91] : memref<32x328x32xi32, #tpu.memory_space<hbm>> -> memref<1x328x32xi32, #tpu.memory_space<hbm>>
      %dma_start3A_93 = tpu.memref_squeeze %dma_start3A_92 : memref<1x328x32xi32, #tpu.memory_space<hbm>> -> memref<328x32xi32, #tpu.memory_space<hbm>>
      tpu.enqueue_dma source(%dma_start3A_93 : memref<328x32xi32, #tpu.memory_space<hbm>>) target(%arg8 : memref<328x32xi32, #tpu.memory_space<vmem>>) target_semaphore(%run_scoped3A : memref<!tpu.dma_semaphore, #tpu.memory_space<semaphore_mem>>)
      %dma_wait3A_94 = arith.constant 0 : i32
      %dma_wait3A_95 = arith.constant 0 : i32
      %dma_wait3A_96 = tpu.memref_slice %arg5[%add3A, %dma_wait3A_94, %dma_wait3A_95] : memref<32x328x32xi32, #tpu.memory_space<hbm>> -> memref<1x328x32xi32, #tpu.memory_space<hbm>>
      %dma_wait3A_97 = tpu.memref_squeeze %dma_wait3A_96 : memref<1x328x32xi32, #tpu.memory_space<hbm>> -> memref<328x32xi32, #tpu.memory_space<hbm>>
      %dma_wait3A_98 = arith.constant 0 : i32
      %dma_wait3A_99 = arith.constant 0 : i32
      %dma_wait3A_100 = tpu.memref_slice %arg5[%add3A, %dma_wait3A_98, %dma_wait3A_99] : memref<32x328x32xi32, #tpu.memory_space<hbm>> -> memref<1x328x32xi32, #tpu.memory_space<hbm>>
      %dma_wait3A_101 = tpu.memref_squeeze %dma_wait3A_100 : memref<1x328x32xi32, #tpu.memory_space<hbm>> -> memref<328x32xi32, #tpu.memory_space<hbm>>
      tpu.wait_dma2 semaphore(%run_scoped3A : memref<!tpu.dma_semaphore, #tpu.memory_space<semaphore_mem>>) src(%dma_wait3A_101 : memref<328x32xi32, #tpu.memory_space<hbm>>) dst(%arg8 : memref<328x32xi32, #tpu.memory_space<vmem>>)
      tpu.yield
    }) : () -> ()
    "tpu.region"() ({
      %run_scoped3A = tpu.sem_alloc : memref<!tpu.dma_semaphore, #tpu.memory_space<semaphore_mem>>
      %dma_start3A_86 = arith.constant 0 : i32
      %dma_start3A_87 = arith.constant 0 : i32
      %dma_start3A_88 = tpu.memref_slice %arg6[%add3A, %dma_start3A_86, %dma_start3A_87] : memref<32x328x32xi32, #tpu.memory_space<hbm>> -> memref<1x328x32xi32, #tpu.memory_space<hbm>>
      %dma_start3A_89 = tpu.memref_squeeze %dma_start3A_88 : memref<1x328x32xi32, #tpu.memory_space<hbm>> -> memref<328x32xi32, #tpu.memory_space<hbm>>
      %dma_start3A_90 = arith.constant 0 : i32
      %dma_start3A_91 = arith.constant 0 : i32
      %dma_start3A_92 = tpu.memref_slice %arg6[%add3A, %dma_start3A_90, %dma_start3A_91] : memref<32x328x32xi32, #tpu.memory_space<hbm>> -> memref<1x328x32xi32, #tpu.memory_space<hbm>>
      %dma_start3A_93 = tpu.memref_squeeze %dma_start3A_92 : memref<1x328x32xi32, #tpu.memory_space<hbm>> -> memref<328x32xi32, #tpu.memory_space<hbm>>
      tpu.enqueue_dma source(%dma_start3A_93 : memref<328x32xi32, #tpu.memory_space<hbm>>) target(%arg9 : memref<328x32xi32, #tpu.memory_space<vmem>>) target_semaphore(%run_scoped3A : memref<!tpu.dma_semaphore, #tpu.memory_space<semaphore_mem>>)
      %dma_wait3A_94 = arith.constant 0 : i32
      %dma_wait3A_95 = arith.constant 0 : i32
      %dma_wait3A_96 = tpu.memref_slice %arg6[%add3A, %dma_wait3A_94, %dma_wait3A_95] : memref<32x328x32xi32, #tpu.memory_space<hbm>> -> memref<1x328x32xi32, #tpu.memory_space<hbm>>
      %dma_wait3A_97 = tpu.memref_squeeze %dma_wait3A_96 : memref<1x328x32xi32, #tpu.memory_space<hbm>> -> memref<328x32xi32, #tpu.memory_space<hbm>>
      %dma_wait3A_98 = arith.constant 0 : i32
      %dma_wait3A_99 = arith.constant 0 : i32
      %dma_wait3A_100 = tpu.memref_slice %arg6[%add3A, %dma_wait3A_98, %dma_wait3A_99] : memref<32x328x32xi32, #tpu.memory_space<hbm>> -> memref<1x328x32xi32, #tpu.memory_space<hbm>>
      %dma_wait3A_101 = tpu.memref_squeeze %dma_wait3A_100 : memref<1x328x32xi32, #tpu.memory_space<hbm>> -> memref<328x32xi32, #tpu.memory_space<hbm>>
      tpu.wait_dma2 semaphore(%run_scoped3A : memref<!tpu.dma_semaphore, #tpu.memory_space<semaphore_mem>>) src(%dma_wait3A_101 : memref<328x32xi32, #tpu.memory_space<hbm>>) dst(%arg9 : memref<328x32xi32, #tpu.memory_space<vmem>>)
      tpu.yield
    }) : () -> ()
    %dma_start3A = arith.constant 0 : i32
    %dma_start3A_47 = arith.constant 0 : i32
    %dma_start3A_48 = tpu.memref_slice %arg8[%dma_start3A, %dma_start3A_47] : memref<328x32xi32, #tpu.memory_space<vmem>> -> memref<1x32xi32, #tpu.memory_space<vmem>>
    %dma_start3A_49 = tpu.memref_squeeze %dma_start3A_48 : memref<1x32xi32, #tpu.memory_space<vmem>> -> memref<32xi32, #tpu.memory_space<vmem>>
    %dma_start3A_50 = arith.constant 0 : i32
    %dma_start3A_51 = arith.constant 0 : i32
    %dma_start3A_52 = tpu.memref_slice %arg3[%dma_start3A_50, %dma_start3A_51] : memref<10240x16xf32, #tpu.memory_space<hbm>> -> memref<10240x16xf32, #tpu.memory_space<hbm>>
    tpu.enqueue_indirect_dma source(%dma_start3A_52 : memref<10240x16xf32, #tpu.memory_space<hbm>>) target(%arg10 : memref<32x16xf32, #tpu.memory_space<vmem>>) offsets(%dma_start3A_49 : memref<32xi32, #tpu.memory_space<vmem>>) semaphore(%arg14 : memref<!tpu.dma_semaphore, #tpu.memory_space<semaphore_mem>>)
    %dma_start3A_53 = arith.constant 0 : i32
    %dma_start3A_54 = arith.constant 0 : i32
    %dma_start3A_55 = tpu.memref_slice %arg9[%dma_start3A_53, %dma_start3A_54] : memref<328x32xi32, #tpu.memory_space<vmem>> -> memref<1x32xi32, #tpu.memory_space<vmem>>
    %dma_start3A_56 = tpu.memref_squeeze %dma_start3A_55 : memref<1x32xi32, #tpu.memory_space<vmem>> -> memref<32xi32, #tpu.memory_space<vmem>>
    %dma_start3A_57 = arith.constant 0 : i32
    %dma_start3A_58 = arith.constant 0 : i32
    %dma_start3A_59 = tpu.memref_slice %arg4[%dma_start3A_57, %dma_start3A_58] : memref<10240x16xf32, #tpu.memory_space<hbm>> -> memref<10240x16xf32, #tpu.memory_space<hbm>>
    tpu.enqueue_indirect_dma source(%dma_start3A_59 : memref<10240x16xf32, #tpu.memory_space<hbm>>) target(%arg11 : memref<32x16xf32, #tpu.memory_space<vmem>>) offsets(%dma_start3A_56 : memref<32xi32, #tpu.memory_space<vmem>>) semaphore(%arg14 : memref<!tpu.dma_semaphore, #tpu.memory_space<semaphore_mem>>)
    %dma_start3A_60 = arith.constant 0 : i32
    %dma_start3A_61 = arith.constant 0 : i32
    %dma_start3A_62 = tpu.memref_slice %arg8[%dma_start3A_60, %dma_start3A_61] : memref<328x32xi32, #tpu.memory_space<vmem>> -> memref<1x32xi32, #tpu.memory_space<vmem>>
    %dma_start3A_63 = tpu.memref_squeeze %dma_start3A_62 : memref<1x32xi32, #tpu.memory_space<vmem>> -> memref<32xi32, #tpu.memory_space<vmem>>
    %dma_start3A_64 = arith.constant 0 : i32
    %dma_start3A_65 = arith.constant 0 : i32
    %dma_start3A_66 = tpu.memref_slice %arg2[%dma_start3A_64, %dma_start3A_65] : memref<10240x128xbf16, #tpu.memory_space<hbm>> -> memref<10240x128xbf16, #tpu.memory_space<hbm>>
    tpu.enqueue_indirect_dma source(%dma_start3A_66 : memref<10240x128xbf16, #tpu.memory_space<hbm>>) target(%arg12 : memref<32x128xbf16, #tpu.memory_space<vmem>>) offsets(%dma_start3A_63 : memref<32xi32, #tpu.memory_space<vmem>>) semaphore(%arg14 : memref<!tpu.dma_semaphore, #tpu.memory_space<semaphore_mem>>)
    %scan3A_67 = arith.constant 0 : i32
    %scan3A_68 = arith.constant 164 : i32
    %scan3A_69 = arith.addi %scan3A_67, %scan3A_68 : i32
    %scan3A_70 = arith.constant 1 : i32
    scf.for %scan3A_86 = %scan3A_67 to %scan3A_69 step %scan3A_70  : i32 {
      %mul3A_87 = arith.constant 2 : i32
      %mul3A_88 = arith.muli %scan3A_86, %mul3A_87 : i32
      %add3A_89 = arith.constant 0 : i32
      %add3A_90 = arith.addi %add3A_89, %mul3A_88 : i32
      %add3A_91 = arith.constant 1 : i32
      %add3A_92 = arith.addi %add3A_90, %add3A_91 : i32
      %dma_start3A_93 = arith.constant 0 : i32
      %dma_start3A_94 = tpu.memref_slice %arg8[%add3A_92, %dma_start3A_93] : memref<328x32xi32, #tpu.memory_space<vmem>> -> memref<1x32xi32, #tpu.memory_space<vmem>>
      %dma_start3A_95 = tpu.memref_squeeze %dma_start3A_94 : memref<1x32xi32, #tpu.memory_space<vmem>> -> memref<32xi32, #tpu.memory_space<vmem>>
      %dma_start3A_96 = arith.constant 0 : i32
      %dma_start3A_97 = arith.constant 0 : i32
      %dma_start3A_98 = tpu.memref_slice %arg3[%dma_start3A_96, %dma_start3A_97] : memref<10240x16xf32, #tpu.memory_space<hbm>> -> memref<10240x16xf32, #tpu.memory_space<hbm>>
      tpu.enqueue_indirect_dma source(%dma_start3A_98 : memref<10240x16xf32, #tpu.memory_space<hbm>>) target(%arg16 : memref<32x16xf32, #tpu.memory_space<vmem>>) offsets(%dma_start3A_95 : memref<32xi32, #tpu.memory_space<vmem>>) semaphore(%arg20 : memref<!tpu.dma_semaphore, #tpu.memory_space<semaphore_mem>>)
      %dma_start3A_99 = arith.constant 0 : i32
      %dma_start3A_100 = tpu.memref_slice %arg9[%add3A_92, %dma_start3A_99] : memref<328x32xi32, #tpu.memory_space<vmem>> -> memref<1x32xi32, #tpu.memory_space<vmem>>
      %dma_start3A_101 = tpu.memref_squeeze %dma_start3A_100 : memref<1x32xi32, #tpu.memory_space<vmem>> -> memref<32xi32, #tpu.memory_space<vmem>>
      %dma_start3A_102 = arith.constant 0 : i32
      %dma_start3A_103 = arith.constant 0 : i32
      %dma_start3A_104 = tpu.memref_slice %arg4[%dma_start3A_102, %dma_start3A_103] : memref<10240x16xf32, #tpu.memory_space<hbm>> -> memref<10240x16xf32, #tpu.memory_space<hbm>>
      tpu.enqueue_indirect_dma source(%dma_start3A_104 : memref<10240x16xf32, #tpu.memory_space<hbm>>) target(%arg17 : memref<32x16xf32, #tpu.memory_space<vmem>>) offsets(%dma_start3A_101 : memref<32xi32, #tpu.memory_space<vmem>>) semaphore(%arg20 : memref<!tpu.dma_semaphore, #tpu.memory_space<semaphore_mem>>)
      %dma_start3A_105 = arith.constant 0 : i32
      %dma_start3A_106 = tpu.memref_slice %arg8[%add3A_92, %dma_start3A_105] : memref<328x32xi32, #tpu.memory_space<vmem>> -> memref<1x32xi32, #tpu.memory_space<vmem>>
      %dma_start3A_107 = tpu.memref_squeeze %dma_start3A_106 : memref<1x32xi32, #tpu.memory_space<vmem>> -> memref<32xi32, #tpu.memory_space<vmem>>
      %dma_start3A_108 = arith.constant 0 : i32
      %dma_start3A_109 = arith.constant 0 : i32
      %dma_start3A_110 = tpu.memref_slice %arg2[%dma_start3A_108, %dma_start3A_109] : memref<10240x128xbf16, #tpu.memory_space<hbm>> -> memref<10240x128xbf16, #tpu.memory_space<hbm>>
      tpu.enqueue_indirect_dma source(%dma_start3A_110 : memref<10240x128xbf16, #tpu.memory_space<hbm>>) target(%arg18 : memref<32x128xbf16, #tpu.memory_space<vmem>>) offsets(%dma_start3A_107 : memref<32xi32, #tpu.memory_space<vmem>>) semaphore(%arg20 : memref<!tpu.dma_semaphore, #tpu.memory_space<semaphore_mem>>)
      %ge3A = arith.constant 2 : i32
      %ge3A_111 = arith.cmpi sge, %add3A_90, %ge3A : i32
      %convert_element_type3A = arith.extui %ge3A_111 : i1 to i32
      %cond3A = arith.constant 0 : i32
      %cond3A_112 = arith.cmpi ne, %convert_element_type3A, %cond3A : i32
      scf.if %cond3A_112 {
        %sub3A = arith.constant 2 : i32
        %sub3A_188 = arith.subi %add3A_90, %sub3A : i32
        %dma_wait3A_189 = arith.constant 0 : i32
        %dma_wait3A_190 = tpu.memref_slice %arg9[%sub3A_188, %dma_wait3A_189] : memref<328x32xi32, #tpu.memory_space<vmem>> -> memref<1x32xi32, #tpu.memory_space<vmem>>
        %dma_wait3A_191 = tpu.memref_squeeze %dma_wait3A_190 : memref<1x32xi32, #tpu.memory_space<vmem>> -> memref<32xi32, #tpu.memory_space<vmem>>
        %dma_wait3A_192 = arith.constant 0 : i32
        %dma_wait3A_193 = arith.constant 0 : i32
        %dma_wait3A_194 = tpu.memref_slice %arg22[%dma_wait3A_192, %dma_wait3A_193] : memref<10016x128xf32, #tpu.memory_space<vmem_shared>> -> memref<10016x128xf32, #tpu.memory_space<vmem_shared>>
        tpu.wait_indirect_dma semaphore(%arg15 : memref<!tpu.dma_semaphore, #tpu.memory_space<semaphore_mem>>) src(%arg13 : memref<32x128xf32, #tpu.memory_space<vmem>>) dst(%dma_wait3A_194 : memref<10016x128xf32, #tpu.memory_space<vmem_shared>>)
      } else {
      }
      %dma_wait3A_113 = arith.constant 0 : i32
      %dma_wait3A_114 = tpu.memref_slice %arg8[%add3A_90, %dma_wait3A_113] : memref<328x32xi32, #tpu.memory_space<vmem>> -> memref<1x32xi32, #tpu.memory_space<vmem>>
      %dma_wait3A_115 = tpu.memref_squeeze %dma_wait3A_114 : memref<1x32xi32, #tpu.memory_space<vmem>> -> memref<32xi32, #tpu.memory_space<vmem>>
      %dma_wait3A_116 = arith.constant 0 : i32
      %dma_wait3A_117 = arith.constant 0 : i32
      %dma_wait3A_118 = tpu.memref_slice %arg3[%dma_wait3A_116, %dma_wait3A_117] : memref<10240x16xf32, #tpu.memory_space<hbm>> -> memref<10240x16xf32, #tpu.memory_space<hbm>>
      tpu.wait_indirect_dma semaphore(%arg14 : memref<!tpu.dma_semaphore, #tpu.memory_space<semaphore_mem>>) src(%dma_wait3A_118 : memref<10240x16xf32, #tpu.memory_space<hbm>>) dst(%arg10 : memref<32x16xf32, #tpu.memory_space<vmem>>)
      %dma_wait3A_119 = arith.constant 0 : i32
      %dma_wait3A_120 = tpu.memref_slice %arg9[%add3A_90, %dma_wait3A_119] : memref<328x32xi32, #tpu.memory_space<vmem>> -> memref<1x32xi32, #tpu.memory_space<vmem>>
      %dma_wait3A_121 = tpu.memref_squeeze %dma_wait3A_120 : memref<1x32xi32, #tpu.memory_space<vmem>> -> memref<32xi32, #tpu.memory_space<vmem>>
      %dma_wait3A_122 = arith.constant 0 : i32
      %dma_wait3A_123 = arith.constant 0 : i32
      %dma_wait3A_124 = tpu.memref_slice %arg4[%dma_wait3A_122, %dma_wait3A_123] : memref<10240x16xf32, #tpu.memory_space<hbm>> -> memref<10240x16xf32, #tpu.memory_space<hbm>>
      tpu.wait_indirect_dma semaphore(%arg14 : memref<!tpu.dma_semaphore, #tpu.memory_space<semaphore_mem>>) src(%dma_wait3A_124 : memref<10240x16xf32, #tpu.memory_space<hbm>>) dst(%arg11 : memref<32x16xf32, #tpu.memory_space<vmem>>)
      %dma_wait3A_125 = arith.constant 0 : i32
      %dma_wait3A_126 = tpu.memref_slice %arg8[%add3A_90, %dma_wait3A_125] : memref<328x32xi32, #tpu.memory_space<vmem>> -> memref<1x32xi32, #tpu.memory_space<vmem>>
      %dma_wait3A_127 = tpu.memref_squeeze %dma_wait3A_126 : memref<1x32xi32, #tpu.memory_space<vmem>> -> memref<32xi32, #tpu.memory_space<vmem>>
      %dma_wait3A_128 = arith.constant 0 : i32
      %dma_wait3A_129 = arith.constant 0 : i32
      %dma_wait3A_130 = tpu.memref_slice %arg2[%dma_wait3A_128, %dma_wait3A_129] : memref<10240x128xbf16, #tpu.memory_space<hbm>> -> memref<10240x128xbf16, #tpu.memory_space<hbm>>
      tpu.wait_indirect_dma semaphore(%arg14 : memref<!tpu.dma_semaphore, #tpu.memory_space<semaphore_mem>>) src(%dma_wait3A_130 : memref<10240x128xbf16, #tpu.memory_space<hbm>>) dst(%arg12 : memref<32x128xbf16, #tpu.memory_space<vmem>>)
      %scan3A_131 = arith.constant 0 : i32
      %scan3A_132 = arith.constant 32 : i32
      %scan3A_133 = arith.addi %scan3A_131, %scan3A_132 : i32
      %scan3A_134 = arith.constant 1 : i32
      scf.for %scan3A_188 = %scan3A_131 to %scan3A_133 step %scan3A_134  : i32 {
        %mul3A_189 = arith.constant 1 : i32
        %mul3A_190 = arith.muli %scan3A_188, %mul3A_189 : i32
        %add3A_191 = arith.constant 0 : i32
        %add3A_192 = arith.addi %add3A_191, %mul3A_190 : i32
        %get3A = arith.index_cast %add3A_192 : i32 to index
        %get3A_193 = arith.constant 0 : index
        %get3A_194 = tpu.vector_load %arg10[%get3A, %get3A_193] {strides = array<i32>} : memref<32x16xf32, #tpu.memory_space<vmem>>, vector<16xf32>,
        %get3A_195 = arith.index_cast %add3A_192 : i32 to index
        %get3A_196 = arith.constant 0 : index
        %get3A_197 = tpu.vector_load %arg11[%get3A_195, %get3A_196] {strides = array<i32>} : memref<32x16xf32, #tpu.memory_space<vmem>>, vector<16xf32>,
        %add3A_198 = arith.addf %get3A_194, %get3A_197 : vector<16xf32>
        %mul3A_199 = arith.constant 2.000000e-01 : f32
        %mul3A_200 = vector.broadcast %mul3A_199 : f32 to vector<16xf32>
        %mul3A_201 = arith.mulf %mul3A_200, %add3A_198 : vector<16xf32>
        %max3A = arith.maximumf %add3A_198, %mul3A_201 : vector<16xf32>
        %exp3A = math.exp %max3A : vector<16xf32>
        %broadcast_in_dim3A = arith.constant 4 : i32
        %broadcast_in_dim3A_202 = vector.broadcast %broadcast_in_dim3A : i32 to vector<16xi32>
        %lt3A_203 = arith.constant 0 : i32
        %lt3A_204 = vector.broadcast %lt3A_203 : i32 to vector<16xi32>
        %lt3A_205 = arith.cmpi slt, %broadcast_in_dim3A_202, %lt3A_204 : vector<16xi32>
        %add3A_206 = arith.constant 16 : i32
        %add3A_207 = vector.broadcast %add3A_206 : i32 to vector<16xi32>
        %add3A_208 = arith.addi %broadcast_in_dim3A_202, %add3A_207 : vector<16xi32>
        %select_n3A = arith.select %lt3A_205, %add3A_208, %broadcast_in_dim3A_202 : vector<16xi1>, vector<16xi32>
        %broadcast_in_dim3A_209 = vector.shape_cast %select_n3A : vector<16xi32> to vector<16x1xi32>
        %gather3A = vector.shape_cast %broadcast_in_dim3A_209 : vector<16x1xi32> to vector<16xi32>
        %gather3A_210 = tpu.dynamic_gather %exp3A[%gather3A] in [0] : vector<16xf32>, vector<16xi32> -> vector<16xf32>
        %get3A_211 = arith.index_cast %add3A_192 : i32 to index
        %get3A_212 = arith.constant 0 : index
        %get3A_213 = tpu.vector_load %arg12[%get3A_211, %get3A_212] {strides = array<i32>} : memref<32x128xbf16, #tpu.memory_space<vmem>>, vector<32xbf16>,
        %bitcast3A = vector.bitcast %get3A_213 : vector<32xbf16> to vector<16xi32>
        %shift_left3A = arith.constant 16 : i32
        %shift_left3A_214 = vector.broadcast %shift_left3A : i32 to vector<16xi32>
        %shift_left3A_215 = arith.shli %bitcast3A, %shift_left3A_214 : vector<16xi32>
        %bitcast3A_216 = vector.bitcast %shift_left3A_215 : vector<16xi32> to vector<16xf32>
        %and3A = arith.constant -65536 : i32
        %and3A_217 = vector.broadcast %and3A : i32 to vector<16xi32>
        %and3A_218 = arith.andi %bitcast3A, %and3A_217 : vector<16xi32>
        %bitcast3A_219 = vector.bitcast %and3A_218 : vector<16xi32> to vector<16xf32>
        %mul3A_220 = arith.mulf %bitcast3A_216, %gather3A_210 : vector<16xf32>
        %swap3A = arith.index_cast %add3A_192 : i32 to index
        %swap3A_221 = arith.constant 0 : index
        %swap3A_222 = tpu.vector_load %arg13[%swap3A, %swap3A_221] {strides = array<i32>} : memref<32x128xf32, #tpu.memory_space<vmem>>, vector<16xf32>,
        tpu.vector_store %arg13[%swap3A, %swap3A_221], %mul3A_220 {strides = array<i32>} : memref<32x128xf32, #tpu.memory_space<vmem>>, vector<16xf32>,
        %mul3A_223 = arith.mulf %bitcast3A_219, %gather3A_210 : vector<16xf32>
        %swap3A_224 = arith.index_cast %add3A_192 : i32 to index
        %swap3A_225 = arith.constant 16 : index
        %swap3A_226 = tpu.vector_load %arg13[%swap3A_224, %swap3A_225] {strides = array<i32>} : memref<32x128xf32, #tpu.memory_space<vmem>>, vector<16xf32>,
        tpu.vector_store %arg13[%swap3A_224, %swap3A_225], %mul3A_223 {strides = array<i32>} : memref<32x128xf32, #tpu.memory_space<vmem>>, vector<16xf32>,
        %broadcast_in_dim3A_227 = arith.constant 5 : i32
        %broadcast_in_dim3A_228 = vector.broadcast %broadcast_in_dim3A_227 : i32 to vector<16xi32>
        %lt3A_229 = arith.constant 0 : i32
        %lt3A_230 = vector.broadcast %lt3A_229 : i32 to vector<16xi32>
        %lt3A_231 = arith.cmpi slt, %broadcast_in_dim3A_228, %lt3A_230 : vector<16xi32>
        %add3A_232 = arith.constant 16 : i32
        %add3A_233 = vector.broadcast %add3A_232 : i32 to vector<16xi32>
        %add3A_234 = arith.addi %broadcast_in_dim3A_228, %add3A_233 : vector<16xi32>
        %select_n3A_235 = arith.select %lt3A_231, %add3A_234, %broadcast_in_dim3A_228 : vector<16xi1>, vector<16xi32>
        %broadcast_in_dim3A_236 = vector.shape_cast %select_n3A_235 : vector<16xi32> to vector<16x1xi32>
        %gather3A_237 = vector.shape_cast %broadcast_in_dim3A_236 : vector<16x1xi32> to vector<16xi32>
        %gather3A_238 = tpu.dynamic_gather %exp3A[%gather3A_237] in [0] : vector<16xf32>, vector<16xi32> -> vector<16xf32>
        %get3A_239 = arith.index_cast %add3A_192 : i32 to index
        %get3A_240 = arith.constant 32 : index
        %get3A_241 = tpu.vector_load %arg12[%get3A_239, %get3A_240] {strides = array<i32>} : memref<32x128xbf16, #tpu.memory_space<vmem>>, vector<32xbf16>,
        %bitcast3A_242 = vector.bitcast %get3A_241 : vector<32xbf16> to vector<16xi32>
        %shift_left3A_243 = arith.constant 16 : i32
        %shift_left3A_244 = vector.broadcast %shift_left3A_243 : i32 to vector<16xi32>
        %shift_left3A_245 = arith.shli %bitcast3A_242, %shift_left3A_244 : vector<16xi32>
        %bitcast3A_246 = vector.bitcast %shift_left3A_245 : vector<16xi32> to vector<16xf32>
        %and3A_247 = arith.constant -65536 : i32
        %and3A_248 = vector.broadcast %and3A_247 : i32 to vector<16xi32>
        %and3A_249 = arith.andi %bitcast3A_242, %and3A_248 : vector<16xi32>
        %bitcast3A_250 = vector.bitcast %and3A_249 : vector<16xi32> to vector<16xf32>
        %mul3A_251 = arith.mulf %bitcast3A_246, %gather3A_238 : vector<16xf32>
        %swap3A_252 = arith.index_cast %add3A_192 : i32 to index
        %swap3A_253 = arith.constant 32 : index
        %swap3A_254 = tpu.vector_load %arg13[%swap3A_252, %swap3A_253] {strides = array<i32>} : memref<32x128xf32, #tpu.memory_space<vmem>>, vector<16xf32>,
        tpu.vector_store %arg13[%swap3A_252, %swap3A_253], %mul3A_251 {strides = array<i32>} : memref<32x128xf32, #tpu.memory_space<vmem>>, vector<16xf32>,
        %mul3A_255 = arith.mulf %bitcast3A_250, %gather3A_238 : vector<16xf32>
        %swap3A_256 = arith.index_cast %add3A_192 : i32 to index
        %swap3A_257 = arith.constant 48 : index
        %swap3A_258 = tpu.vector_load %arg13[%swap3A_256, %swap3A_257] {strides = array<i32>} : memref<32x128xf32, #tpu.memory_space<vmem>>, vector<16xf32>,
        tpu.vector_store %arg13[%swap3A_256, %swap3A_257], %mul3A_255 {strides = array<i32>} : memref<32x128xf32, #tpu.memory_space<vmem>>, vector<16xf32>,
        %broadcast_in_dim3A_259 = arith.constant 6 : i32
        %broadcast_in_dim3A_260 = vector.broadcast %broadcast_in_dim3A_259 : i32 to vector<16xi32>
        %lt3A_261 = arith.constant 0 : i32
        %lt3A_262 = vector.broadcast %lt3A_261 : i32 to vector<16xi32>
        %lt3A_263 = arith.cmpi slt, %broadcast_in_dim3A_260, %lt3A_262 : vector<16xi32>
        %add3A_264 = arith.constant 16 : i32
        %add3A_265 = vector.broadcast %add3A_264 : i32 to vector<16xi32>
        %add3A_266 = arith.addi %broadcast_in_dim3A_260, %add3A_265 : vector<16xi32>
        %select_n3A_267 = arith.select %lt3A_263, %add3A_266, %broadcast_in_dim3A_260 : vector<16xi1>, vector<16xi32>
        %broadcast_in_dim3A_268 = vector.shape_cast %select_n3A_267 : vector<16xi32> to vector<16x1xi32>
        %gather3A_269 = vector.shape_cast %broadcast_in_dim3A_268 : vector<16x1xi32> to vector<16xi32>
        %gather3A_270 = tpu.dynamic_gather %exp3A[%gather3A_269] in [0] : vector<16xf32>, vector<16xi32> -> vector<16xf32>
        %get3A_271 = arith.index_cast %add3A_192 : i32 to index
        %get3A_272 = arith.constant 64 : index
        %get3A_273 = tpu.vector_load %arg12[%get3A_271, %get3A_272] {strides = array<i32>} : memref<32x128xbf16, #tpu.memory_space<vmem>>, vector<32xbf16>,
        %bitcast3A_274 = vector.bitcast %get3A_273 : vector<32xbf16> to vector<16xi32>
        %shift_left3A_275 = arith.constant 16 : i32
        %shift_left3A_276 = vector.broadcast %shift_left3A_275 : i32 to vector<16xi32>
        %shift_left3A_277 = arith.shli %bitcast3A_274, %shift_left3A_276 : vector<16xi32>
        %bitcast3A_278 = vector.bitcast %shift_left3A_277 : vector<16xi32> to vector<16xf32>
        %and3A_279 = arith.constant -65536 : i32
        %and3A_280 = vector.broadcast %and3A_279 : i32 to vector<16xi32>
        %and3A_281 = arith.andi %bitcast3A_274, %and3A_280 : vector<16xi32>
        %bitcast3A_282 = vector.bitcast %and3A_281 : vector<16xi32> to vector<16xf32>
        %mul3A_283 = arith.mulf %bitcast3A_278, %gather3A_270 : vector<16xf32>
        %swap3A_284 = arith.index_cast %add3A_192 : i32 to index
        %swap3A_285 = arith.constant 64 : index
        %swap3A_286 = tpu.vector_load %arg13[%swap3A_284, %swap3A_285] {strides = array<i32>} : memref<32x128xf32, #tpu.memory_space<vmem>>, vector<16xf32>,
        tpu.vector_store %arg13[%swap3A_284, %swap3A_285], %mul3A_283 {strides = array<i32>} : memref<32x128xf32, #tpu.memory_space<vmem>>, vector<16xf32>,
        %mul3A_287 = arith.mulf %bitcast3A_282, %gather3A_270 : vector<16xf32>
        %swap3A_288 = arith.index_cast %add3A_192 : i32 to index
        %swap3A_289 = arith.constant 80 : index
        %swap3A_290 = tpu.vector_load %arg13[%swap3A_288, %swap3A_289] {strides = array<i32>} : memref<32x128xf32, #tpu.memory_space<vmem>>, vector<16xf32>,
        tpu.vector_store %arg13[%swap3A_288, %swap3A_289], %mul3A_287 {strides = array<i32>} : memref<32x128xf32, #tpu.memory_space<vmem>>, vector<16xf32>,
        %broadcast_in_dim3A_291 = arith.constant 7 : i32
        %broadcast_in_dim3A_292 = vector.broadcast %broadcast_in_dim3A_291 : i32 to vector<16xi32>
        %lt3A_293 = arith.constant 0 : i32
        %lt3A_294 = vector.broadcast %lt3A_293 : i32 to vector<16xi32>
        %lt3A_295 = arith.cmpi slt, %broadcast_in_dim3A_292, %lt3A_294 : vector<16xi32>
        %add3A_296 = arith.constant 16 : i32
        %add3A_297 = vector.broadcast %add3A_296 : i32 to vector<16xi32>
        %add3A_298 = arith.addi %broadcast_in_dim3A_292, %add3A_297 : vector<16xi32>
        %select_n3A_299 = arith.select %lt3A_295, %add3A_298, %broadcast_in_dim3A_292 : vector<16xi1>, vector<16xi32>
        %broadcast_in_dim3A_300 = vector.shape_cast %select_n3A_299 : vector<16xi32> to vector<16x1xi32>
        %gather3A_301 = vector.shape_cast %broadcast_in_dim3A_300 : vector<16x1xi32> to vector<16xi32>
        %gather3A_302 = tpu.dynamic_gather %exp3A[%gather3A_301] in [0] : vector<16xf32>, vector<16xi32> -> vector<16xf32>
        %get3A_303 = arith.index_cast %add3A_192 : i32 to index
        %get3A_304 = arith.constant 96 : index
        %get3A_305 = tpu.vector_load %arg12[%get3A_303, %get3A_304] {strides = array<i32>} : memref<32x128xbf16, #tpu.memory_space<vmem>>, vector<32xbf16>,
        %bitcast3A_306 = vector.bitcast %get3A_305 : vector<32xbf16> to vector<16xi32>
        %shift_left3A_307 = arith.constant 16 : i32
        %shift_left3A_308 = vector.broadcast %shift_left3A_307 : i32 to vector<16xi32>
        %shift_left3A_309 = arith.shli %bitcast3A_306, %shift_left3A_308 : vector<16xi32>
        %bitcast3A_310 = vector.bitcast %shift_left3A_309 : vector<16xi32> to vector<16xf32>
        %and3A_311 = arith.constant -65536 : i32
        %and3A_312 = vector.broadcast %and3A_311 : i32 to vector<16xi32>
        %and3A_313 = arith.andi %bitcast3A_306, %and3A_312 : vector<16xi32>
        %bitcast3A_314 = vector.bitcast %and3A_313 : vector<16xi32> to vector<16xf32>
        %mul3A_315 = arith.mulf %bitcast3A_310, %gather3A_302 : vector<16xf32>
        %swap3A_316 = arith.index_cast %add3A_192 : i32 to index
        %swap3A_317 = arith.constant 96 : index
        %swap3A_318 = tpu.vector_load %arg13[%swap3A_316, %swap3A_317] {strides = array<i32>} : memref<32x128xf32, #tpu.memory_space<vmem>>, vector<16xf32>,
        tpu.vector_store %arg13[%swap3A_316, %swap3A_317], %mul3A_315 {strides = array<i32>} : memref<32x128xf32, #tpu.memory_space<vmem>>, vector<16xf32>,
        %mul3A_319 = arith.mulf %bitcast3A_314, %gather3A_302 : vector<16xf32>
        %swap3A_320 = arith.index_cast %add3A_192 : i32 to index
        %swap3A_321 = arith.constant 112 : index
        %swap3A_322 = tpu.vector_load %arg13[%swap3A_320, %swap3A_321] {strides = array<i32>} : memref<32x128xf32, #tpu.memory_space<vmem>>, vector<16xf32>,
        tpu.vector_store %arg13[%swap3A_320, %swap3A_321], %mul3A_319 {strides = array<i32>} : memref<32x128xf32, #tpu.memory_space<vmem>>, vector<16xf32>,
      }
      %scan3A_135 = arith.constant 32 : i32
      %dma_start3A_136 = arith.constant 0 : i32
      %dma_start3A_137 = tpu.memref_slice %arg9[%add3A_90, %dma_start3A_136] : memref<328x32xi32, #tpu.memory_space<vmem>> -> memref<1x32xi32, #tpu.memory_space<vmem>>
      %dma_start3A_138 = tpu.memref_squeeze %dma_start3A_137 : memref<1x32xi32, #tpu.memory_space<vmem>> -> memref<32xi32, #tpu.memory_space<vmem>>
      %dma_start3A_139 = arith.constant 0 : i32
      %dma_start3A_140 = arith.constant 0 : i32
      %dma_start3A_141 = tpu.memref_slice %arg22[%dma_start3A_139, %dma_start3A_140] : memref<10016x128xf32, #tpu.memory_space<vmem_shared>> -> memref<10016x128xf32, #tpu.memory_space<vmem_shared>>
      tpu.enqueue_indirect_dma source(%arg13 : memref<32x128xf32, #tpu.memory_space<vmem>>) target(%dma_start3A_141 : memref<10016x128xf32, #tpu.memory_space<vmem_shared>>) offsets(%dma_start3A_138 : memref<32xi32, #tpu.memory_space<vmem>>) semaphore(%arg15 : memref<!tpu.dma_semaphore, #tpu.memory_space<semaphore_mem>>) {add = true}
      %add3A_142 = arith.constant 2 : i32
      %add3A_143 = arith.addi %add3A_90, %add3A_142 : i32
      %lt3A = arith.constant 328 : i32
      %lt3A_144 = arith.cmpi slt, %add3A_143, %lt3A : i32
      %convert_element_type3A_145 = arith.extui %lt3A_144 : i1 to i32
      %cond3A_146 = arith.constant 0 : i32
      %cond3A_147 = arith.cmpi ne, %convert_element_type3A_145, %cond3A_146 : i32
      scf.if %cond3A_147 {
        %add3A_188 = arith.constant 2 : i32
        %add3A_189 = arith.addi %add3A_90, %add3A_188 : i32
        %dma_start3A_190 = arith.constant 0 : i32
        %dma_start3A_191 = tpu.memref_slice %arg8[%add3A_189, %dma_start3A_190] : memref<328x32xi32, #tpu.memory_space<vmem>> -> memref<1x32xi32, #tpu.memory_space<vmem>>
        %dma_start3A_192 = tpu.memref_squeeze %dma_start3A_191 : memref<1x32xi32, #tpu.memory_space<vmem>> -> memref<32xi32, #tpu.memory_space<vmem>>
        %dma_start3A_193 = arith.constant 0 : i32
        %dma_start3A_194 = arith.constant 0 : i32
        %dma_start3A_195 = tpu.memref_slice %arg3[%dma_start3A_193, %dma_start3A_194] : memref<10240x16xf32, #tpu.memory_space<hbm>> -> memref<10240x16xf32, #tpu.memory_space<hbm>>
        tpu.enqueue_indirect_dma source(%dma_start3A_195 : memref<10240x16xf32, #tpu.memory_space<hbm>>) target(%arg10 : memref<32x16xf32, #tpu.memory_space<vmem>>) offsets(%dma_start3A_192 : memref<32xi32, #tpu.memory_space<vmem>>) semaphore(%arg14 : memref<!tpu.dma_semaphore, #tpu.memory_space<semaphore_mem>>)
        %dma_start3A_196 = arith.constant 0 : i32
        %dma_start3A_197 = tpu.memref_slice %arg9[%add3A_189, %dma_start3A_196] : memref<328x32xi32, #tpu.memory_space<vmem>> -> memref<1x32xi32, #tpu.memory_space<vmem>>
        %dma_start3A_198 = tpu.memref_squeeze %dma_start3A_197 : memref<1x32xi32, #tpu.memory_space<vmem>> -> memref<32xi32, #tpu.memory_space<vmem>>
        %dma_start3A_199 = arith.constant 0 : i32
        %dma_start3A_200 = arith.constant 0 : i32
        %dma_start3A_201 = tpu.memref_slice %arg4[%dma_start3A_199, %dma_start3A_200] : memref<10240x16xf32, #tpu.memory_space<hbm>> -> memref<10240x16xf32, #tpu.memory_space<hbm>>
        tpu.enqueue_indirect_dma source(%dma_start3A_201 : memref<10240x16xf32, #tpu.memory_space<hbm>>) target(%arg11 : memref<32x16xf32, #tpu.memory_space<vmem>>) offsets(%dma_start3A_198 : memref<32xi32, #tpu.memory_space<vmem>>) semaphore(%arg14 : memref<!tpu.dma_semaphore, #tpu.memory_space<semaphore_mem>>)
        %dma_start3A_202 = arith.constant 0 : i32
        %dma_start3A_203 = tpu.memref_slice %arg8[%add3A_189, %dma_start3A_202] : memref<328x32xi32, #tpu.memory_space<vmem>> -> memref<1x32xi32, #tpu.memory_space<vmem>>
        %dma_start3A_204 = tpu.memref_squeeze %dma_start3A_203 : memref<1x32xi32, #tpu.memory_space<vmem>> -> memref<32xi32, #tpu.memory_space<vmem>>
        %dma_start3A_205 = arith.constant 0 : i32
        %dma_start3A_206 = arith.constant 0 : i32
        %dma_start3A_207 = tpu.memref_slice %arg2[%dma_start3A_205, %dma_start3A_206] : memref<10240x128xbf16, #tpu.memory_space<hbm>> -> memref<10240x128xbf16, #tpu.memory_space<hbm>>
        tpu.enqueue_indirect_dma source(%dma_start3A_207 : memref<10240x128xbf16, #tpu.memory_space<hbm>>) target(%arg12 : memref<32x128xbf16, #tpu.memory_space<vmem>>) offsets(%dma_start3A_204 : memref<32xi32, #tpu.memory_space<vmem>>) semaphore(%arg14 : memref<!tpu.dma_semaphore, #tpu.memory_space<semaphore_mem>>)
      } else {
      }
      %ge3A_148 = arith.constant 2 : i32
      %ge3A_149 = arith.cmpi sge, %add3A_90, %ge3A_148 : i32
      %convert_element_type3A_150 = arith.extui %ge3A_149 : i1 to i32
      %cond3A_151 = arith.constant 0 : i32
      %cond3A_152 = arith.cmpi ne, %convert_element_type3A_150, %cond3A_151 : i32
      scf.if %cond3A_152 {
        %sub3A = arith.constant 1 : i32
        %sub3A_188 = arith.subi %add3A_90, %sub3A : i32
        %dma_wait3A_189 = arith.constant 0 : i32
        %dma_wait3A_190 = tpu.memref_slice %arg9[%sub3A_188, %dma_wait3A_189] : memref<328x32xi32, #tpu.memory_space<vmem>> -> memref<1x32xi32, #tpu.memory_space<vmem>>
        %dma_wait3A_191 = tpu.memref_squeeze %dma_wait3A_190 : memref<1x32xi32, #tpu.memory_space<vmem>> -> memref<32xi32, #tpu.memory_space<vmem>>
        %dma_wait3A_192 = arith.constant 0 : i32
        %dma_wait3A_193 = arith.constant 0 : i32
        %dma_wait3A_194 = tpu.memref_slice %arg22[%dma_wait3A_192, %dma_wait3A_193] : memref<10016x128xf32, #tpu.memory_space<vmem_shared>> -> memref<10016x128xf32, #tpu.memory_space<vmem_shared>>
        tpu.wait_indirect_dma semaphore(%arg21 : memref<!tpu.dma_semaphore, #tpu.memory_space<semaphore_mem>>) src(%arg19 : memref<32x128xf32, #tpu.memory_space<vmem>>) dst(%dma_wait3A_194 : memref<10016x128xf32, #tpu.memory_space<vmem_shared>>)
      } else {
      }
      %add3A_153 = arith.constant 1 : i32
      %add3A_154 = arith.addi %add3A_90, %add3A_153 : i32
      %dma_wait3A_155 = arith.constant 0 : i32
      %dma_wait3A_156 = tpu.memref_slice %arg8[%add3A_154, %dma_wait3A_155] : memref<328x32xi32, #tpu.memory_space<vmem>> -> memref<1x32xi32, #tpu.memory_space<vmem>>
      %dma_wait3A_157 = tpu.memref_squeeze %dma_wait3A_156 : memref<1x32xi32, #tpu.memory_space<vmem>> -> memref<32xi32, #tpu.memory_space<vmem>>
      %dma_wait3A_158 = arith.constant 0 : i32
      %dma_wait3A_159 = arith.constant 0 : i32
      %dma_wait3A_160 = tpu.memref_slice %arg3[%dma_wait3A_158, %dma_wait3A_159] : memref<10240x16xf32, #tpu.memory_space<hbm>> -> memref<10240x16xf32, #tpu.memory_space<hbm>>
      tpu.wait_indirect_dma semaphore(%arg20 : memref<!tpu.dma_semaphore, #tpu.memory_space<semaphore_mem>>) src(%dma_wait3A_160 : memref<10240x16xf32, #tpu.memory_space<hbm>>) dst(%arg16 : memref<32x16xf32, #tpu.memory_space<vmem>>)
      %dma_wait3A_161 = arith.constant 0 : i32
      %dma_wait3A_162 = tpu.memref_slice %arg9[%add3A_154, %dma_wait3A_161] : memref<328x32xi32, #tpu.memory_space<vmem>> -> memref<1x32xi32, #tpu.memory_space<vmem>>
      %dma_wait3A_163 = tpu.memref_squeeze %dma_wait3A_162 : memref<1x32xi32, #tpu.memory_space<vmem>> -> memref<32xi32, #tpu.memory_space<vmem>>
      %dma_wait3A_164 = arith.constant 0 : i32
      %dma_wait3A_165 = arith.constant 0 : i32
      %dma_wait3A_166 = tpu.memref_slice %arg4[%dma_wait3A_164, %dma_wait3A_165] : memref<10240x16xf32, #tpu.memory_space<hbm>> -> memref<10240x16xf32, #tpu.memory_space<hbm>>
      tpu.wait_indirect_dma semaphore(%arg20 : memref<!tpu.dma_semaphore, #tpu.memory_space<semaphore_mem>>) src(%dma_wait3A_166 : memref<10240x16xf32, #tpu.memory_space<hbm>>) dst(%arg17 : memref<32x16xf32, #tpu.memory_space<vmem>>)
      %dma_wait3A_167 = arith.constant 0 : i32
      %dma_wait3A_168 = tpu.memref_slice %arg8[%add3A_154, %dma_wait3A_167] : memref<328x32xi32, #tpu.memory_space<vmem>> -> memref<1x32xi32, #tpu.memory_space<vmem>>
      %dma_wait3A_169 = tpu.memref_squeeze %dma_wait3A_168 : memref<1x32xi32, #tpu.memory_space<vmem>> -> memref<32xi32, #tpu.memory_space<vmem>>
      %dma_wait3A_170 = arith.constant 0 : i32
      %dma_wait3A_171 = arith.constant 0 : i32
      %dma_wait3A_172 = tpu.memref_slice %arg2[%dma_wait3A_170, %dma_wait3A_171] : memref<10240x128xbf16, #tpu.memory_space<hbm>> -> memref<10240x128xbf16, #tpu.memory_space<hbm>>
      tpu.wait_indirect_dma semaphore(%arg20 : memref<!tpu.dma_semaphore, #tpu.memory_space<semaphore_mem>>) src(%dma_wait3A_172 : memref<10240x128xbf16, #tpu.memory_space<hbm>>) dst(%arg18 : memref<32x128xbf16, #tpu.memory_space<vmem>>)
      %add3A_173 = arith.constant 1 : i32
      %add3A_174 = arith.addi %add3A_90, %add3A_173 : i32
      %scan3A_175 = arith.constant 0 : i32
      %scan3A_176 = arith.constant 32 : i32
      %scan3A_177 = arith.addi %scan3A_175, %scan3A_176 : i32
      %scan3A_178 = arith.constant 1 : i32
      scf.for %scan3A_188 = %scan3A_175 to %scan3A_177 step %scan3A_178  : i32 {
        %mul3A_189 = arith.constant 1 : i32
        %mul3A_190 = arith.muli %scan3A_188, %mul3A_189 : i32
        %add3A_191 = arith.constant 0 : i32
        %add3A_192 = arith.addi %add3A_191, %mul3A_190 : i32
        %get3A = arith.index_cast %add3A_192 : i32 to index
        %get3A_193 = arith.constant 0 : index
        %get3A_194 = tpu.vector_load %arg16[%get3A, %get3A_193] {strides = array<i32>} : memref<32x16xf32, #tpu.memory_space<vmem>>, vector<16xf32>,
        %get3A_195 = arith.index_cast %add3A_192 : i32 to index
        %get3A_196 = arith.constant 0 : index
        %get3A_197 = tpu.vector_load %arg17[%get3A_195, %get3A_196] {strides = array<i32>} : memref<32x16xf32, #tpu.memory_space<vmem>>, vector<16xf32>,
        %add3A_198 = arith.addf %get3A_194, %get3A_197 : vector<16xf32>
        %mul3A_199 = arith.constant 2.000000e-01 : f32
        %mul3A_200 = vector.broadcast %mul3A_199 : f32 to vector<16xf32>
        %mul3A_201 = arith.mulf %mul3A_200, %add3A_198 : vector<16xf32>
        %max3A = arith.maximumf %add3A_198, %mul3A_201 : vector<16xf32>
        %exp3A = math.exp %max3A : vector<16xf32>
        %broadcast_in_dim3A = arith.constant 4 : i32
        %broadcast_in_dim3A_202 = vector.broadcast %broadcast_in_dim3A : i32 to vector<16xi32>
        %lt3A_203 = arith.constant 0 : i32
        %lt3A_204 = vector.broadcast %lt3A_203 : i32 to vector<16xi32>
        %lt3A_205 = arith.cmpi slt, %broadcast_in_dim3A_202, %lt3A_204 : vector<16xi32>
        %add3A_206 = arith.constant 16 : i32
        %add3A_207 = vector.broadcast %add3A_206 : i32 to vector<16xi32>
        %add3A_208 = arith.addi %broadcast_in_dim3A_202, %add3A_207 : vector<16xi32>
        %select_n3A = arith.select %lt3A_205, %add3A_208, %broadcast_in_dim3A_202 : vector<16xi1>, vector<16xi32>
        %broadcast_in_dim3A_209 = vector.shape_cast %select_n3A : vector<16xi32> to vector<16x1xi32>
        %gather3A = vector.shape_cast %broadcast_in_dim3A_209 : vector<16x1xi32> to vector<16xi32>
        %gather3A_210 = tpu.dynamic_gather %exp3A[%gather3A] in [0] : vector<16xf32>, vector<16xi32> -> vector<16xf32>
        %get3A_211 = arith.index_cast %add3A_192 : i32 to index
        %get3A_212 = arith.constant 0 : index
        %get3A_213 = tpu.vector_load %arg18[%get3A_211, %get3A_212] {strides = array<i32>} : memref<32x128xbf16, #tpu.memory_space<vmem>>, vector<32xbf16>,
        %bitcast3A = vector.bitcast %get3A_213 : vector<32xbf16> to vector<16xi32>
        %shift_left3A = arith.constant 16 : i32
        %shift_left3A_214 = vector.broadcast %shift_left3A : i32 to vector<16xi32>
        %shift_left3A_215 = arith.shli %bitcast3A, %shift_left3A_214 : vector<16xi32>
        %bitcast3A_216 = vector.bitcast %shift_left3A_215 : vector<16xi32> to vector<16xf32>
        %and3A = arith.constant -65536 : i32
        %and3A_217 = vector.broadcast %and3A : i32 to vector<16xi32>
        %and3A_218 = arith.andi %bitcast3A, %and3A_217 : vector<16xi32>
        %bitcast3A_219 = vector.bitcast %and3A_218 : vector<16xi32> to vector<16xf32>
        %mul3A_220 = arith.mulf %bitcast3A_216, %gather3A_210 : vector<16xf32>
        %swap3A = arith.index_cast %add3A_192 : i32 to index
        %swap3A_221 = arith.constant 0 : index
        %swap3A_222 = tpu.vector_load %arg19[%swap3A, %swap3A_221] {strides = array<i32>} : memref<32x128xf32, #tpu.memory_space<vmem>>, vector<16xf32>,
        tpu.vector_store %arg19[%swap3A, %swap3A_221], %mul3A_220 {strides = array<i32>} : memref<32x128xf32, #tpu.memory_space<vmem>>, vector<16xf32>,
        %mul3A_223 = arith.mulf %bitcast3A_219, %gather3A_210 : vector<16xf32>
        %swap3A_224 = arith.index_cast %add3A_192 : i32 to index
        %swap3A_225 = arith.constant 16 : index
        %swap3A_226 = tpu.vector_load %arg19[%swap3A_224, %swap3A_225] {strides = array<i32>} : memref<32x128xf32, #tpu.memory_space<vmem>>, vector<16xf32>,
        tpu.vector_store %arg19[%swap3A_224, %swap3A_225], %mul3A_223 {strides = array<i32>} : memref<32x128xf32, #tpu.memory_space<vmem>>, vector<16xf32>,
        %broadcast_in_dim3A_227 = arith.constant 5 : i32
        %broadcast_in_dim3A_228 = vector.broadcast %broadcast_in_dim3A_227 : i32 to vector<16xi32>
        %lt3A_229 = arith.constant 0 : i32
        %lt3A_230 = vector.broadcast %lt3A_229 : i32 to vector<16xi32>
        %lt3A_231 = arith.cmpi slt, %broadcast_in_dim3A_228, %lt3A_230 : vector<16xi32>
        %add3A_232 = arith.constant 16 : i32
        %add3A_233 = vector.broadcast %add3A_232 : i32 to vector<16xi32>
        %add3A_234 = arith.addi %broadcast_in_dim3A_228, %add3A_233 : vector<16xi32>
        %select_n3A_235 = arith.select %lt3A_231, %add3A_234, %broadcast_in_dim3A_228 : vector<16xi1>, vector<16xi32>
        %broadcast_in_dim3A_236 = vector.shape_cast %select_n3A_235 : vector<16xi32> to vector<16x1xi32>
        %gather3A_237 = vector.shape_cast %broadcast_in_dim3A_236 : vector<16x1xi32> to vector<16xi32>
        %gather3A_238 = tpu.dynamic_gather %exp3A[%gather3A_237] in [0] : vector<16xf32>, vector<16xi32> -> vector<16xf32>
        %get3A_239 = arith.index_cast %add3A_192 : i32 to index
        %get3A_240 = arith.constant 32 : index
        %get3A_241 = tpu.vector_load %arg18[%get3A_239, %get3A_240] {strides = array<i32>} : memref<32x128xbf16, #tpu.memory_space<vmem>>, vector<32xbf16>,
        %bitcast3A_242 = vector.bitcast %get3A_241 : vector<32xbf16> to vector<16xi32>
        %shift_left3A_243 = arith.constant 16 : i32
        %shift_left3A_244 = vector.broadcast %shift_left3A_243 : i32 to vector<16xi32>
        %shift_left3A_245 = arith.shli %bitcast3A_242, %shift_left3A_244 : vector<16xi32>
        %bitcast3A_246 = vector.bitcast %shift_left3A_245 : vector<16xi32> to vector<16xf32>
        %and3A_247 = arith.constant -65536 : i32
        %and3A_248 = vector.broadcast %and3A_247 : i32 to vector<16xi32>
        %and3A_249 = arith.andi %bitcast3A_242, %and3A_248 : vector<16xi32>
        %bitcast3A_250 = vector.bitcast %and3A_249 : vector<16xi32> to vector<16xf32>
        %mul3A_251 = arith.mulf %bitcast3A_246, %gather3A_238 : vector<16xf32>
        %swap3A_252 = arith.index_cast %add3A_192 : i32 to index
        %swap3A_253 = arith.constant 32 : index
        %swap3A_254 = tpu.vector_load %arg19[%swap3A_252, %swap3A_253] {strides = array<i32>} : memref<32x128xf32, #tpu.memory_space<vmem>>, vector<16xf32>,
        tpu.vector_store %arg19[%swap3A_252, %swap3A_253], %mul3A_251 {strides = array<i32>} : memref<32x128xf32, #tpu.memory_space<vmem>>, vector<16xf32>,
        %mul3A_255 = arith.mulf %bitcast3A_250, %gather3A_238 : vector<16xf32>
        %swap3A_256 = arith.index_cast %add3A_192 : i32 to index
        %swap3A_257 = arith.constant 48 : index
        %swap3A_258 = tpu.vector_load %arg19[%swap3A_256, %swap3A_257] {strides = array<i32>} : memref<32x128xf32, #tpu.memory_space<vmem>>, vector<16xf32>,
        tpu.vector_store %arg19[%swap3A_256, %swap3A_257], %mul3A_255 {strides = array<i32>} : memref<32x128xf32, #tpu.memory_space<vmem>>, vector<16xf32>,
        %broadcast_in_dim3A_259 = arith.constant 6 : i32
        %broadcast_in_dim3A_260 = vector.broadcast %broadcast_in_dim3A_259 : i32 to vector<16xi32>
        %lt3A_261 = arith.constant 0 : i32
        %lt3A_262 = vector.broadcast %lt3A_261 : i32 to vector<16xi32>
        %lt3A_263 = arith.cmpi slt, %broadcast_in_dim3A_260, %lt3A_262 : vector<16xi32>
        %add3A_264 = arith.constant 16 : i32
        %add3A_265 = vector.broadcast %add3A_264 : i32 to vector<16xi32>
        %add3A_266 = arith.addi %broadcast_in_dim3A_260, %add3A_265 : vector<16xi32>
        %select_n3A_267 = arith.select %lt3A_263, %add3A_266, %broadcast_in_dim3A_260 : vector<16xi1>, vector<16xi32>
        %broadcast_in_dim3A_268 = vector.shape_cast %select_n3A_267 : vector<16xi32> to vector<16x1xi32>
        %gather3A_269 = vector.shape_cast %broadcast_in_dim3A_268 : vector<16x1xi32> to vector<16xi32>
        %gather3A_270 = tpu.dynamic_gather %exp3A[%gather3A_269] in [0] : vector<16xf32>, vector<16xi32> -> vector<16xf32>
        %get3A_271 = arith.index_cast %add3A_192 : i32 to index
        %get3A_272 = arith.constant 64 : index
        %get3A_273 = tpu.vector_load %arg18[%get3A_271, %get3A_272] {strides = array<i32>} : memref<32x128xbf16, #tpu.memory_space<vmem>>, vector<32xbf16>,
        %bitcast3A_274 = vector.bitcast %get3A_273 : vector<32xbf16> to vector<16xi32>
        %shift_left3A_275 = arith.constant 16 : i32
        %shift_left3A_276 = vector.broadcast %shift_left3A_275 : i32 to vector<16xi32>
        %shift_left3A_277 = arith.shli %bitcast3A_274, %shift_left3A_276 : vector<16xi32>
        %bitcast3A_278 = vector.bitcast %shift_left3A_277 : vector<16xi32> to vector<16xf32>
        %and3A_279 = arith.constant -65536 : i32
        %and3A_280 = vector.broadcast %and3A_279 : i32 to vector<16xi32>
        %and3A_281 = arith.andi %bitcast3A_274, %and3A_280 : vector<16xi32>
        %bitcast3A_282 = vector.bitcast %and3A_281 : vector<16xi32> to vector<16xf32>
        %mul3A_283 = arith.mulf %bitcast3A_278, %gather3A_270 : vector<16xf32>
        %swap3A_284 = arith.index_cast %add3A_192 : i32 to index
        %swap3A_285 = arith.constant 64 : index
        %swap3A_286 = tpu.vector_load %arg19[%swap3A_284, %swap3A_285] {strides = array<i32>} : memref<32x128xf32, #tpu.memory_space<vmem>>, vector<16xf32>,
        tpu.vector_store %arg19[%swap3A_284, %swap3A_285], %mul3A_283 {strides = array<i32>} : memref<32x128xf32, #tpu.memory_space<vmem>>, vector<16xf32>,
        %mul3A_287 = arith.mulf %bitcast3A_282, %gather3A_270 : vector<16xf32>
        %swap3A_288 = arith.index_cast %add3A_192 : i32 to index
        %swap3A_289 = arith.constant 80 : index
        %swap3A_290 = tpu.vector_load %arg19[%swap3A_288, %swap3A_289] {strides = array<i32>} : memref<32x128xf32, #tpu.memory_space<vmem>>, vector<16xf32>,
        tpu.vector_store %arg19[%swap3A_288, %swap3A_289], %mul3A_287 {strides = array<i32>} : memref<32x128xf32, #tpu.memory_space<vmem>>, vector<16xf32>,
        %broadcast_in_dim3A_291 = arith.constant 7 : i32
        %broadcast_in_dim3A_292 = vector.broadcast %broadcast_in_dim3A_291 : i32 to vector<16xi32>
        %lt3A_293 = arith.constant 0 : i32
        %lt3A_294 = vector.broadcast %lt3A_293 : i32 to vector<16xi32>
        %lt3A_295 = arith.cmpi slt, %broadcast_in_dim3A_292, %lt3A_294 : vector<16xi32>
        %add3A_296 = arith.constant 16 : i32
        %add3A_297 = vector.broadcast %add3A_296 : i32 to vector<16xi32>
        %add3A_298 = arith.addi %broadcast_in_dim3A_292, %add3A_297 : vector<16xi32>
        %select_n3A_299 = arith.select %lt3A_295, %add3A_298, %broadcast_in_dim3A_292 : vector<16xi1>, vector<16xi32>
        %broadcast_in_dim3A_300 = vector.shape_cast %select_n3A_299 : vector<16xi32> to vector<16x1xi32>
        %gather3A_301 = vector.shape_cast %broadcast_in_dim3A_300 : vector<16x1xi32> to vector<16xi32>
        %gather3A_302 = tpu.dynamic_gather %exp3A[%gather3A_301] in [0] : vector<16xf32>, vector<16xi32> -> vector<16xf32>
        %get3A_303 = arith.index_cast %add3A_192 : i32 to index
        %get3A_304 = arith.constant 96 : index
        %get3A_305 = tpu.vector_load %arg18[%get3A_303, %get3A_304] {strides = array<i32>} : memref<32x128xbf16, #tpu.memory_space<vmem>>, vector<32xbf16>,
        %bitcast3A_306 = vector.bitcast %get3A_305 : vector<32xbf16> to vector<16xi32>
        %shift_left3A_307 = arith.constant 16 : i32
        %shift_left3A_308 = vector.broadcast %shift_left3A_307 : i32 to vector<16xi32>
        %shift_left3A_309 = arith.shli %bitcast3A_306, %shift_left3A_308 : vector<16xi32>
        %bitcast3A_310 = vector.bitcast %shift_left3A_309 : vector<16xi32> to vector<16xf32>
        %and3A_311 = arith.constant -65536 : i32
        %and3A_312 = vector.broadcast %and3A_311 : i32 to vector<16xi32>
        %and3A_313 = arith.andi %bitcast3A_306, %and3A_312 : vector<16xi32>
        %bitcast3A_314 = vector.bitcast %and3A_313 : vector<16xi32> to vector<16xf32>
        %mul3A_315 = arith.mulf %bitcast3A_310, %gather3A_302 : vector<16xf32>
        %swap3A_316 = arith.index_cast %add3A_192 : i32 to index
        %swap3A_317 = arith.constant 96 : index
        %swap3A_318 = tpu.vector_load %arg19[%swap3A_316, %swap3A_317] {strides = array<i32>} : memref<32x128xf32, #tpu.memory_space<vmem>>, vector<16xf32>,
        tpu.vector_store %arg19[%swap3A_316, %swap3A_317], %mul3A_315 {strides = array<i32>} : memref<32x128xf32, #tpu.memory_space<vmem>>, vector<16xf32>,
        %mul3A_319 = arith.mulf %bitcast3A_314, %gather3A_302 : vector<16xf32>
        %swap3A_320 = arith.index_cast %add3A_192 : i32 to index
        %swap3A_321 = arith.constant 112 : index
        %swap3A_322 = tpu.vector_load %arg19[%swap3A_320, %swap3A_321] {strides = array<i32>} : memref<32x128xf32, #tpu.memory_space<vmem>>, vector<16xf32>,
        tpu.vector_store %arg19[%swap3A_320, %swap3A_321], %mul3A_319 {strides = array<i32>} : memref<32x128xf32, #tpu.memory_space<vmem>>, vector<16xf32>,
      }
      %scan3A_179 = arith.constant 32 : i32
      %add3A_180 = arith.constant 1 : i32
      %add3A_181 = arith.addi %add3A_90, %add3A_180 : i32
      %dma_start3A_182 = arith.constant 0 : i32
      %dma_start3A_183 = tpu.memref_slice %arg9[%add3A_181, %dma_start3A_182] : memref<328x32xi32, #tpu.memory_space<vmem>> -> memref<1x32xi32, #tpu.memory_space<vmem>>
      %dma_start3A_184 = tpu.memref_squeeze %dma_start3A_183 : memref<1x32xi32, #tpu.memory_space<vmem>> -> memref<32xi32, #tpu.memory_space<vmem>>
      %dma_start3A_185 = arith.constant 0 : i32
      %dma_start3A_186 = arith.constant 0 : i32
      %dma_start3A_187 = tpu.memref_slice %arg22[%dma_start3A_185, %dma_start3A_186] : memref<10016x128xf32, #tpu.memory_space<vmem_shared>> -> memref<10016x128xf32, #tpu.memory_space<vmem_shared>>
      tpu.enqueue_indirect_dma source(%arg19 : memref<32x128xf32, #tpu.memory_space<vmem>>) target(%dma_start3A_187 : memref<10016x128xf32, #tpu.memory_space<vmem_shared>>) offsets(%dma_start3A_184 : memref<32xi32, #tpu.memory_space<vmem>>) semaphore(%arg21 : memref<!tpu.dma_semaphore, #tpu.memory_space<semaphore_mem>>) {add = true}
    }
    %scan3A_71 = arith.constant 164 : i32
    %dma_wait3A = arith.constant 326 : i32
    %dma_wait3A_72 = arith.constant 0 : i32
    %dma_wait3A_73 = tpu.memref_slice %arg9[%dma_wait3A, %dma_wait3A_72] : memref<328x32xi32, #tpu.memory_space<vmem>> -> memref<1x32xi32, #tpu.memory_space<vmem>>
    %dma_wait3A_74 = tpu.memref_squeeze %dma_wait3A_73 : memref<1x32xi32, #tpu.memory_space<vmem>> -> memref<32xi32, #tpu.memory_space<vmem>>
    %dma_wait3A_75 = arith.constant 0 : i32
    %dma_wait3A_76 = arith.constant 0 : i32
    %dma_wait3A_77 = tpu.memref_slice %arg22[%dma_wait3A_75, %dma_wait3A_76] : memref<10016x128xf32, #tpu.memory_space<vmem_shared>> -> memref<10016x128xf32, #tpu.memory_space<vmem_shared>>
    tpu.wait_indirect_dma semaphore(%arg15 : memref<!tpu.dma_semaphore, #tpu.memory_space<semaphore_mem>>) src(%arg13 : memref<32x128xf32, #tpu.memory_space<vmem>>) dst(%dma_wait3A_77 : memref<10016x128xf32, #tpu.memory_space<vmem_shared>>)
    %dma_wait3A_78 = arith.constant 327 : i32
    %dma_wait3A_79 = arith.constant 0 : i32
    %dma_wait3A_80 = tpu.memref_slice %arg9[%dma_wait3A_78, %dma_wait3A_79] : memref<328x32xi32, #tpu.memory_space<vmem>> -> memref<1x32xi32, #tpu.memory_space<vmem>>
    %dma_wait3A_81 = tpu.memref_squeeze %dma_wait3A_80 : memref<1x32xi32, #tpu.memory_space<vmem>> -> memref<32xi32, #tpu.memory_space<vmem>>
    %dma_wait3A_82 = arith.constant 0 : i32
    %dma_wait3A_83 = arith.constant 0 : i32
    %dma_wait3A_84 = tpu.memref_slice %arg22[%dma_wait3A_82, %dma_wait3A_83] : memref<10016x128xf32, #tpu.memory_space<vmem_shared>> -> memref<10016x128xf32, #tpu.memory_space<vmem_shared>>
    tpu.wait_indirect_dma semaphore(%arg21 : memref<!tpu.dma_semaphore, #tpu.memory_space<semaphore_mem>>) src(%arg19 : memref<32x128xf32, #tpu.memory_space<vmem>>) dst(%dma_wait3A_84 : memref<10016x128xf32, #tpu.memory_space<vmem_shared>>)
    %barrier3A_85 = arith.constant 0 : index
    tpu.barrier barrier_id(%barrier3A_85)
    "tpu.region"() ({
      %run_scoped3A = tpu.sem_alloc : memref<!tpu.dma_semaphore, #tpu.memory_space<semaphore_mem>>
      %dma_start3A_86 = arith.constant 0 : i32
      %dma_start3A_87 = tpu.memref_slice %arg7[%arg0, %mul3A_6, %dma_start3A_86] : memref<2x10240x128xf32, #tpu.memory_space<hbm>> -> memref<1x626x128xf32, #tpu.memory_space<hbm>>
      %dma_start3A_88 = tpu.memref_squeeze %dma_start3A_87 : memref<1x626x128xf32, #tpu.memory_space<hbm>> -> memref<626x128xf32, #tpu.memory_space<hbm>>
      %dma_start3A_89 = arith.constant 0 : i32
      %dma_start3A_90 = tpu.memref_slice %arg22[%mul3A_6, %dma_start3A_89] : memref<10016x128xf32, #tpu.memory_space<vmem_shared>> -> memref<626x128xf32, #tpu.memory_space<vmem_shared>>
      tpu.enqueue_dma source(%dma_start3A_90 : memref<626x128xf32, #tpu.memory_space<vmem_shared>>) target(%dma_start3A_88 : memref<626x128xf32, #tpu.memory_space<hbm>>) target_semaphore(%run_scoped3A : memref<!tpu.dma_semaphore, #tpu.memory_space<semaphore_mem>>)
      %dma_wait3A_91 = arith.constant 0 : i32
      %dma_wait3A_92 = tpu.memref_slice %arg7[%arg0, %mul3A_6, %dma_wait3A_91] : memref<2x10240x128xf32, #tpu.memory_space<hbm>> -> memref<1x626x128xf32, #tpu.memory_space<hbm>>
      %dma_wait3A_93 = tpu.memref_squeeze %dma_wait3A_92 : memref<1x626x128xf32, #tpu.memory_space<hbm>> -> memref<626x128xf32, #tpu.memory_space<hbm>>
      %dma_wait3A_94 = arith.constant 0 : i32
      %dma_wait3A_95 = tpu.memref_slice %arg22[%mul3A_6, %dma_wait3A_94] : memref<10016x128xf32, #tpu.memory_space<vmem_shared>> -> memref<626x128xf32, #tpu.memory_space<vmem_shared>>
      tpu.wait_dma2 semaphore(%run_scoped3A : memref<!tpu.dma_semaphore, #tpu.memory_space<semaphore_mem>>) src(%dma_wait3A_95 : memref<626x128xf32, #tpu.memory_space<vmem_shared>>) dst(%dma_wait3A_93 : memref<626x128xf32, #tpu.memory_space<hbm>>)
      tpu.yield
    }) : () -> ()
    return
  }
}

#map = affine_map<(d0, d1) -> (0, 0)>
#map1 = affine_map<(d0, d1) -> (0, 0, 0)>
module attributes {stable_mosaic.version = 14 : i64} {
  func.func @body(%arg0: i32, %arg1: i32, %arg2: memref<10240x32xbf16, #tpu.memory_space<hbm>>, %arg3: memref<10240x16xf32, #tpu.memory_space<hbm>>, %arg4: memref<10240x16xf32, #tpu.memory_space<hbm>>, %arg5: memref<32x82x128xi32, #tpu.memory_space<hbm>>, %arg6: memref<32x82x128xi32, #tpu.memory_space<hbm>>, %arg7: memref<2x10240x32xf32, #tpu.memory_space<hbm>>, %arg8: memref<2x10240x16xf32, #tpu.memory_space<hbm>>, %arg9: memref<82x128xi32, #tpu.memory_space<vmem>>, %arg10: memref<82x128xi32, #tpu.memory_space<vmem>>, %arg11: memref<128x16xf32, #tpu.memory_space<vmem>>, %arg12: memref<128x16xf32, #tpu.memory_space<vmem>>, %arg13: memref<128x16xf32, #tpu.memory_space<vmem>>, %arg14: memref<128x32xbf16, #tpu.memory_space<vmem>>, %arg15: memref<128x32xf32, #tpu.memory_space<vmem>>, %arg16: memref<!tpu.dma_semaphore, #tpu.memory_space<semaphore_mem>>, %arg17: memref<!tpu.dma_semaphore, #tpu.memory_space<semaphore_mem>>, %arg18: memref<128x16xf32, #tpu.memory_space<vmem>>, %arg19: memref<128x16xf32, #tpu.memory_space<vmem>>, %arg20: memref<128x16xf32, #tpu.memory_space<vmem>>, %arg21: memref<128x32xbf16, #tpu.memory_space<vmem>>, %arg22: memref<128x32xf32, #tpu.memory_space<vmem>>, %arg23: memref<!tpu.dma_semaphore, #tpu.memory_space<semaphore_mem>>, %arg24: memref<!tpu.dma_semaphore, #tpu.memory_space<semaphore_mem>>, %arg25: memref<10016x32xf32, #tpu.memory_space<vmem_shared>>, %arg26: memref<10016x16xf32, #tpu.memory_space<vmem_shared>>) attributes {dimension_semantics = [#tpu.dimension_semantics<core_parallel>, #tpu.dimension_semantics<subcore_parallel>], iteration_bounds = array<i64: 2, 16>, scalar_prefetch = 0 : i64, scratch_operands = 18 : i64, tpu.core_type = #tpu.core_type<sc_vector_subcore>, window_params = [{transform_indices = #map}, {transform_indices = #map}, {transform_indices = #map}, {transform_indices = #map1}, {transform_indices = #map1}, {transform_indices = #map1}, {transform_indices = #map1}]} {
    %mul3A = arith.constant 2 : i32
    %mul3A_0 = arith.muli %arg1, %mul3A : i32
    %add3A = arith.addi %mul3A_0, %arg0 : i32
    %scan3A = arith.constant 0 : i32
    %scan3A_1 = arith.constant 128 : i32
    %scan3A_2 = arith.addi %scan3A, %scan3A_1 : i32
    %scan3A_3 = arith.constant 1 : i32
    scf.for %scan3A_80 = %scan3A to %scan3A_2 step %scan3A_3  : i32 {
      %mul3A_81 = arith.constant 1 : i32
      %mul3A_82 = arith.muli %scan3A_80, %mul3A_81 : i32
      %add3A_83 = arith.constant 0 : i32
      %add3A_84 = arith.addi %add3A_83, %mul3A_82 : i32
      %broadcast_in_dim3A = arith.constant 0.000000e+00 : f32
      %broadcast_in_dim3A_85 = vector.broadcast %broadcast_in_dim3A : f32 to vector<16xf32>
      %swap3A = arith.index_cast %add3A_84 : i32 to index
      %swap3A_86 = arith.constant 0 : index
      %swap3A_87 = tpu.vector_load %arg15[%swap3A, %swap3A_86] {strides = array<i32>} : memref<128x32xf32, #tpu.memory_space<vmem>>, vector<16xf32>,
      tpu.vector_store %arg15[%swap3A, %swap3A_86], %broadcast_in_dim3A_85 {strides = array<i32>} : memref<128x32xf32, #tpu.memory_space<vmem>>, vector<16xf32>,
      %broadcast_in_dim3A_88 = arith.constant 0.000000e+00 : f32
      %broadcast_in_dim3A_89 = vector.broadcast %broadcast_in_dim3A_88 : f32 to vector<16xf32>
      %swap3A_90 = arith.index_cast %add3A_84 : i32 to index
      %swap3A_91 = arith.constant 16 : index
      %swap3A_92 = tpu.vector_load %arg15[%swap3A_90, %swap3A_91] {strides = array<i32>} : memref<128x32xf32, #tpu.memory_space<vmem>>, vector<16xf32>,
      tpu.vector_store %arg15[%swap3A_90, %swap3A_91], %broadcast_in_dim3A_89 {strides = array<i32>} : memref<128x32xf32, #tpu.memory_space<vmem>>, vector<16xf32>,
      %broadcast_in_dim3A_93 = arith.constant 0.000000e+00 : f32
      %broadcast_in_dim3A_94 = vector.broadcast %broadcast_in_dim3A_93 : f32 to vector<16xf32>
      %swap3A_95 = arith.index_cast %add3A_84 : i32 to index
      %swap3A_96 = arith.constant 0 : index
      %swap3A_97 = tpu.vector_load %arg13[%swap3A_95, %swap3A_96] {strides = array<i32>} : memref<128x16xf32, #tpu.memory_space<vmem>>, vector<16xf32>,
      tpu.vector_store %arg13[%swap3A_95, %swap3A_96], %broadcast_in_dim3A_94 {strides = array<i32>} : memref<128x16xf32, #tpu.memory_space<vmem>>, vector<16xf32>,
    }
    %scan3A_4 = arith.constant 128 : i32
    %mul3A_5 = arith.constant 626 : i32
    %mul3A_6 = arith.muli %arg1, %mul3A_5 : i32
    %add3A_7 = arith.constant 0 : i32
    %add3A_8 = arith.addi %mul3A_6, %add3A_7 : i32
    "tpu.region"() ({
      %run_scoped3A = tpu.sem_alloc : memref<!tpu.dma_semaphore, #tpu.memory_space<semaphore_mem>>
      %dma_start3A_80 = arith.constant 0 : i32
      %dma_start3A_81 = tpu.memref_slice %arg25[%add3A_8, %dma_start3A_80] : memref<10016x32xf32, #tpu.memory_space<vmem_shared>> -> memref<128x32xf32, #tpu.memory_space<vmem_shared>>
      %dma_start3A_82 = arith.constant 0 : i32
      %dma_start3A_83 = tpu.memref_slice %arg25[%add3A_8, %dma_start3A_82] : memref<10016x32xf32, #tpu.memory_space<vmem_shared>> -> memref<128x32xf32, #tpu.memory_space<vmem_shared>>
      tpu.enqueue_dma source(%arg15 : memref<128x32xf32, #tpu.memory_space<vmem>>) target(%dma_start3A_83 : memref<128x32xf32, #tpu.memory_space<vmem_shared>>) target_semaphore(%run_scoped3A : memref<!tpu.dma_semaphore, #tpu.memory_space<semaphore_mem>>)
      %dma_wait3A_84 = arith.constant 0 : i32
      %dma_wait3A_85 = tpu.memref_slice %arg25[%add3A_8, %dma_wait3A_84] : memref<10016x32xf32, #tpu.memory_space<vmem_shared>> -> memref<128x32xf32, #tpu.memory_space<vmem_shared>>
      %dma_wait3A_86 = arith.constant 0 : i32
      %dma_wait3A_87 = tpu.memref_slice %arg25[%add3A_8, %dma_wait3A_86] : memref<10016x32xf32, #tpu.memory_space<vmem_shared>> -> memref<128x32xf32, #tpu.memory_space<vmem_shared>>
      tpu.wait_dma2 semaphore(%run_scoped3A : memref<!tpu.dma_semaphore, #tpu.memory_space<semaphore_mem>>) src(%arg15 : memref<128x32xf32, #tpu.memory_space<vmem>>) dst(%dma_wait3A_87 : memref<128x32xf32, #tpu.memory_space<vmem_shared>>)
      tpu.yield
    }) : () -> ()
    %add3A_9 = arith.constant 0 : i32
    %add3A_10 = arith.addi %mul3A_6, %add3A_9 : i32
    "tpu.region"() ({
      %run_scoped3A = tpu.sem_alloc : memref<!tpu.dma_semaphore, #tpu.memory_space<semaphore_mem>>
      %dma_start3A_80 = arith.constant 0 : i32
      %dma_start3A_81 = tpu.memref_slice %arg26[%add3A_10, %dma_start3A_80] : memref<10016x16xf32, #tpu.memory_space<vmem_shared>> -> memref<128x16xf32, #tpu.memory_space<vmem_shared>>
      %dma_start3A_82 = arith.constant 0 : i32
      %dma_start3A_83 = tpu.memref_slice %arg26[%add3A_10, %dma_start3A_82] : memref<10016x16xf32, #tpu.memory_space<vmem_shared>> -> memref<128x16xf32, #tpu.memory_space<vmem_shared>>
      tpu.enqueue_dma source(%arg13 : memref<128x16xf32, #tpu.memory_space<vmem>>) target(%dma_start3A_83 : memref<128x16xf32, #tpu.memory_space<vmem_shared>>) target_semaphore(%run_scoped3A : memref<!tpu.dma_semaphore, #tpu.memory_space<semaphore_mem>>)
      %dma_wait3A_84 = arith.constant 0 : i32
      %dma_wait3A_85 = tpu.memref_slice %arg26[%add3A_10, %dma_wait3A_84] : memref<10016x16xf32, #tpu.memory_space<vmem_shared>> -> memref<128x16xf32, #tpu.memory_space<vmem_shared>>
      %dma_wait3A_86 = arith.constant 0 : i32
      %dma_wait3A_87 = tpu.memref_slice %arg26[%add3A_10, %dma_wait3A_86] : memref<10016x16xf32, #tpu.memory_space<vmem_shared>> -> memref<128x16xf32, #tpu.memory_space<vmem_shared>>
      tpu.wait_dma2 semaphore(%run_scoped3A : memref<!tpu.dma_semaphore, #tpu.memory_space<semaphore_mem>>) src(%arg13 : memref<128x16xf32, #tpu.memory_space<vmem>>) dst(%dma_wait3A_87 : memref<128x16xf32, #tpu.memory_space<vmem_shared>>)
      tpu.yield
    }) : () -> ()
    %add3A_11 = arith.constant 128 : i32
    %add3A_12 = arith.addi %mul3A_6, %add3A_11 : i32
    "tpu.region"() ({
      %run_scoped3A = tpu.sem_alloc : memref<!tpu.dma_semaphore, #tpu.memory_space<semaphore_mem>>
      %dma_start3A_80 = arith.constant 0 : i32
      %dma_start3A_81 = tpu.memref_slice %arg25[%add3A_12, %dma_start3A_80] : memref<10016x32xf32, #tpu.memory_space<vmem_shared>> -> memref<128x32xf32, #tpu.memory_space<vmem_shared>>
      %dma_start3A_82 = arith.constant 0 : i32
      %dma_start3A_83 = tpu.memref_slice %arg25[%add3A_12, %dma_start3A_82] : memref<10016x32xf32, #tpu.memory_space<vmem_shared>> -> memref<128x32xf32, #tpu.memory_space<vmem_shared>>
      tpu.enqueue_dma source(%arg15 : memref<128x32xf32, #tpu.memory_space<vmem>>) target(%dma_start3A_83 : memref<128x32xf32, #tpu.memory_space<vmem_shared>>) target_semaphore(%run_scoped3A : memref<!tpu.dma_semaphore, #tpu.memory_space<semaphore_mem>>)
      %dma_wait3A_84 = arith.constant 0 : i32
      %dma_wait3A_85 = tpu.memref_slice %arg25[%add3A_12, %dma_wait3A_84] : memref<10016x32xf32, #tpu.memory_space<vmem_shared>> -> memref<128x32xf32, #tpu.memory_space<vmem_shared>>
      %dma_wait3A_86 = arith.constant 0 : i32
      %dma_wait3A_87 = tpu.memref_slice %arg25[%add3A_12, %dma_wait3A_86] : memref<10016x32xf32, #tpu.memory_space<vmem_shared>> -> memref<128x32xf32, #tpu.memory_space<vmem_shared>>
      tpu.wait_dma2 semaphore(%run_scoped3A : memref<!tpu.dma_semaphore, #tpu.memory_space<semaphore_mem>>) src(%arg15 : memref<128x32xf32, #tpu.memory_space<vmem>>) dst(%dma_wait3A_87 : memref<128x32xf32, #tpu.memory_space<vmem_shared>>)
      tpu.yield
    }) : () -> ()
    %add3A_13 = arith.constant 128 : i32
    %add3A_14 = arith.addi %mul3A_6, %add3A_13 : i32
    "tpu.region"() ({
      %run_scoped3A = tpu.sem_alloc : memref<!tpu.dma_semaphore, #tpu.memory_space<semaphore_mem>>
      %dma_start3A_80 = arith.constant 0 : i32
      %dma_start3A_81 = tpu.memref_slice %arg26[%add3A_14, %dma_start3A_80] : memref<10016x16xf32, #tpu.memory_space<vmem_shared>> -> memref<128x16xf32, #tpu.memory_space<vmem_shared>>
      %dma_start3A_82 = arith.constant 0 : i32
      %dma_start3A_83 = tpu.memref_slice %arg26[%add3A_14, %dma_start3A_82] : memref<10016x16xf32, #tpu.memory_space<vmem_shared>> -> memref<128x16xf32, #tpu.memory_space<vmem_shared>>
      tpu.enqueue_dma source(%arg13 : memref<128x16xf32, #tpu.memory_space<vmem>>) target(%dma_start3A_83 : memref<128x16xf32, #tpu.memory_space<vmem_shared>>) target_semaphore(%run_scoped3A : memref<!tpu.dma_semaphore, #tpu.memory_space<semaphore_mem>>)
      %dma_wait3A_84 = arith.constant 0 : i32
      %dma_wait3A_85 = tpu.memref_slice %arg26[%add3A_14, %dma_wait3A_84] : memref<10016x16xf32, #tpu.memory_space<vmem_shared>> -> memref<128x16xf32, #tpu.memory_space<vmem_shared>>
      %dma_wait3A_86 = arith.constant 0 : i32
      %dma_wait3A_87 = tpu.memref_slice %arg26[%add3A_14, %dma_wait3A_86] : memref<10016x16xf32, #tpu.memory_space<vmem_shared>> -> memref<128x16xf32, #tpu.memory_space<vmem_shared>>
      tpu.wait_dma2 semaphore(%run_scoped3A : memref<!tpu.dma_semaphore, #tpu.memory_space<semaphore_mem>>) src(%arg13 : memref<128x16xf32, #tpu.memory_space<vmem>>) dst(%dma_wait3A_87 : memref<128x16xf32, #tpu.memory_space<vmem_shared>>)
      tpu.yield
    }) : () -> ()
    %add3A_15 = arith.constant 256 : i32
    %add3A_16 = arith.addi %mul3A_6, %add3A_15 : i32
    "tpu.region"() ({
      %run_scoped3A = tpu.sem_alloc : memref<!tpu.dma_semaphore, #tpu.memory_space<semaphore_mem>>
      %dma_start3A_80 = arith.constant 0 : i32
      %dma_start3A_81 = tpu.memref_slice %arg25[%add3A_16, %dma_start3A_80] : memref<10016x32xf32, #tpu.memory_space<vmem_shared>> -> memref<128x32xf32, #tpu.memory_space<vmem_shared>>
      %dma_start3A_82 = arith.constant 0 : i32
      %dma_start3A_83 = tpu.memref_slice %arg25[%add3A_16, %dma_start3A_82] : memref<10016x32xf32, #tpu.memory_space<vmem_shared>> -> memref<128x32xf32, #tpu.memory_space<vmem_shared>>
      tpu.enqueue_dma source(%arg15 : memref<128x32xf32, #tpu.memory_space<vmem>>) target(%dma_start3A_83 : memref<128x32xf32, #tpu.memory_space<vmem_shared>>) target_semaphore(%run_scoped3A : memref<!tpu.dma_semaphore, #tpu.memory_space<semaphore_mem>>)
      %dma_wait3A_84 = arith.constant 0 : i32
      %dma_wait3A_85 = tpu.memref_slice %arg25[%add3A_16, %dma_wait3A_84] : memref<10016x32xf32, #tpu.memory_space<vmem_shared>> -> memref<128x32xf32, #tpu.memory_space<vmem_shared>>
      %dma_wait3A_86 = arith.constant 0 : i32
      %dma_wait3A_87 = tpu.memref_slice %arg25[%add3A_16, %dma_wait3A_86] : memref<10016x32xf32, #tpu.memory_space<vmem_shared>> -> memref<128x32xf32, #tpu.memory_space<vmem_shared>>
      tpu.wait_dma2 semaphore(%run_scoped3A : memref<!tpu.dma_semaphore, #tpu.memory_space<semaphore_mem>>) src(%arg15 : memref<128x32xf32, #tpu.memory_space<vmem>>) dst(%dma_wait3A_87 : memref<128x32xf32, #tpu.memory_space<vmem_shared>>)
      tpu.yield
    }) : () -> ()
    %add3A_17 = arith.constant 256 : i32
    %add3A_18 = arith.addi %mul3A_6, %add3A_17 : i32
    "tpu.region"() ({
      %run_scoped3A = tpu.sem_alloc : memref<!tpu.dma_semaphore, #tpu.memory_space<semaphore_mem>>
      %dma_start3A_80 = arith.constant 0 : i32
      %dma_start3A_81 = tpu.memref_slice %arg26[%add3A_18, %dma_start3A_80] : memref<10016x16xf32, #tpu.memory_space<vmem_shared>> -> memref<128x16xf32, #tpu.memory_space<vmem_shared>>
      %dma_start3A_82 = arith.constant 0 : i32
      %dma_start3A_83 = tpu.memref_slice %arg26[%add3A_18, %dma_start3A_82] : memref<10016x16xf32, #tpu.memory_space<vmem_shared>> -> memref<128x16xf32, #tpu.memory_space<vmem_shared>>
      tpu.enqueue_dma source(%arg13 : memref<128x16xf32, #tpu.memory_space<vmem>>) target(%dma_start3A_83 : memref<128x16xf32, #tpu.memory_space<vmem_shared>>) target_semaphore(%run_scoped3A : memref<!tpu.dma_semaphore, #tpu.memory_space<semaphore_mem>>)
      %dma_wait3A_84 = arith.constant 0 : i32
      %dma_wait3A_85 = tpu.memref_slice %arg26[%add3A_18, %dma_wait3A_84] : memref<10016x16xf32, #tpu.memory_space<vmem_shared>> -> memref<128x16xf32, #tpu.memory_space<vmem_shared>>
      %dma_wait3A_86 = arith.constant 0 : i32
      %dma_wait3A_87 = tpu.memref_slice %arg26[%add3A_18, %dma_wait3A_86] : memref<10016x16xf32, #tpu.memory_space<vmem_shared>> -> memref<128x16xf32, #tpu.memory_space<vmem_shared>>
      tpu.wait_dma2 semaphore(%run_scoped3A : memref<!tpu.dma_semaphore, #tpu.memory_space<semaphore_mem>>) src(%arg13 : memref<128x16xf32, #tpu.memory_space<vmem>>) dst(%dma_wait3A_87 : memref<128x16xf32, #tpu.memory_space<vmem_shared>>)
      tpu.yield
    }) : () -> ()
    %add3A_19 = arith.constant 384 : i32
    %add3A_20 = arith.addi %mul3A_6, %add3A_19 : i32
    "tpu.region"() ({
      %run_scoped3A = tpu.sem_alloc : memref<!tpu.dma_semaphore, #tpu.memory_space<semaphore_mem>>
      %dma_start3A_80 = arith.constant 0 : i32
      %dma_start3A_81 = tpu.memref_slice %arg25[%add3A_20, %dma_start3A_80] : memref<10016x32xf32, #tpu.memory_space<vmem_shared>> -> memref<128x32xf32, #tpu.memory_space<vmem_shared>>
      %dma_start3A_82 = arith.constant 0 : i32
      %dma_start3A_83 = tpu.memref_slice %arg25[%add3A_20, %dma_start3A_82] : memref<10016x32xf32, #tpu.memory_space<vmem_shared>> -> memref<128x32xf32, #tpu.memory_space<vmem_shared>>
      tpu.enqueue_dma source(%arg15 : memref<128x32xf32, #tpu.memory_space<vmem>>) target(%dma_start3A_83 : memref<128x32xf32, #tpu.memory_space<vmem_shared>>) target_semaphore(%run_scoped3A : memref<!tpu.dma_semaphore, #tpu.memory_space<semaphore_mem>>)
      %dma_wait3A_84 = arith.constant 0 : i32
      %dma_wait3A_85 = tpu.memref_slice %arg25[%add3A_20, %dma_wait3A_84] : memref<10016x32xf32, #tpu.memory_space<vmem_shared>> -> memref<128x32xf32, #tpu.memory_space<vmem_shared>>
      %dma_wait3A_86 = arith.constant 0 : i32
      %dma_wait3A_87 = tpu.memref_slice %arg25[%add3A_20, %dma_wait3A_86] : memref<10016x32xf32, #tpu.memory_space<vmem_shared>> -> memref<128x32xf32, #tpu.memory_space<vmem_shared>>
      tpu.wait_dma2 semaphore(%run_scoped3A : memref<!tpu.dma_semaphore, #tpu.memory_space<semaphore_mem>>) src(%arg15 : memref<128x32xf32, #tpu.memory_space<vmem>>) dst(%dma_wait3A_87 : memref<128x32xf32, #tpu.memory_space<vmem_shared>>)
      tpu.yield
    }) : () -> ()
    %add3A_21 = arith.constant 384 : i32
    %add3A_22 = arith.addi %mul3A_6, %add3A_21 : i32
    "tpu.region"() ({
      %run_scoped3A = tpu.sem_alloc : memref<!tpu.dma_semaphore, #tpu.memory_space<semaphore_mem>>
      %dma_start3A_80 = arith.constant 0 : i32
      %dma_start3A_81 = tpu.memref_slice %arg26[%add3A_22, %dma_start3A_80] : memref<10016x16xf32, #tpu.memory_space<vmem_shared>> -> memref<128x16xf32, #tpu.memory_space<vmem_shared>>
      %dma_start3A_82 = arith.constant 0 : i32
      %dma_start3A_83 = tpu.memref_slice %arg26[%add3A_22, %dma_start3A_82] : memref<10016x16xf32, #tpu.memory_space<vmem_shared>> -> memref<128x16xf32, #tpu.memory_space<vmem_shared>>
      tpu.enqueue_dma source(%arg13 : memref<128x16xf32, #tpu.memory_space<vmem>>) target(%dma_start3A_83 : memref<128x16xf32, #tpu.memory_space<vmem_shared>>) target_semaphore(%run_scoped3A : memref<!tpu.dma_semaphore, #tpu.memory_space<semaphore_mem>>)
      %dma_wait3A_84 = arith.constant 0 : i32
      %dma_wait3A_85 = tpu.memref_slice %arg26[%add3A_22, %dma_wait3A_84] : memref<10016x16xf32, #tpu.memory_space<vmem_shared>> -> memref<128x16xf32, #tpu.memory_space<vmem_shared>>
      %dma_wait3A_86 = arith.constant 0 : i32
      %dma_wait3A_87 = tpu.memref_slice %arg26[%add3A_22, %dma_wait3A_86] : memref<10016x16xf32, #tpu.memory_space<vmem_shared>> -> memref<128x16xf32, #tpu.memory_space<vmem_shared>>
      tpu.wait_dma2 semaphore(%run_scoped3A : memref<!tpu.dma_semaphore, #tpu.memory_space<semaphore_mem>>) src(%arg13 : memref<128x16xf32, #tpu.memory_space<vmem>>) dst(%dma_wait3A_87 : memref<128x16xf32, #tpu.memory_space<vmem_shared>>)
      tpu.yield
    }) : () -> ()
    %add3A_23 = arith.constant 512 : i32
    %add3A_24 = arith.addi %mul3A_6, %add3A_23 : i32
    "tpu.region"() ({
      %run_scoped3A = tpu.sem_alloc : memref<!tpu.dma_semaphore, #tpu.memory_space<semaphore_mem>>
      %dma_start3A_80 = arith.constant 0 : i32
      %dma_start3A_81 = arith.constant 0 : i32
      %dma_start3A_82 = tpu.memref_slice %arg15[%dma_start3A_80, %dma_start3A_81] : memref<128x32xf32, #tpu.memory_space<vmem>> -> memref<114x32xf32, #tpu.memory_space<vmem>>
      %dma_start3A_83 = arith.constant 0 : i32
      %dma_start3A_84 = tpu.memref_slice %arg25[%add3A_24, %dma_start3A_83] : memref<10016x32xf32, #tpu.memory_space<vmem_shared>> -> memref<114x32xf32, #tpu.memory_space<vmem_shared>>
      %dma_start3A_85 = arith.constant 0 : i32
      %dma_start3A_86 = tpu.memref_slice %arg25[%add3A_24, %dma_start3A_85] : memref<10016x32xf32, #tpu.memory_space<vmem_shared>> -> memref<114x32xf32, #tpu.memory_space<vmem_shared>>
      %dma_start3A_87 = arith.constant 0 : i32
      %dma_start3A_88 = arith.constant 0 : i32
      %dma_start3A_89 = tpu.memref_slice %arg15[%dma_start3A_87, %dma_start3A_88] : memref<128x32xf32, #tpu.memory_space<vmem>> -> memref<114x32xf32, #tpu.memory_space<vmem>>
      tpu.enqueue_dma source(%dma_start3A_89 : memref<114x32xf32, #tpu.memory_space<vmem>>) target(%dma_start3A_86 : memref<114x32xf32, #tpu.memory_space<vmem_shared>>) target_semaphore(%run_scoped3A : memref<!tpu.dma_semaphore, #tpu.memory_space<semaphore_mem>>)
      %dma_wait3A_90 = arith.constant 0 : i32
      %dma_wait3A_91 = arith.constant 0 : i32
      %dma_wait3A_92 = tpu.memref_slice %arg15[%dma_wait3A_90, %dma_wait3A_91] : memref<128x32xf32, #tpu.memory_space<vmem>> -> memref<114x32xf32, #tpu.memory_space<vmem>>
      %dma_wait3A_93 = arith.constant 0 : i32
      %dma_wait3A_94 = tpu.memref_slice %arg25[%add3A_24, %dma_wait3A_93] : memref<10016x32xf32, #tpu.memory_space<vmem_shared>> -> memref<114x32xf32, #tpu.memory_space<vmem_shared>>
      %dma_wait3A_95 = arith.constant 0 : i32
      %dma_wait3A_96 = tpu.memref_slice %arg25[%add3A_24, %dma_wait3A_95] : memref<10016x32xf32, #tpu.memory_space<vmem_shared>> -> memref<114x32xf32, #tpu.memory_space<vmem_shared>>
      %dma_wait3A_97 = arith.constant 0 : i32
      %dma_wait3A_98 = arith.constant 0 : i32
      %dma_wait3A_99 = tpu.memref_slice %arg15[%dma_wait3A_97, %dma_wait3A_98] : memref<128x32xf32, #tpu.memory_space<vmem>> -> memref<114x32xf32, #tpu.memory_space<vmem>>
      tpu.wait_dma2 semaphore(%run_scoped3A : memref<!tpu.dma_semaphore, #tpu.memory_space<semaphore_mem>>) src(%dma_wait3A_99 : memref<114x32xf32, #tpu.memory_space<vmem>>) dst(%dma_wait3A_96 : memref<114x32xf32, #tpu.memory_space<vmem_shared>>)
      tpu.yield
    }) : () -> ()
    %add3A_25 = arith.constant 512 : i32
    %add3A_26 = arith.addi %mul3A_6, %add3A_25 : i32
    "tpu.region"() ({
      %run_scoped3A = tpu.sem_alloc : memref<!tpu.dma_semaphore, #tpu.memory_space<semaphore_mem>>
      %dma_start3A_80 = arith.constant 0 : i32
      %dma_start3A_81 = arith.constant 0 : i32
      %dma_start3A_82 = tpu.memref_slice %arg13[%dma_start3A_80, %dma_start3A_81] : memref<128x16xf32, #tpu.memory_space<vmem>> -> memref<114x16xf32, #tpu.memory_space<vmem>>
      %dma_start3A_83 = arith.constant 0 : i32
      %dma_start3A_84 = tpu.memref_slice %arg26[%add3A_26, %dma_start3A_83] : memref<10016x16xf32, #tpu.memory_space<vmem_shared>> -> memref<114x16xf32, #tpu.memory_space<vmem_shared>>
      %dma_start3A_85 = arith.constant 0 : i32
      %dma_start3A_86 = tpu.memref_slice %arg26[%add3A_26, %dma_start3A_85] : memref<10016x16xf32, #tpu.memory_space<vmem_shared>> -> memref<114x16xf32, #tpu.memory_space<vmem_shared>>
      %dma_start3A_87 = arith.constant 0 : i32
      %dma_start3A_88 = arith.constant 0 : i32
      %dma_start3A_89 = tpu.memref_slice %arg13[%dma_start3A_87, %dma_start3A_88] : memref<128x16xf32, #tpu.memory_space<vmem>> -> memref<114x16xf32, #tpu.memory_space<vmem>>
      tpu.enqueue_dma source(%dma_start3A_89 : memref<114x16xf32, #tpu.memory_space<vmem>>) target(%dma_start3A_86 : memref<114x16xf32, #tpu.memory_space<vmem_shared>>) target_semaphore(%run_scoped3A : memref<!tpu.dma_semaphore, #tpu.memory_space<semaphore_mem>>)
      %dma_wait3A_90 = arith.constant 0 : i32
      %dma_wait3A_91 = arith.constant 0 : i32
      %dma_wait3A_92 = tpu.memref_slice %arg13[%dma_wait3A_90, %dma_wait3A_91] : memref<128x16xf32, #tpu.memory_space<vmem>> -> memref<114x16xf32, #tpu.memory_space<vmem>>
      %dma_wait3A_93 = arith.constant 0 : i32
      %dma_wait3A_94 = tpu.memref_slice %arg26[%add3A_26, %dma_wait3A_93] : memref<10016x16xf32, #tpu.memory_space<vmem_shared>> -> memref<114x16xf32, #tpu.memory_space<vmem_shared>>
      %dma_wait3A_95 = arith.constant 0 : i32
      %dma_wait3A_96 = tpu.memref_slice %arg26[%add3A_26, %dma_wait3A_95] : memref<10016x16xf32, #tpu.memory_space<vmem_shared>> -> memref<114x16xf32, #tpu.memory_space<vmem_shared>>
      %dma_wait3A_97 = arith.constant 0 : i32
      %dma_wait3A_98 = arith.constant 0 : i32
      %dma_wait3A_99 = tpu.memref_slice %arg13[%dma_wait3A_97, %dma_wait3A_98] : memref<128x16xf32, #tpu.memory_space<vmem>> -> memref<114x16xf32, #tpu.memory_space<vmem>>
      tpu.wait_dma2 semaphore(%run_scoped3A : memref<!tpu.dma_semaphore, #tpu.memory_space<semaphore_mem>>) src(%dma_wait3A_99 : memref<114x16xf32, #tpu.memory_space<vmem>>) dst(%dma_wait3A_96 : memref<114x16xf32, #tpu.memory_space<vmem_shared>>)
      tpu.yield
    }) : () -> ()
    %barrier3A = arith.constant 0 : index
    tpu.barrier barrier_id(%barrier3A)
    "tpu.region"() ({
      %run_scoped3A = tpu.sem_alloc : memref<!tpu.dma_semaphore, #tpu.memory_space<semaphore_mem>>
      %dma_start3A_80 = arith.constant 0 : i32
      %dma_start3A_81 = arith.constant 0 : i32
      %dma_start3A_82 = tpu.memref_slice %arg5[%add3A, %dma_start3A_80, %dma_start3A_81] : memref<32x82x128xi32, #tpu.memory_space<hbm>> -> memref<1x82x128xi32, #tpu.memory_space<hbm>>
      %dma_start3A_83 = tpu.memref_squeeze %dma_start3A_82 : memref<1x82x128xi32, #tpu.memory_space<hbm>> -> memref<82x128xi32, #tpu.memory_space<hbm>>
      %dma_start3A_84 = arith.constant 0 : i32
      %dma_start3A_85 = arith.constant 0 : i32
      %dma_start3A_86 = tpu.memref_slice %arg5[%add3A, %dma_start3A_84, %dma_start3A_85] : memref<32x82x128xi32, #tpu.memory_space<hbm>> -> memref<1x82x128xi32, #tpu.memory_space<hbm>>
      %dma_start3A_87 = tpu.memref_squeeze %dma_start3A_86 : memref<1x82x128xi32, #tpu.memory_space<hbm>> -> memref<82x128xi32, #tpu.memory_space<hbm>>
      tpu.enqueue_dma source(%dma_start3A_87 : memref<82x128xi32, #tpu.memory_space<hbm>>) target(%arg9 : memref<82x128xi32, #tpu.memory_space<vmem>>) target_semaphore(%run_scoped3A : memref<!tpu.dma_semaphore, #tpu.memory_space<semaphore_mem>>)
      %dma_wait3A_88 = arith.constant 0 : i32
      %dma_wait3A_89 = arith.constant 0 : i32
      %dma_wait3A_90 = tpu.memref_slice %arg5[%add3A, %dma_wait3A_88, %dma_wait3A_89] : memref<32x82x128xi32, #tpu.memory_space<hbm>> -> memref<1x82x128xi32, #tpu.memory_space<hbm>>
      %dma_wait3A_91 = tpu.memref_squeeze %dma_wait3A_90 : memref<1x82x128xi32, #tpu.memory_space<hbm>> -> memref<82x128xi32, #tpu.memory_space<hbm>>
      %dma_wait3A_92 = arith.constant 0 : i32
      %dma_wait3A_93 = arith.constant 0 : i32
      %dma_wait3A_94 = tpu.memref_slice %arg5[%add3A, %dma_wait3A_92, %dma_wait3A_93] : memref<32x82x128xi32, #tpu.memory_space<hbm>> -> memref<1x82x128xi32, #tpu.memory_space<hbm>>
      %dma_wait3A_95 = tpu.memref_squeeze %dma_wait3A_94 : memref<1x82x128xi32, #tpu.memory_space<hbm>> -> memref<82x128xi32, #tpu.memory_space<hbm>>
      tpu.wait_dma2 semaphore(%run_scoped3A : memref<!tpu.dma_semaphore, #tpu.memory_space<semaphore_mem>>) src(%dma_wait3A_95 : memref<82x128xi32, #tpu.memory_space<hbm>>) dst(%arg9 : memref<82x128xi32, #tpu.memory_space<vmem>>)
      tpu.yield
    }) : () -> ()
    "tpu.region"() ({
      %run_scoped3A = tpu.sem_alloc : memref<!tpu.dma_semaphore, #tpu.memory_space<semaphore_mem>>
      %dma_start3A_80 = arith.constant 0 : i32
      %dma_start3A_81 = arith.constant 0 : i32
      %dma_start3A_82 = tpu.memref_slice %arg6[%add3A, %dma_start3A_80, %dma_start3A_81] : memref<32x82x128xi32, #tpu.memory_space<hbm>> -> memref<1x82x128xi32, #tpu.memory_space<hbm>>
      %dma_start3A_83 = tpu.memref_squeeze %dma_start3A_82 : memref<1x82x128xi32, #tpu.memory_space<hbm>> -> memref<82x128xi32, #tpu.memory_space<hbm>>
      %dma_start3A_84 = arith.constant 0 : i32
      %dma_start3A_85 = arith.constant 0 : i32
      %dma_start3A_86 = tpu.memref_slice %arg6[%add3A, %dma_start3A_84, %dma_start3A_85] : memref<32x82x128xi32, #tpu.memory_space<hbm>> -> memref<1x82x128xi32, #tpu.memory_space<hbm>>
      %dma_start3A_87 = tpu.memref_squeeze %dma_start3A_86 : memref<1x82x128xi32, #tpu.memory_space<hbm>> -> memref<82x128xi32, #tpu.memory_space<hbm>>
      tpu.enqueue_dma source(%dma_start3A_87 : memref<82x128xi32, #tpu.memory_space<hbm>>) target(%arg10 : memref<82x128xi32, #tpu.memory_space<vmem>>) target_semaphore(%run_scoped3A : memref<!tpu.dma_semaphore, #tpu.memory_space<semaphore_mem>>)
      %dma_wait3A_88 = arith.constant 0 : i32
      %dma_wait3A_89 = arith.constant 0 : i32
      %dma_wait3A_90 = tpu.memref_slice %arg6[%add3A, %dma_wait3A_88, %dma_wait3A_89] : memref<32x82x128xi32, #tpu.memory_space<hbm>> -> memref<1x82x128xi32, #tpu.memory_space<hbm>>
      %dma_wait3A_91 = tpu.memref_squeeze %dma_wait3A_90 : memref<1x82x128xi32, #tpu.memory_space<hbm>> -> memref<82x128xi32, #tpu.memory_space<hbm>>
      %dma_wait3A_92 = arith.constant 0 : i32
      %dma_wait3A_93 = arith.constant 0 : i32
      %dma_wait3A_94 = tpu.memref_slice %arg6[%add3A, %dma_wait3A_92, %dma_wait3A_93] : memref<32x82x128xi32, #tpu.memory_space<hbm>> -> memref<1x82x128xi32, #tpu.memory_space<hbm>>
      %dma_wait3A_95 = tpu.memref_squeeze %dma_wait3A_94 : memref<1x82x128xi32, #tpu.memory_space<hbm>> -> memref<82x128xi32, #tpu.memory_space<hbm>>
      tpu.wait_dma2 semaphore(%run_scoped3A : memref<!tpu.dma_semaphore, #tpu.memory_space<semaphore_mem>>) src(%dma_wait3A_95 : memref<82x128xi32, #tpu.memory_space<hbm>>) dst(%arg10 : memref<82x128xi32, #tpu.memory_space<vmem>>)
      tpu.yield
    }) : () -> ()
    %dma_start3A = arith.constant 0 : i32
    %dma_start3A_27 = arith.constant 0 : i32
    %dma_start3A_28 = tpu.memref_slice %arg9[%dma_start3A, %dma_start3A_27] : memref<82x128xi32, #tpu.memory_space<vmem>> -> memref<1x128xi32, #tpu.memory_space<vmem>>
    %dma_start3A_29 = tpu.memref_squeeze %dma_start3A_28 : memref<1x128xi32, #tpu.memory_space<vmem>> -> memref<128xi32, #tpu.memory_space<vmem>>
    %dma_start3A_30 = arith.constant 0 : i32
    %dma_start3A_31 = arith.constant 0 : i32
    %dma_start3A_32 = tpu.memref_slice %arg3[%dma_start3A_30, %dma_start3A_31] : memref<10240x16xf32, #tpu.memory_space<hbm>> -> memref<10240x16xf32, #tpu.memory_space<hbm>>
    tpu.enqueue_indirect_dma source(%dma_start3A_32 : memref<10240x16xf32, #tpu.memory_space<hbm>>) target(%arg11 : memref<128x16xf32, #tpu.memory_space<vmem>>) offsets(%dma_start3A_29 : memref<128xi32, #tpu.memory_space<vmem>>) semaphore(%arg16 : memref<!tpu.dma_semaphore, #tpu.memory_space<semaphore_mem>>)
    %dma_start3A_33 = arith.constant 0 : i32
    %dma_start3A_34 = arith.constant 0 : i32
    %dma_start3A_35 = tpu.memref_slice %arg10[%dma_start3A_33, %dma_start3A_34] : memref<82x128xi32, #tpu.memory_space<vmem>> -> memref<1x128xi32, #tpu.memory_space<vmem>>
    %dma_start3A_36 = tpu.memref_squeeze %dma_start3A_35 : memref<1x128xi32, #tpu.memory_space<vmem>> -> memref<128xi32, #tpu.memory_space<vmem>>
    %dma_start3A_37 = arith.constant 0 : i32
    %dma_start3A_38 = arith.constant 0 : i32
    %dma_start3A_39 = tpu.memref_slice %arg4[%dma_start3A_37, %dma_start3A_38] : memref<10240x16xf32, #tpu.memory_space<hbm>> -> memref<10240x16xf32, #tpu.memory_space<hbm>>
    tpu.enqueue_indirect_dma source(%dma_start3A_39 : memref<10240x16xf32, #tpu.memory_space<hbm>>) target(%arg12 : memref<128x16xf32, #tpu.memory_space<vmem>>) offsets(%dma_start3A_36 : memref<128xi32, #tpu.memory_space<vmem>>) semaphore(%arg16 : memref<!tpu.dma_semaphore, #tpu.memory_space<semaphore_mem>>)
    %dma_start3A_40 = arith.constant 0 : i32
    %dma_start3A_41 = arith.constant 0 : i32
    %dma_start3A_42 = tpu.memref_slice %arg9[%dma_start3A_40, %dma_start3A_41] : memref<82x128xi32, #tpu.memory_space<vmem>> -> memref<1x128xi32, #tpu.memory_space<vmem>>
    %dma_start3A_43 = tpu.memref_squeeze %dma_start3A_42 : memref<1x128xi32, #tpu.memory_space<vmem>> -> memref<128xi32, #tpu.memory_space<vmem>>
    %dma_start3A_44 = arith.constant 0 : i32
    %dma_start3A_45 = arith.constant 0 : i32
    %dma_start3A_46 = tpu.memref_slice %arg2[%dma_start3A_44, %dma_start3A_45] : memref<10240x32xbf16, #tpu.memory_space<hbm>> -> memref<10240x32xbf16, #tpu.memory_space<hbm>>
    tpu.enqueue_indirect_dma source(%dma_start3A_46 : memref<10240x32xbf16, #tpu.memory_space<hbm>>) target(%arg14 : memref<128x32xbf16, #tpu.memory_space<vmem>>) offsets(%dma_start3A_43 : memref<128xi32, #tpu.memory_space<vmem>>) semaphore(%arg16 : memref<!tpu.dma_semaphore, #tpu.memory_space<semaphore_mem>>)
    %scan3A_47 = arith.constant 0 : i32
    %scan3A_48 = arith.constant 41 : i32
    %scan3A_49 = arith.addi %scan3A_47, %scan3A_48 : i32
    %scan3A_50 = arith.constant 1 : i32
    scf.for %scan3A_80 = %scan3A_47 to %scan3A_49 step %scan3A_50  : i32 {
      %mul3A_81 = arith.constant 2 : i32
      %mul3A_82 = arith.muli %scan3A_80, %mul3A_81 : i32
      %add3A_83 = arith.constant 0 : i32
      %add3A_84 = arith.addi %add3A_83, %mul3A_82 : i32
      %add3A_85 = arith.constant 1 : i32
      %add3A_86 = arith.addi %add3A_84, %add3A_85 : i32
      %dma_start3A_87 = arith.constant 0 : i32
      %dma_start3A_88 = tpu.memref_slice %arg9[%add3A_86, %dma_start3A_87] : memref<82x128xi32, #tpu.memory_space<vmem>> -> memref<1x128xi32, #tpu.memory_space<vmem>>
      %dma_start3A_89 = tpu.memref_squeeze %dma_start3A_88 : memref<1x128xi32, #tpu.memory_space<vmem>> -> memref<128xi32, #tpu.memory_space<vmem>>
      %dma_start3A_90 = arith.constant 0 : i32
      %dma_start3A_91 = arith.constant 0 : i32
      %dma_start3A_92 = tpu.memref_slice %arg3[%dma_start3A_90, %dma_start3A_91] : memref<10240x16xf32, #tpu.memory_space<hbm>> -> memref<10240x16xf32, #tpu.memory_space<hbm>>
      tpu.enqueue_indirect_dma source(%dma_start3A_92 : memref<10240x16xf32, #tpu.memory_space<hbm>>) target(%arg18 : memref<128x16xf32, #tpu.memory_space<vmem>>) offsets(%dma_start3A_89 : memref<128xi32, #tpu.memory_space<vmem>>) semaphore(%arg23 : memref<!tpu.dma_semaphore, #tpu.memory_space<semaphore_mem>>)
      %dma_start3A_93 = arith.constant 0 : i32
      %dma_start3A_94 = tpu.memref_slice %arg10[%add3A_86, %dma_start3A_93] : memref<82x128xi32, #tpu.memory_space<vmem>> -> memref<1x128xi32, #tpu.memory_space<vmem>>
      %dma_start3A_95 = tpu.memref_squeeze %dma_start3A_94 : memref<1x128xi32, #tpu.memory_space<vmem>> -> memref<128xi32, #tpu.memory_space<vmem>>
      %dma_start3A_96 = arith.constant 0 : i32
      %dma_start3A_97 = arith.constant 0 : i32
      %dma_start3A_98 = tpu.memref_slice %arg4[%dma_start3A_96, %dma_start3A_97] : memref<10240x16xf32, #tpu.memory_space<hbm>> -> memref<10240x16xf32, #tpu.memory_space<hbm>>
      tpu.enqueue_indirect_dma source(%dma_start3A_98 : memref<10240x16xf32, #tpu.memory_space<hbm>>) target(%arg19 : memref<128x16xf32, #tpu.memory_space<vmem>>) offsets(%dma_start3A_95 : memref<128xi32, #tpu.memory_space<vmem>>) semaphore(%arg23 : memref<!tpu.dma_semaphore, #tpu.memory_space<semaphore_mem>>)
      %dma_start3A_99 = arith.constant 0 : i32
      %dma_start3A_100 = tpu.memref_slice %arg9[%add3A_86, %dma_start3A_99] : memref<82x128xi32, #tpu.memory_space<vmem>> -> memref<1x128xi32, #tpu.memory_space<vmem>>
      %dma_start3A_101 = tpu.memref_squeeze %dma_start3A_100 : memref<1x128xi32, #tpu.memory_space<vmem>> -> memref<128xi32, #tpu.memory_space<vmem>>
      %dma_start3A_102 = arith.constant 0 : i32
      %dma_start3A_103 = arith.constant 0 : i32
      %dma_start3A_104 = tpu.memref_slice %arg2[%dma_start3A_102, %dma_start3A_103] : memref<10240x32xbf16, #tpu.memory_space<hbm>> -> memref<10240x32xbf16, #tpu.memory_space<hbm>>
      tpu.enqueue_indirect_dma source(%dma_start3A_104 : memref<10240x32xbf16, #tpu.memory_space<hbm>>) target(%arg21 : memref<128x32xbf16, #tpu.memory_space<vmem>>) offsets(%dma_start3A_101 : memref<128xi32, #tpu.memory_space<vmem>>) semaphore(%arg23 : memref<!tpu.dma_semaphore, #tpu.memory_space<semaphore_mem>>)
      %ge3A = arith.constant 2 : i32
      %ge3A_105 = arith.cmpi sge, %add3A_84, %ge3A : i32
      %convert_element_type3A = arith.extui %ge3A_105 : i1 to i32
      %cond3A = arith.constant 0 : i32
      %cond3A_106 = arith.cmpi ne, %convert_element_type3A, %cond3A : i32
      scf.if %cond3A_106 {
        %sub3A = arith.constant 2 : i32
        %sub3A_194 = arith.subi %add3A_84, %sub3A : i32
        %dma_wait3A_195 = arith.constant 0 : i32
        %dma_wait3A_196 = tpu.memref_slice %arg10[%sub3A_194, %dma_wait3A_195] : memref<82x128xi32, #tpu.memory_space<vmem>> -> memref<1x128xi32, #tpu.memory_space<vmem>>
        %dma_wait3A_197 = tpu.memref_squeeze %dma_wait3A_196 : memref<1x128xi32, #tpu.memory_space<vmem>> -> memref<128xi32, #tpu.memory_space<vmem>>
        %dma_wait3A_198 = arith.constant 0 : i32
        %dma_wait3A_199 = arith.constant 0 : i32
        %dma_wait3A_200 = tpu.memref_slice %arg25[%dma_wait3A_198, %dma_wait3A_199] : memref<10016x32xf32, #tpu.memory_space<vmem_shared>> -> memref<10016x32xf32, #tpu.memory_space<vmem_shared>>
        tpu.wait_indirect_dma semaphore(%arg17 : memref<!tpu.dma_semaphore, #tpu.memory_space<semaphore_mem>>) src(%arg15 : memref<128x32xf32, #tpu.memory_space<vmem>>) dst(%dma_wait3A_200 : memref<10016x32xf32, #tpu.memory_space<vmem_shared>>)
        %dma_wait3A_201 = arith.constant 0 : i32
        %dma_wait3A_202 = tpu.memref_slice %arg10[%sub3A_194, %dma_wait3A_201] : memref<82x128xi32, #tpu.memory_space<vmem>> -> memref<1x128xi32, #tpu.memory_space<vmem>>
        %dma_wait3A_203 = tpu.memref_squeeze %dma_wait3A_202 : memref<1x128xi32, #tpu.memory_space<vmem>> -> memref<128xi32, #tpu.memory_space<vmem>>
        %dma_wait3A_204 = arith.constant 0 : i32
        %dma_wait3A_205 = arith.constant 0 : i32
        %dma_wait3A_206 = tpu.memref_slice %arg26[%dma_wait3A_204, %dma_wait3A_205] : memref<10016x16xf32, #tpu.memory_space<vmem_shared>> -> memref<10016x16xf32, #tpu.memory_space<vmem_shared>>
        tpu.wait_indirect_dma semaphore(%arg17 : memref<!tpu.dma_semaphore, #tpu.memory_space<semaphore_mem>>) src(%arg13 : memref<128x16xf32, #tpu.memory_space<vmem>>) dst(%dma_wait3A_206 : memref<10016x16xf32, #tpu.memory_space<vmem_shared>>)
      } else {
      }
      %dma_wait3A_107 = arith.constant 0 : i32
      %dma_wait3A_108 = tpu.memref_slice %arg9[%add3A_84, %dma_wait3A_107] : memref<82x128xi32, #tpu.memory_space<vmem>> -> memref<1x128xi32, #tpu.memory_space<vmem>>
      %dma_wait3A_109 = tpu.memref_squeeze %dma_wait3A_108 : memref<1x128xi32, #tpu.memory_space<vmem>> -> memref<128xi32, #tpu.memory_space<vmem>>
      %dma_wait3A_110 = arith.constant 0 : i32
      %dma_wait3A_111 = arith.constant 0 : i32
      %dma_wait3A_112 = tpu.memref_slice %arg3[%dma_wait3A_110, %dma_wait3A_111] : memref<10240x16xf32, #tpu.memory_space<hbm>> -> memref<10240x16xf32, #tpu.memory_space<hbm>>
      tpu.wait_indirect_dma semaphore(%arg16 : memref<!tpu.dma_semaphore, #tpu.memory_space<semaphore_mem>>) src(%dma_wait3A_112 : memref<10240x16xf32, #tpu.memory_space<hbm>>) dst(%arg11 : memref<128x16xf32, #tpu.memory_space<vmem>>)
      %dma_wait3A_113 = arith.constant 0 : i32
      %dma_wait3A_114 = tpu.memref_slice %arg10[%add3A_84, %dma_wait3A_113] : memref<82x128xi32, #tpu.memory_space<vmem>> -> memref<1x128xi32, #tpu.memory_space<vmem>>
      %dma_wait3A_115 = tpu.memref_squeeze %dma_wait3A_114 : memref<1x128xi32, #tpu.memory_space<vmem>> -> memref<128xi32, #tpu.memory_space<vmem>>
      %dma_wait3A_116 = arith.constant 0 : i32
      %dma_wait3A_117 = arith.constant 0 : i32
      %dma_wait3A_118 = tpu.memref_slice %arg4[%dma_wait3A_116, %dma_wait3A_117] : memref<10240x16xf32, #tpu.memory_space<hbm>> -> memref<10240x16xf32, #tpu.memory_space<hbm>>
      tpu.wait_indirect_dma semaphore(%arg16 : memref<!tpu.dma_semaphore, #tpu.memory_space<semaphore_mem>>) src(%dma_wait3A_118 : memref<10240x16xf32, #tpu.memory_space<hbm>>) dst(%arg12 : memref<128x16xf32, #tpu.memory_space<vmem>>)
      %dma_wait3A_119 = arith.constant 0 : i32
      %dma_wait3A_120 = tpu.memref_slice %arg9[%add3A_84, %dma_wait3A_119] : memref<82x128xi32, #tpu.memory_space<vmem>> -> memref<1x128xi32, #tpu.memory_space<vmem>>
      %dma_wait3A_121 = tpu.memref_squeeze %dma_wait3A_120 : memref<1x128xi32, #tpu.memory_space<vmem>> -> memref<128xi32, #tpu.memory_space<vmem>>
      %dma_wait3A_122 = arith.constant 0 : i32
      %dma_wait3A_123 = arith.constant 0 : i32
      %dma_wait3A_124 = tpu.memref_slice %arg2[%dma_wait3A_122, %dma_wait3A_123] : memref<10240x32xbf16, #tpu.memory_space<hbm>> -> memref<10240x32xbf16, #tpu.memory_space<hbm>>
      tpu.wait_indirect_dma semaphore(%arg16 : memref<!tpu.dma_semaphore, #tpu.memory_space<semaphore_mem>>) src(%dma_wait3A_124 : memref<10240x32xbf16, #tpu.memory_space<hbm>>) dst(%arg14 : memref<128x32xbf16, #tpu.memory_space<vmem>>)
      %scan3A_125 = arith.constant 0 : i32
      %scan3A_126 = arith.constant 128 : i32
      %scan3A_127 = arith.addi %scan3A_125, %scan3A_126 : i32
      %scan3A_128 = arith.constant 1 : i32
      scf.for %scan3A_194 = %scan3A_125 to %scan3A_127 step %scan3A_128  : i32 {
        %mul3A_195 = arith.constant 1 : i32
        %mul3A_196 = arith.muli %scan3A_194, %mul3A_195 : i32
        %add3A_197 = arith.constant 0 : i32
        %add3A_198 = arith.addi %add3A_197, %mul3A_196 : i32
        %get3A = arith.index_cast %add3A_198 : i32 to index
        %get3A_199 = arith.constant 0 : index
        %get3A_200 = tpu.vector_load %arg11[%get3A, %get3A_199] {strides = array<i32>} : memref<128x16xf32, #tpu.memory_space<vmem>>, vector<16xf32>,
        %get3A_201 = arith.index_cast %add3A_198 : i32 to index
        %get3A_202 = arith.constant 0 : index
        %get3A_203 = tpu.vector_load %arg12[%get3A_201, %get3A_202] {strides = array<i32>} : memref<128x16xf32, #tpu.memory_space<vmem>>, vector<16xf32>,
        %add3A_204 = arith.addf %get3A_200, %get3A_203 : vector<16xf32>
        %mul3A_205 = arith.constant 2.000000e-01 : f32
        %mul3A_206 = vector.broadcast %mul3A_205 : f32 to vector<16xf32>
        %mul3A_207 = arith.mulf %mul3A_206, %add3A_204 : vector<16xf32>
        %max3A = arith.maximumf %add3A_204, %mul3A_207 : vector<16xf32>
        %exp3A = math.exp %max3A : vector<16xf32>
        %swap3A = arith.index_cast %add3A_198 : i32 to index
        %swap3A_208 = arith.constant 0 : index
        %swap3A_209 = tpu.vector_load %arg13[%swap3A, %swap3A_208] {strides = array<i32>} : memref<128x16xf32, #tpu.memory_space<vmem>>, vector<16xf32>,
        tpu.vector_store %arg13[%swap3A, %swap3A_208], %exp3A {strides = array<i32>} : memref<128x16xf32, #tpu.memory_space<vmem>>, vector<16xf32>,
        %broadcast_in_dim3A = arith.constant 0 : i32
        %broadcast_in_dim3A_210 = vector.broadcast %broadcast_in_dim3A : i32 to vector<16xi32>
        %lt3A_211 = arith.constant 0 : i32
        %lt3A_212 = vector.broadcast %lt3A_211 : i32 to vector<16xi32>
        %lt3A_213 = arith.cmpi slt, %broadcast_in_dim3A_210, %lt3A_212 : vector<16xi32>
        %add3A_214 = arith.constant 16 : i32
        %add3A_215 = vector.broadcast %add3A_214 : i32 to vector<16xi32>
        %add3A_216 = arith.addi %broadcast_in_dim3A_210, %add3A_215 : vector<16xi32>
        %select_n3A = arith.select %lt3A_213, %add3A_216, %broadcast_in_dim3A_210 : vector<16xi1>, vector<16xi32>
        %broadcast_in_dim3A_217 = vector.shape_cast %select_n3A : vector<16xi32> to vector<16x1xi32>
        %gather3A = vector.shape_cast %broadcast_in_dim3A_217 : vector<16x1xi32> to vector<16xi32>
        %gather3A_218 = tpu.dynamic_gather %exp3A[%gather3A] in [0] : vector<16xf32>, vector<16xi32> -> vector<16xf32>
        %get3A_219 = arith.index_cast %add3A_198 : i32 to index
        %get3A_220 = arith.constant 0 : index
        %get3A_221 = tpu.vector_load %arg14[%get3A_219, %get3A_220] {strides = array<i32>} : memref<128x32xbf16, #tpu.memory_space<vmem>>, vector<32xbf16>,
        %bitcast3A = vector.bitcast %get3A_221 : vector<32xbf16> to vector<16xi32>
        %shift_left3A = arith.constant 16 : i32
        %shift_left3A_222 = vector.broadcast %shift_left3A : i32 to vector<16xi32>
        %shift_left3A_223 = arith.shli %bitcast3A, %shift_left3A_222 : vector<16xi32>
        %bitcast3A_224 = vector.bitcast %shift_left3A_223 : vector<16xi32> to vector<16xf32>
        %and3A = arith.constant -65536 : i32
        %and3A_225 = vector.broadcast %and3A : i32 to vector<16xi32>
        %and3A_226 = arith.andi %bitcast3A, %and3A_225 : vector<16xi32>
        %bitcast3A_227 = vector.bitcast %and3A_226 : vector<16xi32> to vector<16xf32>
        %mul3A_228 = arith.mulf %bitcast3A_224, %gather3A_218 : vector<16xf32>
        %swap3A_229 = arith.index_cast %add3A_198 : i32 to index
        %swap3A_230 = arith.constant 0 : index
        %swap3A_231 = tpu.vector_load %arg15[%swap3A_229, %swap3A_230] {strides = array<i32>} : memref<128x32xf32, #tpu.memory_space<vmem>>, vector<16xf32>,
        tpu.vector_store %arg15[%swap3A_229, %swap3A_230], %mul3A_228 {strides = array<i32>} : memref<128x32xf32, #tpu.memory_space<vmem>>, vector<16xf32>,
        %mul3A_232 = arith.mulf %bitcast3A_227, %gather3A_218 : vector<16xf32>
        %swap3A_233 = arith.index_cast %add3A_198 : i32 to index
        %swap3A_234 = arith.constant 16 : index
        %swap3A_235 = tpu.vector_load %arg15[%swap3A_233, %swap3A_234] {strides = array<i32>} : memref<128x32xf32, #tpu.memory_space<vmem>>, vector<16xf32>,
        tpu.vector_store %arg15[%swap3A_233, %swap3A_234], %mul3A_232 {strides = array<i32>} : memref<128x32xf32, #tpu.memory_space<vmem>>, vector<16xf32>,
      }
      %scan3A_129 = arith.constant 128 : i32
      %dma_start3A_130 = arith.constant 0 : i32
      %dma_start3A_131 = tpu.memref_slice %arg10[%add3A_84, %dma_start3A_130] : memref<82x128xi32, #tpu.memory_space<vmem>> -> memref<1x128xi32, #tpu.memory_space<vmem>>
      %dma_start3A_132 = tpu.memref_squeeze %dma_start3A_131 : memref<1x128xi32, #tpu.memory_space<vmem>> -> memref<128xi32, #tpu.memory_space<vmem>>
      %dma_start3A_133 = arith.constant 0 : i32
      %dma_start3A_134 = arith.constant 0 : i32
      %dma_start3A_135 = tpu.memref_slice %arg25[%dma_start3A_133, %dma_start3A_134] : memref<10016x32xf32, #tpu.memory_space<vmem_shared>> -> memref<10016x32xf32, #tpu.memory_space<vmem_shared>>
      tpu.enqueue_indirect_dma source(%arg15 : memref<128x32xf32, #tpu.memory_space<vmem>>) target(%dma_start3A_135 : memref<10016x32xf32, #tpu.memory_space<vmem_shared>>) offsets(%dma_start3A_132 : memref<128xi32, #tpu.memory_space<vmem>>) semaphore(%arg17 : memref<!tpu.dma_semaphore, #tpu.memory_space<semaphore_mem>>) {add = true}
      %dma_start3A_136 = arith.constant 0 : i32
      %dma_start3A_137 = tpu.memref_slice %arg10[%add3A_84, %dma_start3A_136] : memref<82x128xi32, #tpu.memory_space<vmem>> -> memref<1x128xi32, #tpu.memory_space<vmem>>
      %dma_start3A_138 = tpu.memref_squeeze %dma_start3A_137 : memref<1x128xi32, #tpu.memory_space<vmem>> -> memref<128xi32, #tpu.memory_space<vmem>>
      %dma_start3A_139 = arith.constant 0 : i32
      %dma_start3A_140 = arith.constant 0 : i32
      %dma_start3A_141 = tpu.memref_slice %arg26[%dma_start3A_139, %dma_start3A_140] : memref<10016x16xf32, #tpu.memory_space<vmem_shared>> -> memref<10016x16xf32, #tpu.memory_space<vmem_shared>>
      tpu.enqueue_indirect_dma source(%arg13 : memref<128x16xf32, #tpu.memory_space<vmem>>) target(%dma_start3A_141 : memref<10016x16xf32, #tpu.memory_space<vmem_shared>>) offsets(%dma_start3A_138 : memref<128xi32, #tpu.memory_space<vmem>>) semaphore(%arg17 : memref<!tpu.dma_semaphore, #tpu.memory_space<semaphore_mem>>) {add = true}
      %add3A_142 = arith.constant 2 : i32
      %add3A_143 = arith.addi %add3A_84, %add3A_142 : i32
      %lt3A = arith.constant 82 : i32
      %lt3A_144 = arith.cmpi slt, %add3A_143, %lt3A : i32
      %convert_element_type3A_145 = arith.extui %lt3A_144 : i1 to i32
      %cond3A_146 = arith.constant 0 : i32
      %cond3A_147 = arith.cmpi ne, %convert_element_type3A_145, %cond3A_146 : i32
      scf.if %cond3A_147 {
        %add3A_194 = arith.constant 2 : i32
        %add3A_195 = arith.addi %add3A_84, %add3A_194 : i32
        %dma_start3A_196 = arith.constant 0 : i32
        %dma_start3A_197 = tpu.memref_slice %arg9[%add3A_195, %dma_start3A_196] : memref<82x128xi32, #tpu.memory_space<vmem>> -> memref<1x128xi32, #tpu.memory_space<vmem>>
        %dma_start3A_198 = tpu.memref_squeeze %dma_start3A_197 : memref<1x128xi32, #tpu.memory_space<vmem>> -> memref<128xi32, #tpu.memory_space<vmem>>
        %dma_start3A_199 = arith.constant 0 : i32
        %dma_start3A_200 = arith.constant 0 : i32
        %dma_start3A_201 = tpu.memref_slice %arg3[%dma_start3A_199, %dma_start3A_200] : memref<10240x16xf32, #tpu.memory_space<hbm>> -> memref<10240x16xf32, #tpu.memory_space<hbm>>
        tpu.enqueue_indirect_dma source(%dma_start3A_201 : memref<10240x16xf32, #tpu.memory_space<hbm>>) target(%arg11 : memref<128x16xf32, #tpu.memory_space<vmem>>) offsets(%dma_start3A_198 : memref<128xi32, #tpu.memory_space<vmem>>) semaphore(%arg16 : memref<!tpu.dma_semaphore, #tpu.memory_space<semaphore_mem>>)
        %dma_start3A_202 = arith.constant 0 : i32
        %dma_start3A_203 = tpu.memref_slice %arg10[%add3A_195, %dma_start3A_202] : memref<82x128xi32, #tpu.memory_space<vmem>> -> memref<1x128xi32, #tpu.memory_space<vmem>>
        %dma_start3A_204 = tpu.memref_squeeze %dma_start3A_203 : memref<1x128xi32, #tpu.memory_space<vmem>> -> memref<128xi32, #tpu.memory_space<vmem>>
        %dma_start3A_205 = arith.constant 0 : i32
        %dma_start3A_206 = arith.constant 0 : i32
        %dma_start3A_207 = tpu.memref_slice %arg4[%dma_start3A_205, %dma_start3A_206] : memref<10240x16xf32, #tpu.memory_space<hbm>> -> memref<10240x16xf32, #tpu.memory_space<hbm>>
        tpu.enqueue_indirect_dma source(%dma_start3A_207 : memref<10240x16xf32, #tpu.memory_space<hbm>>) target(%arg12 : memref<128x16xf32, #tpu.memory_space<vmem>>) offsets(%dma_start3A_204 : memref<128xi32, #tpu.memory_space<vmem>>) semaphore(%arg16 : memref<!tpu.dma_semaphore, #tpu.memory_space<semaphore_mem>>)
        %dma_start3A_208 = arith.constant 0 : i32
        %dma_start3A_209 = tpu.memref_slice %arg9[%add3A_195, %dma_start3A_208] : memref<82x128xi32, #tpu.memory_space<vmem>> -> memref<1x128xi32, #tpu.memory_space<vmem>>
        %dma_start3A_210 = tpu.memref_squeeze %dma_start3A_209 : memref<1x128xi32, #tpu.memory_space<vmem>> -> memref<128xi32, #tpu.memory_space<vmem>>
        %dma_start3A_211 = arith.constant 0 : i32
        %dma_start3A_212 = arith.constant 0 : i32
        %dma_start3A_213 = tpu.memref_slice %arg2[%dma_start3A_211, %dma_start3A_212] : memref<10240x32xbf16, #tpu.memory_space<hbm>> -> memref<10240x32xbf16, #tpu.memory_space<hbm>>
        tpu.enqueue_indirect_dma source(%dma_start3A_213 : memref<10240x32xbf16, #tpu.memory_space<hbm>>) target(%arg14 : memref<128x32xbf16, #tpu.memory_space<vmem>>) offsets(%dma_start3A_210 : memref<128xi32, #tpu.memory_space<vmem>>) semaphore(%arg16 : memref<!tpu.dma_semaphore, #tpu.memory_space<semaphore_mem>>)
      } else {
      }
      %ge3A_148 = arith.constant 2 : i32
      %ge3A_149 = arith.cmpi sge, %add3A_84, %ge3A_148 : i32
      %convert_element_type3A_150 = arith.extui %ge3A_149 : i1 to i32
      %cond3A_151 = arith.constant 0 : i32
      %cond3A_152 = arith.cmpi ne, %convert_element_type3A_150, %cond3A_151 : i32
      scf.if %cond3A_152 {
        %sub3A = arith.constant 1 : i32
        %sub3A_194 = arith.subi %add3A_84, %sub3A : i32
        %dma_wait3A_195 = arith.constant 0 : i32
        %dma_wait3A_196 = tpu.memref_slice %arg10[%sub3A_194, %dma_wait3A_195] : memref<82x128xi32, #tpu.memory_space<vmem>> -> memref<1x128xi32, #tpu.memory_space<vmem>>
        %dma_wait3A_197 = tpu.memref_squeeze %dma_wait3A_196 : memref<1x128xi32, #tpu.memory_space<vmem>> -> memref<128xi32, #tpu.memory_space<vmem>>
        %dma_wait3A_198 = arith.constant 0 : i32
        %dma_wait3A_199 = arith.constant 0 : i32
        %dma_wait3A_200 = tpu.memref_slice %arg25[%dma_wait3A_198, %dma_wait3A_199] : memref<10016x32xf32, #tpu.memory_space<vmem_shared>> -> memref<10016x32xf32, #tpu.memory_space<vmem_shared>>
        tpu.wait_indirect_dma semaphore(%arg24 : memref<!tpu.dma_semaphore, #tpu.memory_space<semaphore_mem>>) src(%arg22 : memref<128x32xf32, #tpu.memory_space<vmem>>) dst(%dma_wait3A_200 : memref<10016x32xf32, #tpu.memory_space<vmem_shared>>)
        %dma_wait3A_201 = arith.constant 0 : i32
        %dma_wait3A_202 = tpu.memref_slice %arg10[%sub3A_194, %dma_wait3A_201] : memref<82x128xi32, #tpu.memory_space<vmem>> -> memref<1x128xi32, #tpu.memory_space<vmem>>
        %dma_wait3A_203 = tpu.memref_squeeze %dma_wait3A_202 : memref<1x128xi32, #tpu.memory_space<vmem>> -> memref<128xi32, #tpu.memory_space<vmem>>
        %dma_wait3A_204 = arith.constant 0 : i32
        %dma_wait3A_205 = arith.constant 0 : i32
        %dma_wait3A_206 = tpu.memref_slice %arg26[%dma_wait3A_204, %dma_wait3A_205] : memref<10016x16xf32, #tpu.memory_space<vmem_shared>> -> memref<10016x16xf32, #tpu.memory_space<vmem_shared>>
        tpu.wait_indirect_dma semaphore(%arg24 : memref<!tpu.dma_semaphore, #tpu.memory_space<semaphore_mem>>) src(%arg20 : memref<128x16xf32, #tpu.memory_space<vmem>>) dst(%dma_wait3A_206 : memref<10016x16xf32, #tpu.memory_space<vmem_shared>>)
      } else {
      }
      %add3A_153 = arith.constant 1 : i32
      %add3A_154 = arith.addi %add3A_84, %add3A_153 : i32
      %dma_wait3A_155 = arith.constant 0 : i32
      %dma_wait3A_156 = tpu.memref_slice %arg9[%add3A_154, %dma_wait3A_155] : memref<82x128xi32, #tpu.memory_space<vmem>> -> memref<1x128xi32, #tpu.memory_space<vmem>>
      %dma_wait3A_157 = tpu.memref_squeeze %dma_wait3A_156 : memref<1x128xi32, #tpu.memory_space<vmem>> -> memref<128xi32, #tpu.memory_space<vmem>>
      %dma_wait3A_158 = arith.constant 0 : i32
      %dma_wait3A_159 = arith.constant 0 : i32
      %dma_wait3A_160 = tpu.memref_slice %arg3[%dma_wait3A_158, %dma_wait3A_159] : memref<10240x16xf32, #tpu.memory_space<hbm>> -> memref<10240x16xf32, #tpu.memory_space<hbm>>
      tpu.wait_indirect_dma semaphore(%arg23 : memref<!tpu.dma_semaphore, #tpu.memory_space<semaphore_mem>>) src(%dma_wait3A_160 : memref<10240x16xf32, #tpu.memory_space<hbm>>) dst(%arg18 : memref<128x16xf32, #tpu.memory_space<vmem>>)
      %dma_wait3A_161 = arith.constant 0 : i32
      %dma_wait3A_162 = tpu.memref_slice %arg10[%add3A_154, %dma_wait3A_161] : memref<82x128xi32, #tpu.memory_space<vmem>> -> memref<1x128xi32, #tpu.memory_space<vmem>>
      %dma_wait3A_163 = tpu.memref_squeeze %dma_wait3A_162 : memref<1x128xi32, #tpu.memory_space<vmem>> -> memref<128xi32, #tpu.memory_space<vmem>>
      %dma_wait3A_164 = arith.constant 0 : i32
      %dma_wait3A_165 = arith.constant 0 : i32
      %dma_wait3A_166 = tpu.memref_slice %arg4[%dma_wait3A_164, %dma_wait3A_165] : memref<10240x16xf32, #tpu.memory_space<hbm>> -> memref<10240x16xf32, #tpu.memory_space<hbm>>
      tpu.wait_indirect_dma semaphore(%arg23 : memref<!tpu.dma_semaphore, #tpu.memory_space<semaphore_mem>>) src(%dma_wait3A_166 : memref<10240x16xf32, #tpu.memory_space<hbm>>) dst(%arg19 : memref<128x16xf32, #tpu.memory_space<vmem>>)
      %dma_wait3A_167 = arith.constant 0 : i32
      %dma_wait3A_168 = tpu.memref_slice %arg9[%add3A_154, %dma_wait3A_167] : memref<82x128xi32, #tpu.memory_space<vmem>> -> memref<1x128xi32, #tpu.memory_space<vmem>>
      %dma_wait3A_169 = tpu.memref_squeeze %dma_wait3A_168 : memref<1x128xi32, #tpu.memory_space<vmem>> -> memref<128xi32, #tpu.memory_space<vmem>>
      %dma_wait3A_170 = arith.constant 0 : i32
      %dma_wait3A_171 = arith.constant 0 : i32
      %dma_wait3A_172 = tpu.memref_slice %arg2[%dma_wait3A_170, %dma_wait3A_171] : memref<10240x32xbf16, #tpu.memory_space<hbm>> -> memref<10240x32xbf16, #tpu.memory_space<hbm>>
      tpu.wait_indirect_dma semaphore(%arg23 : memref<!tpu.dma_semaphore, #tpu.memory_space<semaphore_mem>>) src(%dma_wait3A_172 : memref<10240x32xbf16, #tpu.memory_space<hbm>>) dst(%arg21 : memref<128x32xbf16, #tpu.memory_space<vmem>>)
      %add3A_173 = arith.constant 1 : i32
      %add3A_174 = arith.addi %add3A_84, %add3A_173 : i32
      %scan3A_175 = arith.constant 0 : i32
      %scan3A_176 = arith.constant 128 : i32
      %scan3A_177 = arith.addi %scan3A_175, %scan3A_176 : i32
      %scan3A_178 = arith.constant 1 : i32
      scf.for %scan3A_194 = %scan3A_175 to %scan3A_177 step %scan3A_178  : i32 {
        %mul3A_195 = arith.constant 1 : i32
        %mul3A_196 = arith.muli %scan3A_194, %mul3A_195 : i32
        %add3A_197 = arith.constant 0 : i32
        %add3A_198 = arith.addi %add3A_197, %mul3A_196 : i32
        %get3A = arith.index_cast %add3A_198 : i32 to index
        %get3A_199 = arith.constant 0 : index
        %get3A_200 = tpu.vector_load %arg18[%get3A, %get3A_199] {strides = array<i32>} : memref<128x16xf32, #tpu.memory_space<vmem>>, vector<16xf32>,
        %get3A_201 = arith.index_cast %add3A_198 : i32 to index
        %get3A_202 = arith.constant 0 : index
        %get3A_203 = tpu.vector_load %arg19[%get3A_201, %get3A_202] {strides = array<i32>} : memref<128x16xf32, #tpu.memory_space<vmem>>, vector<16xf32>,
        %add3A_204 = arith.addf %get3A_200, %get3A_203 : vector<16xf32>
        %mul3A_205 = arith.constant 2.000000e-01 : f32
        %mul3A_206 = vector.broadcast %mul3A_205 : f32 to vector<16xf32>
        %mul3A_207 = arith.mulf %mul3A_206, %add3A_204 : vector<16xf32>
        %max3A = arith.maximumf %add3A_204, %mul3A_207 : vector<16xf32>
        %exp3A = math.exp %max3A : vector<16xf32>
        %swap3A = arith.index_cast %add3A_198 : i32 to index
        %swap3A_208 = arith.constant 0 : index
        %swap3A_209 = tpu.vector_load %arg20[%swap3A, %swap3A_208] {strides = array<i32>} : memref<128x16xf32, #tpu.memory_space<vmem>>, vector<16xf32>,
        tpu.vector_store %arg20[%swap3A, %swap3A_208], %exp3A {strides = array<i32>} : memref<128x16xf32, #tpu.memory_space<vmem>>, vector<16xf32>,
        %broadcast_in_dim3A = arith.constant 0 : i32
        %broadcast_in_dim3A_210 = vector.broadcast %broadcast_in_dim3A : i32 to vector<16xi32>
        %lt3A_211 = arith.constant 0 : i32
        %lt3A_212 = vector.broadcast %lt3A_211 : i32 to vector<16xi32>
        %lt3A_213 = arith.cmpi slt, %broadcast_in_dim3A_210, %lt3A_212 : vector<16xi32>
        %add3A_214 = arith.constant 16 : i32
        %add3A_215 = vector.broadcast %add3A_214 : i32 to vector<16xi32>
        %add3A_216 = arith.addi %broadcast_in_dim3A_210, %add3A_215 : vector<16xi32>
        %select_n3A = arith.select %lt3A_213, %add3A_216, %broadcast_in_dim3A_210 : vector<16xi1>, vector<16xi32>
        %broadcast_in_dim3A_217 = vector.shape_cast %select_n3A : vector<16xi32> to vector<16x1xi32>
        %gather3A = vector.shape_cast %broadcast_in_dim3A_217 : vector<16x1xi32> to vector<16xi32>
        %gather3A_218 = tpu.dynamic_gather %exp3A[%gather3A] in [0] : vector<16xf32>, vector<16xi32> -> vector<16xf32>
        %get3A_219 = arith.index_cast %add3A_198 : i32 to index
        %get3A_220 = arith.constant 0 : index
        %get3A_221 = tpu.vector_load %arg21[%get3A_219, %get3A_220] {strides = array<i32>} : memref<128x32xbf16, #tpu.memory_space<vmem>>, vector<32xbf16>,
        %bitcast3A = vector.bitcast %get3A_221 : vector<32xbf16> to vector<16xi32>
        %shift_left3A = arith.constant 16 : i32
        %shift_left3A_222 = vector.broadcast %shift_left3A : i32 to vector<16xi32>
        %shift_left3A_223 = arith.shli %bitcast3A, %shift_left3A_222 : vector<16xi32>
        %bitcast3A_224 = vector.bitcast %shift_left3A_223 : vector<16xi32> to vector<16xf32>
        %and3A = arith.constant -65536 : i32
        %and3A_225 = vector.broadcast %and3A : i32 to vector<16xi32>
        %and3A_226 = arith.andi %bitcast3A, %and3A_225 : vector<16xi32>
        %bitcast3A_227 = vector.bitcast %and3A_226 : vector<16xi32> to vector<16xf32>
        %mul3A_228 = arith.mulf %bitcast3A_224, %gather3A_218 : vector<16xf32>
        %swap3A_229 = arith.index_cast %add3A_198 : i32 to index
        %swap3A_230 = arith.constant 0 : index
        %swap3A_231 = tpu.vector_load %arg22[%swap3A_229, %swap3A_230] {strides = array<i32>} : memref<128x32xf32, #tpu.memory_space<vmem>>, vector<16xf32>,
        tpu.vector_store %arg22[%swap3A_229, %swap3A_230], %mul3A_228 {strides = array<i32>} : memref<128x32xf32, #tpu.memory_space<vmem>>, vector<16xf32>,
        %mul3A_232 = arith.mulf %bitcast3A_227, %gather3A_218 : vector<16xf32>
        %swap3A_233 = arith.index_cast %add3A_198 : i32 to index
        %swap3A_234 = arith.constant 16 : index
        %swap3A_235 = tpu.vector_load %arg22[%swap3A_233, %swap3A_234] {strides = array<i32>} : memref<128x32xf32, #tpu.memory_space<vmem>>, vector<16xf32>,
        tpu.vector_store %arg22[%swap3A_233, %swap3A_234], %mul3A_232 {strides = array<i32>} : memref<128x32xf32, #tpu.memory_space<vmem>>, vector<16xf32>,
      }
      %scan3A_179 = arith.constant 128 : i32
      %add3A_180 = arith.constant 1 : i32
      %add3A_181 = arith.addi %add3A_84, %add3A_180 : i32
      %dma_start3A_182 = arith.constant 0 : i32
      %dma_start3A_183 = tpu.memref_slice %arg10[%add3A_181, %dma_start3A_182] : memref<82x128xi32, #tpu.memory_space<vmem>> -> memref<1x128xi32, #tpu.memory_space<vmem>>
      %dma_start3A_184 = tpu.memref_squeeze %dma_start3A_183 : memref<1x128xi32, #tpu.memory_space<vmem>> -> memref<128xi32, #tpu.memory_space<vmem>>
      %dma_start3A_185 = arith.constant 0 : i32
      %dma_start3A_186 = arith.constant 0 : i32
      %dma_start3A_187 = tpu.memref_slice %arg25[%dma_start3A_185, %dma_start3A_186] : memref<10016x32xf32, #tpu.memory_space<vmem_shared>> -> memref<10016x32xf32, #tpu.memory_space<vmem_shared>>
      tpu.enqueue_indirect_dma source(%arg22 : memref<128x32xf32, #tpu.memory_space<vmem>>) target(%dma_start3A_187 : memref<10016x32xf32, #tpu.memory_space<vmem_shared>>) offsets(%dma_start3A_184 : memref<128xi32, #tpu.memory_space<vmem>>) semaphore(%arg24 : memref<!tpu.dma_semaphore, #tpu.memory_space<semaphore_mem>>) {add = true}
      %dma_start3A_188 = arith.constant 0 : i32
      %dma_start3A_189 = tpu.memref_slice %arg10[%add3A_181, %dma_start3A_188] : memref<82x128xi32, #tpu.memory_space<vmem>> -> memref<1x128xi32, #tpu.memory_space<vmem>>
      %dma_start3A_190 = tpu.memref_squeeze %dma_start3A_189 : memref<1x128xi32, #tpu.memory_space<vmem>> -> memref<128xi32, #tpu.memory_space<vmem>>
      %dma_start3A_191 = arith.constant 0 : i32
      %dma_start3A_192 = arith.constant 0 : i32
      %dma_start3A_193 = tpu.memref_slice %arg26[%dma_start3A_191, %dma_start3A_192] : memref<10016x16xf32, #tpu.memory_space<vmem_shared>> -> memref<10016x16xf32, #tpu.memory_space<vmem_shared>>
      tpu.enqueue_indirect_dma source(%arg20 : memref<128x16xf32, #tpu.memory_space<vmem>>) target(%dma_start3A_193 : memref<10016x16xf32, #tpu.memory_space<vmem_shared>>) offsets(%dma_start3A_190 : memref<128xi32, #tpu.memory_space<vmem>>) semaphore(%arg24 : memref<!tpu.dma_semaphore, #tpu.memory_space<semaphore_mem>>) {add = true}
    }
    %scan3A_51 = arith.constant 41 : i32
    %dma_wait3A = arith.constant 80 : i32
    %dma_wait3A_52 = arith.constant 0 : i32
    %dma_wait3A_53 = tpu.memref_slice %arg10[%dma_wait3A, %dma_wait3A_52] : memref<82x128xi32, #tpu.memory_space<vmem>> -> memref<1x128xi32, #tpu.memory_space<vmem>>
    %dma_wait3A_54 = tpu.memref_squeeze %dma_wait3A_53 : memref<1x128xi32, #tpu.memory_space<vmem>> -> memref<128xi32, #tpu.memory_space<vmem>>
    %dma_wait3A_55 = arith.constant 0 : i32
    %dma_wait3A_56 = arith.constant 0 : i32
    %dma_wait3A_57 = tpu.memref_slice %arg25[%dma_wait3A_55, %dma_wait3A_56] : memref<10016x32xf32, #tpu.memory_space<vmem_shared>> -> memref<10016x32xf32, #tpu.memory_space<vmem_shared>>
    tpu.wait_indirect_dma semaphore(%arg17 : memref<!tpu.dma_semaphore, #tpu.memory_space<semaphore_mem>>) src(%arg15 : memref<128x32xf32, #tpu.memory_space<vmem>>) dst(%dma_wait3A_57 : memref<10016x32xf32, #tpu.memory_space<vmem_shared>>)
    %dma_wait3A_58 = arith.constant 80 : i32
    %dma_wait3A_59 = arith.constant 0 : i32
    %dma_wait3A_60 = tpu.memref_slice %arg10[%dma_wait3A_58, %dma_wait3A_59] : memref<82x128xi32, #tpu.memory_space<vmem>> -> memref<1x128xi32, #tpu.memory_space<vmem>>
    %dma_wait3A_61 = tpu.memref_squeeze %dma_wait3A_60 : memref<1x128xi32, #tpu.memory_space<vmem>> -> memref<128xi32, #tpu.memory_space<vmem>>
    %dma_wait3A_62 = arith.constant 0 : i32
    %dma_wait3A_63 = arith.constant 0 : i32
    %dma_wait3A_64 = tpu.memref_slice %arg26[%dma_wait3A_62, %dma_wait3A_63] : memref<10016x16xf32, #tpu.memory_space<vmem_shared>> -> memref<10016x16xf32, #tpu.memory_space<vmem_shared>>
    tpu.wait_indirect_dma semaphore(%arg17 : memref<!tpu.dma_semaphore, #tpu.memory_space<semaphore_mem>>) src(%arg13 : memref<128x16xf32, #tpu.memory_space<vmem>>) dst(%dma_wait3A_64 : memref<10016x16xf32, #tpu.memory_space<vmem_shared>>)
    %dma_wait3A_65 = arith.constant 81 : i32
    %dma_wait3A_66 = arith.constant 0 : i32
    %dma_wait3A_67 = tpu.memref_slice %arg10[%dma_wait3A_65, %dma_wait3A_66] : memref<82x128xi32, #tpu.memory_space<vmem>> -> memref<1x128xi32, #tpu.memory_space<vmem>>
    %dma_wait3A_68 = tpu.memref_squeeze %dma_wait3A_67 : memref<1x128xi32, #tpu.memory_space<vmem>> -> memref<128xi32, #tpu.memory_space<vmem>>
    %dma_wait3A_69 = arith.constant 0 : i32
    %dma_wait3A_70 = arith.constant 0 : i32
    %dma_wait3A_71 = tpu.memref_slice %arg25[%dma_wait3A_69, %dma_wait3A_70] : memref<10016x32xf32, #tpu.memory_space<vmem_shared>> -> memref<10016x32xf32, #tpu.memory_space<vmem_shared>>
    tpu.wait_indirect_dma semaphore(%arg24 : memref<!tpu.dma_semaphore, #tpu.memory_space<semaphore_mem>>) src(%arg22 : memref<128x32xf32, #tpu.memory_space<vmem>>) dst(%dma_wait3A_71 : memref<10016x32xf32, #tpu.memory_space<vmem_shared>>)
    %dma_wait3A_72 = arith.constant 81 : i32
    %dma_wait3A_73 = arith.constant 0 : i32
    %dma_wait3A_74 = tpu.memref_slice %arg10[%dma_wait3A_72, %dma_wait3A_73] : memref<82x128xi32, #tpu.memory_space<vmem>> -> memref<1x128xi32, #tpu.memory_space<vmem>>
    %dma_wait3A_75 = tpu.memref_squeeze %dma_wait3A_74 : memref<1x128xi32, #tpu.memory_space<vmem>> -> memref<128xi32, #tpu.memory_space<vmem>>
    %dma_wait3A_76 = arith.constant 0 : i32
    %dma_wait3A_77 = arith.constant 0 : i32
    %dma_wait3A_78 = tpu.memref_slice %arg26[%dma_wait3A_76, %dma_wait3A_77] : memref<10016x16xf32, #tpu.memory_space<vmem_shared>> -> memref<10016x16xf32, #tpu.memory_space<vmem_shared>>
    tpu.wait_indirect_dma semaphore(%arg24 : memref<!tpu.dma_semaphore, #tpu.memory_space<semaphore_mem>>) src(%arg20 : memref<128x16xf32, #tpu.memory_space<vmem>>) dst(%dma_wait3A_78 : memref<10016x16xf32, #tpu.memory_space<vmem_shared>>)
    %barrier3A_79 = arith.constant 0 : index
    tpu.barrier barrier_id(%barrier3A_79)
    "tpu.region"() ({
      %run_scoped3A = tpu.sem_alloc : memref<!tpu.dma_semaphore, #tpu.memory_space<semaphore_mem>>
      %dma_start3A_80 = arith.constant 0 : i32
      %dma_start3A_81 = tpu.memref_slice %arg7[%arg0, %mul3A_6, %dma_start3A_80] : memref<2x10240x32xf32, #tpu.memory_space<hbm>> -> memref<1x626x32xf32, #tpu.memory_space<hbm>>
      %dma_start3A_82 = tpu.memref_squeeze %dma_start3A_81 : memref<1x626x32xf32, #tpu.memory_space<hbm>> -> memref<626x32xf32, #tpu.memory_space<hbm>>
      %dma_start3A_83 = arith.constant 0 : i32
      %dma_start3A_84 = tpu.memref_slice %arg25[%mul3A_6, %dma_start3A_83] : memref<10016x32xf32, #tpu.memory_space<vmem_shared>> -> memref<626x32xf32, #tpu.memory_space<vmem_shared>>
      tpu.enqueue_dma source(%dma_start3A_84 : memref<626x32xf32, #tpu.memory_space<vmem_shared>>) target(%dma_start3A_82 : memref<626x32xf32, #tpu.memory_space<hbm>>) target_semaphore(%run_scoped3A : memref<!tpu.dma_semaphore, #tpu.memory_space<semaphore_mem>>)
      %dma_wait3A_85 = arith.constant 0 : i32
      %dma_wait3A_86 = tpu.memref_slice %arg7[%arg0, %mul3A_6, %dma_wait3A_85] : memref<2x10240x32xf32, #tpu.memory_space<hbm>> -> memref<1x626x32xf32, #tpu.memory_space<hbm>>
      %dma_wait3A_87 = tpu.memref_squeeze %dma_wait3A_86 : memref<1x626x32xf32, #tpu.memory_space<hbm>> -> memref<626x32xf32, #tpu.memory_space<hbm>>
      %dma_wait3A_88 = arith.constant 0 : i32
      %dma_wait3A_89 = tpu.memref_slice %arg25[%mul3A_6, %dma_wait3A_88] : memref<10016x32xf32, #tpu.memory_space<vmem_shared>> -> memref<626x32xf32, #tpu.memory_space<vmem_shared>>
      tpu.wait_dma2 semaphore(%run_scoped3A : memref<!tpu.dma_semaphore, #tpu.memory_space<semaphore_mem>>) src(%dma_wait3A_89 : memref<626x32xf32, #tpu.memory_space<vmem_shared>>) dst(%dma_wait3A_87 : memref<626x32xf32, #tpu.memory_space<hbm>>)
      tpu.yield
    }) : () -> ()
    "tpu.region"() ({
      %run_scoped3A = tpu.sem_alloc : memref<!tpu.dma_semaphore, #tpu.memory_space<semaphore_mem>>
      %dma_start3A_80 = arith.constant 0 : i32
      %dma_start3A_81 = tpu.memref_slice %arg8[%arg0, %mul3A_6, %dma_start3A_80] : memref<2x10240x16xf32, #tpu.memory_space<hbm>> -> memref<1x626x16xf32, #tpu.memory_space<hbm>>
      %dma_start3A_82 = tpu.memref_squeeze %dma_start3A_81 : memref<1x626x16xf32, #tpu.memory_space<hbm>> -> memref<626x16xf32, #tpu.memory_space<hbm>>
      %dma_start3A_83 = arith.constant 0 : i32
      %dma_start3A_84 = tpu.memref_slice %arg26[%mul3A_6, %dma_start3A_83] : memref<10016x16xf32, #tpu.memory_space<vmem_shared>> -> memref<626x16xf32, #tpu.memory_space<vmem_shared>>
      tpu.enqueue_dma source(%dma_start3A_84 : memref<626x16xf32, #tpu.memory_space<vmem_shared>>) target(%dma_start3A_82 : memref<626x16xf32, #tpu.memory_space<hbm>>) target_semaphore(%run_scoped3A : memref<!tpu.dma_semaphore, #tpu.memory_space<semaphore_mem>>)
      %dma_wait3A_85 = arith.constant 0 : i32
      %dma_wait3A_86 = tpu.memref_slice %arg8[%arg0, %mul3A_6, %dma_wait3A_85] : memref<2x10240x16xf32, #tpu.memory_space<hbm>> -> memref<1x626x16xf32, #tpu.memory_space<hbm>>
      %dma_wait3A_87 = tpu.memref_squeeze %dma_wait3A_86 : memref<1x626x16xf32, #tpu.memory_space<hbm>> -> memref<626x16xf32, #tpu.memory_space<hbm>>
      %dma_wait3A_88 = arith.constant 0 : i32
      %dma_wait3A_89 = tpu.memref_slice %arg26[%mul3A_6, %dma_wait3A_88] : memref<10016x16xf32, #tpu.memory_space<vmem_shared>> -> memref<626x16xf32, #tpu.memory_space<vmem_shared>>
      tpu.wait_dma2 semaphore(%run_scoped3A : memref<!tpu.dma_semaphore, #tpu.memory_space<semaphore_mem>>) src(%dma_wait3A_89 : memref<626x16xf32, #tpu.memory_space<vmem_shared>>) dst(%dma_wait3A_87 : memref<626x16xf32, #tpu.memory_space<hbm>>)
      tpu.yield
    }) : () -> ()
    return
  }
}

module attributes {stable_mosaic.version = 14 : i64} {
  func.func @_pre1_body(%arg0: i32, %arg1: memref<512x128xf32, #tpu.memory_space<vmem>>, %arg2: memref<128x256xf32, #tpu.memory_space<vmem>>, %arg3: memref<256x16xf32, #tpu.memory_space<vmem>>, %arg4: memref<256x16xf32, #tpu.memory_space<vmem>>, %arg5: memref<2x512x128xbf16, #tpu.memory_space<vmem>>, %arg6: memref<512x16xf32, #tpu.memory_space<vmem>>, %arg7: memref<512x16xf32, #tpu.memory_space<vmem>>) attributes {dimension_semantics = [#tpu.dimension_semantics<arbitrary>], iteration_bounds = array<i64: 20>, scalar_prefetch = 0 : i64, scratch_operands = 0 : i64, tpu.core_type = #tpu.core_type<tc>, window_params = [{transform_indices = @transform_0, window_bounds = array<i64: 512, 128>}, {pipeline_mode = #tpu.pipeline_mode<synchronous>, transform_indices = @transform_1, window_bounds = array<i64: 128, 256>}, {pipeline_mode = #tpu.pipeline_mode<synchronous>, transform_indices = @transform_2, window_bounds = array<i64: 256, 16>}, {pipeline_mode = #tpu.pipeline_mode<synchronous>, transform_indices = @transform_3, window_bounds = array<i64: 256, 16>}, {transform_indices = @transform_4, window_bounds = array<i64: 2, 512, 128>}, {transform_indices = @transform_5, window_bounds = array<i64: 512, 16>}, {transform_indices = @transform_6, window_bounds = array<i64: 512, 16>}]} {
    %get3A = arith.constant 0 : index
    %get3A_0 = arith.constant 0 : index
    %get3A_1 = vector.load %arg1[%get3A, %get3A_0] : memref<512x128xf32, #tpu.memory_space<vmem>>, vector<512x128xf32>
    %get3A_2 = arith.constant 0 : index
    %get3A_3 = arith.constant 0 : index
    %get3A_4 = vector.load %arg2[%get3A_2, %get3A_3] : memref<128x256xf32, #tpu.memory_space<vmem>>, vector<128x256xf32>
    %dot_general3A = arith.constant dense<0.000000e+00> : vector<512x256xf32>
    %dot_general3A_5 = tpu.matmul %get3A_1, %get3A_4, %dot_general3A {dimension_numbers = #tpu.dot_dimension_numbers<[1], [0], [0], [1], [0, 0, 1, 1], [], []>, transpose_lhs_hint = false} : vector<512x128xf32>, vector<128x256xf32>, vector<512x256xf32> -> vector<512x256xf32>
    %slice3A = vector.extract_strided_slice %dot_general3A_5 {offsets = [0, 0], sizes = [512, 128], strides = [1, 1]} : vector<512x256xf32> to vector<512x128xf32>
    %convert_element_type3A = arith.truncf %slice3A : vector<512x128xf32> to vector<512x128xbf16>
    %swap3A = arith.constant 0 : index
    %swap3A_6 = arith.constant 0 : index
    %swap3A_7 = arith.constant 0 : index
    %swap3A_8 = vector.load %arg5[%swap3A, %swap3A_6, %swap3A_7] : memref<2x512x128xbf16, #tpu.memory_space<vmem>>, vector<1x512x128xbf16>
    %swap3A_9 = vector.shape_cast %swap3A_8 : vector<1x512x128xbf16> to vector<512x128xbf16>
    %swap3A_10 = vector.shape_cast %convert_element_type3A : vector<512x128xbf16> to vector<1x512x128xbf16>
    tpu.vector_store %arg5[%swap3A, %swap3A_6, %swap3A_7], %swap3A_10 {strides = array<i32>} : memref<2x512x128xbf16, #tpu.memory_space<vmem>>, vector<1x512x128xbf16>,
    %slice3A_11 = vector.extract_strided_slice %dot_general3A_5 {offsets = [0, 128], sizes = [512, 128], strides = [1, 1]} : vector<512x256xf32> to vector<512x128xf32>
    %convert_element_type3A_12 = arith.truncf %slice3A_11 : vector<512x128xf32> to vector<512x128xbf16>
    %swap3A_13 = arith.constant 1 : index
    %swap3A_14 = arith.constant 0 : index
    %swap3A_15 = arith.constant 0 : index
    %swap3A_16 = vector.load %arg5[%swap3A_13, %swap3A_14, %swap3A_15] : memref<2x512x128xbf16, #tpu.memory_space<vmem>>, vector<1x512x128xbf16>
    %swap3A_17 = vector.shape_cast %swap3A_16 : vector<1x512x128xbf16> to vector<512x128xbf16>
    %swap3A_18 = vector.shape_cast %convert_element_type3A_12 : vector<512x128xbf16> to vector<1x512x128xbf16>
    tpu.vector_store %arg5[%swap3A_13, %swap3A_14, %swap3A_15], %swap3A_18 {strides = array<i32>} : memref<2x512x128xbf16, #tpu.memory_space<vmem>>, vector<1x512x128xbf16>,
    %get3A_19 = arith.constant 0 : index
    %get3A_20 = arith.constant 0 : index
    %get3A_21 = vector.load %arg3[%get3A_19, %get3A_20] : memref<256x16xf32, #tpu.memory_space<vmem>>, vector<256x16xf32>
    %dot_general3A_22 = arith.constant dense<0.000000e+00> : vector<512x16xf32>
    %dot_general3A_23 = tpu.matmul %dot_general3A_5, %get3A_21, %dot_general3A_22 {dimension_numbers = #tpu.dot_dimension_numbers<[1], [0], [0], [1], [0, 0, 1, 1], [], []>, transpose_lhs_hint = false} : vector<512x256xf32>, vector<256x16xf32>, vector<512x16xf32> -> vector<512x16xf32>
    %swap3A_24 = arith.constant 0 : index
    %swap3A_25 = arith.constant 0 : index
    %swap3A_26 = vector.load %arg6[%swap3A_24, %swap3A_25] : memref<512x16xf32, #tpu.memory_space<vmem>>, vector<512x16xf32>
    tpu.vector_store %arg6[%swap3A_24, %swap3A_25], %dot_general3A_23 {strides = array<i32>} : memref<512x16xf32, #tpu.memory_space<vmem>>, vector<512x16xf32>,
    %get3A_27 = arith.constant 0 : index
    %get3A_28 = arith.constant 0 : index
    %get3A_29 = vector.load %arg4[%get3A_27, %get3A_28] : memref<256x16xf32, #tpu.memory_space<vmem>>, vector<256x16xf32>
    %dot_general3A_30 = arith.constant dense<0.000000e+00> : vector<512x16xf32>
    %dot_general3A_31 = tpu.matmul %dot_general3A_5, %get3A_29, %dot_general3A_30 {dimension_numbers = #tpu.dot_dimension_numbers<[1], [0], [0], [1], [0, 0, 1, 1], [], []>, transpose_lhs_hint = false} : vector<512x256xf32>, vector<256x16xf32>, vector<512x16xf32> -> vector<512x16xf32>
    %swap3A_32 = arith.constant 0 : index
    %swap3A_33 = arith.constant 0 : index
    %swap3A_34 = vector.load %arg7[%swap3A_32, %swap3A_33] : memref<512x16xf32, #tpu.memory_space<vmem>>, vector<512x16xf32>
    tpu.vector_store %arg7[%swap3A_32, %swap3A_33], %dot_general3A_31 {strides = array<i32>} : memref<512x16xf32, #tpu.memory_space<vmem>>, vector<512x16xf32>,
    return
  }
  func.func @transform_0(%arg0: i32) -> (i32, i32) {
    %c0_i32 = arith.constant 0 : i32
    %c0_i32_0 = arith.constant 0 : i32
    return %arg0, %c0_i32 : i32, i32
  }
  func.func @transform_1(%arg0: i32) -> (i32, i32) {
    %c0_i32 = arith.constant 0 : i32
    %c0_i32_0 = arith.constant 0 : i32
    %c0_i32_1 = arith.constant 0 : i32
    return %c0_i32, %c0_i32_0 : i32, i32
  }
  func.func @transform_2(%arg0: i32) -> (i32, i32) {
    %c0_i32 = arith.constant 0 : i32
    %c0_i32_0 = arith.constant 0 : i32
    %c0_i32_1 = arith.constant 0 : i32
    return %c0_i32, %c0_i32_0 : i32, i32
  }
  func.func @transform_3(%arg0: i32) -> (i32, i32) {
    %c0_i32 = arith.constant 0 : i32
    %c0_i32_0 = arith.constant 0 : i32
    %c0_i32_1 = arith.constant 0 : i32
    return %c0_i32, %c0_i32_0 : i32, i32
  }
  func.func @transform_4(%arg0: i32) -> (i32, i32, i32) {
    %c0_i32 = arith.constant 0 : i32
    %c0_i32_0 = arith.constant 0 : i32
    %c0_i32_1 = arith.constant 0 : i32
    return %c0_i32, %arg0, %c0_i32_0 : i32, i32, i32
  }
  func.func @transform_5(%arg0: i32) -> (i32, i32) {
    %c0_i32 = arith.constant 0 : i32
    %c0_i32_0 = arith.constant 0 : i32
    return %arg0, %c0_i32 : i32, i32
  }
  func.func @transform_6(%arg0: i32) -> (i32, i32) {
    %c0_i32 = arith.constant 0 : i32
    %c0_i32_0 = arith.constant 0 : i32
    return %arg0, %c0_i32 : i32, i32
  }
}

module attributes {stable_mosaic.version = 14 : i64} {
  func.func @_mid_body(%arg0: i32, %arg1: memref<2x512x128xf32, #tpu.memory_space<vmem>>, %arg2: memref<2x512x128xf32, #tpu.memory_space<vmem>>, %arg3: memref<2x512x16xf32, #tpu.memory_space<vmem>>, %arg4: memref<128x32xf32, #tpu.memory_space<vmem>>, %arg5: memref<128x32xf32, #tpu.memory_space<vmem>>, %arg6: memref<1x128xf32, #tpu.memory_space<vmem>>, %arg7: memref<1x128xf32, #tpu.memory_space<vmem>>, %arg8: memref<16x128xf32, #tpu.memory_space<vmem>>, %arg9: memref<16x128xf32, #tpu.memory_space<vmem>>, %arg10: memref<32x16xf32, #tpu.memory_space<vmem>>, %arg11: memref<32x16xf32, #tpu.memory_space<vmem>>, %arg12: memref<512x32xbf16, #tpu.memory_space<vmem>>, %arg13: memref<512x16xf32, #tpu.memory_space<vmem>>, %arg14: memref<512x16xf32, #tpu.memory_space<vmem>>) attributes {dimension_semantics = [#tpu.dimension_semantics<arbitrary>], iteration_bounds = array<i64: 20>, scalar_prefetch = 0 : i64, scratch_operands = 0 : i64, tpu.core_type = #tpu.core_type<tc>, window_params = [{transform_indices = @transform_0, window_bounds = array<i64: 2, 512, 128>}, {transform_indices = @transform_1, window_bounds = array<i64: 2, 512, 128>}, {transform_indices = @transform_2, window_bounds = array<i64: 2, 512, 16>}, {pipeline_mode = #tpu.pipeline_mode<synchronous>, transform_indices = @transform_3, window_bounds = array<i64: 128, 32>}, {pipeline_mode = #tpu.pipeline_mode<synchronous>, transform_indices = @transform_4, window_bounds = array<i64: 128, 32>}, {pipeline_mode = #tpu.pipeline_mode<synchronous>, transform_indices = @transform_5, window_bounds = array<i64: 1, 128>}, {pipeline_mode = #tpu.pipeline_mode<synchronous>, transform_indices = @transform_6, window_bounds = array<i64: 1, 128>}, {pipeline_mode = #tpu.pipeline_mode<synchronous>, transform_indices = @transform_7, window_bounds = array<i64: 16, 128>}, {pipeline_mode = #tpu.pipeline_mode<synchronous>, transform_indices = @transform_8, window_bounds = array<i64: 16, 128>}, {pipeline_mode = #tpu.pipeline_mode<synchronous>, transform_indices = @transform_9, window_bounds = array<i64: 32, 16>}, {pipeline_mode = #tpu.pipeline_mode<synchronous>, transform_indices = @transform_10, window_bounds = array<i64: 32, 16>}, {transform_indices = @transform_11, window_bounds = array<i64: 512, 32>}, {transform_indices = @transform_12, window_bounds = array<i64: 512, 16>}, {transform_indices = @transform_13, window_bounds = array<i64: 512, 16>}]} {
    %get3A = arith.constant 0 : index
    %get3A_0 = arith.constant 0 : index
    %get3A_1 = arith.constant 0 : index
    %get3A_2 = vector.load %arg3[%get3A, %get3A_0, %get3A_1] : memref<2x512x16xf32, #tpu.memory_space<vmem>>, vector<1x512x16xf32>
    %get3A_3 = vector.shape_cast %get3A_2 : vector<1x512x16xf32> to vector<512x16xf32>
    %get3A_4 = arith.constant 1 : index
    %get3A_5 = arith.constant 0 : index
    %get3A_6 = arith.constant 0 : index
    %get3A_7 = vector.load %arg3[%get3A_4, %get3A_5, %get3A_6] : memref<2x512x16xf32, #tpu.memory_space<vmem>>, vector<1x512x16xf32>
    %get3A_8 = vector.shape_cast %get3A_7 : vector<1x512x16xf32> to vector<512x16xf32>
    %add3A = arith.addf %get3A_3, %get3A_8 : vector<512x16xf32>
    %get3A_9 = arith.constant 0 : index
    %get3A_10 = arith.constant 0 : index
    %get3A_11 = vector.load %arg8[%get3A_9, %get3A_10] : memref<16x128xf32, #tpu.memory_space<vmem>>, vector<16x128xf32>
    %dot_general3A = arith.constant dense<0.000000e+00> : vector<512x128xf32>
    %dot_general3A_12 = tpu.matmul %add3A, %get3A_11, %dot_general3A {dimension_numbers = #tpu.dot_dimension_numbers<[1], [0], [0], [1], [0, 0, 1, 1], [], []>, transpose_lhs_hint = false} : vector<512x16xf32>, vector<16x128xf32>, vector<512x128xf32> -> vector<512x128xf32>
    %max3A = arith.constant 1.000000e-30 : f32
    %max3A_13 = vector.broadcast %max3A : f32 to vector<512x128xf32>
    %max3A_14 = arith.maximumf %dot_general3A_12, %max3A_13 : vector<512x128xf32>
    %get3A_15 = arith.constant 0 : index
    %get3A_16 = arith.constant 0 : index
    %get3A_17 = vector.load %arg9[%get3A_15, %get3A_16] : memref<16x128xf32, #tpu.memory_space<vmem>>, vector<16x128xf32>
    %dot_general3A_18 = arith.constant dense<0.000000e+00> : vector<512x128xf32>
    %dot_general3A_19 = tpu.matmul %add3A, %get3A_17, %dot_general3A_18 {dimension_numbers = #tpu.dot_dimension_numbers<[1], [0], [0], [1], [0, 0, 1, 1], [], []>, transpose_lhs_hint = false} : vector<512x16xf32>, vector<16x128xf32>, vector<512x128xf32> -> vector<512x128xf32>
    %max3A_20 = arith.constant 1.000000e-30 : f32
    %max3A_21 = vector.broadcast %max3A_20 : f32 to vector<512x128xf32>
    %max3A_22 = arith.maximumf %dot_general3A_19, %max3A_21 : vector<512x128xf32>
    %get3A_23 = arith.constant 0 : index
    %get3A_24 = arith.constant 0 : index
    %get3A_25 = arith.constant 0 : index
    %get3A_26 = vector.load %arg1[%get3A_23, %get3A_24, %get3A_25] : memref<2x512x128xf32, #tpu.memory_space<vmem>>, vector<1x512x128xf32>
    %get3A_27 = vector.shape_cast %get3A_26 : vector<1x512x128xf32> to vector<512x128xf32>
    %get3A_28 = arith.constant 1 : index
    %get3A_29 = arith.constant 0 : index
    %get3A_30 = arith.constant 0 : index
    %get3A_31 = vector.load %arg1[%get3A_28, %get3A_29, %get3A_30] : memref<2x512x128xf32, #tpu.memory_space<vmem>>, vector<1x512x128xf32>
    %get3A_32 = vector.shape_cast %get3A_31 : vector<1x512x128xf32> to vector<512x128xf32>
    %add3A_33 = arith.addf %get3A_27, %get3A_32 : vector<512x128xf32>
    %div3A = arith.divf %add3A_33, %max3A_14 : vector<512x128xf32>
    %get3A_34 = arith.constant 0 : index
    %get3A_35 = arith.constant 0 : index
    %get3A_36 = vector.load %arg6[%get3A_34, %get3A_35] : memref<1x128xf32, #tpu.memory_space<vmem>>, vector<1x128xf32>
    %add3A_37 = vector.broadcast %get3A_36 : vector<1x128xf32> to vector<512x128xf32>
    %add3A_38 = arith.addf %div3A, %add3A_37 : vector<512x128xf32>
    %get3A_39 = arith.constant 0 : index
    %get3A_40 = arith.constant 0 : index
    %get3A_41 = arith.constant 0 : index
    %get3A_42 = vector.load %arg2[%get3A_39, %get3A_40, %get3A_41] : memref<2x512x128xf32, #tpu.memory_space<vmem>>, vector<1x512x128xf32>
    %get3A_43 = vector.shape_cast %get3A_42 : vector<1x512x128xf32> to vector<512x128xf32>
    %get3A_44 = arith.constant 1 : index
    %get3A_45 = arith.constant 0 : index
    %get3A_46 = arith.constant 0 : index
    %get3A_47 = vector.load %arg2[%get3A_44, %get3A_45, %get3A_46] : memref<2x512x128xf32, #tpu.memory_space<vmem>>, vector<1x512x128xf32>
    %get3A_48 = vector.shape_cast %get3A_47 : vector<1x512x128xf32> to vector<512x128xf32>
    %add3A_49 = arith.addf %get3A_43, %get3A_48 : vector<512x128xf32>
    %div3A_50 = arith.divf %add3A_49, %max3A_22 : vector<512x128xf32>
    %get3A_51 = arith.constant 0 : index
    %get3A_52 = arith.constant 0 : index
    %get3A_53 = vector.load %arg7[%get3A_51, %get3A_52] : memref<1x128xf32, #tpu.memory_space<vmem>>, vector<1x128xf32>
    %add3A_54 = vector.broadcast %get3A_53 : vector<1x128xf32> to vector<512x128xf32>
    %add3A_55 = arith.addf %div3A_50, %add3A_54 : vector<512x128xf32>
    %gt3A = arith.constant 0.000000e+00 : f32
    %gt3A_56 = vector.broadcast %gt3A : f32 to vector<512x128xf32>
    %gt3A_57 = arith.cmpf ogt, %add3A_38, %gt3A_56 : vector<512x128xf32>
    %min3A = arith.constant 0.000000e+00 : f32
    %min3A_58 = vector.broadcast %min3A : f32 to vector<512x128xf32>
    %min3A_59 = arith.minimumf %add3A_38, %min3A_58 : vector<512x128xf32>
    %exp3A = math.exp %min3A_59 : vector<512x128xf32>
    %sub3A = arith.constant 1.000000e+00 : f32
    %sub3A_60 = vector.broadcast %sub3A : f32 to vector<512x128xf32>
    %sub3A_61 = arith.subf %exp3A, %sub3A_60 : vector<512x128xf32>
    %select_n3A = arith.select %gt3A_57, %add3A_38, %sub3A_61 : vector<512x128xi1>, vector<512x128xf32>
    %gt3A_62 = arith.constant 0.000000e+00 : f32
    %gt3A_63 = vector.broadcast %gt3A_62 : f32 to vector<512x128xf32>
    %gt3A_64 = arith.cmpf ogt, %add3A_55, %gt3A_63 : vector<512x128xf32>
    %min3A_65 = arith.constant 0.000000e+00 : f32
    %min3A_66 = vector.broadcast %min3A_65 : f32 to vector<512x128xf32>
    %min3A_67 = arith.minimumf %add3A_55, %min3A_66 : vector<512x128xf32>
    %exp3A_68 = math.exp %min3A_67 : vector<512x128xf32>
    %sub3A_69 = arith.constant 1.000000e+00 : f32
    %sub3A_70 = vector.broadcast %sub3A_69 : f32 to vector<512x128xf32>
    %sub3A_71 = arith.subf %exp3A_68, %sub3A_70 : vector<512x128xf32>
    %select_n3A_72 = arith.select %gt3A_64, %add3A_55, %sub3A_71 : vector<512x128xi1>, vector<512x128xf32>
    %get3A_73 = arith.constant 0 : index
    %get3A_74 = arith.constant 0 : index
    %get3A_75 = vector.load %arg4[%get3A_73, %get3A_74] : memref<128x32xf32, #tpu.memory_space<vmem>>, vector<128x32xf32>
    %dot_general3A_76 = arith.constant dense<0.000000e+00> : vector<512x32xf32>
    %dot_general3A_77 = tpu.matmul %select_n3A, %get3A_75, %dot_general3A_76 {dimension_numbers = #tpu.dot_dimension_numbers<[1], [0], [0], [1], [0, 0, 1, 1], [], []>, transpose_lhs_hint = false} : vector<512x128xf32>, vector<128x32xf32>, vector<512x32xf32> -> vector<512x32xf32>
    %get3A_78 = arith.constant 0 : index
    %get3A_79 = arith.constant 0 : index
    %get3A_80 = vector.load %arg5[%get3A_78, %get3A_79] : memref<128x32xf32, #tpu.memory_space<vmem>>, vector<128x32xf32>
    %dot_general3A_81 = arith.constant dense<0.000000e+00> : vector<512x32xf32>
    %dot_general3A_82 = tpu.matmul %select_n3A_72, %get3A_80, %dot_general3A_81 {dimension_numbers = #tpu.dot_dimension_numbers<[1], [0], [0], [1], [0, 0, 1, 1], [], []>, transpose_lhs_hint = false} : vector<512x128xf32>, vector<128x32xf32>, vector<512x32xf32> -> vector<512x32xf32>
    %add3A_83 = arith.addf %dot_general3A_77, %dot_general3A_82 : vector<512x32xf32>
    %convert_element_type3A = arith.truncf %add3A_83 : vector<512x32xf32> to vector<512x32xbf16>
    %swap3A = arith.constant 0 : index
    %swap3A_84 = arith.constant 0 : index
    %swap3A_85 = vector.load %arg12[%swap3A, %swap3A_84] : memref<512x32xbf16, #tpu.memory_space<vmem>>, vector<512x32xbf16>
    tpu.vector_store %arg12[%swap3A, %swap3A_84], %convert_element_type3A {strides = array<i32>} : memref<512x32xbf16, #tpu.memory_space<vmem>>, vector<512x32xbf16>,
    %get3A_86 = arith.constant 0 : index
    %get3A_87 = arith.constant 0 : index
    %get3A_88 = vector.load %arg10[%get3A_86, %get3A_87] : memref<32x16xf32, #tpu.memory_space<vmem>>, vector<32x16xf32>
    %dot_general3A_89 = arith.constant dense<0.000000e+00> : vector<512x16xf32>
    %dot_general3A_90 = tpu.matmul %add3A_83, %get3A_88, %dot_general3A_89 {dimension_numbers = #tpu.dot_dimension_numbers<[1], [0], [0], [1], [0, 0, 1, 1], [], []>, transpose_lhs_hint = false} : vector<512x32xf32>, vector<32x16xf32>, vector<512x16xf32> -> vector<512x16xf32>
    %swap3A_91 = arith.constant 0 : index
    %swap3A_92 = arith.constant 0 : index
    %swap3A_93 = vector.load %arg13[%swap3A_91, %swap3A_92] : memref<512x16xf32, #tpu.memory_space<vmem>>, vector<512x16xf32>
    tpu.vector_store %arg13[%swap3A_91, %swap3A_92], %dot_general3A_90 {strides = array<i32>} : memref<512x16xf32, #tpu.memory_space<vmem>>, vector<512x16xf32>,
    %get3A_94 = arith.constant 0 : index
    %get3A_95 = arith.constant 0 : index
    %get3A_96 = vector.load %arg11[%get3A_94, %get3A_95] : memref<32x16xf32, #tpu.memory_space<vmem>>, vector<32x16xf32>
    %dot_general3A_97 = arith.constant dense<0.000000e+00> : vector<512x16xf32>
    %dot_general3A_98 = tpu.matmul %add3A_83, %get3A_96, %dot_general3A_97 {dimension_numbers = #tpu.dot_dimension_numbers<[1], [0], [0], [1], [0, 0, 1, 1], [], []>, transpose_lhs_hint = false} : vector<512x32xf32>, vector<32x16xf32>, vector<512x16xf32> -> vector<512x16xf32>
    %swap3A_99 = arith.constant 0 : index
    %swap3A_100 = arith.constant 0 : index
    %swap3A_101 = vector.load %arg14[%swap3A_99, %swap3A_100] : memref<512x16xf32, #tpu.memory_space<vmem>>, vector<512x16xf32>
    tpu.vector_store %arg14[%swap3A_99, %swap3A_100], %dot_general3A_98 {strides = array<i32>} : memref<512x16xf32, #tpu.memory_space<vmem>>, vector<512x16xf32>,
    return
  }
  func.func @transform_0(%arg0: i32) -> (i32, i32, i32) {
    %c0_i32 = arith.constant 0 : i32
    %c0_i32_0 = arith.constant 0 : i32
    %c0_i32_1 = arith.constant 0 : i32
    return %c0_i32, %arg0, %c0_i32_0 : i32, i32, i32
  }
  func.func @transform_1(%arg0: i32) -> (i32, i32, i32) {
    %c0_i32 = arith.constant 0 : i32
    %c0_i32_0 = arith.constant 0 : i32
    %c0_i32_1 = arith.constant 0 : i32
    return %c0_i32, %arg0, %c0_i32_0 : i32, i32, i32
  }
  func.func @transform_2(%arg0: i32) -> (i32, i32, i32) {
    %c0_i32 = arith.constant 0 : i32
    %c0_i32_0 = arith.constant 0 : i32
    %c0_i32_1 = arith.constant 0 : i32
    return %c0_i32, %arg0, %c0_i32_0 : i32, i32, i32
  }
  func.func @transform_3(%arg0: i32) -> (i32, i32) {
    %c0_i32 = arith.constant 0 : i32
    %c0_i32_0 = arith.constant 0 : i32
    %c0_i32_1 = arith.constant 0 : i32
    return %c0_i32, %c0_i32_0 : i32, i32
  }
  func.func @transform_4(%arg0: i32) -> (i32, i32) {
    %c0_i32 = arith.constant 0 : i32
    %c0_i32_0 = arith.constant 0 : i32
    %c0_i32_1 = arith.constant 0 : i32
    return %c0_i32, %c0_i32_0 : i32, i32
  }
  func.func @transform_5(%arg0: i32) -> (i32, i32) {
    %c0_i32 = arith.constant 0 : i32
    %c0_i32_0 = arith.constant 0 : i32
    %c0_i32_1 = arith.constant 0 : i32
    return %c0_i32, %c0_i32_0 : i32, i32
  }
  func.func @transform_6(%arg0: i32) -> (i32, i32) {
    %c0_i32 = arith.constant 0 : i32
    %c0_i32_0 = arith.constant 0 : i32
    %c0_i32_1 = arith.constant 0 : i32
    return %c0_i32, %c0_i32_0 : i32, i32
  }
  func.func @transform_7(%arg0: i32) -> (i32, i32) {
    %c0_i32 = arith.constant 0 : i32
    %c0_i32_0 = arith.constant 0 : i32
    %c0_i32_1 = arith.constant 0 : i32
    return %c0_i32, %c0_i32_0 : i32, i32
  }
  func.func @transform_8(%arg0: i32) -> (i32, i32) {
    %c0_i32 = arith.constant 0 : i32
    %c0_i32_0 = arith.constant 0 : i32
    %c0_i32_1 = arith.constant 0 : i32
    return %c0_i32, %c0_i32_0 : i32, i32
  }
  func.func @transform_9(%arg0: i32) -> (i32, i32) {
    %c0_i32 = arith.constant 0 : i32
    %c0_i32_0 = arith.constant 0 : i32
    %c0_i32_1 = arith.constant 0 : i32
    return %c0_i32, %c0_i32_0 : i32, i32
  }
  func.func @transform_10(%arg0: i32) -> (i32, i32) {
    %c0_i32 = arith.constant 0 : i32
    %c0_i32_0 = arith.constant 0 : i32
    %c0_i32_1 = arith.constant 0 : i32
    return %c0_i32, %c0_i32_0 : i32, i32
  }
  func.func @transform_11(%arg0: i32) -> (i32, i32) {
    %c0_i32 = arith.constant 0 : i32
    %c0_i32_0 = arith.constant 0 : i32
    return %arg0, %c0_i32 : i32, i32
  }
  func.func @transform_12(%arg0: i32) -> (i32, i32) {
    %c0_i32 = arith.constant 0 : i32
    %c0_i32_0 = arith.constant 0 : i32
    return %arg0, %c0_i32 : i32, i32
  }
  func.func @transform_13(%arg0: i32) -> (i32, i32) {
    %c0_i32 = arith.constant 0 : i32
    %c0_i32_0 = arith.constant 0 : i32
    return %arg0, %c0_i32 : i32, i32
  }
}

module attributes {stable_mosaic.version = 14 : i64} {
  func.func @_post_body(%arg0: i32, %arg1: memref<2x512x32xf32, #tpu.memory_space<vmem>>, %arg2: memref<2x512x16xf32, #tpu.memory_space<vmem>>, %arg3: memref<16x32xf32, #tpu.memory_space<vmem>>, %arg4: memref<1x32xf32, #tpu.memory_space<vmem>>, %arg5: memref<32x128xf32, #tpu.memory_space<vmem>>, %arg6: memref<1x128xf32, #tpu.memory_space<vmem>>, %arg7: memref<512x128xf32, #tpu.memory_space<vmem>>) attributes {dimension_semantics = [#tpu.dimension_semantics<arbitrary>], iteration_bounds = array<i64: 20>, scalar_prefetch = 0 : i64, scratch_operands = 0 : i64, tpu.core_type = #tpu.core_type<tc>, window_params = [{transform_indices = @transform_0, window_bounds = array<i64: 2, 512, 32>}, {transform_indices = @transform_1, window_bounds = array<i64: 2, 512, 16>}, {pipeline_mode = #tpu.pipeline_mode<synchronous>, transform_indices = @transform_2, window_bounds = array<i64: 16, 32>}, {pipeline_mode = #tpu.pipeline_mode<synchronous>, transform_indices = @transform_3, window_bounds = array<i64: 1, 32>}, {pipeline_mode = #tpu.pipeline_mode<synchronous>, transform_indices = @transform_4, window_bounds = array<i64: 32, 128>}, {pipeline_mode = #tpu.pipeline_mode<synchronous>, transform_indices = @transform_5, window_bounds = array<i64: 1, 128>}, {transform_indices = @transform_6, window_bounds = array<i64: 512, 128>}]} {
    %get3A = arith.constant 0 : index
    %get3A_0 = arith.constant 0 : index
    %get3A_1 = arith.constant 0 : index
    %get3A_2 = vector.load %arg2[%get3A, %get3A_0, %get3A_1] : memref<2x512x16xf32, #tpu.memory_space<vmem>>, vector<1x512x16xf32>
    %get3A_3 = vector.shape_cast %get3A_2 : vector<1x512x16xf32> to vector<512x16xf32>
    %get3A_4 = arith.constant 1 : index
    %get3A_5 = arith.constant 0 : index
    %get3A_6 = arith.constant 0 : index
    %get3A_7 = vector.load %arg2[%get3A_4, %get3A_5, %get3A_6] : memref<2x512x16xf32, #tpu.memory_space<vmem>>, vector<1x512x16xf32>
    %get3A_8 = vector.shape_cast %get3A_7 : vector<1x512x16xf32> to vector<512x16xf32>
    %add3A = arith.addf %get3A_3, %get3A_8 : vector<512x16xf32>
    %get3A_9 = arith.constant 0 : index
    %get3A_10 = arith.constant 0 : index
    %get3A_11 = vector.load %arg3[%get3A_9, %get3A_10] : memref<16x32xf32, #tpu.memory_space<vmem>>, vector<16x32xf32>
    %dot_general3A = arith.constant dense<0.000000e+00> : vector<512x32xf32>
    %dot_general3A_12 = tpu.matmul %add3A, %get3A_11, %dot_general3A {dimension_numbers = #tpu.dot_dimension_numbers<[1], [0], [0], [1], [0, 0, 1, 1], [], []>, transpose_lhs_hint = false} : vector<512x16xf32>, vector<16x32xf32>, vector<512x32xf32> -> vector<512x32xf32>
    %max3A = arith.constant 1.000000e-30 : f32
    %max3A_13 = vector.broadcast %max3A : f32 to vector<512x32xf32>
    %max3A_14 = arith.maximumf %dot_general3A_12, %max3A_13 : vector<512x32xf32>
    %get3A_15 = arith.constant 0 : index
    %get3A_16 = arith.constant 0 : index
    %get3A_17 = arith.constant 0 : index
    %get3A_18 = vector.load %arg1[%get3A_15, %get3A_16, %get3A_17] : memref<2x512x32xf32, #tpu.memory_space<vmem>>, vector<1x512x32xf32>
    %get3A_19 = vector.shape_cast %get3A_18 : vector<1x512x32xf32> to vector<512x32xf32>
    %get3A_20 = arith.constant 1 : index
    %get3A_21 = arith.constant 0 : index
    %get3A_22 = arith.constant 0 : index
    %get3A_23 = vector.load %arg1[%get3A_20, %get3A_21, %get3A_22] : memref<2x512x32xf32, #tpu.memory_space<vmem>>, vector<1x512x32xf32>
    %get3A_24 = vector.shape_cast %get3A_23 : vector<1x512x32xf32> to vector<512x32xf32>
    %add3A_25 = arith.addf %get3A_19, %get3A_24 : vector<512x32xf32>
    %div3A = arith.divf %add3A_25, %max3A_14 : vector<512x32xf32>
    %get3A_26 = arith.constant 0 : index
    %get3A_27 = arith.constant 0 : index
    %get3A_28 = vector.load %arg4[%get3A_26, %get3A_27] : memref<1x32xf32, #tpu.memory_space<vmem>>, vector<1x32xf32>
    %add3A_29 = vector.broadcast %get3A_28 : vector<1x32xf32> to vector<512x32xf32>
    %add3A_30 = arith.addf %div3A, %add3A_29 : vector<512x32xf32>
    %gt3A = arith.constant 0.000000e+00 : f32
    %gt3A_31 = vector.broadcast %gt3A : f32 to vector<512x32xf32>
    %gt3A_32 = arith.cmpf ogt, %add3A_30, %gt3A_31 : vector<512x32xf32>
    %min3A = arith.constant 0.000000e+00 : f32
    %min3A_33 = vector.broadcast %min3A : f32 to vector<512x32xf32>
    %min3A_34 = arith.minimumf %add3A_30, %min3A_33 : vector<512x32xf32>
    %exp3A = math.exp %min3A_34 : vector<512x32xf32>
    %sub3A = arith.constant 1.000000e+00 : f32
    %sub3A_35 = vector.broadcast %sub3A : f32 to vector<512x32xf32>
    %sub3A_36 = arith.subf %exp3A, %sub3A_35 : vector<512x32xf32>
    %select_n3A = arith.select %gt3A_32, %add3A_30, %sub3A_36 : vector<512x32xi1>, vector<512x32xf32>
    %get3A_37 = arith.constant 0 : index
    %get3A_38 = arith.constant 0 : index
    %get3A_39 = vector.load %arg5[%get3A_37, %get3A_38] : memref<32x128xf32, #tpu.memory_space<vmem>>, vector<32x128xf32>
    %dot_general3A_40 = arith.constant dense<0.000000e+00> : vector<512x128xf32>
    %dot_general3A_41 = tpu.matmul %select_n3A, %get3A_39, %dot_general3A_40 {dimension_numbers = #tpu.dot_dimension_numbers<[1], [0], [0], [1], [0, 0, 1, 1], [], []>, transpose_lhs_hint = false} : vector<512x32xf32>, vector<32x128xf32>, vector<512x128xf32> -> vector<512x128xf32>
    %get3A_42 = arith.constant 0 : index
    %get3A_43 = arith.constant 0 : index
    %get3A_44 = vector.load %arg6[%get3A_42, %get3A_43] : memref<1x128xf32, #tpu.memory_space<vmem>>, vector<1x128xf32>
    %add3A_45 = vector.broadcast %get3A_44 : vector<1x128xf32> to vector<512x128xf32>
    %add3A_46 = arith.addf %dot_general3A_41, %add3A_45 : vector<512x128xf32>
    %swap3A = arith.constant 0 : index
    %swap3A_47 = arith.constant 0 : index
    %swap3A_48 = vector.load %arg7[%swap3A, %swap3A_47] : memref<512x128xf32, #tpu.memory_space<vmem>>, vector<512x128xf32>
    tpu.vector_store %arg7[%swap3A, %swap3A_47], %add3A_46 {strides = array<i32>} : memref<512x128xf32, #tpu.memory_space<vmem>>, vector<512x128xf32>,
    return
  }
  func.func @transform_0(%arg0: i32) -> (i32, i32, i32) {
    %c0_i32 = arith.constant 0 : i32
    %c0_i32_0 = arith.constant 0 : i32
    %c0_i32_1 = arith.constant 0 : i32
    return %c0_i32, %arg0, %c0_i32_0 : i32, i32, i32
  }
  func.func @transform_1(%arg0: i32) -> (i32, i32, i32) {
    %c0_i32 = arith.constant 0 : i32
    %c0_i32_0 = arith.constant 0 : i32
    %c0_i32_1 = arith.constant 0 : i32
    return %c0_i32, %arg0, %c0_i32_0 : i32, i32, i32
  }
  func.func @transform_2(%arg0: i32) -> (i32, i32) {
    %c0_i32 = arith.constant 0 : i32
    %c0_i32_0 = arith.constant 0 : i32
    %c0_i32_1 = arith.constant 0 : i32
    return %c0_i32, %c0_i32_0 : i32, i32
  }
  func.func @transform_3(%arg0: i32) -> (i32, i32) {
    %c0_i32 = arith.constant 0 : i32
    %c0_i32_0 = arith.constant 0 : i32
    %c0_i32_1 = arith.constant 0 : i32
    return %c0_i32, %c0_i32_0 : i32, i32
  }
  func.func @transform_4(%arg0: i32) -> (i32, i32) {
    %c0_i32 = arith.constant 0 : i32
    %c0_i32_0 = arith.constant 0 : i32
    %c0_i32_1 = arith.constant 0 : i32
    return %c0_i32, %c0_i32_0 : i32, i32
  }
  func.func @transform_5(%arg0: i32) -> (i32, i32) {
    %c0_i32 = arith.constant 0 : i32
    %c0_i32_0 = arith.constant 0 : i32
    %c0_i32_1 = arith.constant 0 : i32
    return %c0_i32, %c0_i32_0 : i32, i32
  }
  func.func @transform_6(%arg0: i32) -> (i32, i32) {
    %c0_i32 = arith.constant 0 : i32
    %c0_i32_0 = arith.constant 0 : i32
    return %arg0, %c0_i32 : i32, i32
  }
}

</mosaic_0001>

<sc_bundles>
// kernel: kernel.11.cloned.1.call-start
scs
__scs_entry_jumppad:
0x0: {  	(pc) =	sbr.rel $0x88, $3  }
0x1: {  	(tag) =	ssettag $0x0;
	lr =	simm.s32 $0x1  }
0x2: {  	[smem:$0x3F95] =	sst lr;
	_ =	strace $0xD0000000  }
0x3: {  	_ = 	snop  }
0x4: {  	_ = 	snop  }
0x5: {  	_ = 	snop  }
0x6: {  	_ = 	snop  }
0x7: {  	_ = 	snop  }
__scs_overlays_trampoline_lowered:
0x8: {  	[smem:$0x3FA4] =	sst s0  }
0x9: {  	[smem:$0x3FA5] =	sst s1  }
0xa: {  	[smem:$0x3FA6] =	sst s2  }
0xb: {  	[smem:$0x3FA7] =	sst s3  }
0xc: {  	[smem:$0x3FA8] =	sst s4  }
0xd: {  	[smem:$0x3FA9] =	sst s5  }
0xe: {  	[smem:$0x3FAA] =	sst s6  }
0xf: {  	[smem:$0x3FAB] =	sst s7  }
0x10: {  	[smem:$0x3FAC] =	sst s8  }
0x11: {  	[smem:$0x3FAD] =	sst s9;
	s0 =	simm.s32 @!p0 $0x0  }
0x12: {  	s1 =	sld [smem:$0x3F93];
	s0 =	simm.s32 @p0 $0x1  }
0x13: {  	[smem:$0x3FAE] =	sst s0;
	s0 =	simm.s32 @!p1 $0x0  }
0x14: {  	s2 =	sld [smem:$0x3F92];
	s0 =	simm.s32 @p1 $0x1  }
0x15: {  	[smem:$0x3FAF] =	sst s0;
	s0 =	simm.s32 @!p2 $0x0  }
0x16: {  	s3 =	sld [smem:$0x3FDB];
	s0 =	simm.s32 @p2 $0x1  }
0x17: {  	s4 =	simm.s32 $0x1BF5;
	[smem:$0x3FB1] =	sst s0  }
0x18: {  	s0 =	sld [smem:$0x3F94];
	_ =	swait.ge [sflag:s4], $0x0  }
0x19: {  	s7 =	sld [smem:$0x3F95]  }
0x1a: {  	s8 =	sadd.s32 $0xFFFFE003, lr  }
0x1b: {  	s9 =	sadd.s32 $0xFFFFFEF7, lr;
	s5 =	simm.s32 $0xFFFFFFFF;
	p2 =	slt.u32 s8, $0xFFFFF086  }
0x1c: {  	p1 =	slt.u32 s9, $0xF7A;
	s5 =	simm.s32 @!p2 $0x0  }
0x1d: {  	s5 =	simm.s32 @p1 $0x1;
	p0 =	seq.s32 s7, s2  }
0x1e: {  	s7 =	smul.u32 @!p0 $0xF7A, s2;
	p2 =	seq.s32 @!p0 s5, $0x0  }
0x1f: {  	s9 =	smul.u32 $0xF7A, s1;
	s8 =	simm.s32 @!p0 $0x1BF5;
	p2 =	por !p2, p0  }
0x20: {  	[sflag:s8] =	ssyncset.s32 @!p0 $0xFFFFF086;
	s6 =	sadd.s32 @!p0 s3, s7;
	s7 =	simm.s32 @!p0 $0x108  }
0x21: {  	s3 =	sadd.s32 s3, s9;
	s6 =	sadd.s32 @!p0 $0x88, s6;
	s7 =	simm.s32 @p2 $0x1082  }
0x22: {  	[simem:s7], [sflag:s8] =	dma.local @!p0 [hbm:s6], $0xF7A  }
0x23: {  	s9 =	sor.u32 $0xD0000000, s2;
	s6 =	simm.s32 $0x108;
	_ =	swait.ge @!p0 [sflag:s8], $0x0  }
0x24: {  	s3 =	sadd.s32 $0x88, s3;
	s6 =	simm.s32 @!p1 $0x1082;
	[sflag:s4] =	ssyncset.s32 $0xFFFFF086  }
0x25: {  	[simem:s6], [sflag:s4] =	dma.local [hbm:s3], $0xF7A  }
0x26: {  	[smem:$0x3F95] =	sst s1;
	(tag) =	ssettag s2;
	_ =	strace s9  }
0x27: {  	s1 =	sld [smem:$0x3FA5]  }
0x28: {  	s2 =	sld [smem:$0x3FA6]  }
0x29: {  	s4 =	sld [smem:$0x3FA8]  }
0x2a: {  	p0 =	seq.s32 s5, $0x0;
	s5 =	sld [smem:$0x3FA9]  }
0x2b: {  	s6 =	sld [smem:$0x3FAA]  }
0x2c: {  	s7 =	sld [smem:$0x3FAB]  }
0x2d: {  	s3 =	simm.s32 $0x108;
	s8 =	sld [smem:$0x3FAC]  }
0x2e: {  	s3 =	simm.s32 @!p0 $0x1082;
	s9 =	sld [smem:$0x3FAD]  }
0x2f: {  	lr =	sadd.s32 s0, s3;
	s0 =	sld [smem:$0x3FA4]  }
0x30: {  	s3 =	sld [smem:$0x3FA7]  }
0x31: {  	[smem:$0x3FB0] =	sst s10  }
0x32: {  	s10 =	sld [smem:$0x3FAE];
	_ =	sdelay $0x3  }
0x33: {  	p0 =	seq.s32 s10, $0x1;
	s10 =	sld [smem:$0x3FB0];
	_ =	sdelay $0x3  }
0x34: {  	[smem:$0x3FB0] =	sst s10  }
0x35: {  	s10 =	sld [smem:$0x3FAF];
	_ =	sdelay $0x3  }
0x36: {  	p1 =	seq.s32 s10, $0x1;
	s10 =	sld [smem:$0x3FB0];
	_ =	sdelay $0x3  }
0x37: {  	[smem:$0x3FB0] =	sst s10  }
0x38: {  	s10 =	sld [smem:$0x3FB1]  }
0x39: {  	_ = 	snop;
	(pc) =	sbr.ind lr, $3  }
0x3a: {  	_ = 	snop  }
0x3b: {  	_ = 	snop  }
0x3c: {  	p2 =	seq.s32 s10, $0x1;
	s10 =	sld [smem:$0x3FB0]  }
0x3d: {  	_ =	shalt  }
0x3e: {  	_ =	shalt  }
0x3f: {  	_ =	shalt  }
0x40: {  	_ =	shalt  }
0x41: {  	_ =	shalt  }
0x42: {  	_ =	shalt  }
0x43: {  	_ =	shalt  }
0x44: {  	_ =	shalt  }
0x45: {  	_ =	shalt  }
0x46: {  	_ =	shalt  }
0x47: {  	_ =	shalt  }
0x48: {  	_ =	shalt  }
0x49: {  	_ =	shalt  }
0x4a: {  	_ =	shalt  }
0x4b: {  	_ =	shalt  }
0x4c: {  	_ =	shalt  }
0x4d: {  	_ =	shalt  }
0x4e: {  	_ =	shalt  }
0x4f: {  	_ =	shalt  }
0x50: {  	_ =	shalt  }
0x51: {  	_ =	shalt  }
0x52: {  	_ =	shalt  }
0x53: {  	_ =	shalt  }
0x54: {  	_ =	shalt  }
0x55: {  	_ =	shalt  }
0x56: {  	_ =	shalt  }
0x57: {  	_ =	shalt  }
0x58: {  	_ =	shalt  }
0x59: {  	_ =	shalt  }
0x5a: {  	_ =	shalt  }
0x5b: {  	_ =	shalt  }
0x5c: {  	_ =	shalt  }
0x5d: {  	_ =	shalt  }
0x5e: {  	_ =	shalt  }
0x5f: {  	_ =	shalt  }
0x60: {  	_ =	shalt  }
0x61: {  	_ =	shalt  }
0x62: {  	_ =	shalt  }
0x63: {  	_ =	shalt  }
0x64: {  	_ =	shalt  }
0x65: {  	_ =	shalt  }
0x66: {  	_ =	shalt  }
0x67: {  	_ =	shalt  }
0x68: {  	_ =	shalt  }
0x69: {  	_ =	shalt  }
0x6a: {  	_ =	shalt  }
0x6b: {  	_ =	shalt  }
0x6c: {  	_ =	shalt  }
0x6d: {  	_ =	shalt  }
0x6e: {  	_ =	shalt  }
0x6f: {  	_ =	shalt  }
0x70: {  	_ =	shalt  }
0x71: {  	_ =	shalt  }
0x72: {  	_ =	shalt  }
0x73: {  	_ =	shalt  }
0x74: {  	_ =	shalt  }
0x75: {  	_ =	shalt  }
0x76: {  	_ =	shalt  }
0x77: {  	_ =	shalt  }
0x78: {  	_ =	shalt  }
0x79: {  	_ =	shalt  }
0x7a: {  	_ =	shalt  }
0x7b: {  	_ =	shalt  }
0x7c: {  	_ =	shalt  }
0x7d: {  	_ =	shalt  }
0x7e: {  	_ =	shalt  }
0x7f: {  	_ =	shalt  }
0x80: {  	_ =	shalt  }
0x81: {  	_ =	shalt  }
0x82: {  	_ =	shalt  }
0x83: {  	_ =	shalt  }
0x84: {  	_ =	shalt  }
0x85: {  	_ =	shalt  }
0x86: {  	_ =	shalt  }
0x87: {  	_ =	shalt  }
.Lfunc_end0:
.L_simem_size_0:
called_computation.1_lowered:
.L_overlay_start_0:
0x88: {  	s2 =	sld [smem:$0x3FD9]  }
0x89: {  	s3 =	sld [smem:$0x3FFE];
	_ =	sdelay $0x1  }
0x8a: {  	s1 =	srdreg.scid  }
0x8b: {  	s0 =	sand.u32 $0x1, s1  }
0x8c: {  	s17 =	sshll.u32 s0, $0xA;
	s2 =	sadd.s32 s3, s2  }
0x8d: {  	s2 =	sadd.s32 s2, s17  }
0x8e: {  	[smem:$0x3FBC] =	sst s2  }
0x8f: {  	_ = 	snop  }
0x90: {  	(tm) =	ssettm $0x1  }
0x91: {  	s18 =	sld [smem:$0x3FFB];
	_ =	sdelay $0x3  }
0x92: {  	_ =	strace s18  }
0x93: {  	s2 =	sld [smem:$0x3FFC];
	_ =	sdelay $0x3  }
0x94: {  	_ =	strace s2  }
0x95: {  	s2 =	sld [smem:$0x3FFD];
	_ =	sdelay $0x3  }
0x96: {  	_ =	strace s2  }
0x97: {  	_ =	strace $0x8FFFFFFF  }
0x98: {  	s19 =	sld [smem:$0x3FDB];
	_ =	sdelay $0x1  }
0x99: {  	s20 =	simm.s32 $_scs_section_size  }
0x9a: {  	s4 =	simm.s32 $_size__tile_overlayer_lowered;
	s5 =	simm.s32 $_tile_overlayer_lowered  }
0x9b: {  	s6 =	simm.s32 $0x1BFF;
	s21 =	sshll.u32 s5, $0x1;
	s3 =	sadd.s32 s20, s19  }
0x9c: {  	s22 =	simm.s32 $0x0;
	s4 =	sshll.u32 s4, $0x1;
	s5 =	sadd.s32 s21, s3  }
0x9d: {  	[timem:s22], [sflag:s6] =	dma.local [hbm:s5], s4  }
0x9e: {  	_ =	swait.ge [sflag:s6], s4  }
0x9f: {  	s4 =	ssub.s32 $0x0, s4;
	[sflag:s6] =	ssyncset.done $0x0  }
0xa0: {  	[sflag:s6] =	ssyncadd.s32 s4;
	_ =	sdelay $0x1  }
0xa1: {  	s23 =	simm.s32 $0x1B8B  }
0xa2: {  	_ =	swait.ge [sflag:s23], $0x1  }
0xa3: {  	[sflag:s23] =	ssyncset.done $0x0  }
0xa4: {  	[sflag:s23] =	ssyncadd.s32 $0xFFFFFFFF  }
0xa5: {  	s4 =	sld [smem:$0x0]  }
0xa6: {  	s5 =	sand.u32 $0xFFFFFFFE, s1  }
0xa7: {  	p0 =	sne.s32 s1, s5  }
0xa8: {  	s5 =	sshll.u32 @p0 s5, $0xE  }
0xa9: {  	s5 =	sadd.s32 @p0 $0x11B8D, s5;
	s6 =	sshll.u32 @p0 s4, $0x11  }
0xaa: {  	s5 =	sor.u32 @p0 s6, s5  }
0xab: {  	[sflag:s5] =	ssyncadd.remote.s32 @p0 $0x1;
	_ =	sdelay $0x1  }
0xac: {  	s5 =	simm.s32 @p0 $0x1B8D  }
0xad: {  	_ =	swait.eq @p0 [sflag:s5], $0x1  }
0xae: {  	[sflag:s5] =	ssyncadd.s32 @p0 $0xFFFFFFFF  }
0xaf: {  	s6 =	sshll.u32 @!p0 s1, $0xE  }
0xb0: {  	s6 =	sor.u32 @!p0 $0x4000, s6;
	s5 =	simm.s32 @!p0 $0x1B8D  }
0xb1: {  	s4 =	sshll.u32 @!p0 s4, $0x11;
	s6 =	sadd.s32 @!p0 $0x11B8D, s6;
	_ =	swait.eq @!p0 [sflag:s5], $0x1  }
0xb2: {  	s4 =	sor.u32 @!p0 s4, s6;
	[sflag:s5] =	ssyncadd.s32 @!p0 $0xFFFFFFFF  }
0xb3: {  	s25 =	simm.s32 $0x1B8E;
	s24 =	sld [smem:$0x3FFE];
	[sflag:s4] =	ssyncadd.remote.s32 @!p0 $0x1  }
0xb4: {  	s26 =	simm.s32 $execute0_lowered;
	[smem:$0x3FD2] =	sst s25  }
0xb5: {  	s5 =	sshll.u32 s26, $0x1;
	_ =	strace $0x80000049;
	[dreg:$0x1] =	wrdreg $0xFFFFFFFF  }
0xb6: {  	s28 =	simm.s32 $_size_execute0_lowered;
	s3 =	sadd.s32 s3, s5;
	[dreg:$0x0] =	wrdreg $0x0  }
0xb7: {  	s5 =	sshll.u32 s28, $0x1;
	[dreg:$0x2] =	wrdreg s3  }
0xb8: {  	[dreg:$0x3] =	wrdreg s5  }
0xb9: {  	[dreg:$0x4] =	wrdreg $0xC0  }
0xba: {  	_ =	task [dreg:s22], $0x5FFFF  }
0xbb: {  	[dreg:$0x1] =	wrdreg $0xFFFFFFFF  }
0xbc: {  	[dreg:$0x0] =	wrdreg $0x60  }
0xbd: {  	[dreg:$0x2] =	wrdreg s24  }
0xbe: {  	[dreg:$0x3] =	wrdreg $0x8A000  }
0xbf: {  	[dreg:$0x4] =	wrdreg $0xA  }
0xc0: {  	_ =	task.clear_ibuf [dreg:s22], $0x5FFFF;
	_ =	strace $0x90000049  }
0xc1: {  	s29 =	simm.s32 $0xA;
	_ =	strace $0x8000004B  }
0xc2: {  	_ =	swait.ge [sflag:s29], $0x1  }
0xc3: {  	[sflag:s29] =	ssyncadd.s32 $0xFFFFFFFF  }
0xc4: {  	_ =	strace $0x9000004B  }
0xc5: {  	_ =	sfence  }
0xc6: {  	s30 =	sld [smem:$0x0];
	_ =	sdelay $0x2  }
0xc7: {  	s31 =	sshll.u32 s1, $0xD;
	s1 =	sshrl.u32 s1, $0x2  }
0xc8: {  	s4 =	sand.u32 $0x4000, s31;
	s1 =	sadd.s32 s1, s30  }
0xc9: {  	s0 =	sor.u32 s4, s0;
	s1 =	sshll.u32 s1, $0x11  }
0xca: {  	s0 =	sor.u32 s1, s0  }
0xcb: {  	s0 =	sadd.s32 $0x8F2B, s0  }
0xcc: {  	[sflag:s0] =	ssyncadd.remote.s32 $0x1  }
0xcd: {  	_ =	sfence.sel $0xFFFF  }
0xce: {  	[dreg:$0x0] =	wrdreg $0xFFFFFFFF;
	(pc) =	sbr.abs _section_cstart, $3  }
0xcf: {  	[dreg:$0x1] =	wrdreg $0xFFFFFFFF  }
0xd0: {  	_ =	task.clear_ibuf [dreg:s22], $0x2FFFF;
	_ =	strace $0x9FFFFFFF  }
0xd1: {  	(tm) =	ssettm $0x7FFFFFFF  }
tec
execute0_lowered:
.L_overlay_start_1:
0x0: {  	(tag) =	ssettag $0x1  }
0x1: {  	s10 =	stileid.u32  }
0x2: {  	s0 =	srdreg.scid;
	s8 =	smul.u32 $0x13900, s10  }
0x3: {  	s0 =	sand.u32 $0x1, s0;
	s3 =	sshll.u32 s10, $0x1;
	s10 =	smul.u32 $0x4E400, s10  }
0x4: {  	s1 =	rddreg [dreg:$0x0];
	s9 =	smul.u32 $0x140000, s0  }
0x5: {  	s2 =	rddreg [dreg:$0x1];
	s4 =	sor.u32 s0, s3;
	s10 =	sshrl.u32 s10, $0x2  }
0x6: {  	s3 =	simm.s32 $0x0;
	s24 =	sadd.s32 s8, s9;
	s9 =	sadd.s32 s10, s2  }
0x7: {  	[smem:$0x7FF] =	sst s3;
	s26 =	sadd.s32 $0x1000, s9  }
0x8: {  	_ =	strace $0x8000004A;
	s10 =	sadd.s32 $0x2000, s9;
	[dreg:$0x3] =	wrdreg s26  }
0x9: {  	s12 =	sadd.s32 $0x3000, s9;
	[dreg:$0x4] =	wrdreg s10  }
0xa: {  	s5 =	sadd.s32 $0x7400, s1;
	s13 =	sadd.s32 $0x4000, s9;
	[dreg:$0x5] =	wrdreg s12  }
0xb: {  	s6 =	sadd.s32 $0x2400, s1;
	s14 =	sadd.s32 $0x5000, s9;
	[dreg:$0x6] =	wrdreg s13  }
0xc: {  	s0 =	ssub.s32 $0x2, s0;
	s15 =	sadd.s32 $0x6000, s9;
	[dreg:$0x7] =	wrdreg s14  }
0xd: {  	s7 =	smul.u32 $0x520, s4;
	s16 =	sadd.s32 $0x7000, s9;
	[dreg:$0x8] =	wrdreg s15  }
0xe: {  	s4 =	sadd.s32 $0x7AC00, s1;
	s17 =	sadd.s32 $0x8000, s9;
	[dreg:$0x9] =	wrdreg s16  }
0xf: {  	s25 =	sshrl.u32 s0, $0x1;
	s18 =	sadd.s32 $0x9000, s9;
	[dreg:$0xa] =	wrdreg s17  }
0x10: {  	s0 =	ssub.s32 s0, s25;
	s19 =	sadd.s32 $0xA000, s9;
	[dreg:$0xb] =	wrdreg s18  }
0x11: {  	s11 =	sadd.s32 s7, s1;
	s20 =	sadd.s32 $0xB000, s9;
	[dreg:$0xc] =	wrdreg s19  }
0x12: {  	s7 =	sshrl.u32 s24, $0x3;
	s21 =	sadd.s32 $0xC000, s9;
	[dreg:$0xd] =	wrdreg s20  }
0x13: {  	s22 =	sadd.s32 $0xD000, s9;
	s23 =	sadd.s32 $0xE000, s9;
	[dreg:$0xe] =	wrdreg s21  }
0x14: {  	s24 =	sadd.s32 $0xF000, s9;
	s25 =	sadd.s32 $0x10000, s9;
	[dreg:$0xf] =	wrdreg s22  }
0x15: {  	s31 =	smax.u32 s0, $0x1;
	s0 =	simm.s32 $0x5;
	[dreg:$0x10] =	wrdreg s23  }
0x16: {  	s1 =	sadd.s32 s7, s1;
	s7 =	sadd.s32 s8, s2;
	[dreg:$0x11] =	wrdreg s24  }
0x17: {  	[dreg:$0x12] =	wrdreg s25;
	s26 =	sadd.s32 $0x11000, s9;
	s25 =	sadd.s32 $0x12000, s9  }
0x18: {  	s28 =	sadd.s32 $0x16800, s11;
	s29 =	sadd.s32 $0xC400, s11;
	s10 =	simm.s32 $0x6E00  }
0x19: {  	s11 =	simm.s32 $0x7000;
	s12 =	simm.s32 $0x7200;
	s13 =	simm.s32 $0x1  }
0x1a: {  	s14 =	simm.s32 $0x3;
	s15 =	simm.s32 $0x7A00;
	s16 =	simm.s32 $0x2  }
0x1b: {  	v0 =	vimm.f32 $0.0e+00;
	v1 =	vimm.s32 $0x4;
	s17 =	simm.s32 $0x4;
	[dreg:$0x13] =	wrdreg s26;
	s26 =	sadd.s32 $0x13000, s9  }
0x1c: {  	v2 =	vimm.s32 $0x5;
	v3 =	vimm.s32 $0x6;
	v4 =	vimm.s32 $0x7;
	s30 =	sadd.s32 $0x8EC00, s1;
	s1 =	simm.s32 $0x5E00;
	s9 =	simm.s32 $0x20  }
.LBB2_1:
0x1d: {  	s18 =	simm.s32 $0x0;
	s19 =	simm.s32 $0x200  }
.LBB2_2:
0x1e: {  	p0 =	sne.s32 s19, $0x3E00;
	[tilespmem:s18+$0x5E70] =	vst v0  }
0x1f: {  	[tilespmem:s18+$0x5E00] =	vst v0  }
0x20: {  	[tilespmem:s18+$0x5E10] =	vst v0  }
.Ltmp0:
0x21: {  	[tilespmem:s18+$0x5E20] =	vst v0;
	(pc) =	sbr.rel @p0 .LBB2_2-.Ltmp0, $4  }
0x22: {  	[tilespmem:s18+$0x5E30] =	vst v0  }
0x23: {  	[tilespmem:s18+$0x5E40] =	vst v0  }
0x24: {  	[tilespmem:s18+$0x5E50] =	vst v0  }
0x25: {  	[tilespmem:s18+$0x5E60] =	vst v0;
	s18 =	sshra.s32 s19, $0x2;
	s19 =	sadd.s32 $0x200, s19  }
0x26: {  	[tilespmem:s18+$0x5E70] =	vst v0  }
0x27: {  	[tilespmem:s18+$0x5E00] =	vst v0  }
0x28: {  	[tilespmem:s18+$0x5E10] =	vst v0  }
0x29: {  	[tilespmem:s18+$0x5E20] =	vst v0  }
0x2a: {  	[tilespmem:s18+$0x5E30] =	vst v0  }
0x2b: {  	[tilespmem:s18+$0x5E40] =	vst v0  }
0x2c: {  	[tilespmem:s18+$0x5E50] =	vst v0  }
0x2d: {  	[tilespmem:s18+$0x5E60] =	vst v0  }
0x2e: {  	[spmem:s7] =	stream.linear.scatter [tilespmem:s1], [sflag:$0x5], $0x1000, $0x38;
	[tilespmem:$0x1C300] =	vst v63  }
0x2f: {  	_ =	swait.ge [sflag:s0], $0x1000  }
0x30: {  	[sflag:s0] =	ssyncset.done $0x0  }
0x31: {  	s8 =	rddreg [dreg:$0x3];
	[sflag:s0] =	ssyncadd.s32 $0xFFFFF000  }
0x32: {  	[spmem:s8] =	stream.linear.scatter [tilespmem:s1], [sflag:$0x5], $0x1000, $0x38;
	[tilespmem:$0x1C300] =	vst v63  }
0x33: {  	_ =	swait.ge [sflag:s0], $0x1000  }
0x34: {  	[sflag:s0] =	ssyncset.done $0x0  }
0x35: {  	s20 =	rddreg [dreg:$0x4];
	[sflag:s0] =	ssyncadd.s32 $0xFFFFF000  }
0x36: {  	[spmem:s20] =	stream.linear.scatter [tilespmem:s1], [sflag:$0x5], $0x1000, $0x38;
	[tilespmem:$0x1C300] =	vst v63  }
0x37: {  	_ =	swait.ge [sflag:s0], $0x1000  }
0x38: {  	[sflag:s0] =	ssyncset.done $0x0  }
0x39: {  	s21 =	rddreg [dreg:$0x5];
	[sflag:s0] =	ssyncadd.s32 $0xFFFFF000  }
0x3a: {  	[spmem:s21] =	stream.linear.scatter [tilespmem:s1], [sflag:$0x5], $0x1000, $0x38;
	[tilespmem:$0x1C300] =	vst v63  }
0x3b: {  	_ =	swait.ge [sflag:s0], $0x1000  }
0x3c: {  	[sflag:s0] =	ssyncset.done $0x0  }
0x3d: {  	s22 =	rddreg [dreg:$0x6];
	[sflag:s0] =	ssyncadd.s32 $0xFFFFF000  }
0x3e: {  	[spmem:s22] =	stream.linear.scatter [tilespmem:s1], [sflag:$0x5], $0x1000, $0x38;
	[tilespmem:$0x1C300] =	vst v63  }
0x3f: {  	_ =	swait.ge [sflag:s0], $0x1000  }
0x40: {  	[sflag:s0] =	ssyncset.done $0x0  }
0x41: {  	s23 =	rddreg [dreg:$0x7];
	[sflag:s0] =	ssyncadd.s32 $0xFFFFF000  }
0x42: {  	[spmem:s23] =	stream.linear.scatter [tilespmem:s1], [sflag:$0x5], $0x1000, $0x38;
	[tilespmem:$0x1C300] =	vst v63  }
0x43: {  	_ =	swait.ge [sflag:s0], $0x1000  }
0x44: {  	[sflag:s0] =	ssyncset.done $0x0  }
0x45: {  	s24 =	rddreg [dreg:$0x8];
	[sflag:s0] =	ssyncadd.s32 $0xFFFFF000  }
0x46: {  	[spmem:s24] =	stream.linear.scatter [tilespmem:s1], [sflag:$0x5], $0x1000, $0x38;
	[tilespmem:$0x1C300] =	vst v63  }
0x47: {  	_ =	swait.ge [sflag:s0], $0x1000  }
0x48: {  	[sflag:s0] =	ssyncset.done $0x0  }
0x49: {  	s18 =	rddreg [dreg:$0x9];
	[sflag:s0] =	ssyncadd.s32 $0xFFFFF000  }
0x4a: {  	[spmem:s18] =	stream.linear.scatter [tilespmem:s1], [sflag:$0x5], $0x1000, $0x38;
	[tilespmem:$0x1C300] =	vst v63  }
0x4b: {  	_ =	swait.ge [sflag:s0], $0x1000  }
0x4c: {  	[sflag:s0] =	ssyncset.done $0x0  }
0x4d: {  	s19 =	rddreg [dreg:$0xa];
	[sflag:s0] =	ssyncadd.s32 $0xFFFFF000  }
0x4e: {  	[spmem:s19] =	stream.linear.scatter [tilespmem:s1], [sflag:$0x5], $0x1000, $0x38;
	[tilespmem:$0x1C300] =	vst v63  }
0x4f: {  	_ =	swait.ge [sflag:s0], $0x1000  }
0x50: {  	[sflag:s0] =	ssyncset.done $0x0  }
0x51: {  	s20 =	rddreg [dreg:$0xb];
	[sflag:s0] =	ssyncadd.s32 $0xFFFFF000  }
0x52: {  	[spmem:s20] =	stream.linear.scatter [tilespmem:s1], [sflag:$0x5], $0x1000, $0x38;
	[tilespmem:$0x1C300] =	vst v63  }
0x53: {  	_ =	swait.ge [sflag:s0], $0x1000  }
0x54: {  	[sflag:s0] =	ssyncset.done $0x0  }
0x55: {  	s21 =	rddreg [dreg:$0xc];
	[sflag:s0] =	ssyncadd.s32 $0xFFFFF000  }
0x56: {  	[spmem:s21] =	stream.linear.scatter [tilespmem:s1], [sflag:$0x5], $0x1000, $0x38;
	[tilespmem:$0x1C300] =	vst v63  }
0x57: {  	_ =	swait.ge [sflag:s0], $0x1000  }
0x58: {  	[sflag:s0] =	ssyncset.done $0x0  }
0x59: {  	s22 =	rddreg [dreg:$0xd];
	[sflag:s0] =	ssyncadd.s32 $0xFFFFF000  }
0x5a: {  	[spmem:s22] =	stream.linear.scatter [tilespmem:s1], [sflag:$0x5], $0x1000, $0x38;
	[tilespmem:$0x1C300] =	vst v63  }
0x5b: {  	_ =	swait.ge [sflag:s0], $0x1000  }
0x5c: {  	[sflag:s0] =	ssyncset.done $0x0  }
0x5d: {  	s23 =	rddreg [dreg:$0xe];
	[sflag:s0] =	ssyncadd.s32 $0xFFFFF000  }
0x5e: {  	[spmem:s23] =	stream.linear.scatter [tilespmem:s1], [sflag:$0x5], $0x1000, $0x38;
	[tilespmem:$0x1C300] =	vst v63  }
0x5f: {  	_ =	swait.ge [sflag:s0], $0x1000  }
0x60: {  	[sflag:s0] =	ssyncset.done $0x0  }
0x61: {  	s24 =	rddreg [dreg:$0xf];
	[sflag:s0] =	ssyncadd.s32 $0xFFFFF000  }
0x62: {  	[spmem:s24] =	stream.linear.scatter [tilespmem:s1], [sflag:$0x5], $0x1000, $0x38;
	[tilespmem:$0x1C300] =	vst v63  }
0x63: {  	_ =	swait.ge [sflag:s0], $0x1000  }
0x64: {  	[sflag:s0] =	ssyncset.done $0x0  }
0x65: {  	s18 =	rddreg [dreg:$0x10];
	[sflag:s0] =	ssyncadd.s32 $0xFFFFF000  }
0x66: {  	[spmem:s18] =	stream.linear.scatter [tilespmem:s1], [sflag:$0x5], $0x1000, $0x38;
	[tilespmem:$0x1C300] =	vst v63  }
0x67: {  	_ =	swait.ge [sflag:s0], $0x1000  }
0x68: {  	[sflag:s0] =	ssyncset.done $0x0  }
0x69: {  	s19 =	rddreg [dreg:$0x11];
	[sflag:s0] =	ssyncadd.s32 $0xFFFFF000  }
0x6a: {  	[spmem:s19] =	stream.linear.scatter [tilespmem:s1], [sflag:$0x5], $0x1000, $0x38;
	[tilespmem:$0x1C300] =	vst v63  }
0x6b: {  	_ =	swait.ge [sflag:s0], $0x1000  }
0x6c: {  	[sflag:s0] =	ssyncset.done $0x0  }
0x6d: {  	s20 =	rddreg [dreg:$0x12];
	[sflag:s0] =	ssyncadd.s32 $0xFFFFF000  }
0x6e: {  	[spmem:s20] =	stream.linear.scatter [tilespmem:s1], [sflag:$0x5], $0x1000, $0x38;
	[tilespmem:$0x1C300] =	vst v63  }
0x6f: {  	_ =	swait.ge [sflag:s0], $0x1000  }
0x70: {  	[sflag:s0] =	ssyncset.done $0x0  }
0x71: {  	s21 =	rddreg [dreg:$0x13];
	[sflag:s0] =	ssyncadd.s32 $0xFFFFF000  }
0x72: {  	[spmem:s21] =	stream.linear.scatter [tilespmem:s1], [sflag:$0x5], $0x1000, $0x38;
	[tilespmem:$0x1C300] =	vst v63  }
0x73: {  	_ =	swait.ge [sflag:s0], $0x1000  }
0x74: {  	[sflag:s0] =	ssyncset.done $0x0  }
0x75: {  	[sflag:s0] =	ssyncadd.s32 $0xFFFFF000  }
0x76: {  	[spmem:s25] =	stream.linear.scatter [tilespmem:s1], [sflag:$0x5], $0x1000, $0x38;
	[tilespmem:$0x1C300] =	vst v63  }
0x77: {  	_ =	swait.ge [sflag:s0], $0x1000  }
0x78: {  	[sflag:s0] =	ssyncset.done $0x0  }
0x79: {  	[sflag:s0] =	ssyncadd.s32 $0xFFFFF000  }
0x7a: {  	[spmem:s26] =	stream.linear.scatter [tilespmem:s1], [sflag:$0x5], $0x900, $0x38;
	[tilespmem:$0x1C300] =	vst v63  }
0x7b: {  	_ =	swait.ge [sflag:s0], $0x900  }
0x7c: {  	[sflag:s0] =	ssyncset.done $0x0  }
0x7d: {  	[sflag:s0] =	ssyncadd.s32 $0xFFFFF700  }
0x7e: {  	s18 =	simm.s32 $0x0;
	[bflag:$0x0] =	sbarrier.arrive $0xFFFF  }
0x7f: {  	[tilespmem:s18], [sflag:$0x5] =	stream.linear.gather [hbm4b:s28+s18], $0x2900, $0x38;
	[tilespmem:$0x1C300] =	vst v63  }
0x80: {  	_ =	swait.ge [sflag:s0], $0x2900  }
0x81: {  	[sflag:s0] =	ssyncset.done $0x0  }
0x82: {  	s22 =	simm.s32 $0x2900;
	[sflag:s0] =	ssyncadd.s32 $0xFFFFD700  }
0x83: {  	[tilespmem:s22], [sflag:$0x5] =	stream.linear.gather [hbm4b:s29+s18], $0x2900, $0x38;
	[tilespmem:$0x1C300] =	vst v63  }
0x84: {  	_ =	swait.ge [sflag:s0], $0x2900  }
0x85: {  	[sflag:s0] =	ssyncset.done $0x0  }
0x86: {  	s19 =	simm.s32 $0x5200;
	[sflag:s0] =	ssyncadd.s32 $0xFFFFD700  }
0x87: {  	[tilespmem:s19], [sflag:$0x1] =	stream.indirect.gather [hbm4b:s5+s9], $0x10, s18, s9, $0xb8;
	[tilespmem:$0x1C300] =	vst v63  }
0x88: {  	s23 =	simm.s32 $0x5400  }
0x89: {  	[tilespmem:s23], [sflag:$0x1] =	stream.indirect.gather [hbm4b:s6+s9], $0x10, s22, s9, $0xb8;
	[tilespmem:$0x1C300] =	vst v63  }
0x8a: {  	s24 =	simm.s32 $0x5600  }
0x8b: {  	[tilespmem:s24], [sflag:$0x1] =	stream.indirect.gather [hbm4b:s4+s9], $0x40, s18, s9, $0xb8;
	[tilespmem:$0x1C300] =	vst v63  }
.LBB2_4:
0x8c: {  	s20 =	sshll.u32 s18, $0x6  }
0x8d: {  	s21 =	sor.u32 $0x20, s20  }
0x8e: {  	[tilespmem:s10], [sflag:$0x3] =	stream.indirect.gather [hbm4b:s5+s9], $0x10, s21, s9, $0xb8;
	[tilespmem:$0x1C300] =	vst v63  }
0x8f: {  	s19 =	sadd.s32 $0x2920, s20  }
0x90: {  	[tilespmem:s11], [sflag:$0x3] =	stream.indirect.gather [hbm4b:s6+s9], $0x10, s19, s9, $0xb8;
	[tilespmem:$0x1C300] =	vst v63  }
0x91: {  	p0 =	seq.s32 s18, $0x0  }
0x92: {  	[tilespmem:s12], [sflag:$0x3] =	stream.indirect.gather [hbm4b:s4+s9], $0x40, s21, s9, $0xb8;
	[tilespmem:$0x1C300] =	vst v63  }
0x93: {  	s21 =	simm.s32 @!p0 $0x2  }
0x94: {  	_ =	swait.ge @!p0 [sflag:s21], $0x1000  }
0x95: {  	[sflag:s21] =	ssyncset.done @!p0 $0x0  }
0x96: {  	[sflag:s21] =	ssyncadd.s32 @!p0 $0xFFFFF000  }
0x97: {  	_ =	swait.ge [sflag:s13], $0x200  }
0x98: {  	[sflag:s13] =	ssyncset.done $0x0  }
0x99: {  	[sflag:s13] =	ssyncadd.s32 $0xFFFFFE00  }
0x9a: {  	_ =	swait.ge [sflag:s13], $0x200  }
0x9b: {  	[sflag:s13] =	ssyncset.done $0x0  }
0x9c: {  	[sflag:s13] =	ssyncadd.s32 $0xFFFFFE00  }
0x9d: {  	_ =	swait.ge [sflag:s13], $0x800  }
0x9e: {  	[sflag:s13] =	ssyncset.done $0x0  }
0x9f: {  	s24 =	simm.s32 $0x0;
	[sflag:s13] =	ssyncadd.s32 $0xFFFFF800  }
0xa0: {  	v5 =	vld [tilespmem:s24+$0x5200]  }
0xa1: {  	v6 =	vld [tilespmem:s24+$0x5400];
	_ =	sdelay $0x4  }
0xa2: {  	v5 =	vadd.f32 v6, v5;
	_ =	sdelay $0x1  }
0xa3: {  	v6 =	vmul.f32 $2.000000030e-01, v5;
	_ =	sdelay $0x1  }
0xa4: {  	v5 =	vmax.f32 v5, v6  }
0xa5: {  	v5 =	vmul.f32 $1.442695020e+00, v5;
	_ =	sdelay $0x1  }
0xa6: {  	(erf) = vpow2.f32 v5;
	_ =	sdelay $0x4  }
0xa7: {  	s21 =	simm.s32 $0x5620  }
0xa8: {  	v5 =	vld [tilespmem:s21+$0xFFFFFFE0];
	_ =	sdelay $0x2  }
0xa9: {  	v6 =	vpop (erf)  }
0xaa: {  	v7 =	vperm.xlane v6, v1  }
0xab: {  	v8 =	vshll.u32 v5, $0x10  }
0xac: {  	v5 =	vand.u32 $0xFFFF0000, v5;
	v8 =	vmul.f32 v8, v7  }
0xad: {  	s22 =	simm.s32 $0x5E40;
	v5 =	vmul.f32 v5, v7  }
0xae: {  	[tilespmem:s22+$0xFFFFFFC0] =	vst v8  }
0xaf: {  	[tilespmem:s22+$0xFFFFFFD0] =	vst v5  }
0xb0: {  	v5 =	vld [tilespmem:s21+$0xFFFFFFF0];
	_ =	sdelay $0x3  }
0xb1: {  	v7 =	vperm.xlane v6, v2  }
0xb2: {  	v8 =	vshll.u32 v5, $0x10  }
0xb3: {  	v5 =	vand.u32 $0xFFFF0000, v5;
	v8 =	vmul.f32 v8, v7  }
0xb4: {  	v5 =	vmul.f32 v5, v7  }
0xb5: {  	[tilespmem:s22+$0xFFFFFFE0] =	vst v8  }
0xb6: {  	[tilespmem:s22+$0xFFFFFFF0] =	vst v5  }
0xb7: {  	v5 =	vld [tilespmem:s21+$0x0];
	_ =	sdelay $0x3  }
0xb8: {  	v7 =	vperm.xlane v6, v3  }
0xb9: {  	v8 =	vshll.u32 v5, $0x10  }
0xba: {  	v5 =	vand.u32 $0xFFFF0000, v5;
	v8 =	vmul.f32 v8, v7  }
0xbb: {  	v5 =	vmul.f32 v5, v7  }
0xbc: {  	[tilespmem:s22+$0x0] =	vst v8  }
0xbd: {  	[tilespmem:s22+$0x10] =	vst v5  }
0xbe: {  	s23 =	simm.s32 $0x5E40;
	s24 =	simm.s32 $0x40;
	v5 =	vperm.xlane v6, v4;
	v6 =	vld [tilespmem:s21+$0x10]  }
.LBB2_5:
0xbf: {  	_ =	sdelay $0x2  }
0xc0: {  	p0 =	sne.s32 s24, $0x7C0;
	s21 =	sadd.s32 $0x40, s21;
	s22 =	sadd.s32 $0x80, s22  }
0xc1: {  	s8 =	smov.u32 s24;
	s24 =	sadd.s32 $0x40, s24;
	v7 =	vshll.u32 v6, $0x10;
	v6 =	vand.u32 $0xFFFF0000, v6  }
0xc2: {  	v7 =	vmul.f32 v7, v5;
	v5 =	vmul.f32 v6, v5;
	_ =	sdelay $0x1  }
0xc3: {  	[tilespmem:s23+$0x20] =	vst v7  }
0xc4: {  	s8 =	sshra.s32 s8, $0x2;
	[tilespmem:s23+$0x30] =	vst v5;
	s23 =	smov.u32 s22  }
0xc5: {  	v5 =	vld [tilespmem:s8+$0x5200]  }
0xc6: {  	v6 =	vld [tilespmem:s8+$0x5400];
	_ =	sdelay $0x4  }
0xc7: {  	v5 =	vadd.f32 v6, v5;
	_ =	sdelay $0x1  }
0xc8: {  	v6 =	vmul.f32 $2.000000030e-01, v5;
	_ =	sdelay $0x1  }
0xc9: {  	v5 =	vmax.f32 v5, v6  }
0xca: {  	v5 =	vmul.f32 $1.442695020e+00, v5;
	_ =	sdelay $0x1  }
0xcb: {  	(erf) = vpow2.f32 v5;
	_ =	sdelay $0x4  }
0xcc: {  	v5 =	vld [tilespmem:s21+$0xFFFFFFE0];
	_ =	sdelay $0x3  }
0xcd: {  	v6 =	vpop (erf)  }
0xce: {  	v7 =	vperm.xlane v6, v1;
	v8 =	vshll.u32 v5, $0x10;
	v5 =	vand.u32 $0xFFFF0000, v5;
	_ =	sdelay $0x1  }
0xcf: {  	v8 =	vmul.f32 v8, v7;
	v5 =	vmul.f32 v5, v7;
	_ =	sdelay $0x1  }
0xd0: {  	[tilespmem:s22+$0xFFFFFFC0] =	vst v8  }
0xd1: {  	[tilespmem:s22+$0xFFFFFFD0] =	vst v5  }
0xd2: {  	v5 =	vld [tilespmem:s21+$0xFFFFFFF0];
	_ =	sdelay $0x1  }
0xd3: {  	v7 =	vperm.xlane v6, v2;
	_ =	sdelay $0x2  }
0xd4: {  	v8 =	vshll.u32 v5, $0x10;
	v5 =	vand.u32 $0xFFFF0000, v5  }
0xd5: {  	v8 =	vmul.f32 v8, v7;
	v5 =	vmul.f32 v5, v7;
	_ =	sdelay $0x1  }
0xd6: {  	[tilespmem:s22+$0xFFFFFFE0] =	vst v8  }
0xd7: {  	[tilespmem:s22+$0xFFFFFFF0] =	vst v5  }
0xd8: {  	v5 =	vld [tilespmem:s21+$0x0]  }
0xd9: {  	v7 =	vperm.xlane v6, v3;
	_ =	sdelay $0x3  }
0xda: {  	v8 =	vshll.u32 v5, $0x10;
	v5 =	vand.u32 $0xFFFF0000, v5  }
.Ltmp1:
0xdb: {  	v8 =	vmul.f32 v8, v7;
	v5 =	vmul.f32 v5, v7;
	(pc) =	sbr.rel @p0 .LBB2_5-.Ltmp1, $4  }
0xdc: {  	_ = 	snop  }
0xdd: {  	[tilespmem:s22+$0x0] =	vst v8  }
0xde: {  	[tilespmem:s22+$0x10] =	vst v5  }
0xdf: {  	v5 =	vperm.xlane v6, v4;
	v6 =	vld [tilespmem:s21+$0x10]  }
0xe0: {  	_ =	sdelay $0x3  }
0xe1: {  	v7 =	vshll.u32 v6, $0x10  }
0xe2: {  	v6 =	vand.u32 $0xFFFF0000, v6;
	v7 =	vmul.f32 v7, v5  }
0xe3: {  	v5 =	vmul.f32 v6, v5  }
0xe4: {  	s8 =	sand.u32 $0x3FFFFFC0, s20;
	[tilespmem:s23+$0x20] =	vst v7  }
0xe5: {  	p0 =	seq.s32 s18, $0xA3;
	s8 =	sadd.s32 $0x2900, s8;
	[tilespmem:s23+$0x30] =	vst v5  }
0xe6: {  	[spmem:s2] =	stream.indirect.scatter.add.f32 [tilespmem:s1], [sflag:$0x2], $0x80, s8, s9, $0xb8;
	[tilespmem:$0x1C300] =	vst v63  }
0xe7: {  	s21 =	simm.s32 @!p0 $0x20;
	s22 =	simm.s32 @!p0 $0x5200;
	s8 =	sadd.s32 @!p0 $0x40, s20  }
0xe8: {  	[tilespmem:s22], [sflag:$0x1] =	stream.indirect.gather @!p0 [hbm4b:s5+s21], $0x10, s8, s21, $0xb8;
	[tilespmem:$0x1C300] =	vst v63  }
0xe9: {  	s20 =	sadd.s32 @!p0 $0x2940, s20;
	s22 =	simm.s32 @!p0 $0x5400  }
0xea: {  	[tilespmem:s22], [sflag:$0x1] =	stream.indirect.gather @!p0 [hbm4b:s6+s21], $0x10, s20, s21, $0xb8;
	[tilespmem:$0x1C300] =	vst v63  }
0xeb: {  	p1 =	seq.s32 @!p0 s18, $0x0;
	s20 =	simm.s32 @!p0 $0x5600  }
0xec: {  	[tilespmem:s20], [sflag:$0x1] =	stream.indirect.gather @!p0 [hbm4b:s4+s21], $0x40, s8, s21, $0xb8;
	[tilespmem:$0x1C300] =	vst v63  }
0xed: {  	p0 =	por p0, !p1  }
0xee: {  	_ =	swait.ge @p0 [sflag:s17], $0x1000  }
0xef: {  	[sflag:s17] =	ssyncset.done @p0 $0x0  }
0xf0: {  	[sflag:s17] =	ssyncadd.s32 @p0 $0xFFFFF000  }
0xf1: {  	_ =	swait.ge [sflag:s14], $0x200  }
0xf2: {  	[sflag:s14] =	ssyncset.done $0x0  }
0xf3: {  	[sflag:s14] =	ssyncadd.s32 $0xFFFFFE00  }
0xf4: {  	_ =	swait.ge [sflag:s14], $0x200  }
0xf5: {  	[sflag:s14] =	ssyncset.done $0x0  }
0xf6: {  	[sflag:s14] =	ssyncadd.s32 $0xFFFFFE00  }
0xf7: {  	_ =	swait.ge [sflag:s14], $0x800  }
0xf8: {  	[sflag:s14] =	ssyncset.done $0x0  }
0xf9: {  	s24 =	simm.s32 $0x0;
	[sflag:s14] =	ssyncadd.s32 $0xFFFFF800  }
0xfa: {  	v5 =	vld [tilespmem:s24+$0x6E00]  }
0xfb: {  	v6 =	vld [tilespmem:s24+$0x7000];
	_ =	sdelay $0x4  }
0xfc: {  	v5 =	vadd.f32 v6, v5;
	_ =	sdelay $0x1  }
0xfd: {  	v6 =	vmul.f32 $2.000000030e-01, v5;
	_ =	sdelay $0x1  }
0xfe: {  	v5 =	vmax.f32 v5, v6  }
0xff: {  	v5 =	vmul.f32 $1.442695020e+00, v5;
	_ =	sdelay $0x1  }
0x100: {  	(erf) = vpow2.f32 v5;
	_ =	sdelay $0x4  }
0x101: {  	s20 =	simm.s32 $0x7220  }
0x102: {  	v5 =	vld [tilespmem:s20+$0xFFFFFFE0];
	_ =	sdelay $0x2  }
0x103: {  	v6 =	vpop (erf)  }
0x104: {  	v7 =	vperm.xlane v6, v1  }
0x105: {  	v8 =	vshll.u32 v5, $0x10  }
0x106: {  	v5 =	vand.u32 $0xFFFF0000, v5;
	v8 =	vmul.f32 v8, v7  }
0x107: {  	s21 =	simm.s32 $0x7A40;
	v5 =	vmul.f32 v5, v7  }
0x108: {  	[tilespmem:s21+$0xFFFFFFC0] =	vst v8  }
0x109: {  	[tilespmem:s21+$0xFFFFFFD0] =	vst v5  }
0x10a: {  	v5 =	vld [tilespmem:s20+$0xFFFFFFF0];
	_ =	sdelay $0x3  }
0x10b: {  	v7 =	vperm.xlane v6, v2  }
0x10c: {  	v8 =	vshll.u32 v5, $0x10  }
0x10d: {  	v5 =	vand.u32 $0xFFFF0000, v5;
	v8 =	vmul.f32 v8, v7  }
0x10e: {  	v5 =	vmul.f32 v5, v7  }
0x10f: {  	[tilespmem:s21+$0xFFFFFFE0] =	vst v8  }
0x110: {  	[tilespmem:s21+$0xFFFFFFF0] =	vst v5  }
0x111: {  	v5 =	vld [tilespmem:s20+$0x0];
	_ =	sdelay $0x3  }
0x112: {  	v7 =	vperm.xlane v6, v3  }
0x113: {  	v8 =	vshll.u32 v5, $0x10  }
0x114: {  	v5 =	vand.u32 $0xFFFF0000, v5;
	v8 =	vmul.f32 v8, v7  }
0x115: {  	v5 =	vmul.f32 v5, v7  }
0x116: {  	[tilespmem:s21+$0x0] =	vst v8  }
0x117: {  	[tilespmem:s21+$0x10] =	vst v5  }
0x118: {  	s23 =	simm.s32 $0x40;
	s22 =	simm.s32 $0x7A40;
	v5 =	vperm.xlane v6, v4;
	v6 =	vld [tilespmem:s20+$0x10]  }
.LBB2_7:
0x119: {  	_ =	sdelay $0x2  }
0x11a: {  	p0 =	sne.s32 s23, $0x7C0;
	s20 =	sadd.s32 $0x40, s20;
	s21 =	sadd.s32 $0x80, s21  }
0x11b: {  	s8 =	smov.u32 s23;
	s23 =	sadd.s32 $0x40, s23;
	v7 =	vshll.u32 v6, $0x10;
	v6 =	vand.u32 $0xFFFF0000, v6  }
0x11c: {  	v7 =	vmul.f32 v7, v5;
	v5 =	vmul.f32 v6, v5;
	_ =	sdelay $0x1  }
0x11d: {  	[tilespmem:s22+$0x20] =	vst v7  }
0x11e: {  	s8 =	sshra.s32 s8, $0x2;
	[tilespmem:s22+$0x30] =	vst v5;
	s22 =	smov.u32 s21  }
0x11f: {  	v5 =	vld [tilespmem:s8+$0x6E00]  }
0x120: {  	v6 =	vld [tilespmem:s8+$0x7000];
	_ =	sdelay $0x4  }
0x121: {  	v5 =	vadd.f32 v6, v5;
	_ =	sdelay $0x1  }
0x122: {  	v6 =	vmul.f32 $2.000000030e-01, v5;
	_ =	sdelay $0x1  }
0x123: {  	v5 =	vmax.f32 v5, v6  }
0x124: {  	v5 =	vmul.f32 $1.442695020e+00, v5;
	_ =	sdelay $0x1  }
0x125: {  	(erf) = vpow2.f32 v5;
	_ =	sdelay $0x4  }
0x126: {  	v5 =	vld [tilespmem:s20+$0xFFFFFFE0];
	_ =	sdelay $0x3  }
0x127: {  	v6 =	vpop (erf)  }
0x128: {  	v7 =	vperm.xlane v6, v1;
	v8 =	vshll.u32 v5, $0x10;
	v5 =	vand.u32 $0xFFFF0000, v5;
	_ =	sdelay $0x1  }
0x129: {  	v8 =	vmul.f32 v8, v7;
	v5 =	vmul.f32 v5, v7;
	_ =	sdelay $0x1  }
0x12a: {  	[tilespmem:s21+$0xFFFFFFC0] =	vst v8  }
0x12b: {  	[tilespmem:s21+$0xFFFFFFD0] =	vst v5  }
0x12c: {  	v5 =	vld [tilespmem:s20+$0xFFFFFFF0];
	_ =	sdelay $0x1  }
0x12d: {  	v7 =	vperm.xlane v6, v2;
	_ =	sdelay $0x2  }
0x12e: {  	v8 =	vshll.u32 v5, $0x10;
	v5 =	vand.u32 $0xFFFF0000, v5  }
0x12f: {  	v8 =	vmul.f32 v8, v7;
	v5 =	vmul.f32 v5, v7;
	_ =	sdelay $0x1  }
0x130: {  	[tilespmem:s21+$0xFFFFFFE0] =	vst v8  }
0x131: {  	[tilespmem:s21+$0xFFFFFFF0] =	vst v5  }
0x132: {  	v5 =	vld [tilespmem:s20+$0x0]  }
0x133: {  	v7 =	vperm.xlane v6, v3;
	_ =	sdelay $0x3  }
0x134: {  	v8 =	vshll.u32 v5, $0x10;
	v5 =	vand.u32 $0xFFFF0000, v5  }
.Ltmp2:
0x135: {  	v8 =	vmul.f32 v8, v7;
	v5 =	vmul.f32 v5, v7;
	(pc) =	sbr.rel @p0 .LBB2_7-.Ltmp2, $4  }
0x136: {  	_ = 	snop  }
0x137: {  	[tilespmem:s21+$0x0] =	vst v8  }
0x138: {  	[tilespmem:s21+$0x10] =	vst v5  }
0x139: {  	v5 =	vperm.xlane v6, v4;
	v6 =	vld [tilespmem:s20+$0x10]  }
0x13a: {  	_ =	sdelay $0x2  }
0x13b: {  	s18 =	sadd.s32 $0x1, s18  }
0x13c: {  	p0 =	sne.s32 s18, $0xA4;
	v7 =	vshll.u32 v6, $0x10  }
.Ltmp3:
0x13d: {  	v6 =	vand.u32 $0xFFFF0000, v6;
	v7 =	vmul.f32 v7, v5;
	(pc) =	sbr.rel @p0 .LBB2_4-.Ltmp3, $4  }
0x13e: {  	v5 =	vmul.f32 v6, v5  }
0x13f: {  	[tilespmem:s22+$0x20] =	vst v7  }
0x140: {  	[tilespmem:s22+$0x30] =	vst v5  }
0x141: {  	[spmem:s2] =	stream.indirect.scatter.add.f32 [tilespmem:s15], [sflag:$0x4], $0x80, s19, s9, $0xb8;
	[tilespmem:$0x1C300] =	vst v63  }
0x142: {  	_ =	swait.ge [sflag:s16], $0x1000  }
0x143: {  	[sflag:s16] =	ssyncset.done $0x0  }
0x144: {  	[sflag:s16] =	ssyncadd.s32 $0xFFFFF000  }
0x145: {  	s8 =	stileid.u32;
	_ =	swait.ge [sflag:s17], $0x1000  }
0x146: {  	s18 =	sshrl.u32 s7, $0x3;
	s3 =	sadd.s32 $0x1, s3;
	[sflag:s17] =	ssyncset.done $0x0  }
0x147: {  	s8 =	sshll.u32 s8, $0x6;
	p0 =	sne.s32 s3, s31;
	[sflag:s17] =	ssyncadd.s32 $0xFFFFF000  }
.Ltmp4:
0x148: {  	s8 =	sor.u32 $0x1C05, s8;
	[bflag:$0x0] =	sbarrier.arrive $0xFFFF;
	(pc) =	sbr.rel @p0 .LBB2_1-.Ltmp4, $4  }
0x149: {  	[hbm:s30], [sflag:s8] =	dma.local [spmem:s18], $0x2720  }
0x14a: {  	_ =	swait.ge [sflag:s0], $0x2720  }
0x14b: {  	[sflag:s0] =	ssyncset.done $0x0  }
0x14c: {  	[sflag:s0] =	ssyncadd.s32 $0xFFFFD8E0  }
0x14d: {  	_ =	sfence.sel $0x180000  }
0x14e: {  	[bflag:$0x0] =	sbarrier.arrive $0xFFFF  }
0x14f: {  	_ =	strace $0x9000004A  }
0x150: {  	s0 =	stileid.u32;
	[bflag:$0x2] =	sbarrier.arrive $0xFFFF  }
0x151: {  	p0 =	sne.s32 s0, $0x0;
	s0 =	rddreg [dreg:$0x2]  }
0x152: {  	s0 =	sadd.s32 @!p0 $0x100000, s0  }
0x153: {  	[sflag:s0] =	ssyncadd.tile.s32 @!p0 $0x1;
	_ =	shalt  }
.Lfunc_end2:
_tile_overlayer_lowered:
.L_overlay_start_2:
0x154: {  	(tag) =	ssettag $0x2  }
0x155: {  	s0 =	rddreg [dreg:$0x0];
	s2 =	stileid.u32  }
0x156: {  	s1 =	rddreg [dreg:$0x1];
	p0 =	sne.s32 s2, $0x0  }
0x157: {  	s3 =	rddreg [dreg:$0x2];
	[bflag:$0x3] =	sbarrier.arrive $0xFFFF;
	s2 =	simm.s32 @!p0 $0x1C05  }
0x158: {  	[timem:s3], [sflag:s2] =	dma.local @!p0 [hbm:s0], s1  }
0x159: {  	s0 =	simm.s32 @!p0 $0x5  }
0x15a: {  	_ =	swait.ge @!p0 [sflag:s0], s1  }
0x15b: {  	s1 =	ssub.s32 @!p0 $0x0, s1;
	[sflag:s0] =	ssyncset.done @!p0 $0x0  }
0x15c: {  	[sflag:s0] =	ssyncadd.s32 @!p0 s1  }
0x15d: {  	[bflag:$0x3] =	sbarrier.arrive $0xFFFF  }
0x15e: {  	_ =	shalt  }

// kernel: kernel.14.cloned.1.call-start
scs
__scs_entry_jumppad:
0x0: {  	(pc) =	sbr.rel $0x88, $3  }
0x1: {  	(tag) =	ssettag $0x0;
	lr =	simm.s32 $0x1  }
0x2: {  	[smem:$0x3F95] =	sst lr;
	_ =	strace $0xD0000000  }
0x3: {  	_ = 	snop  }
0x4: {  	_ = 	snop  }
0x5: {  	_ = 	snop  }
0x6: {  	_ = 	snop  }
0x7: {  	_ = 	snop  }
__scs_overlays_trampoline_lowered:
0x8: {  	[smem:$0x3FA4] =	sst s0  }
0x9: {  	[smem:$0x3FA5] =	sst s1  }
0xa: {  	[smem:$0x3FA6] =	sst s2  }
0xb: {  	[smem:$0x3FA7] =	sst s3  }
0xc: {  	[smem:$0x3FA8] =	sst s4  }
0xd: {  	[smem:$0x3FA9] =	sst s5  }
0xe: {  	[smem:$0x3FAA] =	sst s6  }
0xf: {  	[smem:$0x3FAB] =	sst s7  }
0x10: {  	[smem:$0x3FAC] =	sst s8  }
0x11: {  	[smem:$0x3FAD] =	sst s9;
	s0 =	simm.s32 @!p0 $0x0  }
0x12: {  	s1 =	sld [smem:$0x3F93];
	s0 =	simm.s32 @p0 $0x1  }
0x13: {  	[smem:$0x3FAE] =	sst s0;
	s0 =	simm.s32 @!p1 $0x0  }
0x14: {  	s2 =	sld [smem:$0x3F92];
	s0 =	simm.s32 @p1 $0x1  }
0x15: {  	[smem:$0x3FAF] =	sst s0;
	s0 =	simm.s32 @!p2 $0x0  }
0x16: {  	s3 =	sld [smem:$0x3FDB];
	s0 =	simm.s32 @p2 $0x1  }
0x17: {  	s4 =	simm.s32 $0x1BF5;
	[smem:$0x3FB1] =	sst s0  }
0x18: {  	s0 =	sld [smem:$0x3F94];
	_ =	swait.ge [sflag:s4], $0x0  }
0x19: {  	s7 =	sld [smem:$0x3F95]  }
0x1a: {  	s8 =	sadd.s32 $0xFFFFE003, lr  }
0x1b: {  	s9 =	sadd.s32 $0xFFFFFEF7, lr;
	s5 =	simm.s32 $0xFFFFFFFF;
	p2 =	slt.u32 s8, $0xFFFFF086  }
0x1c: {  	p1 =	slt.u32 s9, $0xF7A;
	s5 =	simm.s32 @!p2 $0x0  }
0x1d: {  	s5 =	simm.s32 @p1 $0x1;
	p0 =	seq.s32 s7, s2  }
0x1e: {  	s7 =	smul.u32 @!p0 $0xF7A, s2;
	p2 =	seq.s32 @!p0 s5, $0x0  }
0x1f: {  	s9 =	smul.u32 $0xF7A, s1;
	s8 =	simm.s32 @!p0 $0x1BF5;
	p2 =	por !p2, p0  }
0x20: {  	[sflag:s8] =	ssyncset.s32 @!p0 $0xFFFFF086;
	s6 =	sadd.s32 @!p0 s3, s7;
	s7 =	simm.s32 @!p0 $0x108  }
0x21: {  	s3 =	sadd.s32 s3, s9;
	s6 =	sadd.s32 @!p0 $0x88, s6;
	s7 =	simm.s32 @p2 $0x1082  }
0x22: {  	[simem:s7], [sflag:s8] =	dma.local @!p0 [hbm:s6], $0xF7A  }
0x23: {  	s9 =	sor.u32 $0xD0000000, s2;
	s6 =	simm.s32 $0x108;
	_ =	swait.ge @!p0 [sflag:s8], $0x0  }
0x24: {  	s3 =	sadd.s32 $0x88, s3;
	s6 =	simm.s32 @!p1 $0x1082;
	[sflag:s4] =	ssyncset.s32 $0xFFFFF086  }
0x25: {  	[simem:s6], [sflag:s4] =	dma.local [hbm:s3], $0xF7A  }
0x26: {  	[smem:$0x3F95] =	sst s1;
	(tag) =	ssettag s2;
	_ =	strace s9  }
0x27: {  	s1 =	sld [smem:$0x3FA5]  }
0x28: {  	s2 =	sld [smem:$0x3FA6]  }
0x29: {  	s4 =	sld [smem:$0x3FA8]  }
0x2a: {  	p0 =	seq.s32 s5, $0x0;
	s5 =	sld [smem:$0x3FA9]  }
0x2b: {  	s6 =	sld [smem:$0x3FAA]  }
0x2c: {  	s7 =	sld [smem:$0x3FAB]  }
0x2d: {  	s3 =	simm.s32 $0x108;
	s8 =	sld [smem:$0x3FAC]  }
0x2e: {  	s3 =	simm.s32 @!p0 $0x1082;
	s9 =	sld [smem:$0x3FAD]  }
0x2f: {  	lr =	sadd.s32 s0, s3;
	s0 =	sld [smem:$0x3FA4]  }
0x30: {  	s3 =	sld [smem:$0x3FA7]  }
0x31: {  	[smem:$0x3FB0] =	sst s10  }
0x32: {  	s10 =	sld [smem:$0x3FAE];
	_ =	sdelay $0x3  }
0x33: {  	p0 =	seq.s32 s10, $0x1;
	s10 =	sld [smem:$0x3FB0];
	_ =	sdelay $0x3  }
0x34: {  	[smem:$0x3FB0] =	sst s10  }
0x35: {  	s10 =	sld [smem:$0x3FAF];
	_ =	sdelay $0x3  }
0x36: {  	p1 =	seq.s32 s10, $0x1;
	s10 =	sld [smem:$0x3FB0];
	_ =	sdelay $0x3  }
0x37: {  	[smem:$0x3FB0] =	sst s10  }
0x38: {  	s10 =	sld [smem:$0x3FB1]  }
0x39: {  	_ = 	snop;
	(pc) =	sbr.ind lr, $3  }
0x3a: {  	_ = 	snop  }
0x3b: {  	_ = 	snop  }
0x3c: {  	p2 =	seq.s32 s10, $0x1;
	s10 =	sld [smem:$0x3FB0]  }
0x3d: {  	_ =	shalt  }
0x3e: {  	_ =	shalt  }
0x3f: {  	_ =	shalt  }
0x40: {  	_ =	shalt  }
0x41: {  	_ =	shalt  }
0x42: {  	_ =	shalt  }
0x43: {  	_ =	shalt  }
0x44: {  	_ =	shalt  }
0x45: {  	_ =	shalt  }
0x46: {  	_ =	shalt  }
0x47: {  	_ =	shalt  }
0x48: {  	_ =	shalt  }
0x49: {  	_ =	shalt  }
0x4a: {  	_ =	shalt  }
0x4b: {  	_ =	shalt  }
0x4c: {  	_ =	shalt  }
0x4d: {  	_ =	shalt  }
0x4e: {  	_ =	shalt  }
0x4f: {  	_ =	shalt  }
0x50: {  	_ =	shalt  }
0x51: {  	_ =	shalt  }
0x52: {  	_ =	shalt  }
0x53: {  	_ =	shalt  }
0x54: {  	_ =	shalt  }
0x55: {  	_ =	shalt  }
0x56: {  	_ =	shalt  }
0x57: {  	_ =	shalt  }
0x58: {  	_ =	shalt  }
0x59: {  	_ =	shalt  }
0x5a: {  	_ =	shalt  }
0x5b: {  	_ =	shalt  }
0x5c: {  	_ =	shalt  }
0x5d: {  	_ =	shalt  }
0x5e: {  	_ =	shalt  }
0x5f: {  	_ =	shalt  }
0x60: {  	_ =	shalt  }
0x61: {  	_ =	shalt  }
0x62: {  	_ =	shalt  }
0x63: {  	_ =	shalt  }
0x64: {  	_ =	shalt  }
0x65: {  	_ =	shalt  }
0x66: {  	_ =	shalt  }
0x67: {  	_ =	shalt  }
0x68: {  	_ =	shalt  }
0x69: {  	_ =	shalt  }
0x6a: {  	_ =	shalt  }
0x6b: {  	_ =	shalt  }
0x6c: {  	_ =	shalt  }
0x6d: {  	_ =	shalt  }
0x6e: {  	_ =	shalt  }
0x6f: {  	_ =	shalt  }
0x70: {  	_ =	shalt  }
0x71: {  	_ =	shalt  }
0x72: {  	_ =	shalt  }
0x73: {  	_ =	shalt  }
0x74: {  	_ =	shalt  }
0x75: {  	_ =	shalt  }
0x76: {  	_ =	shalt  }
0x77: {  	_ =	shalt  }
0x78: {  	_ =	shalt  }
0x79: {  	_ =	shalt  }
0x7a: {  	_ =	shalt  }
0x7b: {  	_ =	shalt  }
0x7c: {  	_ =	shalt  }
0x7d: {  	_ =	shalt  }
0x7e: {  	_ =	shalt  }
0x7f: {  	_ =	shalt  }
0x80: {  	_ =	shalt  }
0x81: {  	_ =	shalt  }
0x82: {  	_ =	shalt  }
0x83: {  	_ =	shalt  }
0x84: {  	_ =	shalt  }
0x85: {  	_ =	shalt  }
0x86: {  	_ =	shalt  }
0x87: {  	_ =	shalt  }
.Lfunc_end0:
.L_simem_size_0:
called_computation.2_lowered:
.L_overlay_start_0:
0x88: {  	s2 =	sld [smem:$0x3FD9]  }
0x89: {  	s3 =	sld [smem:$0x3FFE];
	_ =	sdelay $0x1  }
0x8a: {  	s1 =	srdreg.scid  }
0x8b: {  	s0 =	sand.u32 $0x1, s1  }
0x8c: {  	s17 =	sshll.u32 s0, $0xA;
	s2 =	sadd.s32 s3, s2  }
0x8d: {  	s2 =	sadd.s32 s2, s17  }
0x8e: {  	[smem:$0x3FBC] =	sst s2  }
0x8f: {  	_ = 	snop  }
0x90: {  	s2 =	sld [smem:$0x3FD0];
	(tm) =	ssettm $0x1  }
0x91: {  	s18 =	sld [smem:$0x3FFB];
	_ =	sdelay $0x3  }
0x92: {  	_ =	strace s18  }
0x93: {  	s3 =	sld [smem:$0x3FFC];
	_ =	sdelay $0x3  }
0x94: {  	_ =	strace s3  }
0x95: {  	s3 =	sld [smem:$0x3FFD];
	_ =	sdelay $0x3  }
0x96: {  	_ =	strace s3  }
0x97: {  	_ =	strace $0x8FFFFFFF  }
0x98: {  	s19 =	sld [smem:$0x3FDB];
	_ =	sdelay $0x1  }
0x99: {  	s4 =	simm.s32 $_scs_section_size  }
0x9a: {  	s5 =	simm.s32 $_size__tile_overlayer_lowered;
	s6 =	simm.s32 $_tile_overlayer_lowered  }
0x9b: {  	s22 =	simm.s32 $0x1BFF;
	s21 =	sshll.u32 s6, $0x1;
	s3 =	sadd.s32 s4, s19  }
0x9c: {  	s7 =	simm.s32 $0x0;
	s20 =	sshll.u32 s5, $0x1;
	s5 =	sadd.s32 s21, s3  }
0x9d: {  	[timem:s7], [sflag:s22] =	dma.local [hbm:s5], s20  }
0x9e: {  	_ =	swait.ge [sflag:s22], s20  }
0x9f: {  	s4 =	ssub.s32 $0x0, s20;
	[sflag:s22] =	ssyncset.done $0x0  }
0xa0: {  	[sflag:s22] =	ssyncadd.s32 s4;
	_ =	sdelay $0x1  }
0xa1: {  	s23 =	simm.s32 $0x1B8B  }
0xa2: {  	_ =	swait.ge [sflag:s23], $0x1  }
0xa3: {  	[sflag:s23] =	ssyncset.done $0x0  }
0xa4: {  	s25 =	simm.s32 $0x1B8E;
	s24 =	sld [smem:$0x3FFE];
	[sflag:s23] =	ssyncadd.s32 $0xFFFFFFFF  }
0xa5: {  	s26 =	simm.s32 $execute0_lowered;
	[smem:$0x3FD2] =	sst s25  }
0xa6: {  	s5 =	sshll.u32 s26, $0x1;
	_ =	strace $0x8000004C;
	[dreg:$0x1] =	wrdreg $0xFFFFFFFF  }
0xa7: {  	s28 =	simm.s32 $_size_execute0_lowered;
	s3 =	sadd.s32 s3, s5;
	[dreg:$0x0] =	wrdreg $0x0  }
0xa8: {  	s5 =	sshll.u32 s28, $0x1;
	[dreg:$0x2] =	wrdreg s3  }
0xa9: {  	[dreg:$0x3] =	wrdreg s5  }
0xaa: {  	[dreg:$0x4] =	wrdreg $0xC0  }
0xab: {  	_ =	task [dreg:s7], $0x5FFFF  }
0xac: {  	[dreg:$0x1] =	wrdreg $0xFFFFFFFF  }
0xad: {  	[dreg:$0x0] =	wrdreg $0x60  }
0xae: {  	[dreg:$0x2] =	wrdreg s24  }
0xaf: {  	[dreg:$0x3] =	wrdreg s2  }
0xb0: {  	[dreg:$0x4] =	wrdreg $0xB2000  }
0xb1: {  	[dreg:$0x5] =	wrdreg $0x100400  }
0xb2: {  	[dreg:$0x6] =	wrdreg $0x9  }
0xb3: {  	_ =	task.clear_ibuf [dreg:s7], $0x7FFFF;
	_ =	strace $0x9000004C  }
0xb4: {  	s29 =	simm.s32 $0x9;
	_ =	strace $0x8000004E  }
0xb5: {  	_ =	swait.ge [sflag:s29], $0x1  }
0xb6: {  	[sflag:s29] =	ssyncadd.s32 $0xFFFFFFFF  }
0xb7: {  	_ =	strace $0x9000004E  }
0xb8: {  	_ =	sfence  }
0xb9: {  	s30 =	sld [smem:$0x0];
	_ =	sdelay $0x2  }
0xba: {  	s31 =	sshll.u32 s1, $0xD;
	s1 =	sshrl.u32 s1, $0x2  }
0xbb: {  	s3 =	sand.u32 $0x4000, s31;
	s1 =	sadd.s32 s1, s30  }
0xbc: {  	s0 =	sor.u32 s3, s0;
	s1 =	sshll.u32 s1, $0x11  }
0xbd: {  	s0 =	sor.u32 s1, s0  }
0xbe: {  	s0 =	sadd.s32 $0x8F2B, s0  }
0xbf: {  	[sflag:s0] =	ssyncadd.remote.s32 $0x1  }
0xc0: {  	_ =	sfence.sel $0xFFFF  }
0xc1: {  	[dreg:$0x0] =	wrdreg $0xFFFFFFFF;
	(pc) =	sbr.abs _section_cstart, $3  }
0xc2: {  	[dreg:$0x1] =	wrdreg $0xFFFFFFFF  }
0xc3: {  	_ =	task.clear_ibuf [dreg:s7], $0x2FFFF;
	_ =	strace $0x9FFFFFFF  }
0xc4: {  	(tm) =	ssettm $0x7FFFFFFF  }
0xc5: {  	_ =	shalt  }
tec
execute0_lowered:
.L_overlay_start_1:
0x0: {  	(tag) =	ssettag $0x1  }
0x1: {  	s0 =	rddreg [dreg:$0x0]  }
0x2: {  	s3 =	rddreg [dreg:$0x1]  }
0x3: {  	s1 =	rddreg [dreg:$0x2]  }
0x4: {  	s2 =	rddreg [dreg:$0x3];
	s4 =	simm.s32 $0x0;
	s5 =	srdreg.scid  }
0x5: {  	s14 =	stileid.u32;
	s28 =	simm.s32 $0x80;
	s29 =	simm.s32 $0x8A00  }
0x6: {  	s30 =	simm.s32 $0x9A00;
	s31 =	simm.s32 $0x3;
	s9 =	smul.u32 $0x2720, s14  }
0x7: {  	[smem:$0x7FF] =	sst s4;
	s10 =	sand.u32 $0x1, s5;
	s12 =	smul.u32 $0x272, s14  }
0x8: {  	s18 =	sshll.u32 s14, $0x1;
	s5 =	sadd.s32 $0x2400, s0;
	s14 =	smul.u32 $0x4E40, s14  }
0x9: {  	s6 =	sadd.s32 $0x20C00, s0;
	_ =	strace $0x8000004D;
	s8 =	smul.u32 $0x28000, s10  }
0xa: {  	s7 =	sor.u32 s10, s18;
	s13 =	ssub.s32 $0x2, s10;
	s10 =	smul.u32 $0x50000, s10  }
0xb: {  	s11 =	smul.u32 $0x520, s7;
	s7 =	sadd.s32 $0x7400, s0;
	s19 =	sshrl.u32 s13, $0x1  }
0xc: {  	s15 =	sadd.s32 $0x80, s12;
	s20 =	sadd.s32 $0x100, s12;
	s17 =	sadd.s32 $0x180, s12  }
0xd: {  	s12 =	sadd.s32 $0x200, s12;
	s8 =	sadd.s32 s9, s8;
	s13 =	ssub.s32 s13, s19  }
0xe: {  	s9 =	sadd.s32 s9, s2;
	s16 =	sshll.u32 s15, $0x5;
	s15 =	sshll.u32 s15, $0x4  }
0xf: {  	s21 =	sshll.u32 s20, $0x5;
	s22 =	sshll.u32 s17, $0x5;
	s23 =	sshll.u32 s17, $0x4  }
0x10: {  	s25 =	sshll.u32 s12, $0x5;
	s12 =	sshll.u32 s12, $0x4;
	s10 =	sadd.s32 s14, s10  }
0x11: {  	s8 =	sshrl.u32 s8, $0x3;
	s11 =	sadd.s32 s11, s0;
	s16 =	sadd.s32 s16, s1  }
0x12: {  	s15 =	sadd.s32 s15, s2;
	s24 =	sadd.s32 s23, s2;
	s12 =	sadd.s32 s12, s2  }
0x13: {  	s10 =	sshrl.u32 s10, $0x3;
	s23 =	simm.s32 $0x7200;
	[dreg:$0x5] =	wrdreg s16  }
0x14: {  	s0 =	sadd.s32 s8, s0;
	s8 =	sadd.s32 s14, s1;
	[dreg:$0x6] =	wrdreg s15  }
0x15: {  	s15 =	sshll.u32 s20, $0x4;
	s16 =	sadd.s32 s21, s1;
	[dreg:$0xa] =	wrdreg s24  }
0x16: {  	[dreg:$0xc] =	wrdreg s12;
	s26 =	sadd.s32 $0x16800, s11;
	s11 =	sadd.s32 $0xC400, s11  }
0x17: {  	s20 =	sadd.s32 s3, s10;
	s24 =	simm.s32 $0x5;
	[dreg:$0x7] =	wrdreg s16  }
0x18: {  	s3 =	simm.s32 $0x1;
	s10 =	simm.s32 $0xA200;
	[dreg:$0xd] =	wrdreg s26  }
0x19: {  	s12 =	simm.s32 $0x2;
	s15 =	sadd.s32 s15, s2;
	[dreg:$0xe] =	wrdreg s11  }
0x1a: {  	s21 =	sadd.s32 $0x25C00, s0;
	s26 =	simm.s32 $0x2900;
	s0 =	simm.s32 $0x8200  }
0x1b: {  	s11 =	simm.s32 $0x9200;
	[dreg:$0x8] =	wrdreg s15;
	s15 =	sadd.s32 s22, s1  }
0x1c: {  	s22 =	smax.u32 s13, $0x1;
	[dreg:$0x9] =	wrdreg s15;
	s15 =	sadd.s32 s25, s1  }
0x1d: {  	v0 =	vimm.f32 $0.0e+00;
	v1 =	vimm.s32 $0x0;
	s13 =	simm.s32 $0x4;
	s25 =	simm.s32 $0x6200;
	[dreg:$0xb] =	wrdreg s15  }
.LBB2_1:
0x1e: {  	s14 =	simm.s32 $0x7210  }
0x1f: {  	[tilespmem:s14+$0xFFFFFFF0] =	vst v0  }
0x20: {  	s15 =	simm.s32 $0x40;
	s16 =	simm.s32 $0x0;
	[tilespmem:s14+$0x0] =	vst v0  }
.LBB2_2:
0x21: {  	p0 =	sne.s32 s15, $0x1FC0  }
0x22: {  	[tilespmem:s16+$0x6200] =	vst v0;
	s14 =	sadd.s32 $0x20, s14;
	s16 =	smov.u32 s15;
	s15 =	sadd.s32 $0x40, s15  }
.Ltmp0:
0x23: {  	[tilespmem:s14+$0xFFFFFFF0] =	vst v0;
	(pc) =	sbr.rel @p0 .LBB2_2-.Ltmp0, $2  }
0x24: {  	_ =	sdelay $0x2  }
0x25: {  	s16 =	sshra.s32 s16, $0x2;
	[tilespmem:s14+$0x0] =	vst v0  }
0x26: {  	[tilespmem:s16+$0x6200] =	vst v0  }
0x27: {  	[spmem:s8] =	stream.linear.scatter [tilespmem:s23], [sflag:$0x5], $0x1000, $0x38;
	[tilespmem:$0x12760] =	vst v63  }
0x28: {  	_ =	swait.ge [sflag:s24], $0x1000  }
0x29: {  	[sflag:s24] =	ssyncset.done $0x0  }
0x2a: {  	[sflag:s24] =	ssyncadd.s32 $0xFFFFF000  }
0x2b: {  	[spmem:s9] =	stream.linear.scatter [tilespmem:s25], [sflag:$0x5], $0x800, $0x38;
	[tilespmem:$0x12760] =	vst v63  }
0x2c: {  	_ =	swait.ge [sflag:s24], $0x800  }
0x2d: {  	[sflag:s24] =	ssyncset.done $0x0  }
0x2e: {  	s14 =	rddreg [dreg:$0x5];
	[sflag:s24] =	ssyncadd.s32 $0xFFFFF800  }
0x2f: {  	[spmem:s14] =	stream.linear.scatter [tilespmem:s23], [sflag:$0x5], $0x1000, $0x38;
	[tilespmem:$0x12760] =	vst v63  }
0x30: {  	_ =	swait.ge [sflag:s24], $0x1000  }
0x31: {  	[sflag:s24] =	ssyncset.done $0x0  }
0x32: {  	s19 =	rddreg [dreg:$0x6];
	[sflag:s24] =	ssyncadd.s32 $0xFFFFF000  }
0x33: {  	[spmem:s19] =	stream.linear.scatter [tilespmem:s25], [sflag:$0x5], $0x800, $0x38;
	[tilespmem:$0x12760] =	vst v63  }
0x34: {  	_ =	swait.ge [sflag:s24], $0x800  }
0x35: {  	[sflag:s24] =	ssyncset.done $0x0  }
0x36: {  	s15 =	rddreg [dreg:$0x7];
	[sflag:s24] =	ssyncadd.s32 $0xFFFFF800  }
0x37: {  	[spmem:s15] =	stream.linear.scatter [tilespmem:s23], [sflag:$0x5], $0x1000, $0x38;
	[tilespmem:$0x12760] =	vst v63  }
0x38: {  	_ =	swait.ge [sflag:s24], $0x1000  }
0x39: {  	[sflag:s24] =	ssyncset.done $0x0  }
0x3a: {  	s16 =	rddreg [dreg:$0x8];
	[sflag:s24] =	ssyncadd.s32 $0xFFFFF000  }
0x3b: {  	[spmem:s16] =	stream.linear.scatter [tilespmem:s25], [sflag:$0x5], $0x800, $0x38;
	[tilespmem:$0x12760] =	vst v63  }
0x3c: {  	_ =	swait.ge [sflag:s24], $0x800  }
0x3d: {  	[sflag:s24] =	ssyncset.done $0x0  }
0x3e: {  	s17 =	rddreg [dreg:$0x9];
	[sflag:s24] =	ssyncadd.s32 $0xFFFFF800  }
0x3f: {  	[spmem:s17] =	stream.linear.scatter [tilespmem:s23], [sflag:$0x5], $0x1000, $0x38;
	[tilespmem:$0x12760] =	vst v63  }
0x40: {  	_ =	swait.ge [sflag:s24], $0x1000  }
0x41: {  	[sflag:s24] =	ssyncset.done $0x0  }
0x42: {  	s18 =	rddreg [dreg:$0xa];
	[sflag:s24] =	ssyncadd.s32 $0xFFFFF000  }
0x43: {  	[spmem:s18] =	stream.linear.scatter [tilespmem:s25], [sflag:$0x5], $0x800, $0x38;
	[tilespmem:$0x12760] =	vst v63  }
0x44: {  	_ =	swait.ge [sflag:s24], $0x800  }
0x45: {  	[sflag:s24] =	ssyncset.done $0x0  }
0x46: {  	s19 =	rddreg [dreg:$0xb];
	[sflag:s24] =	ssyncadd.s32 $0xFFFFF800  }
0x47: {  	[spmem:s19] =	stream.linear.scatter [tilespmem:s23], [sflag:$0x5], $0xE40, $0x38;
	[tilespmem:$0x12760] =	vst v63  }
0x48: {  	_ =	swait.ge [sflag:s24], $0xE40  }
0x49: {  	[sflag:s24] =	ssyncset.done $0x0  }
0x4a: {  	s15 =	rddreg [dreg:$0xc];
	[sflag:s24] =	ssyncadd.s32 $0xFFFFF1C0  }
0x4b: {  	[spmem:s15] =	stream.linear.scatter [tilespmem:s25], [sflag:$0x5], $0x720, $0x38;
	[tilespmem:$0x12760] =	vst v63  }
0x4c: {  	_ =	swait.ge [sflag:s24], $0x720  }
0x4d: {  	[sflag:s24] =	ssyncset.done $0x0  }
0x4e: {  	[sflag:s24] =	ssyncadd.s32 $0xFFFFF8E0  }
0x4f: {  	[bflag:$0x0] =	sbarrier.arrive $0xFFFF  }
0x50: {  	s14 =	simm.s32 $0x0;
	s15 =	rddreg [dreg:$0xd]  }
0x51: {  	[tilespmem:s14], [sflag:$0x5] =	stream.linear.gather [hbm4b:s15+s14], $0x2900, $0x38;
	[tilespmem:$0x12760] =	vst v63  }
0x52: {  	_ =	swait.ge [sflag:s24], $0x2900  }
0x53: {  	[sflag:s24] =	ssyncset.done $0x0  }
0x54: {  	s16 =	rddreg [dreg:$0xe];
	[sflag:s24] =	ssyncadd.s32 $0xFFFFD700  }
0x55: {  	[tilespmem:s26], [sflag:$0x5] =	stream.linear.gather [hbm4b:s16+s14], $0x2900, $0x38;
	[tilespmem:$0x12760] =	vst v63  }
0x56: {  	_ =	swait.ge [sflag:s24], $0x2900  }
0x57: {  	[sflag:s24] =	ssyncset.done $0x0  }
0x58: {  	s17 =	simm.s32 $0x5200;
	[sflag:s24] =	ssyncadd.s32 $0xFFFFD700  }
0x59: {  	[tilespmem:s17], [sflag:$0x1] =	stream.indirect.gather [hbm4b:s6+s28], $0x10, s14, s28, $0xb8;
	[tilespmem:$0x12760] =	vst v63  }
0x5a: {  	s18 =	simm.s32 $0x5A00  }
0x5b: {  	[tilespmem:s18], [sflag:$0x1] =	stream.indirect.gather [hbm4b:s7+s28], $0x10, s26, s28, $0xb8;
	[tilespmem:$0x12760] =	vst v63  }
0x5c: {  	s19 =	simm.s32 $0x6A00  }
0x5d: {  	[tilespmem:s19], [sflag:$0x1] =	stream.indirect.gather [hbm4b:s5+s28], $0x10, s14, s28, $0xb8;
	[tilespmem:$0x12760] =	vst v63  }
.LBB2_4:
0x5e: {  	s16 =	sshll.u32 s14, $0x8  }
0x5f: {  	s17 =	sor.u32 $0x80, s16  }
0x60: {  	[tilespmem:s0], [sflag:$0x3] =	stream.indirect.gather [hbm4b:s6+s28], $0x10, s17, s28, $0xb8;
	[tilespmem:$0x12760] =	vst v63  }
0x61: {  	s15 =	sadd.s32 $0x2980, s16  }
0x62: {  	[tilespmem:s29], [sflag:$0x3] =	stream.indirect.gather [hbm4b:s7+s28], $0x10, s15, s28, $0xb8;
	[tilespmem:$0x12760] =	vst v63  }
0x63: {  	p0 =	seq.s32 s14, $0x0  }
0x64: {  	[tilespmem:s30], [sflag:$0x3] =	stream.indirect.gather [hbm4b:s5+s28], $0x10, s17, s28, $0xb8;
	[tilespmem:$0x12760] =	vst v63  }
0x65: {  	s17 =	simm.s32 @!p0 $0x2  }
0x66: {  	_ =	swait.ge @!p0 [sflag:s17], $0x1000  }
0x67: {  	[sflag:s17] =	ssyncset.done @!p0 $0x0  }
0x68: {  	[sflag:s17] =	ssyncadd.s32 @!p0 $0xFFFFF000  }
0x69: {  	_ =	swait.ge @!p0 [sflag:s17], $0x800  }
0x6a: {  	[sflag:s17] =	ssyncset.done @!p0 $0x0  }
0x6b: {  	[sflag:s17] =	ssyncadd.s32 @!p0 $0xFFFFF800  }
0x6c: {  	_ =	swait.ge [sflag:s3], $0x800  }
0x6d: {  	[sflag:s3] =	ssyncset.done $0x0  }
0x6e: {  	[sflag:s3] =	ssyncadd.s32 $0xFFFFF800  }
0x6f: {  	_ =	swait.ge [sflag:s3], $0x800  }
0x70: {  	[sflag:s3] =	ssyncset.done $0x0  }
0x71: {  	[sflag:s3] =	ssyncadd.s32 $0xFFFFF800  }
0x72: {  	_ =	swait.ge [sflag:s3], $0x800  }
0x73: {  	[sflag:s3] =	ssyncset.done $0x0  }
0x74: {  	s18 =	simm.s32 $0x0;
	[sflag:s3] =	ssyncadd.s32 $0xFFFFF800  }
0x75: {  	v2 =	vld [tilespmem:s18+$0x5A00]  }
0x76: {  	v3 =	vld [tilespmem:s18+$0x5200];
	_ =	sdelay $0x4  }
0x77: {  	v2 =	vadd.f32 v2, v3;
	_ =	sdelay $0x1  }
0x78: {  	v3 =	vmul.f32 $2.000000030e-01, v2;
	_ =	sdelay $0x1  }
0x79: {  	v2 =	vmax.f32 v2, v3  }
0x7a: {  	v2 =	vmul.f32 $1.442695020e+00, v2;
	_ =	sdelay $0x1  }
0x7b: {  	(erf) = vpow2.f32 v2;
	_ =	sdelay $0x5  }
0x7c: {  	v2 =	vld [tilespmem:s18+$0x6A00];
	_ =	sdelay $0x2  }
0x7d: {  	v3 =	vpop (erf)  }
0x7e: {  	v4 =	vperm.xlane v3, v1  }
0x7f: {  	v5 =	vand.u32 $0xFFFF0000, v2  }
0x80: {  	v2 =	vshll.u32 v2, $0x10;
	v5 =	vmul.f32 v5, v4  }
0x81: {  	s17 =	simm.s32 $0x7210;
	[tilespmem:s18+$0x6200] =	vst v3;
	v2 =	vmul.f32 v2, v4  }
0x82: {  	[tilespmem:s17+$0x0] =	vst v5  }
0x83: {  	s18 =	simm.s32 $0x10;
	[tilespmem:s17+$0xFFFFFFF0] =	vst v2  }
0x84: {  	s19 =	simm.s32 $0x80;
	v2 =	vld [tilespmem:s18+$0x5A00]  }
.LBB2_5:
0x85: {  	p0 =	sne.s32 s19, $0x1FC0;
	v3 =	vld [tilespmem:s18+$0x5200];
	_ =	sdelay $0x4  }
0x86: {  	v2 =	vadd.f32 v2, v3;
	_ =	sdelay $0x1  }
0x87: {  	v3 =	vmul.f32 $2.000000030e-01, v2;
	_ =	sdelay $0x1  }
0x88: {  	v2 =	vmax.f32 v2, v3  }
0x89: {  	v2 =	vmul.f32 $1.442695020e+00, v2;
	_ =	sdelay $0x1  }
0x8a: {  	(erf) = vpow2.f32 v2;
	_ =	sdelay $0x5  }
0x8b: {  	v2 =	vld [tilespmem:s18+$0x6A00];
	_ =	sdelay $0x2  }
0x8c: {  	v3 =	vpop (erf)  }
0x8d: {  	v4 =	vperm.xlane v3, v1  }
0x8e: {  	v5 =	vshll.u32 v2, $0x10;
	v2 =	vand.u32 $0xFFFF0000, v2  }
.Ltmp1:
0x8f: {  	v5 =	vmul.f32 v5, v4;
	v2 =	vmul.f32 v2, v4;
	(pc) =	sbr.rel @p0 .LBB2_5-.Ltmp1, $4  }
0x90: {  	s17 =	sadd.s32 $0x20, s17;
	[tilespmem:s18+$0x6200] =	vst v3  }
0x91: {  	[tilespmem:s17+$0x0] =	vst v2  }
0x92: {  	s18 =	sshra.s32 s19, $0x2;
	[tilespmem:s17+$0xFFFFFFF0] =	vst v5  }
0x93: {  	s19 =	sadd.s32 $0x40, s19;
	v2 =	vld [tilespmem:s18+$0x5A00]  }
0x94: {  	v3 =	vld [tilespmem:s18+$0x5200];
	_ =	sdelay $0x4  }
0x95: {  	v2 =	vadd.f32 v2, v3;
	_ =	sdelay $0x1  }
0x96: {  	v3 =	vmul.f32 $2.000000030e-01, v2;
	_ =	sdelay $0x1  }
0x97: {  	v2 =	vmax.f32 v2, v3  }
0x98: {  	v2 =	vmul.f32 $1.442695020e+00, v2;
	_ =	sdelay $0x1  }
0x99: {  	(erf) = vpow2.f32 v2;
	_ =	sdelay $0x5  }
0x9a: {  	v2 =	vld [tilespmem:s18+$0x6A00];
	_ =	sdelay $0x2  }
0x9b: {  	v3 =	vpop (erf)  }
0x9c: {  	v4 =	vperm.xlane v3, v1  }
0x9d: {  	v5 =	vand.u32 $0xFFFF0000, v2  }
0x9e: {  	v2 =	vshll.u32 v2, $0x10;
	v5 =	vmul.f32 v5, v4  }
0x9f: {  	s17 =	sadd.s32 $0x20, s17;
	[tilespmem:s18+$0x6200] =	vst v3;
	v2 =	vmul.f32 v2, v4  }
0xa0: {  	s19 =	sand.u32 $0x3FFFFF00, s16;
	[tilespmem:s17+$0x0] =	vst v5  }
0xa1: {  	s18 =	sadd.s32 $0x2900, s19;
	[tilespmem:s17+$0xFFFFFFF0] =	vst v2  }
0xa2: {  	[spmem:s1] =	stream.indirect.scatter.add.f32 [tilespmem:s23], [sflag:$0x2], $0x20, s18, s28, $0xb8;
	[tilespmem:$0x12760] =	vst v63  }
0xa3: {  	p0 =	seq.s32 s14, $0x28  }
0xa4: {  	[spmem:s2] =	stream.indirect.scatter.add.f32 [tilespmem:s25], [sflag:$0x2], $0x10, s18, s28, $0xb8;
	[tilespmem:$0x12760] =	vst v63  }
0xa5: {  	s19 =	simm.s32 @!p0 $0x5200;
	s17 =	sadd.s32 @!p0 $0x100, s16;
	s18 =	simm.s32 @!p0 $0x80  }
0xa6: {  	[tilespmem:s19], [sflag:$0x1] =	stream.indirect.gather @!p0 [hbm4b:s6+s18], $0x10, s17, s18, $0xb8;
	[tilespmem:$0x12760] =	vst v63  }
0xa7: {  	s16 =	sadd.s32 @!p0 $0x2A00, s16;
	s19 =	simm.s32 @!p0 $0x5A00  }
0xa8: {  	[tilespmem:s19], [sflag:$0x1] =	stream.indirect.gather @!p0 [hbm4b:s7+s18], $0x10, s16, s18, $0xb8;
	[tilespmem:$0x12760] =	vst v63  }
0xa9: {  	p1 =	seq.s32 @!p0 s14, $0x0;
	s16 =	simm.s32 @!p0 $0x6A00  }
0xaa: {  	[tilespmem:s16], [sflag:$0x1] =	stream.indirect.gather @!p0 [hbm4b:s5+s18], $0x10, s17, s18, $0xb8;
	[tilespmem:$0x12760] =	vst v63  }
0xab: {  	p0 =	por p0, !p1  }
0xac: {  	_ =	swait.ge @p0 [sflag:s13], $0x1000  }
0xad: {  	[sflag:s13] =	ssyncset.done @p0 $0x0  }
0xae: {  	[sflag:s13] =	ssyncadd.s32 @p0 $0xFFFFF000  }
0xaf: {  	_ =	swait.ge @p0 [sflag:s13], $0x800  }
0xb0: {  	[sflag:s13] =	ssyncset.done @p0 $0x0  }
0xb1: {  	[sflag:s13] =	ssyncadd.s32 @p0 $0xFFFFF800  }
0xb2: {  	_ =	swait.ge [sflag:s31], $0x800  }
0xb3: {  	[sflag:s31] =	ssyncset.done $0x0  }
0xb4: {  	[sflag:s31] =	ssyncadd.s32 $0xFFFFF800  }
0xb5: {  	_ =	swait.ge [sflag:s31], $0x800  }
0xb6: {  	[sflag:s31] =	ssyncset.done $0x0  }
0xb7: {  	[sflag:s31] =	ssyncadd.s32 $0xFFFFF800  }
0xb8: {  	_ =	swait.ge [sflag:s31], $0x800  }
0xb9: {  	[sflag:s31] =	ssyncset.done $0x0  }
0xba: {  	s19 =	simm.s32 $0x0;
	[sflag:s31] =	ssyncadd.s32 $0xFFFFF800  }
0xbb: {  	v2 =	vld [tilespmem:s19+$0x8A00]  }
0xbc: {  	v3 =	vld [tilespmem:s19+$0x8200];
	_ =	sdelay $0x4  }
0xbd: {  	v2 =	vadd.f32 v2, v3;
	_ =	sdelay $0x1  }
0xbe: {  	v3 =	vmul.f32 $2.000000030e-01, v2;
	_ =	sdelay $0x1  }
0xbf: {  	v2 =	vmax.f32 v2, v3  }
0xc0: {  	v2 =	vmul.f32 $1.442695020e+00, v2;
	_ =	sdelay $0x1  }
0xc1: {  	(erf) = vpow2.f32 v2;
	_ =	sdelay $0x5  }
0xc2: {  	v2 =	vld [tilespmem:s19+$0x9A00];
	_ =	sdelay $0x2  }
0xc3: {  	v3 =	vpop (erf)  }
0xc4: {  	v62 =	vperm.xlane v3, v1  }
0xc5: {  	v63 =	vand.u32 $0xFFFF0000, v2  }
0xc6: {  	v2 =	vshll.u32 v2, $0x10;
	v5 =	vmul.f32 v63, v62  }
0xc7: {  	s16 =	simm.s32 $0xA210;
	[tilespmem:s19+$0x9200] =	vst v3;
	v2 =	vmul.f32 v2, v62  }
0xc8: {  	[tilespmem:s16+$0x0] =	vst v5  }
0xc9: {  	s17 =	simm.s32 $0x10;
	[tilespmem:s16+$0xFFFFFFF0] =	vst v2  }
0xca: {  	s18 =	simm.s32 $0x80;
	v2 =	vld [tilespmem:s17+$0x8A00]  }
.LBB2_7:
0xcb: {  	p0 =	sne.s32 s18, $0x1FC0;
	v3 =	vld [tilespmem:s17+$0x8200];
	_ =	sdelay $0x4  }
0xcc: {  	v2 =	vadd.f32 v2, v3;
	_ =	sdelay $0x1  }
0xcd: {  	v3 =	vmul.f32 $2.000000030e-01, v2;
	_ =	sdelay $0x1  }
0xce: {  	v2 =	vmax.f32 v2, v3  }
0xcf: {  	v2 =	vmul.f32 $1.442695020e+00, v2;
	_ =	sdelay $0x1  }
0xd0: {  	(erf) = vpow2.f32 v2;
	_ =	sdelay $0x5  }
0xd1: {  	v2 =	vld [tilespmem:s17+$0x9A00];
	_ =	sdelay $0x2  }
0xd2: {  	v3 =	vpop (erf)  }
0xd3: {  	v4 =	vperm.xlane v3, v1  }
0xd4: {  	v5 =	vshll.u32 v2, $0x10;
	v2 =	vand.u32 $0xFFFF0000, v2  }
.Ltmp2:
0xd5: {  	v5 =	vmul.f32 v5, v4;
	v2 =	vmul.f32 v2, v4;
	(pc) =	sbr.rel @p0 .LBB2_7-.Ltmp2, $4  }
0xd6: {  	s16 =	sadd.s32 $0x20, s16;
	[tilespmem:s17+$0x9200] =	vst v3  }
0xd7: {  	[tilespmem:s16+$0x0] =	vst v2  }
0xd8: {  	s17 =	sshra.s32 s18, $0x2;
	[tilespmem:s16+$0xFFFFFFF0] =	vst v5  }
0xd9: {  	s18 =	sadd.s32 $0x40, s18;
	v2 =	vld [tilespmem:s17+$0x8A00]  }
0xda: {  	v3 =	vld [tilespmem:s17+$0x8200];
	_ =	sdelay $0x4  }
0xdb: {  	v2 =	vadd.f32 v2, v3;
	_ =	sdelay $0x1  }
0xdc: {  	v3 =	vmul.f32 $2.000000030e-01, v2;
	_ =	sdelay $0x1  }
0xdd: {  	v2 =	vmax.f32 v2, v3  }
0xde: {  	v2 =	vmul.f32 $1.442695020e+00, v2;
	_ =	sdelay $0x1  }
0xdf: {  	(erf) = vpow2.f32 v2;
	_ =	sdelay $0x5  }
0xe0: {  	v2 =	vld [tilespmem:s17+$0x9A00];
	_ =	sdelay $0x2  }
0xe1: {  	v3 =	vpop (erf)  }
0xe2: {  	v4 =	vperm.xlane v3, v1  }
0xe3: {  	v5 =	vand.u32 $0xFFFF0000, v2  }
0xe4: {  	s14 =	sadd.s32 $0x1, s14;
	v2 =	vshll.u32 v2, $0x10;
	v5 =	vmul.f32 v5, v4  }
0xe5: {  	s16 =	sadd.s32 $0x20, s16;
	p0 =	sne.s32 s14, $0x29;
	[tilespmem:s17+$0x9200] =	vst v3;
	v2 =	vmul.f32 v2, v4  }
.Ltmp3:
0xe6: {  	[tilespmem:s16+$0x0] =	vst v5;
	(pc) =	sbr.rel @p0 .LBB2_4-.Ltmp3, $4  }
0xe7: {  	[tilespmem:s16+$0xFFFFFFF0] =	vst v2  }
0xe8: {  	[spmem:s1] =	stream.indirect.scatter.add.f32 [tilespmem:s10], [sflag:$0x4], $0x20, s15, s28, $0xb8;
	[tilespmem:$0x12760] =	vst v63  }
0xe9: {  	_ = 	snop  }
0xea: {  	[spmem:s2] =	stream.indirect.scatter.add.f32 [tilespmem:s11], [sflag:$0x4], $0x10, s15, s28, $0xb8;
	[tilespmem:$0x12760] =	vst v63  }
0xeb: {  	_ =	swait.ge [sflag:s12], $0x1000  }
0xec: {  	[sflag:s12] =	ssyncset.done $0x0  }
0xed: {  	[sflag:s12] =	ssyncadd.s32 $0xFFFFF000  }
0xee: {  	_ =	swait.ge [sflag:s12], $0x800  }
0xef: {  	[sflag:s12] =	ssyncset.done $0x0  }
0xf0: {  	[sflag:s12] =	ssyncadd.s32 $0xFFFFF800  }
0xf1: {  	_ =	swait.ge [sflag:s13], $0x1000  }
0xf2: {  	[sflag:s13] =	ssyncset.done $0x0  }
0xf3: {  	[sflag:s13] =	ssyncadd.s32 $0xFFFFF000  }
0xf4: {  	_ =	swait.ge [sflag:s13], $0x800  }
0xf5: {  	s14 =	stileid.u32;
	[sflag:s13] =	ssyncset.done $0x0  }
0xf6: {  	s14 =	sshll.u32 s14, $0x6;
	[sflag:s13] =	ssyncadd.s32 $0xFFFFF800  }
0xf7: {  	s15 =	sshrl.u32 s8, $0x3;
	s14 =	sor.u32 $0x1C05, s14;
	[bflag:$0x0] =	sbarrier.arrive $0xFFFF  }
0xf8: {  	[hbm:s20], [sflag:s14] =	dma.local [spmem:s15], $0x9C8  }
0xf9: {  	s4 =	sadd.s32 $0x1, s4;
	_ =	swait.ge [sflag:s24], $0x9C8  }
0xfa: {  	p0 =	sne.s32 s4, s22;
	[sflag:s24] =	ssyncset.done $0x0  }
.Ltmp4:
0xfb: {  	s19 =	sshrl.u32 s9, $0x3;
	[sflag:s24] =	ssyncadd.s32 $0xFFFFF638;
	(pc) =	sbr.rel @p0 .LBB2_1-.Ltmp4, $4  }
0xfc: {  	[hbm:s21], [sflag:s14] =	dma.local [spmem:s19], $0x4E4  }
0xfd: {  	_ =	swait.ge [sflag:s24], $0x4E4  }
0xfe: {  	[sflag:s24] =	ssyncset.done $0x0  }
0xff: {  	[sflag:s24] =	ssyncadd.s32 $0xFFFFFB1C  }
0x100: {  	_ =	sfence.sel $0x180000  }
0x101: {  	[bflag:$0x0] =	sbarrier.arrive $0xFFFF  }
0x102: {  	_ =	strace $0x9000004D  }
0x103: {  	s0 =	stileid.u32;
	[bflag:$0x2] =	sbarrier.arrive $0xFFFF  }
0x104: {  	p0 =	sne.s32 s0, $0x0;
	s0 =	rddreg [dreg:$0x4]  }
0x105: {  	s0 =	sadd.s32 @!p0 $0x100000, s0  }
0x106: {  	[sflag:s0] =	ssyncadd.tile.s32 @!p0 $0x1;
	_ =	shalt  }
.Lfunc_end2:
_tile_overlayer_lowered:
.L_overlay_start_2:
0x107: {  	(tag) =	ssettag $0x2  }
0x108: {  	s0 =	rddreg [dreg:$0x0];
	s2 =	stileid.u32  }
0x109: {  	s1 =	rddreg [dreg:$0x1];
	p0 =	sne.s32 s2, $0x0  }
0x10a: {  	s3 =	rddreg [dreg:$0x2];
	[bflag:$0x3] =	sbarrier.arrive $0xFFFF;
	s2 =	simm.s32 @!p0 $0x1C05  }
0x10b: {  	[timem:s3], [sflag:s2] =	dma.local @!p0 [hbm:s0], s1  }
0x10c: {  	s0 =	simm.s32 @!p0 $0x5  }
0x10d: {  	_ =	swait.ge @!p0 [sflag:s0], s1  }
0x10e: {  	s1 =	ssub.s32 @!p0 $0x0, s1;
	[sflag:s0] =	ssyncset.done @!p0 $0x0  }
0x10f: {  	[sflag:s0] =	ssyncadd.s32 @!p0 s1  }
0x110: {  	[bflag:$0x3] =	sbarrier.arrive $0xFFFF  }
0x111: {  	_ =	shalt  }

// kernel: kernel.8.cloned.1.call-start
scs
__scs_entry_jumppad:
0x0: {  	(pc) =	sbr.rel $0x88, $3  }
0x1: {  	(tag) =	ssettag $0x0;
	lr =	simm.s32 $0x1  }
0x2: {  	[smem:$0x3F95] =	sst lr;
	_ =	strace $0xD0000000  }
0x3: {  	_ = 	snop  }
0x4: {  	_ = 	snop  }
0x5: {  	_ = 	snop  }
0x6: {  	_ = 	snop  }
0x7: {  	_ = 	snop  }
__scs_overlays_trampoline_lowered:
0x8: {  	[smem:$0x3FA4] =	sst s0  }
0x9: {  	[smem:$0x3FA5] =	sst s1  }
0xa: {  	[smem:$0x3FA6] =	sst s2  }
0xb: {  	[smem:$0x3FA7] =	sst s3  }
0xc: {  	[smem:$0x3FA8] =	sst s4  }
0xd: {  	[smem:$0x3FA9] =	sst s5  }
0xe: {  	[smem:$0x3FAA] =	sst s6  }
0xf: {  	[smem:$0x3FAB] =	sst s7  }
0x10: {  	[smem:$0x3FAC] =	sst s8  }
0x11: {  	[smem:$0x3FAD] =	sst s9;
	s0 =	simm.s32 @!p0 $0x0  }
0x12: {  	s1 =	sld [smem:$0x3F93];
	s0 =	simm.s32 @p0 $0x1  }
0x13: {  	[smem:$0x3FAE] =	sst s0;
	s0 =	simm.s32 @!p1 $0x0  }
0x14: {  	s2 =	sld [smem:$0x3F92];
	s0 =	simm.s32 @p1 $0x1  }
0x15: {  	[smem:$0x3FAF] =	sst s0;
	s0 =	simm.s32 @!p2 $0x0  }
0x16: {  	s3 =	sld [smem:$0x3FDB];
	s0 =	simm.s32 @p2 $0x1  }
0x17: {  	s4 =	simm.s32 $0x1BF5;
	[smem:$0x3FB1] =	sst s0  }
0x18: {  	s0 =	sld [smem:$0x3F94];
	_ =	swait.ge [sflag:s4], $0x0  }
0x19: {  	s7 =	sld [smem:$0x3F95]  }
0x1a: {  	s8 =	sadd.s32 $0xFFFFE003, lr  }
0x1b: {  	s9 =	sadd.s32 $0xFFFFFEF7, lr;
	s5 =	simm.s32 $0xFFFFFFFF;
	p2 =	slt.u32 s8, $0xFFFFF086  }
0x1c: {  	p1 =	slt.u32 s9, $0xF7A;
	s5 =	simm.s32 @!p2 $0x0  }
0x1d: {  	s5 =	simm.s32 @p1 $0x1;
	p0 =	seq.s32 s7, s2  }
0x1e: {  	s7 =	smul.u32 @!p0 $0xF7A, s2;
	p2 =	seq.s32 @!p0 s5, $0x0  }
0x1f: {  	s9 =	smul.u32 $0xF7A, s1;
	s8 =	simm.s32 @!p0 $0x1BF5;
	p2 =	por !p2, p0  }
0x20: {  	[sflag:s8] =	ssyncset.s32 @!p0 $0xFFFFF086;
	s6 =	sadd.s32 @!p0 s3, s7;
	s7 =	simm.s32 @!p0 $0x108  }
0x21: {  	s3 =	sadd.s32 s3, s9;
	s6 =	sadd.s32 @!p0 $0x88, s6;
	s7 =	simm.s32 @p2 $0x1082  }
0x22: {  	[simem:s7], [sflag:s8] =	dma.local @!p0 [hbm:s6], $0xF7A  }
0x23: {  	s9 =	sor.u32 $0xD0000000, s2;
	s6 =	simm.s32 $0x108;
	_ =	swait.ge @!p0 [sflag:s8], $0x0  }
0x24: {  	s3 =	sadd.s32 $0x88, s3;
	s6 =	simm.s32 @!p1 $0x1082;
	[sflag:s4] =	ssyncset.s32 $0xFFFFF086  }
0x25: {  	[simem:s6], [sflag:s4] =	dma.local [hbm:s3], $0xF7A  }
0x26: {  	[smem:$0x3F95] =	sst s1;
	(tag) =	ssettag s2;
	_ =	strace s9  }
0x27: {  	s1 =	sld [smem:$0x3FA5]  }
0x28: {  	s2 =	sld [smem:$0x3FA6]  }
0x29: {  	s4 =	sld [smem:$0x3FA8]  }
0x2a: {  	p0 =	seq.s32 s5, $0x0;
	s5 =	sld [smem:$0x3FA9]  }
0x2b: {  	s6 =	sld [smem:$0x3FAA]  }
0x2c: {  	s7 =	sld [smem:$0x3FAB]  }
0x2d: {  	s3 =	simm.s32 $0x108;
	s8 =	sld [smem:$0x3FAC]  }
0x2e: {  	s3 =	simm.s32 @!p0 $0x1082;
	s9 =	sld [smem:$0x3FAD]  }
0x2f: {  	lr =	sadd.s32 s0, s3;
	s0 =	sld [smem:$0x3FA4]  }
0x30: {  	s3 =	sld [smem:$0x3FA7]  }
0x31: {  	[smem:$0x3FB0] =	sst s10  }
0x32: {  	s10 =	sld [smem:$0x3FAE];
	_ =	sdelay $0x3  }
0x33: {  	p0 =	seq.s32 s10, $0x1;
	s10 =	sld [smem:$0x3FB0];
	_ =	sdelay $0x3  }
0x34: {  	[smem:$0x3FB0] =	sst s10  }
0x35: {  	s10 =	sld [smem:$0x3FAF];
	_ =	sdelay $0x3  }
0x36: {  	p1 =	seq.s32 s10, $0x1;
	s10 =	sld [smem:$0x3FB0];
	_ =	sdelay $0x3  }
0x37: {  	[smem:$0x3FB0] =	sst s10  }
0x38: {  	s10 =	sld [smem:$0x3FB1]  }
0x39: {  	_ = 	snop;
	(pc) =	sbr.ind lr, $3  }
0x3a: {  	_ = 	snop  }
0x3b: {  	_ = 	snop  }
0x3c: {  	p2 =	seq.s32 s10, $0x1;
	s10 =	sld [smem:$0x3FB0]  }
0x3d: {  	_ =	shalt  }
0x3e: {  	_ =	shalt  }
0x3f: {  	_ =	shalt  }
0x40: {  	_ =	shalt  }
0x41: {  	_ =	shalt  }
0x42: {  	_ =	shalt  }
0x43: {  	_ =	shalt  }
0x44: {  	_ =	shalt  }
0x45: {  	_ =	shalt  }
0x46: {  	_ =	shalt  }
0x47: {  	_ =	shalt  }
0x48: {  	_ =	shalt  }
0x49: {  	_ =	shalt  }
0x4a: {  	_ =	shalt  }
0x4b: {  	_ =	shalt  }
0x4c: {  	_ =	shalt  }
0x4d: {  	_ =	shalt  }
0x4e: {  	_ =	shalt  }
0x4f: {  	_ =	shalt  }
0x50: {  	_ =	shalt  }
0x51: {  	_ =	shalt  }
0x52: {  	_ =	shalt  }
0x53: {  	_ =	shalt  }
0x54: {  	_ =	shalt  }
0x55: {  	_ =	shalt  }
0x56: {  	_ =	shalt  }
0x57: {  	_ =	shalt  }
0x58: {  	_ =	shalt  }
0x59: {  	_ =	shalt  }
0x5a: {  	_ =	shalt  }
0x5b: {  	_ =	shalt  }
0x5c: {  	_ =	shalt  }
0x5d: {  	_ =	shalt  }
0x5e: {  	_ =	shalt  }
0x5f: {  	_ =	shalt  }
0x60: {  	_ =	shalt  }
0x61: {  	_ =	shalt  }
0x62: {  	_ =	shalt  }
0x63: {  	_ =	shalt  }
0x64: {  	_ =	shalt  }
0x65: {  	_ =	shalt  }
0x66: {  	_ =	shalt  }
0x67: {  	_ =	shalt  }
0x68: {  	_ =	shalt  }
0x69: {  	_ =	shalt  }
0x6a: {  	_ =	shalt  }
0x6b: {  	_ =	shalt  }
0x6c: {  	_ =	shalt  }
0x6d: {  	_ =	shalt  }
0x6e: {  	_ =	shalt  }
0x6f: {  	_ =	shalt  }
0x70: {  	_ =	shalt  }
0x71: {  	_ =	shalt  }
0x72: {  	_ =	shalt  }
0x73: {  	_ =	shalt  }
0x74: {  	_ =	shalt  }
0x75: {  	_ =	shalt  }
0x76: {  	_ =	shalt  }
0x77: {  	_ =	shalt  }
0x78: {  	_ =	shalt  }
0x79: {  	_ =	shalt  }
0x7a: {  	_ =	shalt  }
0x7b: {  	_ =	shalt  }
0x7c: {  	_ =	shalt  }
0x7d: {  	_ =	shalt  }
0x7e: {  	_ =	shalt  }
0x7f: {  	_ =	shalt  }
0x80: {  	_ =	shalt  }
0x81: {  	_ =	shalt  }
0x82: {  	_ =	shalt  }
0x83: {  	_ =	shalt  }
0x84: {  	_ =	shalt  }
0x85: {  	_ =	shalt  }
0x86: {  	_ =	shalt  }
0x87: {  	_ =	shalt  }
.Lfunc_end0:
.L_simem_size_0:
called_computation_lowered:
.L_overlay_start_0:
0x88: {  	s2 =	sld [smem:$0x3FD9]  }
0x89: {  	s3 =	sld [smem:$0x3FFE];
	_ =	sdelay $0x1  }
0x8a: {  	s1 =	srdreg.scid  }
0x8b: {  	s0 =	sand.u32 $0x1, s1  }
0x8c: {  	s17 =	sshll.u32 s0, $0xA;
	s2 =	sadd.s32 s3, s2  }
0x8d: {  	s2 =	sadd.s32 s2, s17  }
0x8e: {  	[smem:$0x3FBC] =	sst s2  }
0x8f: {  	_ = 	snop  }
0x90: {  	s2 =	sld [smem:$0x3FD0];
	(tm) =	ssettm $0x1  }
0x91: {  	s18 =	sld [smem:$0x3FFB];
	_ =	sdelay $0x3  }
0x92: {  	_ =	strace s18  }
0x93: {  	s3 =	sld [smem:$0x3FFC];
	_ =	sdelay $0x3  }
0x94: {  	_ =	strace s3  }
0x95: {  	s3 =	sld [smem:$0x3FFD];
	_ =	sdelay $0x3  }
0x96: {  	_ =	strace s3  }
0x97: {  	_ =	strace $0x8FFFFFFF  }
0x98: {  	s19 =	sld [smem:$0x3FDB];
	_ =	sdelay $0x1  }
0x99: {  	s4 =	simm.s32 $_scs_section_size  }
0x9a: {  	s5 =	simm.s32 $_size__tile_overlayer_lowered;
	s6 =	simm.s32 $_tile_overlayer_lowered  }
0x9b: {  	s22 =	simm.s32 $0x1BFF;
	s21 =	sshll.u32 s6, $0x1;
	s3 =	sadd.s32 s4, s19  }
0x9c: {  	s7 =	simm.s32 $0x0;
	s20 =	sshll.u32 s5, $0x1;
	s5 =	sadd.s32 s21, s3  }
0x9d: {  	[timem:s7], [sflag:s22] =	dma.local [hbm:s5], s20  }
0x9e: {  	_ =	swait.ge [sflag:s22], s20  }
0x9f: {  	s4 =	ssub.s32 $0x0, s20;
	[sflag:s22] =	ssyncset.done $0x0  }
0xa0: {  	[sflag:s22] =	ssyncadd.s32 s4;
	_ =	sdelay $0x1  }
0xa1: {  	s23 =	simm.s32 $0x1B8B  }
0xa2: {  	_ =	swait.ge [sflag:s23], $0x1  }
0xa3: {  	[sflag:s23] =	ssyncset.done $0x0  }
0xa4: {  	s25 =	simm.s32 $0x1B8E;
	s24 =	sld [smem:$0x3FFE];
	[sflag:s23] =	ssyncadd.s32 $0xFFFFFFFF  }
0xa5: {  	s26 =	simm.s32 $execute0_lowered;
	[smem:$0x3FD2] =	sst s25  }
0xa6: {  	s5 =	sshll.u32 s26, $0x1;
	_ =	strace $0x80000046;
	[dreg:$0x1] =	wrdreg $0xFFFFFFFF  }
0xa7: {  	s28 =	simm.s32 $_size_execute0_lowered;
	s3 =	sadd.s32 s3, s5;
	[dreg:$0x0] =	wrdreg $0x0  }
0xa8: {  	s5 =	sshll.u32 s28, $0x1;
	[dreg:$0x2] =	wrdreg s3  }
0xa9: {  	[dreg:$0x3] =	wrdreg s5  }
0xaa: {  	[dreg:$0x4] =	wrdreg $0xC0  }
0xab: {  	_ =	task [dreg:s7], $0x5FFFF  }
0xac: {  	[dreg:$0x1] =	wrdreg $0xFFFFFFFF  }
0xad: {  	[dreg:$0x0] =	wrdreg $0x60  }
0xae: {  	[dreg:$0x2] =	wrdreg s2  }
0xaf: {  	[dreg:$0x3] =	wrdreg s24  }
0xb0: {  	[dreg:$0x4] =	wrdreg $0x8E000  }
0xb1: {  	[dreg:$0x5] =	wrdreg $0x1C7000  }
0xb2: {  	[dreg:$0x6] =	wrdreg $0x9  }
0xb3: {  	_ =	task.clear_ibuf [dreg:s7], $0x7FFFF;
	_ =	strace $0x90000046  }
0xb4: {  	s29 =	simm.s32 $0x9;
	_ =	strace $0x80000048  }
0xb5: {  	_ =	swait.ge [sflag:s29], $0x1  }
0xb6: {  	[sflag:s29] =	ssyncadd.s32 $0xFFFFFFFF  }
0xb7: {  	_ =	strace $0x90000048  }
0xb8: {  	_ =	sfence  }
0xb9: {  	s30 =	sld [smem:$0x0];
	_ =	sdelay $0x2  }
0xba: {  	s31 =	sshll.u32 s1, $0xD;
	s1 =	sshrl.u32 s1, $0x2  }
0xbb: {  	s3 =	sand.u32 $0x4000, s31;
	s1 =	sadd.s32 s1, s30  }
0xbc: {  	s0 =	sor.u32 s3, s0;
	s1 =	sshll.u32 s1, $0x11  }
0xbd: {  	s0 =	sor.u32 s1, s0  }
0xbe: {  	s0 =	sadd.s32 $0x8F2B, s0  }
0xbf: {  	[sflag:s0] =	ssyncadd.remote.s32 $0x1  }
0xc0: {  	_ =	sfence.sel $0xFFFF  }
0xc1: {  	[dreg:$0x0] =	wrdreg $0xFFFFFFFF;
	(pc) =	sbr.abs _section_cstart, $3  }
0xc2: {  	[dreg:$0x1] =	wrdreg $0xFFFFFFFF  }
0xc3: {  	_ =	task.clear_ibuf [dreg:s7], $0x2FFFF;
	_ =	strace $0x9FFFFFFF  }
0xc4: {  	(tm) =	ssettm $0x7FFFFFFF  }
0xc5: {  	_ =	shalt  }
tec
execute0_lowered:
.L_overlay_start_1:
0x0: {  	(tag) =	ssettag $0x1  }
0x1: {  	s1 =	rddreg [dreg:$0x0]  }
0x2: {  	s8 =	rddreg [dreg:$0x1]  }
0x3: {  	s0 =	srdreg.scid;
	s3 =	rddreg [dreg:$0x2]  }
0x4: {  	s12 =	stileid.u32;
	s4 =	rddreg [dreg:$0x3]  }
0x5: {  	s5 =	simm.s32 $0x0;
	s31 =	simm.s32 $0x6000;
	s9 =	smul.u32 $0x13900, s12  }
0x6: {  	s2 =	sand.u32 $0x1, s0;
	s16 =	sshll.u32 s12, $0x1;
	s13 =	smul.u32 $0x2720, s12  }
0x7: {  	[smem:$0x7FF] =	sst s5;
	s6 =	sadd.s32 $0x7400, s8;
	s12 =	smul.u32 $0x272, s12  }
0x8: {  	s7 =	sadd.s32 $0x2400, s8;
	s0 =	sor.u32 s2, s16;
	s10 =	smul.u32 $0x140000, s2  }
0x9: {  	_ =	strace $0x80000047;
	s11 =	smul.u32 $0x28000, s2;
	s14 =	ssub.s32 $0x2, s2  }
0xa: {  	s0 =	smul.u32 $0x520, s0;
	s17 =	sshrl.u32 s14, $0x1;
	s18 =	sadd.s32 $0x20, s12  }
0xb: {  	s21 =	sadd.s32 $0x40, s12;
	s15 =	sadd.s32 $0x60, s12;
	s25 =	sadd.s32 $0x80, s12  }
0xc: {  	s16 =	sadd.s32 $0xC0, s12;
	s10 =	sadd.s32 s9, s10;
	s11 =	sadd.s32 s13, s11  }
0xd: {  	s19 =	sshll.u32 s18, $0x7;
	s22 =	sshll.u32 s21, $0x7;
	s23 =	sshll.u32 s15, $0x7  }
0xe: {  	s24 =	sshll.u32 s15, $0x4;
	s26 =	sshll.u32 s25, $0x7;
	s10 =	sshrl.u32 s10, $0x3  }
0xf: {  	s0 =	sadd.s32 s0, s8;
	s11 =	sshrl.u32 s11, $0x3;
	s2 =	sadd.s32 s10, s8  }
0x10: {  	s10 =	sadd.s32 s11, s8;
	s11 =	ssub.s32 s14, s17;
	s8 =	sadd.s32 s9, s3  }
0x11: {  	s9 =	sadd.s32 s13, s4;
	s14 =	sshll.u32 s18, $0x4;
	s13 =	sadd.s32 s19, s3  }
0x12: {  	s17 =	sshll.u32 s16, $0x7;
	s18 =	sshll.u32 s16, $0x4;
	s19 =	sadd.s32 $0xE0, s12  }
0x13: {  	[dreg:$0x5] =	wrdreg s13;
	s20 =	sadd.s32 s14, s4;
	s13 =	sshll.u32 s21, $0x4  }
0x14: {  	s14 =	sadd.s32 s22, s3;
	s22 =	sadd.s32 $0x100, s12;
	s29 =	sadd.s32 $0x20C00, s10  }
0x15: {  	s30 =	smax.u32 s11, $0x1;
	s11 =	simm.s32 $0x20;
	[dreg:$0x6] =	wrdreg s20  }
0x16: {  	[dreg:$0x7] =	wrdreg s14;
	s13 =	sadd.s32 s13, s4;
	s14 =	sshll.u32 s25, $0x4  }
0x17: {  	s20 =	sshll.u32 s19, $0x7;
	[dreg:$0x8] =	wrdreg s13;
	s13 =	sadd.s32 s23, s3  }
0x18: {  	s28 =	sadd.s32 s14, s4;
	s14 =	sadd.s32 $0xA0, s12;
	[dreg:$0x9] =	wrdreg s13  }
0x19: {  	s23 =	sshll.u32 s22, $0x7;
	s13 =	sadd.s32 s24, s4;
	[dreg:$0xc] =	wrdreg s28  }
0x1a: {  	s15 =	sshll.u32 s14, $0x7;
	s24 =	sadd.s32 $0x120, s12;
	s28 =	sadd.s32 $0x140, s12  }
0x1b: {  	[dreg:$0xa] =	wrdreg s13;
	s13 =	sadd.s32 s26, s3;
	s25 =	sshll.u32 s24, $0x7  }
0x1c: {  	[dreg:$0xb] =	wrdreg s13;
	s13 =	sshll.u32 s14, $0x4;
	s14 =	sadd.s32 s15, s3  }
0x1d: {  	s26 =	sshll.u32 s24, $0x4;
	[dreg:$0xd] =	wrdreg s14;
	s13 =	sadd.s32 s13, s4  }
0x1e: {  	s14 =	sshll.u32 s19, $0x4;
	[dreg:$0xe] =	wrdreg s13;
	s13 =	sadd.s32 s17, s3  }
0x1f: {  	s15 =	sshll.u32 s28, $0x7;
	s21 =	sadd.s32 s14, s4;
	[dreg:$0xf] =	wrdreg s13  }
0x20: {  	s19 =	sadd.s32 $0x180, s12;
	s14 =	sadd.s32 s23, s3;
	[dreg:$0x12] =	wrdreg s21  }
0x21: {  	s17 =	sadd.s32 $0x160, s12;
	s13 =	sadd.s32 s18, s4;
	[dreg:$0x13] =	wrdreg s14  }
0x22: {  	s14 =	sshll.u32 s28, $0x4;
	s18 =	sshll.u32 s17, $0x7;
	s21 =	sshll.u32 s19, $0x4  }
0x23: {  	s28 =	sadd.s32 $0x1E0, s12;
	[dreg:$0x10] =	wrdreg s13;
	s13 =	sadd.s32 s20, s3  }
0x24: {  	s16 =	sadd.s32 s14, s4;
	s14 =	sadd.s32 s18, s3;
	[dreg:$0x11] =	wrdreg s13  }
0x25: {  	s20 =	sshll.u32 s19, $0x7;
	s13 =	sshll.u32 s22, $0x4;
	[dreg:$0x18] =	wrdreg s16  }
0x26: {  	[dreg:$0x19] =	wrdreg s14;
	s22 =	sadd.s32 $0x1A0, s12;
	s16 =	sshll.u32 s28, $0x4  }
0x27: {  	s13 =	sadd.s32 s13, s4;
	s23 =	sshll.u32 s22, $0x7;
	s14 =	sshll.u32 s22, $0x4  }
0x28: {  	s22 =	sadd.s32 $0x240, s12;
	[dreg:$0x14] =	wrdreg s13;
	s13 =	sadd.s32 s25, s3  }
0x29: {  	s24 =	sadd.s32 s14, s4;
	s25 =	sadd.s32 $0x1C0, s12;
	[dreg:$0x15] =	wrdreg s13  }
0x2a: {  	s13 =	sadd.s32 s26, s4;
	[dreg:$0x1e] =	wrdreg s24;
	s26 =	sshll.u32 s25, $0x7  }
0x2b: {  	s24 =	sshll.u32 s22, $0x4;
	[dreg:$0x16] =	wrdreg s13;
	s13 =	sadd.s32 s15, s3  }
0x2c: {  	s14 =	sadd.s32 s26, s3;
	s26 =	sadd.s32 $0x16800, s0;
	[dreg:$0x17] =	wrdreg s13  }
0x2d: {  	s0 =	sadd.s32 $0xC400, s0;
	s15 =	simm.s32 $0x1;
	[dreg:$0x1f] =	wrdreg s14  }
0x2e: {  	s13 =	sshll.u32 s17, $0x4;
	s14 =	sshll.u32 s28, $0x7;
	[smem:$0x7FB] =	sst s26  }
0x2f: {  	s17 =	sadd.s32 $0x200, s12;
	[smem:$0x7FC] =	sst s0;
	s28 =	sadd.s32 $0x2AC00, s2  }
0x30: {  	s2 =	simm.s32 $0x5;
	s13 =	sadd.s32 s13, s4;
	[smem:$0x7FD] =	sst s28  }
0x31: {  	s0 =	simm.s32 $0x5600;
	[dreg:$0x1a] =	wrdreg s13;
	s13 =	sadd.s32 s20, s3  }
0x32: {  	s18 =	sshll.u32 s17, $0x7;
	[dreg:$0x1b] =	wrdreg s13;
	s13 =	sadd.s32 s21, s4  }
0x33: {  	s20 =	sadd.s32 $0x220, s12;
	[dreg:$0x1c] =	wrdreg s13;
	s13 =	sadd.s32 s23, s3  }
0x34: {  	s12 =	sadd.s32 $0x260, s12;
	[dreg:$0x1d] =	wrdreg s13;
	s13 =	sshll.u32 s25, $0x4  }
0x35: {  	s25 =	sshll.u32 s12, $0x7;
	s12 =	sshll.u32 s12, $0x4;
	s13 =	sadd.s32 s13, s4  }
0x36: {  	s21 =	sshll.u32 s20, $0x7;
	s12 =	sadd.s32 s12, s4;
	[smem:$0x7F0] =	sst s13  }
0x37: {  	s23 =	sshll.u32 s22, $0x7;
	s13 =	sadd.s32 s14, s3;
	[smem:$0x7FA] =	sst s12  }
0x38: {  	s14 =	sshll.u32 s17, $0x4;
	[smem:$0x7F1] =	sst s13;
	s13 =	sadd.s32 s16, s4  }
0x39: {  	s12 =	simm.s32 $0x7000;
	s19 =	sadd.s32 s14, s4;
	[smem:$0x7F2] =	sst s13  }
0x3a: {  	s17 =	simm.s32 $0x7E00;
	s13 =	sadd.s32 s18, s3;
	[smem:$0x7F4] =	sst s19  }
0x3b: {  	s14 =	sadd.s32 s21, s3;
	[smem:$0x7F3] =	sst s13;
	s13 =	sshll.u32 s20, $0x4  }
0x3c: {  	s16 =	simm.s32 $0x3;
	[smem:$0x7F5] =	sst s14;
	s13 =	sadd.s32 s13, s4  }
0x3d: {  	s14 =	simm.s32 $0x7600;
	[smem:$0x7F6] =	sst s13;
	s13 =	sadd.s32 s23, s3  }
0x3e: {  	s18 =	simm.s32 $0x7400;
	[smem:$0x7F7] =	sst s13;
	s13 =	sadd.s32 s24, s4  }
0x3f: {  	v0 =	vimm.f32 $0.0e+00;
	v1 =	vimm.s32 $0x0;
	s19 =	simm.s32 $0x2;
	[smem:$0x7F8] =	sst s13;
	s13 =	sadd.s32 s25, s3  }
0x40: {  	v2 =	vimm.s32 $0x1;
	v3 =	vimm.s32 $0x2;
	v4 =	vimm.s32 $0x3;
	s20 =	simm.s32 $0x4;
	[smem:$0x7F9] =	sst s13;
	s13 =	simm.s32 $0x7200  }
.LBB2_1:
0x41: {  	s10 =	simm.s32 $0x6040  }
0x42: {  	[tilespmem:s10+$0xFFFFFFD0] =	vst v0  }
0x43: {  	[tilespmem:s10+$0xFFFFFFE0] =	vst v0  }
0x44: {  	[tilespmem:s10+$0xFFFFFFF0] =	vst v0  }
0x45: {  	[tilespmem:s10+$0x0] =	vst v0  }
0x46: {  	[tilespmem:s10+$0x10] =	vst v0  }
0x47: {  	[tilespmem:s10+$0x20] =	vst v0  }
0x48: {  	[tilespmem:s10+$0x30] =	vst v0  }
0x49: {  	s22 =	simm.s32 $0x0;
	s21 =	simm.s32 $0x40;
	[tilespmem:s10+$0xFFFFFFC0] =	vst v0  }
.LBB2_2:
0x4a: {  	p0 =	sne.s32 s21, $0x7C0;
	[tilespmem:s22+$0x5600] =	vst v0;
	s10 =	sadd.s32 $0x80, s10  }
0x4b: {  	[tilespmem:s10+$0xFFFFFFD0] =	vst v0  }
0x4c: {  	[tilespmem:s10+$0xFFFFFFE0] =	vst v0  }
0x4d: {  	[tilespmem:s10+$0xFFFFFFF0] =	vst v0  }
.Ltmp0:
0x4e: {  	[tilespmem:s10+$0x0] =	vst v0;
	(pc) =	sbr.rel @p0 .LBB2_2-.Ltmp0, $4  }
0x4f: {  	[tilespmem:s10+$0x10] =	vst v0  }
0x50: {  	[tilespmem:s10+$0x20] =	vst v0  }
0x51: {  	[tilespmem:s10+$0x30] =	vst v0  }
0x52: {  	s22 =	sshra.s32 s21, $0x2;
	s21 =	sadd.s32 $0x40, s21;
	[tilespmem:s10+$0xFFFFFFC0] =	vst v0  }
0x53: {  	[tilespmem:s22+$0x5600] =	vst v0  }
0x54: {  	[spmem:s8] =	stream.linear.scatter [tilespmem:s31], [sflag:$0x5], $0x1000, $0x38;
	[tilespmem:$0x1EE20] =	vst v63  }
0x55: {  	_ =	swait.ge [sflag:s2], $0x1000  }
0x56: {  	[sflag:s2] =	ssyncset.done $0x0  }
0x57: {  	[sflag:s2] =	ssyncadd.s32 $0xFFFFF000  }
0x58: {  	[spmem:s9] =	stream.linear.scatter [tilespmem:s0], [sflag:$0x5], $0x200, $0x38;
	[tilespmem:$0x1EE20] =	vst v63  }
0x59: {  	_ =	swait.ge [sflag:s2], $0x200  }
0x5a: {  	[sflag:s2] =	ssyncset.done $0x0  }
0x5b: {  	s10 =	rddreg [dreg:$0x5];
	[sflag:s2] =	ssyncadd.s32 $0xFFFFFE00  }
0x5c: {  	[spmem:s10] =	stream.linear.scatter [tilespmem:s31], [sflag:$0x5], $0x1000, $0x38;
	[tilespmem:$0x1EE20] =	vst v63  }
0x5d: {  	_ =	swait.ge [sflag:s2], $0x1000  }
0x5e: {  	[sflag:s2] =	ssyncset.done $0x0  }
0x5f: {  	s28 =	rddreg [dreg:$0x6];
	[sflag:s2] =	ssyncadd.s32 $0xFFFFF000  }
0x60: {  	[spmem:s28] =	stream.linear.scatter [tilespmem:s0], [sflag:$0x5], $0x200, $0x38;
	[tilespmem:$0x1EE20] =	vst v63  }
0x61: {  	_ =	swait.ge [sflag:s2], $0x200  }
0x62: {  	[sflag:s2] =	ssyncset.done $0x0  }
0x63: {  	s21 =	rddreg [dreg:$0x7];
	[sflag:s2] =	ssyncadd.s32 $0xFFFFFE00  }
0x64: {  	[spmem:s21] =	stream.linear.scatter [tilespmem:s31], [sflag:$0x5], $0x1000, $0x38;
	[tilespmem:$0x1EE20] =	vst v63  }
0x65: {  	_ =	swait.ge [sflag:s2], $0x1000  }
0x66: {  	[sflag:s2] =	ssyncset.done $0x0  }
0x67: {  	s22 =	rddreg [dreg:$0x8];
	[sflag:s2] =	ssyncadd.s32 $0xFFFFF000  }
0x68: {  	[spmem:s22] =	stream.linear.scatter [tilespmem:s0], [sflag:$0x5], $0x200, $0x38;
	[tilespmem:$0x1EE20] =	vst v63  }
0x69: {  	_ =	swait.ge [sflag:s2], $0x200  }
0x6a: {  	[sflag:s2] =	ssyncset.done $0x0  }
0x6b: {  	s23 =	rddreg [dreg:$0x9];
	[sflag:s2] =	ssyncadd.s32 $0xFFFFFE00  }
0x6c: {  	[spmem:s23] =	stream.linear.scatter [tilespmem:s31], [sflag:$0x5], $0x1000, $0x38;
	[tilespmem:$0x1EE20] =	vst v63  }
0x6d: {  	_ =	swait.ge [sflag:s2], $0x1000  }
0x6e: {  	[sflag:s2] =	ssyncset.done $0x0  }
0x6f: {  	s24 =	rddreg [dreg:$0xa];
	[sflag:s2] =	ssyncadd.s32 $0xFFFFF000  }
0x70: {  	[spmem:s24] =	stream.linear.scatter [tilespmem:s0], [sflag:$0x5], $0x200, $0x38;
	[tilespmem:$0x1EE20] =	vst v63  }
0x71: {  	_ =	swait.ge [sflag:s2], $0x200  }
0x72: {  	[sflag:s2] =	ssyncset.done $0x0  }
0x73: {  	s25 =	rddreg [dreg:$0xb];
	[sflag:s2] =	ssyncadd.s32 $0xFFFFFE00  }
0x74: {  	[spmem:s25] =	stream.linear.scatter [tilespmem:s31], [sflag:$0x5], $0x1000, $0x38;
	[tilespmem:$0x1EE20] =	vst v63  }
0x75: {  	_ =	swait.ge [sflag:s2], $0x1000  }
0x76: {  	[sflag:s2] =	ssyncset.done $0x0  }
0x77: {  	s26 =	rddreg [dreg:$0xc];
	[sflag:s2] =	ssyncadd.s32 $0xFFFFF000  }
0x78: {  	[spmem:s26] =	stream.linear.scatter [tilespmem:s0], [sflag:$0x5], $0x200, $0x38;
	[tilespmem:$0x1EE20] =	vst v63  }
0x79: {  	_ =	swait.ge [sflag:s2], $0x200  }
0x7a: {  	[sflag:s2] =	ssyncset.done $0x0  }
0x7b: {  	s28 =	rddreg [dreg:$0xd];
	[sflag:s2] =	ssyncadd.s32 $0xFFFFFE00  }
0x7c: {  	[spmem:s28] =	stream.linear.scatter [tilespmem:s31], [sflag:$0x5], $0x1000, $0x38;
	[tilespmem:$0x1EE20] =	vst v63  }
0x7d: {  	_ =	swait.ge [sflag:s2], $0x1000  }
0x7e: {  	[sflag:s2] =	ssyncset.done $0x0  }
0x7f: {  	s21 =	rddreg [dreg:$0xe];
	[sflag:s2] =	ssyncadd.s32 $0xFFFFF000  }
0x80: {  	[spmem:s21] =	stream.linear.scatter [tilespmem:s0], [sflag:$0x5], $0x200, $0x38;
	[tilespmem:$0x1EE20] =	vst v63  }
0x81: {  	_ =	swait.ge [sflag:s2], $0x200  }
0x82: {  	[sflag:s2] =	ssyncset.done $0x0  }
0x83: {  	s22 =	rddreg [dreg:$0xf];
	[sflag:s2] =	ssyncadd.s32 $0xFFFFFE00  }
0x84: {  	[spmem:s22] =	stream.linear.scatter [tilespmem:s31], [sflag:$0x5], $0x1000, $0x38;
	[tilespmem:$0x1EE20] =	vst v63  }
0x85: {  	_ =	swait.ge [sflag:s2], $0x1000  }
0x86: {  	[sflag:s2] =	ssyncset.done $0x0  }
0x87: {  	s23 =	rddreg [dreg:$0x10];
	[sflag:s2] =	ssyncadd.s32 $0xFFFFF000  }
0x88: {  	[spmem:s23] =	stream.linear.scatter [tilespmem:s0], [sflag:$0x5], $0x200, $0x38;
	[tilespmem:$0x1EE20] =	vst v63  }
0x89: {  	_ =	swait.ge [sflag:s2], $0x200  }
0x8a: {  	[sflag:s2] =	ssyncset.done $0x0  }
0x8b: {  	s24 =	rddreg [dreg:$0x11];
	[sflag:s2] =	ssyncadd.s32 $0xFFFFFE00  }
0x8c: {  	[spmem:s24] =	stream.linear.scatter [tilespmem:s31], [sflag:$0x5], $0x1000, $0x38;
	[tilespmem:$0x1EE20] =	vst v63  }
0x8d: {  	_ =	swait.ge [sflag:s2], $0x1000  }
0x8e: {  	[sflag:s2] =	ssyncset.done $0x0  }
0x8f: {  	s25 =	rddreg [dreg:$0x12];
	[sflag:s2] =	ssyncadd.s32 $0xFFFFF000  }
0x90: {  	[spmem:s25] =	stream.linear.scatter [tilespmem:s0], [sflag:$0x5], $0x200, $0x38;
	[tilespmem:$0x1EE20] =	vst v63  }
0x91: {  	_ =	swait.ge [sflag:s2], $0x200  }
0x92: {  	[sflag:s2] =	ssyncset.done $0x0  }
0x93: {  	s26 =	rddreg [dreg:$0x13];
	[sflag:s2] =	ssyncadd.s32 $0xFFFFFE00  }
0x94: {  	[spmem:s26] =	stream.linear.scatter [tilespmem:s31], [sflag:$0x5], $0x1000, $0x38;
	[tilespmem:$0x1EE20] =	vst v63  }
0x95: {  	_ =	swait.ge [sflag:s2], $0x1000  }
0x96: {  	[sflag:s2] =	ssyncset.done $0x0  }
0x97: {  	s28 =	rddreg [dreg:$0x14];
	[sflag:s2] =	ssyncadd.s32 $0xFFFFF000  }
0x98: {  	[spmem:s28] =	stream.linear.scatter [tilespmem:s0], [sflag:$0x5], $0x200, $0x38;
	[tilespmem:$0x1EE20] =	vst v63  }
0x99: {  	_ =	swait.ge [sflag:s2], $0x200  }
0x9a: {  	[sflag:s2] =	ssyncset.done $0x0  }
0x9b: {  	s21 =	rddreg [dreg:$0x15];
	[sflag:s2] =	ssyncadd.s32 $0xFFFFFE00  }
0x9c: {  	[spmem:s21] =	stream.linear.scatter [tilespmem:s31], [sflag:$0x5], $0x1000, $0x38;
	[tilespmem:$0x1EE20] =	vst v63  }
0x9d: {  	_ =	swait.ge [sflag:s2], $0x1000  }
0x9e: {  	[sflag:s2] =	ssyncset.done $0x0  }
0x9f: {  	s22 =	rddreg [dreg:$0x16];
	[sflag:s2] =	ssyncadd.s32 $0xFFFFF000  }
0xa0: {  	[spmem:s22] =	stream.linear.scatter [tilespmem:s0], [sflag:$0x5], $0x200, $0x38;
	[tilespmem:$0x1EE20] =	vst v63  }
0xa1: {  	_ =	swait.ge [sflag:s2], $0x200  }
0xa2: {  	[sflag:s2] =	ssyncset.done $0x0  }
0xa3: {  	s23 =	rddreg [dreg:$0x17];
	[sflag:s2] =	ssyncadd.s32 $0xFFFFFE00  }
0xa4: {  	[spmem:s23] =	stream.linear.scatter [tilespmem:s31], [sflag:$0x5], $0x1000, $0x38;
	[tilespmem:$0x1EE20] =	vst v63  }
0xa5: {  	_ =	swait.ge [sflag:s2], $0x1000  }
0xa6: {  	[sflag:s2] =	ssyncset.done $0x0  }
0xa7: {  	s24 =	rddreg [dreg:$0x18];
	[sflag:s2] =	ssyncadd.s32 $0xFFFFF000  }
0xa8: {  	[spmem:s24] =	stream.linear.scatter [tilespmem:s0], [sflag:$0x5], $0x200, $0x38;
	[tilespmem:$0x1EE20] =	vst v63  }
0xa9: {  	_ =	swait.ge [sflag:s2], $0x200  }
0xaa: {  	[sflag:s2] =	ssyncset.done $0x0  }
0xab: {  	s25 =	rddreg [dreg:$0x19];
	[sflag:s2] =	ssyncadd.s32 $0xFFFFFE00  }
0xac: {  	[spmem:s25] =	stream.linear.scatter [tilespmem:s31], [sflag:$0x5], $0x1000, $0x38;
	[tilespmem:$0x1EE20] =	vst v63  }
0xad: {  	_ =	swait.ge [sflag:s2], $0x1000  }
0xae: {  	[sflag:s2] =	ssyncset.done $0x0  }
0xaf: {  	s26 =	rddreg [dreg:$0x1a];
	[sflag:s2] =	ssyncadd.s32 $0xFFFFF000  }
0xb0: {  	[spmem:s26] =	stream.linear.scatter [tilespmem:s0], [sflag:$0x5], $0x200, $0x38;
	[tilespmem:$0x1EE20] =	vst v63  }
0xb1: {  	_ =	swait.ge [sflag:s2], $0x200  }
0xb2: {  	[sflag:s2] =	ssyncset.done $0x0  }
0xb3: {  	s28 =	rddreg [dreg:$0x1b];
	[sflag:s2] =	ssyncadd.s32 $0xFFFFFE00  }
0xb4: {  	[spmem:s28] =	stream.linear.scatter [tilespmem:s31], [sflag:$0x5], $0x1000, $0x38;
	[tilespmem:$0x1EE20] =	vst v63  }
0xb5: {  	_ =	swait.ge [sflag:s2], $0x1000  }
0xb6: {  	[sflag:s2] =	ssyncset.done $0x0  }
0xb7: {  	s21 =	rddreg [dreg:$0x1c];
	[sflag:s2] =	ssyncadd.s32 $0xFFFFF000  }
0xb8: {  	[spmem:s21] =	stream.linear.scatter [tilespmem:s0], [sflag:$0x5], $0x200, $0x38;
	[tilespmem:$0x1EE20] =	vst v63  }
0xb9: {  	_ =	swait.ge [sflag:s2], $0x200  }
0xba: {  	[sflag:s2] =	ssyncset.done $0x0  }
0xbb: {  	s22 =	rddreg [dreg:$0x1d];
	[sflag:s2] =	ssyncadd.s32 $0xFFFFFE00  }
0xbc: {  	[spmem:s22] =	stream.linear.scatter [tilespmem:s31], [sflag:$0x5], $0x1000, $0x38;
	[tilespmem:$0x1EE20] =	vst v63  }
0xbd: {  	_ =	swait.ge [sflag:s2], $0x1000  }
0xbe: {  	[sflag:s2] =	ssyncset.done $0x0  }
0xbf: {  	s23 =	rddreg [dreg:$0x1e];
	[sflag:s2] =	ssyncadd.s32 $0xFFFFF000  }
0xc0: {  	[spmem:s23] =	stream.linear.scatter [tilespmem:s0], [sflag:$0x5], $0x200, $0x38;
	[tilespmem:$0x1EE20] =	vst v63  }
0xc1: {  	_ =	swait.ge [sflag:s2], $0x200  }
0xc2: {  	[sflag:s2] =	ssyncset.done $0x0  }
0xc3: {  	s24 =	rddreg [dreg:$0x1f];
	[sflag:s2] =	ssyncadd.s32 $0xFFFFFE00  }
0xc4: {  	[spmem:s24] =	stream.linear.scatter [tilespmem:s31], [sflag:$0x5], $0x1000, $0x38;
	[tilespmem:$0x1EE20] =	vst v63  }
0xc5: {  	_ =	swait.ge [sflag:s2], $0x1000  }
0xc6: {  	s25 =	sld [smem:$0x7F0]  }
0xc7: {  	[sflag:s2] =	ssyncset.done $0x0  }
0xc8: {  	[sflag:s2] =	ssyncadd.s32 $0xFFFFF000  }
0xc9: {  	[spmem:s25] =	stream.linear.scatter [tilespmem:s0], [sflag:$0x5], $0x200, $0x38;
	[tilespmem:$0x1EE20] =	vst v63  }
0xca: {  	_ =	swait.ge [sflag:s2], $0x200  }
0xcb: {  	s26 =	sld [smem:$0x7F1]  }
0xcc: {  	[sflag:s2] =	ssyncset.done $0x0  }
0xcd: {  	[sflag:s2] =	ssyncadd.s32 $0xFFFFFE00  }
0xce: {  	[spmem:s26] =	stream.linear.scatter [tilespmem:s31], [sflag:$0x5], $0x1000, $0x38;
	[tilespmem:$0x1EE20] =	vst v63  }
0xcf: {  	_ =	swait.ge [sflag:s2], $0x1000  }
0xd0: {  	s28 =	sld [smem:$0x7F2]  }
0xd1: {  	[sflag:s2] =	ssyncset.done $0x0  }
0xd2: {  	[sflag:s2] =	ssyncadd.s32 $0xFFFFF000  }
0xd3: {  	[spmem:s28] =	stream.linear.scatter [tilespmem:s0], [sflag:$0x5], $0x200, $0x38;
	[tilespmem:$0x1EE20] =	vst v63  }
0xd4: {  	_ =	swait.ge [sflag:s2], $0x200  }
0xd5: {  	s21 =	sld [smem:$0x7F3]  }
0xd6: {  	[sflag:s2] =	ssyncset.done $0x0  }
0xd7: {  	[sflag:s2] =	ssyncadd.s32 $0xFFFFFE00  }
0xd8: {  	[spmem:s21] =	stream.linear.scatter [tilespmem:s31], [sflag:$0x5], $0x1000, $0x38;
	[tilespmem:$0x1EE20] =	vst v63  }
0xd9: {  	_ =	swait.ge [sflag:s2], $0x1000  }
0xda: {  	s22 =	sld [smem:$0x7F4]  }
0xdb: {  	[sflag:s2] =	ssyncset.done $0x0  }
0xdc: {  	[sflag:s2] =	ssyncadd.s32 $0xFFFFF000  }
0xdd: {  	[spmem:s22] =	stream.linear.scatter [tilespmem:s0], [sflag:$0x5], $0x200, $0x38;
	[tilespmem:$0x1EE20] =	vst v63  }
0xde: {  	_ =	swait.ge [sflag:s2], $0x200  }
0xdf: {  	s23 =	sld [smem:$0x7F5]  }
0xe0: {  	[sflag:s2] =	ssyncset.done $0x0  }
0xe1: {  	[sflag:s2] =	ssyncadd.s32 $0xFFFFFE00  }
0xe2: {  	[spmem:s23] =	stream.linear.scatter [tilespmem:s31], [sflag:$0x5], $0x1000, $0x38;
	[tilespmem:$0x1EE20] =	vst v63  }
0xe3: {  	_ =	swait.ge [sflag:s2], $0x1000  }
0xe4: {  	s24 =	sld [smem:$0x7F6]  }
0xe5: {  	[sflag:s2] =	ssyncset.done $0x0  }
0xe6: {  	[sflag:s2] =	ssyncadd.s32 $0xFFFFF000  }
0xe7: {  	[spmem:s24] =	stream.linear.scatter [tilespmem:s0], [sflag:$0x5], $0x200, $0x38;
	[tilespmem:$0x1EE20] =	vst v63  }
0xe8: {  	_ =	swait.ge [sflag:s2], $0x200  }
0xe9: {  	s25 =	sld [smem:$0x7F7]  }
0xea: {  	[sflag:s2] =	ssyncset.done $0x0  }
0xeb: {  	[sflag:s2] =	ssyncadd.s32 $0xFFFFFE00  }
0xec: {  	[spmem:s25] =	stream.linear.scatter [tilespmem:s31], [sflag:$0x5], $0x1000, $0x38;
	[tilespmem:$0x1EE20] =	vst v63  }
0xed: {  	_ =	swait.ge [sflag:s2], $0x1000  }
0xee: {  	s26 =	sld [smem:$0x7F8]  }
0xef: {  	[sflag:s2] =	ssyncset.done $0x0  }
0xf0: {  	[sflag:s2] =	ssyncadd.s32 $0xFFFFF000  }
0xf1: {  	[spmem:s26] =	stream.linear.scatter [tilespmem:s0], [sflag:$0x5], $0x200, $0x38;
	[tilespmem:$0x1EE20] =	vst v63  }
0xf2: {  	_ =	swait.ge [sflag:s2], $0x200  }
0xf3: {  	s28 =	sld [smem:$0x7F9]  }
0xf4: {  	[sflag:s2] =	ssyncset.done $0x0  }
0xf5: {  	[sflag:s2] =	ssyncadd.s32 $0xFFFFFE00  }
0xf6: {  	[spmem:s28] =	stream.linear.scatter [tilespmem:s31], [sflag:$0x5], $0x900, $0x38;
	[tilespmem:$0x1EE20] =	vst v63  }
0xf7: {  	_ =	swait.ge [sflag:s2], $0x900  }
0xf8: {  	s21 =	sld [smem:$0x7FA]  }
0xf9: {  	[sflag:s2] =	ssyncset.done $0x0  }
0xfa: {  	[sflag:s2] =	ssyncadd.s32 $0xFFFFF700  }
0xfb: {  	[spmem:s21] =	stream.linear.scatter [tilespmem:s0], [sflag:$0x5], $0x120, $0x38;
	[tilespmem:$0x1EE20] =	vst v63  }
0xfc: {  	_ =	swait.ge [sflag:s2], $0x120  }
0xfd: {  	[sflag:s2] =	ssyncset.done $0x0  }
0xfe: {  	[sflag:s2] =	ssyncadd.s32 $0xFFFFFEE0  }
0xff: {  	[bflag:$0x0] =	sbarrier.arrive $0xFFFF  }
0x100: {  	s22 =	sld [smem:$0x7FB];
	_ =	sdelay $0x1  }
0x101: {  	s21 =	simm.s32 $0x0  }
0x102: {  	[tilespmem:s21], [sflag:$0x5] =	stream.linear.gather [hbm4b:s22+s21], $0x2900, $0x38;
	[tilespmem:$0x1EE20] =	vst v63  }
0x103: {  	_ =	swait.ge [sflag:s2], $0x2900  }
0x104: {  	s23 =	sld [smem:$0x7FC]  }
0x105: {  	[sflag:s2] =	ssyncset.done $0x0  }
0x106: {  	s24 =	simm.s32 $0x2900;
	[sflag:s2] =	ssyncadd.s32 $0xFFFFD700  }
0x107: {  	[tilespmem:s24], [sflag:$0x5] =	stream.linear.gather [hbm4b:s23+s21], $0x2900, $0x38;
	[tilespmem:$0x1EE20] =	vst v63  }
0x108: {  	_ =	swait.ge [sflag:s2], $0x2900  }
0x109: {  	[sflag:s2] =	ssyncset.done $0x0  }
0x10a: {  	s25 =	simm.s32 $0x5200;
	[sflag:s2] =	ssyncadd.s32 $0xFFFFD700  }
0x10b: {  	[tilespmem:s25], [sflag:$0x1] =	stream.indirect.gather [hbm4b:s6+s11], $0x10, s21, s11, $0xb8;
	[tilespmem:$0x1EE20] =	vst v63  }
0x10c: {  	s26 =	simm.s32 $0x5400  }
0x10d: {  	[tilespmem:s26], [sflag:$0x1] =	stream.indirect.gather [hbm4b:s7+s11], $0x10, s24, s11, $0xb8;
	[tilespmem:$0x1EE20] =	vst v63  }
0x10e: {  	s28 =	simm.s32 $0x5800  }
0x10f: {  	[tilespmem:s28], [sflag:$0x1] =	stream.indirect.gather [hbm4b:s1+s11], $0x40, s21, s11, $0xb8;
	[tilespmem:$0x1EE20] =	vst v63  }
.LBB2_4:
0x110: {  	s10 =	sshll.u32 s21, $0x6  }
0x111: {  	s23 =	sor.u32 $0x20, s10  }
0x112: {  	[tilespmem:s12], [sflag:$0x3] =	stream.indirect.gather [hbm4b:s6+s11], $0x10, s23, s11, $0xb8;
	[tilespmem:$0x1EE20] =	vst v63  }
0x113: {  	s22 =	sadd.s32 $0x2920, s10  }
0x114: {  	[tilespmem:s13], [sflag:$0x3] =	stream.indirect.gather [hbm4b:s7+s11], $0x10, s22, s11, $0xb8;
	[tilespmem:$0x1EE20] =	vst v63  }
0x115: {  	p0 =	seq.s32 s21, $0x0  }
0x116: {  	[tilespmem:s14], [sflag:$0x3] =	stream.indirect.gather [hbm4b:s1+s11], $0x40, s23, s11, $0xb8;
	[tilespmem:$0x1EE20] =	vst v63  }
0x117: {  	s23 =	simm.s32 @!p0 $0x2  }
0x118: {  	_ =	swait.ge @!p0 [sflag:s23], $0x1000  }
0x119: {  	[sflag:s23] =	ssyncset.done @!p0 $0x0  }
0x11a: {  	[sflag:s23] =	ssyncadd.s32 @!p0 $0xFFFFF000  }
0x11b: {  	_ =	swait.ge @!p0 [sflag:s23], $0x200  }
0x11c: {  	[sflag:s23] =	ssyncset.done @!p0 $0x0  }
0x11d: {  	[sflag:s23] =	ssyncadd.s32 @!p0 $0xFFFFFE00  }
0x11e: {  	_ =	swait.ge [sflag:s15], $0x200  }
0x11f: {  	[sflag:s15] =	ssyncset.done $0x0  }
0x120: {  	[sflag:s15] =	ssyncadd.s32 $0xFFFFFE00  }
0x121: {  	_ =	swait.ge [sflag:s15], $0x200  }
0x122: {  	[sflag:s15] =	ssyncset.done $0x0  }
0x123: {  	[sflag:s15] =	ssyncadd.s32 $0xFFFFFE00  }
0x124: {  	_ =	swait.ge [sflag:s15], $0x800  }
0x125: {  	[sflag:s15] =	ssyncset.done $0x0  }
0x126: {  	s24 =	simm.s32 $0x0;
	[sflag:s15] =	ssyncadd.s32 $0xFFFFF800  }
0x127: {  	v5 =	vld [tilespmem:s24+$0x5200]  }
0x128: {  	v6 =	vld [tilespmem:s24+$0x5400];
	_ =	sdelay $0x4  }
0x129: {  	v5 =	vadd.f32 v6, v5;
	_ =	sdelay $0x1  }
0x12a: {  	v6 =	vmul.f32 $2.000000030e-01, v5;
	_ =	sdelay $0x1  }
0x12b: {  	v5 =	vmax.f32 v5, v6  }
0x12c: {  	v5 =	vmul.f32 $1.442695020e+00, v5;
	_ =	sdelay $0x1  }
0x12d: {  	(erf) = vpow2.f32 v5;
	_ =	sdelay $0x8  }
0x12e: {  	v5 =	vpop (erf)  }
0x12f: {  	s23 =	simm.s32 $0x5820;
	[tilespmem:s24+$0x5600] =	vst v5  }
0x130: {  	v6 =	vld [tilespmem:s23+$0xFFFFFFE0];
	_ =	sdelay $0x3  }
0x131: {  	v7 =	vperm.xlane v5, v1  }
0x132: {  	v8 =	vshll.u32 v6, $0x10  }
0x133: {  	v6 =	vand.u32 $0xFFFF0000, v6;
	v8 =	vmul.f32 v8, v7  }
0x134: {  	s24 =	simm.s32 $0x6040;
	v6 =	vmul.f32 v6, v7  }
0x135: {  	[tilespmem:s24+$0xFFFFFFC0] =	vst v8  }
0x136: {  	[tilespmem:s24+$0xFFFFFFD0] =	vst v6  }
0x137: {  	v6 =	vld [tilespmem:s23+$0xFFFFFFF0];
	_ =	sdelay $0x3  }
0x138: {  	v7 =	vperm.xlane v5, v2  }
0x139: {  	v8 =	vshll.u32 v6, $0x10  }
0x13a: {  	v6 =	vand.u32 $0xFFFF0000, v6;
	v8 =	vmul.f32 v8, v7  }
0x13b: {  	v6 =	vmul.f32 v6, v7  }
0x13c: {  	[tilespmem:s24+$0xFFFFFFE0] =	vst v8  }
0x13d: {  	[tilespmem:s24+$0xFFFFFFF0] =	vst v6  }
0x13e: {  	v6 =	vld [tilespmem:s23+$0x0];
	_ =	sdelay $0x3  }
0x13f: {  	v7 =	vperm.xlane v5, v3  }
0x140: {  	v8 =	vshll.u32 v6, $0x10  }
0x141: {  	v6 =	vand.u32 $0xFFFF0000, v6;
	v8 =	vmul.f32 v8, v7  }
0x142: {  	v6 =	vmul.f32 v6, v7  }
0x143: {  	[tilespmem:s24+$0x0] =	vst v8  }
0x144: {  	[tilespmem:s24+$0x10] =	vst v6  }
0x145: {  	s26 =	simm.s32 $0x40;
	s25 =	simm.s32 $0x6040;
	v5 =	vperm.xlane v5, v4;
	v6 =	vld [tilespmem:s23+$0x10]  }
.LBB2_5:
0x146: {  	_ =	sdelay $0x2  }
0x147: {  	p0 =	sne.s32 s26, $0x7C0;
	s24 =	sadd.s32 $0x80, s24;
	s23 =	sadd.s32 $0x40, s23  }
0x148: {  	s28 =	smov.u32 s26;
	s26 =	sadd.s32 $0x40, s26;
	v7 =	vshll.u32 v6, $0x10;
	v6 =	vand.u32 $0xFFFF0000, v6  }
0x149: {  	v7 =	vmul.f32 v7, v5;
	v5 =	vmul.f32 v6, v5;
	_ =	sdelay $0x1  }
0x14a: {  	[tilespmem:s25+$0x20] =	vst v7  }
0x14b: {  	s28 =	sshra.s32 s28, $0x2;
	[tilespmem:s25+$0x30] =	vst v5;
	s25 =	smov.u32 s24  }
0x14c: {  	v5 =	vld [tilespmem:s28+$0x5200]  }
0x14d: {  	v6 =	vld [tilespmem:s28+$0x5400];
	_ =	sdelay $0x4  }
0x14e: {  	v5 =	vadd.f32 v6, v5;
	_ =	sdelay $0x1  }
0x14f: {  	v6 =	vmul.f32 $2.000000030e-01, v5;
	_ =	sdelay $0x1  }
0x150: {  	v5 =	vmax.f32 v5, v6  }
0x151: {  	v5 =	vmul.f32 $1.442695020e+00, v5;
	_ =	sdelay $0x1  }
0x152: {  	(erf) = vpow2.f32 v5;
	_ =	sdelay $0x8  }
0x153: {  	v5 =	vpop (erf)  }
0x154: {  	[tilespmem:s28+$0x5600] =	vst v5  }
0x155: {  	v6 =	vld [tilespmem:s23+$0xFFFFFFE0];
	_ =	sdelay $0x2  }
0x156: {  	v7 =	vperm.xlane v5, v1;
	_ =	sdelay $0x1  }
0x157: {  	v8 =	vshll.u32 v6, $0x10;
	v6 =	vand.u32 $0xFFFF0000, v6  }
0x158: {  	v8 =	vmul.f32 v8, v7;
	v6 =	vmul.f32 v6, v7;
	_ =	sdelay $0x1  }
0x159: {  	[tilespmem:s24+$0xFFFFFFC0] =	vst v8  }
0x15a: {  	[tilespmem:s24+$0xFFFFFFD0] =	vst v6  }
0x15b: {  	v6 =	vld [tilespmem:s23+$0xFFFFFFF0];
	_ =	sdelay $0x1  }
0x15c: {  	v7 =	vperm.xlane v5, v2;
	_ =	sdelay $0x2  }
0x15d: {  	v8 =	vshll.u32 v6, $0x10;
	v6 =	vand.u32 $0xFFFF0000, v6  }
0x15e: {  	v8 =	vmul.f32 v8, v7;
	v6 =	vmul.f32 v6, v7;
	_ =	sdelay $0x1  }
0x15f: {  	[tilespmem:s24+$0xFFFFFFE0] =	vst v8  }
0x160: {  	[tilespmem:s24+$0xFFFFFFF0] =	vst v6  }
0x161: {  	v6 =	vld [tilespmem:s23+$0x0]  }
0x162: {  	v7 =	vperm.xlane v5, v3;
	_ =	sdelay $0x3  }
0x163: {  	v8 =	vshll.u32 v6, $0x10;
	v6 =	vand.u32 $0xFFFF0000, v6  }
.Ltmp1:
0x164: {  	v8 =	vmul.f32 v8, v7;
	v6 =	vmul.f32 v6, v7;
	(pc) =	sbr.rel @p0 .LBB2_5-.Ltmp1, $4  }
0x165: {  	_ = 	snop  }
0x166: {  	[tilespmem:s24+$0x0] =	vst v8  }
0x167: {  	[tilespmem:s24+$0x10] =	vst v6  }
0x168: {  	v5 =	vperm.xlane v5, v4;
	v6 =	vld [tilespmem:s23+$0x10]  }
0x169: {  	_ =	sdelay $0x3  }
0x16a: {  	v7 =	vshll.u32 v6, $0x10  }
0x16b: {  	v6 =	vand.u32 $0xFFFF0000, v6;
	v7 =	vmul.f32 v7, v5  }
0x16c: {  	v5 =	vmul.f32 v6, v5  }
0x16d: {  	s23 =	sand.u32 $0x3FFFFFC0, s10;
	[tilespmem:s25+$0x20] =	vst v7  }
0x16e: {  	s23 =	sadd.s32 $0x2900, s23;
	[tilespmem:s25+$0x30] =	vst v5  }
0x16f: {  	[spmem:s3] =	stream.indirect.scatter.add.f32 [tilespmem:s31], [sflag:$0x2], $0x80, s23, s11, $0xb8;
	[tilespmem:$0x1EE20] =	vst v63  }
0x170: {  	p0 =	seq.s32 s21, $0xA3  }
0x171: {  	[spmem:s4] =	stream.indirect.scatter.add.f32 [tilespmem:s0], [sflag:$0x2], $0x10, s23, s11, $0xb8;
	[tilespmem:$0x1EE20] =	vst v63  }
0x172: {  	s24 =	simm.s32 @!p0 $0x20;
	s25 =	simm.s32 @!p0 $0x5200;
	s23 =	sadd.s32 @!p0 $0x40, s10  }
0x173: {  	[tilespmem:s25], [sflag:$0x1] =	stream.indirect.gather @!p0 [hbm4b:s6+s24], $0x10, s23, s24, $0xb8;
	[tilespmem:$0x1EE20] =	vst v63  }
0x174: {  	s10 =	sadd.s32 @!p0 $0x2940, s10;
	s25 =	simm.s32 @!p0 $0x5400  }
0x175: {  	[tilespmem:s25], [sflag:$0x1] =	stream.indirect.gather @!p0 [hbm4b:s7+s24], $0x10, s10, s24, $0xb8;
	[tilespmem:$0x1EE20] =	vst v63  }
0x176: {  	p1 =	seq.s32 @!p0 s21, $0x0;
	s10 =	simm.s32 @!p0 $0x5800  }
0x177: {  	[tilespmem:s10], [sflag:$0x1] =	stream.indirect.gather @!p0 [hbm4b:s1+s24], $0x40, s23, s24, $0xb8;
	[tilespmem:$0x1EE20] =	vst v63  }
0x178: {  	p0 =	por p0, !p1  }
0x179: {  	_ =	swait.ge @p0 [sflag:s20], $0x1000  }
0x17a: {  	[sflag:s20] =	ssyncset.done @p0 $0x0  }
0x17b: {  	[sflag:s20] =	ssyncadd.s32 @p0 $0xFFFFF000  }
0x17c: {  	_ =	swait.ge @p0 [sflag:s20], $0x200  }
0x17d: {  	[sflag:s20] =	ssyncset.done @p0 $0x0  }
0x17e: {  	[sflag:s20] =	ssyncadd.s32 @p0 $0xFFFFFE00  }
0x17f: {  	_ =	swait.ge [sflag:s16], $0x200  }
0x180: {  	[sflag:s16] =	ssyncset.done $0x0  }
0x181: {  	[sflag:s16] =	ssyncadd.s32 $0xFFFFFE00  }
0x182: {  	_ =	swait.ge [sflag:s16], $0x200  }
0x183: {  	[sflag:s16] =	ssyncset.done $0x0  }
0x184: {  	[sflag:s16] =	ssyncadd.s32 $0xFFFFFE00  }
0x185: {  	_ =	swait.ge [sflag:s16], $0x800  }
0x186: {  	[sflag:s16] =	ssyncset.done $0x0  }
0x187: {  	s28 =	simm.s32 $0x0;
	[sflag:s16] =	ssyncadd.s32 $0xFFFFF800  }
0x188: {  	v5 =	vld [tilespmem:s28+$0x7000]  }
0x189: {  	v6 =	vld [tilespmem:s28+$0x7200];
	_ =	sdelay $0x4  }
0x18a: {  	v5 =	vadd.f32 v6, v5;
	_ =	sdelay $0x1  }
0x18b: {  	v6 =	vmul.f32 $2.000000030e-01, v5;
	_ =	sdelay $0x1  }
0x18c: {  	v5 =	vmax.f32 v5, v6  }
0x18d: {  	v5 =	vmul.f32 $1.442695020e+00, v5;
	_ =	sdelay $0x1  }
0x18e: {  	(erf) = vpow2.f32 v5;
	_ =	sdelay $0x8  }
0x18f: {  	v5 =	vpop (erf)  }
0x190: {  	s10 =	simm.s32 $0x7620;
	[tilespmem:s28+$0x7400] =	vst v5  }
0x191: {  	v6 =	vld [tilespmem:s10+$0xFFFFFFE0];
	_ =	sdelay $0x3  }
0x192: {  	v7 =	vperm.xlane v5, v1  }
0x193: {  	v8 =	vshll.u32 v6, $0x10  }
0x194: {  	v6 =	vand.u32 $0xFFFF0000, v6;
	v8 =	vmul.f32 v8, v7  }
0x195: {  	s23 =	simm.s32 $0x7E40;
	v6 =	vmul.f32 v6, v7  }
0x196: {  	[tilespmem:s23+$0xFFFFFFC0] =	vst v8  }
0x197: {  	[tilespmem:s23+$0xFFFFFFD0] =	vst v6  }
0x198: {  	v6 =	vld [tilespmem:s10+$0xFFFFFFF0];
	_ =	sdelay $0x3  }
0x199: {  	v7 =	vperm.xlane v5, v2  }
0x19a: {  	v8 =	vshll.u32 v6, $0x10  }
0x19b: {  	v6 =	vand.u32 $0xFFFF0000, v6;
	v8 =	vmul.f32 v8, v7  }
0x19c: {  	v6 =	vmul.f32 v6, v7  }
0x19d: {  	[tilespmem:s23+$0xFFFFFFE0] =	vst v8  }
0x19e: {  	[tilespmem:s23+$0xFFFFFFF0] =	vst v6  }
0x19f: {  	v6 =	vld [tilespmem:s10+$0x0];
	_ =	sdelay $0x3  }
0x1a0: {  	v7 =	vperm.xlane v5, v3  }
0x1a1: {  	v8 =	vshll.u32 v6, $0x10  }
0x1a2: {  	v6 =	vand.u32 $0xFFFF0000, v6;
	v8 =	vmul.f32 v8, v7  }
0x1a3: {  	v6 =	vmul.f32 v6, v7  }
0x1a4: {  	[tilespmem:s23+$0x0] =	vst v8  }
0x1a5: {  	[tilespmem:s23+$0x10] =	vst v6  }
0x1a6: {  	s25 =	simm.s32 $0x40;
	s24 =	simm.s32 $0x7E40;
	v5 =	vperm.xlane v5, v4;
	v6 =	vld [tilespmem:s10+$0x10]  }
.LBB2_7:
0x1a7: {  	_ =	sdelay $0x2  }
0x1a8: {  	p0 =	sne.s32 s25, $0x7C0;
	s23 =	sadd.s32 $0x80, s23;
	s10 =	sadd.s32 $0x40, s10  }
0x1a9: {  	s26 =	smov.u32 s25;
	s25 =	sadd.s32 $0x40, s25;
	v7 =	vshll.u32 v6, $0x10;
	v6 =	vand.u32 $0xFFFF0000, v6  }
0x1aa: {  	v7 =	vmul.f32 v7, v5;
	v5 =	vmul.f32 v6, v5;
	_ =	sdelay $0x1  }
0x1ab: {  	[tilespmem:s24+$0x20] =	vst v7  }
0x1ac: {  	s26 =	sshra.s32 s26, $0x2;
	[tilespmem:s24+$0x30] =	vst v5;
	s24 =	smov.u32 s23  }
0x1ad: {  	v5 =	vld [tilespmem:s26+$0x7000]  }
0x1ae: {  	v6 =	vld [tilespmem:s26+$0x7200];
	_ =	sdelay $0x4  }
0x1af: {  	v5 =	vadd.f32 v6, v5;
	_ =	sdelay $0x1  }
0x1b0: {  	v6 =	vmul.f32 $2.000000030e-01, v5;
	_ =	sdelay $0x1  }
0x1b1: {  	v5 =	vmax.f32 v5, v6  }
0x1b2: {  	v5 =	vmul.f32 $1.442695020e+00, v5;
	_ =	sdelay $0x1  }
0x1b3: {  	(erf) = vpow2.f32 v5;
	_ =	sdelay $0x8  }
0x1b4: {  	v5 =	vpop (erf)  }
0x1b5: {  	[tilespmem:s26+$0x7400] =	vst v5  }
0x1b6: {  	v6 =	vld [tilespmem:s10+$0xFFFFFFE0];
	_ =	sdelay $0x2  }
0x1b7: {  	v7 =	vperm.xlane v5, v1;
	_ =	sdelay $0x1  }
0x1b8: {  	v8 =	vshll.u32 v6, $0x10;
	v6 =	vand.u32 $0xFFFF0000, v6  }
0x1b9: {  	v8 =	vmul.f32 v8, v7;
	v6 =	vmul.f32 v6, v7;
	_ =	sdelay $0x1  }
0x1ba: {  	[tilespmem:s23+$0xFFFFFFC0] =	vst v8  }
0x1bb: {  	[tilespmem:s23+$0xFFFFFFD0] =	vst v6  }
0x1bc: {  	v6 =	vld [tilespmem:s10+$0xFFFFFFF0];
	_ =	sdelay $0x1  }
0x1bd: {  	v7 =	vperm.xlane v5, v2;
	_ =	sdelay $0x2  }
0x1be: {  	v8 =	vshll.u32 v6, $0x10;
	v6 =	vand.u32 $0xFFFF0000, v6  }
0x1bf: {  	v8 =	vmul.f32 v8, v7;
	v6 =	vmul.f32 v6, v7;
	_ =	sdelay $0x1  }
0x1c0: {  	[tilespmem:s23+$0xFFFFFFE0] =	vst v8  }
0x1c1: {  	[tilespmem:s23+$0xFFFFFFF0] =	vst v6  }
0x1c2: {  	v6 =	vld [tilespmem:s10+$0x0]  }
0x1c3: {  	v7 =	vperm.xlane v5, v3;
	_ =	sdelay $0x3  }
0x1c4: {  	v8 =	vshll.u32 v6, $0x10;
	v6 =	vand.u32 $0xFFFF0000, v6  }
.Ltmp2:
0x1c5: {  	v8 =	vmul.f32 v8, v7;
	v6 =	vmul.f32 v6, v7;
	(pc) =	sbr.rel @p0 .LBB2_7-.Ltmp2, $4  }
0x1c6: {  	_ = 	snop  }
0x1c7: {  	[tilespmem:s23+$0x0] =	vst v8  }
0x1c8: {  	[tilespmem:s23+$0x10] =	vst v6  }
0x1c9: {  	v5 =	vperm.xlane v5, v4;
	v6 =	vld [tilespmem:s10+$0x10]  }
0x1ca: {  	_ =	sdelay $0x3  }
0x1cb: {  	v7 =	vshll.u32 v6, $0x10  }
0x1cc: {  	s21 =	sadd.s32 $0x1, s21;
	v6 =	vand.u32 $0xFFFF0000, v6;
	v7 =	vmul.f32 v7, v5  }
0x1cd: {  	p0 =	sne.s32 s21, $0xA4;
	v5 =	vmul.f32 v6, v5  }
.Ltmp3:
0x1ce: {  	[tilespmem:s24+$0x20] =	vst v7;
	(pc) =	sbr.rel @p0 .LBB2_4-.Ltmp3, $4  }
0x1cf: {  	[tilespmem:s24+$0x30] =	vst v5  }
0x1d0: {  	[spmem:s3] =	stream.indirect.scatter.add.f32 [tilespmem:s17], [sflag:$0x4], $0x80, s22, s11, $0xb8;
	[tilespmem:$0x1EE20] =	vst v63  }
0x1d1: {  	_ = 	snop  }
0x1d2: {  	[spmem:s4] =	stream.indirect.scatter.add.f32 [tilespmem:s18], [sflag:$0x4], $0x10, s22, s11, $0xb8;
	[tilespmem:$0x1EE20] =	vst v63  }
0x1d3: {  	_ =	swait.ge [sflag:s19], $0x1000  }
0x1d4: {  	[sflag:s19] =	ssyncset.done $0x0  }
0x1d5: {  	[sflag:s19] =	ssyncadd.s32 $0xFFFFF000  }
0x1d6: {  	_ =	swait.ge [sflag:s19], $0x200  }
0x1d7: {  	[sflag:s19] =	ssyncset.done $0x0  }
0x1d8: {  	[sflag:s19] =	ssyncadd.s32 $0xFFFFFE00  }
0x1d9: {  	_ =	swait.ge [sflag:s20], $0x1000  }
0x1da: {  	[sflag:s20] =	ssyncset.done $0x0  }
0x1db: {  	[sflag:s20] =	ssyncadd.s32 $0xFFFFF000  }
0x1dc: {  	_ =	swait.ge [sflag:s20], $0x200  }
0x1dd: {  	[sflag:s20] =	ssyncset.done $0x0  }
0x1de: {  	[sflag:s20] =	ssyncadd.s32 $0xFFFFFE00  }
0x1df: {  	[bflag:$0x0] =	sbarrier.arrive $0xFFFF  }
0x1e0: {  	s10 =	stileid.u32;
	s22 =	sld [smem:$0x7FD]  }
0x1e1: {  	s10 =	sshll.u32 s10, $0x6  }
0x1e2: {  	s21 =	sshrl.u32 s8, $0x3;
	s10 =	sor.u32 $0x1C05, s10  }
0x1e3: {  	[hbm:s22], [sflag:s10] =	dma.local [spmem:s21], $0x2720  }
0x1e4: {  	s5 =	sadd.s32 $0x1, s5;
	_ =	swait.ge [sflag:s2], $0x2720  }
0x1e5: {  	p0 =	sne.s32 s5, s30;
	[sflag:s2] =	ssyncset.done $0x0  }
.Ltmp4:
0x1e6: {  	s28 =	sshrl.u32 s9, $0x3;
	[sflag:s2] =	ssyncadd.s32 $0xFFFFD8E0;
	(pc) =	sbr.rel @p0 .LBB2_1-.Ltmp4, $4  }
0x1e7: {  	[hbm:s29], [sflag:s10] =	dma.local [spmem:s28], $0x4E4  }
0x1e8: {  	_ =	swait.ge [sflag:s2], $0x4E4  }
0x1e9: {  	[sflag:s2] =	ssyncset.done $0x0  }
0x1ea: {  	[sflag:s2] =	ssyncadd.s32 $0xFFFFFB1C  }
0x1eb: {  	_ =	sfence.sel $0x180000  }
0x1ec: {  	[bflag:$0x0] =	sbarrier.arrive $0xFFFF  }
0x1ed: {  	_ =	strace $0x90000047  }
0x1ee: {  	s0 =	stileid.u32;
	[bflag:$0x2] =	sbarrier.arrive $0xFFFF  }
0x1ef: {  	p0 =	sne.s32 s0, $0x0;
	s0 =	rddreg [dreg:$0x4]  }
0x1f0: {  	s0 =	sadd.s32 @!p0 $0x100000, s0  }
0x1f1: {  	[sflag:s0] =	ssyncadd.tile.s32 @!p0 $0x1;
	_ =	shalt  }
.Lfunc_end2:
_tile_overlayer_lowered:
.L_overlay_start_2:
0x1f2: {  	(tag) =	ssettag $0x2  }
0x1f3: {  	s0 =	rddreg [dreg:$0x0];
	s2 =	stileid.u32  }
0x1f4: {  	s1 =	rddreg [dreg:$0x1];
	p0 =	sne.s32 s2, $0x0  }
0x1f5: {  	s3 =	rddreg [dreg:$0x2];
	[bflag:$0x3] =	sbarrier.arrive $0xFFFF;
	s2 =	simm.s32 @!p0 $0x1C05  }
0x1f6: {  	[timem:s3], [sflag:s2] =	dma.local @!p0 [hbm:s0], s1  }
0x1f7: {  	s0 =	simm.s32 @!p0 $0x5  }
0x1f8: {  	_ =	swait.ge @!p0 [sflag:s0], s1  }
0x1f9: {  	s1 =	ssub.s32 @!p0 $0x0, s1;
	[sflag:s0] =	ssyncset.done @!p0 $0x0  }
0x1fa: {  	[sflag:s0] =	ssyncadd.s32 @!p0 s1  }
0x1fb: {  	[bflag:$0x3] =	sbarrier.arrive $0xFFFF  }
0x1fc: {  	_ =	shalt  }

</sc_bundles>
